<compile_context>
chip_gen: v7x
topology: tpu7x:2x2x1
jax: 0.10.2.dev20260603
libtpu: 0.0.44.dev20260713+nightly
codegen_flags: <defaults>
</compile_context>

<pallas_src>
import jax
import jax.numpy as jnp
from jax import lax
from jax.experimental import pallas as pl
from jax.experimental.pallas import tpu as pltpu
from jax.experimental.pallas import tpu_sc as plsc

B, S, D = 1024, 200, 128
N = B * S
NC, NS = 2, 16
NW = NC * NS
ROWS_PER_W = N // NW
CHUNK = 80
NCHUNK = ROWS_PER_W // CHUNK
SLOTS = 5
LEAD = 3


def _sc_embed(xf, token_table, pos_table):
    mesh = plsc.VectorSubcoreMesh(core_axis_name="c", subcore_axis_name="s")

    @pl.kernel(
        out_type=jax.ShapeDtypeStruct((N, D), jnp.float32),
        mesh=mesh,
        scratch_types=[
            pltpu.VMEM((NCHUNK, CHUNK), jnp.int32),
            pltpu.VMEM((S, D), jnp.float32),
            pltpu.VMEM((SLOTS, CHUNK, D), jnp.float32),
            pltpu.SemaphoreType.DMA((SLOTS,)),
            pltpu.SemaphoreType.DMA((SLOTS,)),
        ],
    )
    def k(xf_hbm, tok_hbm, pos_hbm, out_hbm, idx_v, pos_v, bufs, gsem, ssem):
        wid = lax.axis_index("s") * NC + lax.axis_index("c")
        base_row = wid * ROWS_PER_W
        pltpu.sync_copy(xf_hbm.at[wid], idx_v)
        pltpu.sync_copy(pos_hbm, pos_v)

        def prefill_and_gather(j, slot):
            off = (slot * CHUNK) % S
            n1 = min(CHUNK, S - off)
            buf = bufs.at[slot]

            def copy_row(pos_base):
                def body(r, _):
                    for kk in range(D // 16):
                        c = pl.ds(kk * 16, 16)
                        buf[r, c] = pos_v[pos_base + r, c]
                    return _
                return body

            lax.fori_loop(0, n1, copy_row(off), None)
            if n1 < CHUNK:
                lax.fori_loop(n1, CHUNK, copy_row(-n1), None)
            pltpu.async_copy(tok_hbm.at[idx_v.at[j]], buf, gsem.at[slot],
                             add=True)

        def consume(j, slot):
            buf = bufs.at[slot]
            pltpu.make_async_copy(tok_hbm.at[idx_v.at[j]], buf,
                                  gsem.at[slot]).wait()
            pltpu.async_copy(
                buf, out_hbm.at[pl.ds(base_row + j * CHUNK, CHUNK)],
                ssem.at[slot])

        def drain_scatter(slot):
            pltpu.make_async_copy(bufs.at[slot], out_hbm.at[pl.ds(0, CHUNK)],
                                  ssem.at[slot]).wait()

        def refill(j, slot, first):
            s2 = (slot + LEAD) % SLOTS
            if not first:
                drain_scatter(s2)
            prefill_and_gather(j + LEAD, s2)

        for s in range(LEAD):
            prefill_and_gather(s, s)
        for i in range(SLOTS):
            consume(i, i)
            refill(i, i, first=i < SLOTS - LEAD)

        def step(u, _):
            for i in range(SLOTS):
                j = SLOTS + u * SLOTS + i
                consume(j, i)
                refill(j, i, first=False)
            return _

        lax.fori_loop(0, (NCHUNK - 2 * SLOTS) // SLOTS, step, None)

        for i in range(SLOTS):
            j = NCHUNK - SLOTS + i
            consume(j, i)
            if j + LEAD < NCHUNK:
                refill(j, i, first=False)
        for s in range(SLOTS):
            drain_scatter(s)

    return k(xf, token_table, pos_table)


def kernel(x, token_table, pos_table):
    xf = x.reshape(NW, NCHUNK, CHUNK).astype(jnp.int32)
    out = _sc_embed(xf, token_table, pos_table)
    return out.reshape(B, S, D)

# --- scband reference (transcript-rebuilt; emitter-appended) ---
"""Pipeline reference for scband-token-and-position-embedding-49950469652611 (READ-ONLY COPY).

The authoritative reference and input builder live on the scoring server;
editing this copy changes nothing except your own understanding.
"""

import jax, jax.numpy as jnp
import numpy as np

VOCAB = 100000
SEQ_LEN = 200
EMBED_DIM = 128
BATCH = 1024

def setup_inputs(seed: int = 0) -> dict:
    key = jax.random.key(seed)
    k1, k2, k3 = jax.random.split(key, 3)
    x = jax.random.randint(k1, (BATCH, SEQ_LEN), 0, VOCAB, dtype=jnp.int64 if jax.config.jax_enable_x64 else jnp.int32)
    token_table = jax.random.normal(k2, (VOCAB, EMBED_DIM), dtype=jnp.float32) * 0.02
    pos_table = jax.random.normal(k3, (SEQ_LEN, EMBED_DIM), dtype=jnp.float32) * 0.02
    return {"x": x, "token_table": token_table, "pos_table": pos_table}

def reference(x, token_table, pos_table):
    seq_len = x.shape[-1]
    pos = jnp.arange(0, seq_len, 1)
    pos_emb = jnp.take(pos_table, pos, axis=0)          # [S, D]
    tok_emb = jnp.take(token_table, x, axis=0)          # [B, S, D]
    out = tok_emb + pos_emb[None, :, :]
    return out

if __name__ == "__main__":
    import jax
    _d = setup_inputs()
    print(jax.jit(kernel)(*tuple(_d.values())))

</pallas_src>

<mosaic_0001>
#map = affine_map<(d0, d1) -> (0, 0, 0)>
#map1 = affine_map<(d0, d1) -> (0, 0)>
module attributes {stable_mosaic.version = 14 : i64} {
  func.func @k(%arg0: i32, %arg1: i32, %arg2: memref<32x80x80xi32, #tpu.memory_space<hbm>>, %arg3: memref<100000x128xf32, #tpu.memory_space<hbm>>, %arg4: memref<200x128xf32, #tpu.memory_space<hbm>>, %arg5: memref<204800x128xf32, #tpu.memory_space<hbm>>, %arg6: memref<80x80xi32, #tpu.memory_space<vmem>>, %arg7: memref<200x128xf32, #tpu.memory_space<vmem>>, %arg8: memref<5x80x128xf32, #tpu.memory_space<vmem>>, %arg9: memref<5x!tpu.dma_semaphore, #tpu.memory_space<semaphore_mem>>, %arg10: memref<5x!tpu.dma_semaphore, #tpu.memory_space<semaphore_mem>>) attributes {dimension_semantics = [#tpu.dimension_semantics<core_parallel>, #tpu.dimension_semantics<subcore_parallel>], iteration_bounds = array<i64: 2, 16>, scalar_prefetch = 0 : i64, scratch_operands = 5 : i64, tpu.core_type = #tpu.core_type<sc_vector_subcore>, window_params = [{transform_indices = #map}, {transform_indices = #map1}, {transform_indices = #map1}, {transform_indices = #map1}]} {
    %mul3A = arith.constant 2 : i32
    %mul3A_0 = arith.muli %arg1, %mul3A : i32
    %add3A = arith.addi %mul3A_0, %arg0 : i32
    %mul3A_1 = arith.constant 6400 : i32
    %mul3A_2 = arith.muli %add3A, %mul3A_1 : i32
    "tpu.region"() ({
      %run_scoped3A = tpu.sem_alloc : memref<!tpu.dma_semaphore, #tpu.memory_space<semaphore_mem>>
      %dma_start3A_737 = arith.constant 0 : i32
      %dma_start3A_738 = arith.constant 0 : i32
      %dma_start3A_739 = tpu.memref_slice %arg2[%add3A, %dma_start3A_737, %dma_start3A_738] : memref<32x80x80xi32, #tpu.memory_space<hbm>> -> memref<1x80x80xi32, #tpu.memory_space<hbm>>
      %dma_start3A_740 = tpu.memref_squeeze %dma_start3A_739 : memref<1x80x80xi32, #tpu.memory_space<hbm>> -> memref<80x80xi32, #tpu.memory_space<hbm>>
      %dma_start3A_741 = arith.constant 0 : i32
      %dma_start3A_742 = arith.constant 0 : i32
      %dma_start3A_743 = tpu.memref_slice %arg2[%add3A, %dma_start3A_741, %dma_start3A_742] : memref<32x80x80xi32, #tpu.memory_space<hbm>> -> memref<1x80x80xi32, #tpu.memory_space<hbm>>
      %dma_start3A_744 = tpu.memref_squeeze %dma_start3A_743 : memref<1x80x80xi32, #tpu.memory_space<hbm>> -> memref<80x80xi32, #tpu.memory_space<hbm>>
      tpu.enqueue_dma source(%dma_start3A_744 : memref<80x80xi32, #tpu.memory_space<hbm>>) target(%arg6 : memref<80x80xi32, #tpu.memory_space<vmem>>) target_semaphore(%run_scoped3A : memref<!tpu.dma_semaphore, #tpu.memory_space<semaphore_mem>>)
      %dma_wait3A_745 = arith.constant 0 : i32
      %dma_wait3A_746 = arith.constant 0 : i32
      %dma_wait3A_747 = tpu.memref_slice %arg2[%add3A, %dma_wait3A_745, %dma_wait3A_746] : memref<32x80x80xi32, #tpu.memory_space<hbm>> -> memref<1x80x80xi32, #tpu.memory_space<hbm>>
      %dma_wait3A_748 = tpu.memref_squeeze %dma_wait3A_747 : memref<1x80x80xi32, #tpu.memory_space<hbm>> -> memref<80x80xi32, #tpu.memory_space<hbm>>
      %dma_wait3A_749 = arith.constant 0 : i32
      %dma_wait3A_750 = arith.constant 0 : i32
      %dma_wait3A_751 = tpu.memref_slice %arg2[%add3A, %dma_wait3A_749, %dma_wait3A_750] : memref<32x80x80xi32, #tpu.memory_space<hbm>> -> memref<1x80x80xi32, #tpu.memory_space<hbm>>
      %dma_wait3A_752 = tpu.memref_squeeze %dma_wait3A_751 : memref<1x80x80xi32, #tpu.memory_space<hbm>> -> memref<80x80xi32, #tpu.memory_space<hbm>>
      tpu.wait_dma2 semaphore(%run_scoped3A : memref<!tpu.dma_semaphore, #tpu.memory_space<semaphore_mem>>) src(%dma_wait3A_752 : memref<80x80xi32, #tpu.memory_space<hbm>>) dst(%arg6 : memref<80x80xi32, #tpu.memory_space<vmem>>)
      tpu.yield
    }) : () -> ()
    "tpu.region"() ({
      %run_scoped3A = tpu.sem_alloc : memref<!tpu.dma_semaphore, #tpu.memory_space<semaphore_mem>>
      tpu.enqueue_dma source(%arg4 : memref<200x128xf32, #tpu.memory_space<hbm>>) target(%arg7 : memref<200x128xf32, #tpu.memory_space<vmem>>) target_semaphore(%run_scoped3A : memref<!tpu.dma_semaphore, #tpu.memory_space<semaphore_mem>>)
      tpu.wait_dma2 semaphore(%run_scoped3A : memref<!tpu.dma_semaphore, #tpu.memory_space<semaphore_mem>>) src(%arg4 : memref<200x128xf32, #tpu.memory_space<hbm>>) dst(%arg7 : memref<200x128xf32, #tpu.memory_space<vmem>>)
      tpu.yield
    }) : () -> ()
    %scan3A = arith.constant 0 : i32
    %scan3A_3 = arith.constant 0 : i32
    %scan3A_4 = arith.constant 80 : i32
    %scan3A_5 = arith.addi %scan3A_3, %scan3A_4 : i32
    %scan3A_6 = arith.constant 1 : i32
    scf.for %scan3A_737 = %scan3A_3 to %scan3A_5 step %scan3A_6  : i32 {
      %add3A_738 = arith.constant 0 : i32
      %add3A_739 = arith.addi %add3A_738, %scan3A_737 : i32
      %get3A = arith.index_cast %add3A_739 : i32 to index
      %get3A_740 = arith.constant 0 : index
      %get3A_741 = tpu.vector_load %arg7[%get3A, %get3A_740] {strides = array<i32>} : memref<200x128xf32, #tpu.memory_space<vmem>>, vector<1x16xf32>,
      %get3A_742 = vector.shape_cast %get3A_741 : vector<1x16xf32> to vector<16xf32>
      %swap3A = arith.constant 0 : i32
      %swap3A_743 = arith.constant 0 : i32
      %swap3A_744 = tpu.memref_slice %arg8[%scan3A, %swap3A, %swap3A_743] : memref<5x80x128xf32, #tpu.memory_space<vmem>> -> memref<1x80x128xf32, #tpu.memory_space<vmem>>
      %swap3A_745 = tpu.memref_squeeze %swap3A_744 : memref<1x80x128xf32, #tpu.memory_space<vmem>> -> memref<80x128xf32, #tpu.memory_space<vmem>>
      %swap3A_746 = arith.index_cast %scan3A_737 : i32 to index
      %swap3A_747 = arith.constant 0 : index
      %swap3A_748 = tpu.vector_load %swap3A_745[%swap3A_746, %swap3A_747] {strides = array<i32>} : memref<80x128xf32, #tpu.memory_space<vmem>>, vector<1x16xf32>,
      %swap3A_749 = vector.shape_cast %swap3A_748 : vector<1x16xf32> to vector<16xf32>
      %swap3A_750 = vector.shape_cast %get3A_742 : vector<16xf32> to vector<1x16xf32>
      tpu.vector_store %swap3A_745[%swap3A_746, %swap3A_747], %swap3A_750 {strides = array<i32>} : memref<80x128xf32, #tpu.memory_space<vmem>>, vector<1x16xf32>,
      %add3A_751 = arith.constant 0 : i32
      %add3A_752 = arith.addi %add3A_751, %scan3A_737 : i32
      %get3A_753 = arith.index_cast %add3A_752 : i32 to index
      %get3A_754 = arith.constant 16 : index
      %get3A_755 = tpu.vector_load %arg7[%get3A_753, %get3A_754] {strides = array<i32>} : memref<200x128xf32, #tpu.memory_space<vmem>>, vector<1x16xf32>,
      %get3A_756 = vector.shape_cast %get3A_755 : vector<1x16xf32> to vector<16xf32>
      %swap3A_757 = arith.constant 0 : i32
      %swap3A_758 = arith.constant 0 : i32
      %swap3A_759 = tpu.memref_slice %arg8[%scan3A, %swap3A_757, %swap3A_758] : memref<5x80x128xf32, #tpu.memory_space<vmem>> -> memref<1x80x128xf32, #tpu.memory_space<vmem>>
      %swap3A_760 = tpu.memref_squeeze %swap3A_759 : memref<1x80x128xf32, #tpu.memory_space<vmem>> -> memref<80x128xf32, #tpu.memory_space<vmem>>
      %swap3A_761 = arith.index_cast %scan3A_737 : i32 to index
      %swap3A_762 = arith.constant 16 : index
      %swap3A_763 = tpu.vector_load %swap3A_760[%swap3A_761, %swap3A_762] {strides = array<i32>} : memref<80x128xf32, #tpu.memory_space<vmem>>, vector<1x16xf32>,
      %swap3A_764 = vector.shape_cast %swap3A_763 : vector<1x16xf32> to vector<16xf32>
      %swap3A_765 = vector.shape_cast %get3A_756 : vector<16xf32> to vector<1x16xf32>
      tpu.vector_store %swap3A_760[%swap3A_761, %swap3A_762], %swap3A_765 {strides = array<i32>} : memref<80x128xf32, #tpu.memory_space<vmem>>, vector<1x16xf32>,
      %add3A_766 = arith.constant 0 : i32
      %add3A_767 = arith.addi %add3A_766, %scan3A_737 : i32
      %get3A_768 = arith.index_cast %add3A_767 : i32 to index
      %get3A_769 = arith.constant 32 : index
      %get3A_770 = tpu.vector_load %arg7[%get3A_768, %get3A_769] {strides = array<i32>} : memref<200x128xf32, #tpu.memory_space<vmem>>, vector<1x16xf32>,
      %get3A_771 = vector.shape_cast %get3A_770 : vector<1x16xf32> to vector<16xf32>
      %swap3A_772 = arith.constant 0 : i32
      %swap3A_773 = arith.constant 0 : i32
      %swap3A_774 = tpu.memref_slice %arg8[%scan3A, %swap3A_772, %swap3A_773] : memref<5x80x128xf32, #tpu.memory_space<vmem>> -> memref<1x80x128xf32, #tpu.memory_space<vmem>>
      %swap3A_775 = tpu.memref_squeeze %swap3A_774 : memref<1x80x128xf32, #tpu.memory_space<vmem>> -> memref<80x128xf32, #tpu.memory_space<vmem>>
      %swap3A_776 = arith.index_cast %scan3A_737 : i32 to index
      %swap3A_777 = arith.constant 32 : index
      %swap3A_778 = tpu.vector_load %swap3A_775[%swap3A_776, %swap3A_777] {strides = array<i32>} : memref<80x128xf32, #tpu.memory_space<vmem>>, vector<1x16xf32>,
      %swap3A_779 = vector.shape_cast %swap3A_778 : vector<1x16xf32> to vector<16xf32>
      %swap3A_780 = vector.shape_cast %get3A_771 : vector<16xf32> to vector<1x16xf32>
      tpu.vector_store %swap3A_775[%swap3A_776, %swap3A_777], %swap3A_780 {strides = array<i32>} : memref<80x128xf32, #tpu.memory_space<vmem>>, vector<1x16xf32>,
      %add3A_781 = arith.constant 0 : i32
      %add3A_782 = arith.addi %add3A_781, %scan3A_737 : i32
      %get3A_783 = arith.index_cast %add3A_782 : i32 to index
      %get3A_784 = arith.constant 48 : index
      %get3A_785 = tpu.vector_load %arg7[%get3A_783, %get3A_784] {strides = array<i32>} : memref<200x128xf32, #tpu.memory_space<vmem>>, vector<1x16xf32>,
      %get3A_786 = vector.shape_cast %get3A_785 : vector<1x16xf32> to vector<16xf32>
      %swap3A_787 = arith.constant 0 : i32
      %swap3A_788 = arith.constant 0 : i32
      %swap3A_789 = tpu.memref_slice %arg8[%scan3A, %swap3A_787, %swap3A_788] : memref<5x80x128xf32, #tpu.memory_space<vmem>> -> memref<1x80x128xf32, #tpu.memory_space<vmem>>
      %swap3A_790 = tpu.memref_squeeze %swap3A_789 : memref<1x80x128xf32, #tpu.memory_space<vmem>> -> memref<80x128xf32, #tpu.memory_space<vmem>>
      %swap3A_791 = arith.index_cast %scan3A_737 : i32 to index
      %swap3A_792 = arith.constant 48 : index
      %swap3A_793 = tpu.vector_load %swap3A_790[%swap3A_791, %swap3A_792] {strides = array<i32>} : memref<80x128xf32, #tpu.memory_space<vmem>>, vector<1x16xf32>,
      %swap3A_794 = vector.shape_cast %swap3A_793 : vector<1x16xf32> to vector<16xf32>
      %swap3A_795 = vector.shape_cast %get3A_786 : vector<16xf32> to vector<1x16xf32>
      tpu.vector_store %swap3A_790[%swap3A_791, %swap3A_792], %swap3A_795 {strides = array<i32>} : memref<80x128xf32, #tpu.memory_space<vmem>>, vector<1x16xf32>,
      %add3A_796 = arith.constant 0 : i32
      %add3A_797 = arith.addi %add3A_796, %scan3A_737 : i32
      %get3A_798 = arith.index_cast %add3A_797 : i32 to index
      %get3A_799 = arith.constant 64 : index
      %get3A_800 = tpu.vector_load %arg7[%get3A_798, %get3A_799] {strides = array<i32>} : memref<200x128xf32, #tpu.memory_space<vmem>>, vector<1x16xf32>,
      %get3A_801 = vector.shape_cast %get3A_800 : vector<1x16xf32> to vector<16xf32>
      %swap3A_802 = arith.constant 0 : i32
      %swap3A_803 = arith.constant 0 : i32
      %swap3A_804 = tpu.memref_slice %arg8[%scan3A, %swap3A_802, %swap3A_803] : memref<5x80x128xf32, #tpu.memory_space<vmem>> -> memref<1x80x128xf32, #tpu.memory_space<vmem>>
      %swap3A_805 = tpu.memref_squeeze %swap3A_804 : memref<1x80x128xf32, #tpu.memory_space<vmem>> -> memref<80x128xf32, #tpu.memory_space<vmem>>
      %swap3A_806 = arith.index_cast %scan3A_737 : i32 to index
      %swap3A_807 = arith.constant 64 : index
      %swap3A_808 = tpu.vector_load %swap3A_805[%swap3A_806, %swap3A_807] {strides = array<i32>} : memref<80x128xf32, #tpu.memory_space<vmem>>, vector<1x16xf32>,
      %swap3A_809 = vector.shape_cast %swap3A_808 : vector<1x16xf32> to vector<16xf32>
      %swap3A_810 = vector.shape_cast %get3A_801 : vector<16xf32> to vector<1x16xf32>
      tpu.vector_store %swap3A_805[%swap3A_806, %swap3A_807], %swap3A_810 {strides = array<i32>} : memref<80x128xf32, #tpu.memory_space<vmem>>, vector<1x16xf32>,
      %add3A_811 = arith.constant 0 : i32
      %add3A_812 = arith.addi %add3A_811, %scan3A_737 : i32
      %get3A_813 = arith.index_cast %add3A_812 : i32 to index
      %get3A_814 = arith.constant 80 : index
      %get3A_815 = tpu.vector_load %arg7[%get3A_813, %get3A_814] {strides = array<i32>} : memref<200x128xf32, #tpu.memory_space<vmem>>, vector<1x16xf32>,
      %get3A_816 = vector.shape_cast %get3A_815 : vector<1x16xf32> to vector<16xf32>
      %swap3A_817 = arith.constant 0 : i32
      %swap3A_818 = arith.constant 0 : i32
      %swap3A_819 = tpu.memref_slice %arg8[%scan3A, %swap3A_817, %swap3A_818] : memref<5x80x128xf32, #tpu.memory_space<vmem>> -> memref<1x80x128xf32, #tpu.memory_space<vmem>>
      %swap3A_820 = tpu.memref_squeeze %swap3A_819 : memref<1x80x128xf32, #tpu.memory_space<vmem>> -> memref<80x128xf32, #tpu.memory_space<vmem>>
      %swap3A_821 = arith.index_cast %scan3A_737 : i32 to index
      %swap3A_822 = arith.constant 80 : index
      %swap3A_823 = tpu.vector_load %swap3A_820[%swap3A_821, %swap3A_822] {strides = array<i32>} : memref<80x128xf32, #tpu.memory_space<vmem>>, vector<1x16xf32>,
      %swap3A_824 = vector.shape_cast %swap3A_823 : vector<1x16xf32> to vector<16xf32>
      %swap3A_825 = vector.shape_cast %get3A_816 : vector<16xf32> to vector<1x16xf32>
      tpu.vector_store %swap3A_820[%swap3A_821, %swap3A_822], %swap3A_825 {strides = array<i32>} : memref<80x128xf32, #tpu.memory_space<vmem>>, vector<1x16xf32>,
      %add3A_826 = arith.constant 0 : i32
      %add3A_827 = arith.addi %add3A_826, %scan3A_737 : i32
      %get3A_828 = arith.index_cast %add3A_827 : i32 to index
      %get3A_829 = arith.constant 96 : index
      %get3A_830 = tpu.vector_load %arg7[%get3A_828, %get3A_829] {strides = array<i32>} : memref<200x128xf32, #tpu.memory_space<vmem>>, vector<1x16xf32>,
      %get3A_831 = vector.shape_cast %get3A_830 : vector<1x16xf32> to vector<16xf32>
      %swap3A_832 = arith.constant 0 : i32
      %swap3A_833 = arith.constant 0 : i32
      %swap3A_834 = tpu.memref_slice %arg8[%scan3A, %swap3A_832, %swap3A_833] : memref<5x80x128xf32, #tpu.memory_space<vmem>> -> memref<1x80x128xf32, #tpu.memory_space<vmem>>
      %swap3A_835 = tpu.memref_squeeze %swap3A_834 : memref<1x80x128xf32, #tpu.memory_space<vmem>> -> memref<80x128xf32, #tpu.memory_space<vmem>>
      %swap3A_836 = arith.index_cast %scan3A_737 : i32 to index
      %swap3A_837 = arith.constant 96 : index
      %swap3A_838 = tpu.vector_load %swap3A_835[%swap3A_836, %swap3A_837] {strides = array<i32>} : memref<80x128xf32, #tpu.memory_space<vmem>>, vector<1x16xf32>,
      %swap3A_839 = vector.shape_cast %swap3A_838 : vector<1x16xf32> to vector<16xf32>
      %swap3A_840 = vector.shape_cast %get3A_831 : vector<16xf32> to vector<1x16xf32>
      tpu.vector_store %swap3A_835[%swap3A_836, %swap3A_837], %swap3A_840 {strides = array<i32>} : memref<80x128xf32, #tpu.memory_space<vmem>>, vector<1x16xf32>,
      %add3A_841 = arith.constant 0 : i32
      %add3A_842 = arith.addi %add3A_841, %scan3A_737 : i32
      %get3A_843 = arith.index_cast %add3A_842 : i32 to index
      %get3A_844 = arith.constant 112 : index
      %get3A_845 = tpu.vector_load %arg7[%get3A_843, %get3A_844] {strides = array<i32>} : memref<200x128xf32, #tpu.memory_space<vmem>>, vector<1x16xf32>,
      %get3A_846 = vector.shape_cast %get3A_845 : vector<1x16xf32> to vector<16xf32>
      %swap3A_847 = arith.constant 0 : i32
      %swap3A_848 = arith.constant 0 : i32
      %swap3A_849 = tpu.memref_slice %arg8[%scan3A, %swap3A_847, %swap3A_848] : memref<5x80x128xf32, #tpu.memory_space<vmem>> -> memref<1x80x128xf32, #tpu.memory_space<vmem>>
      %swap3A_850 = tpu.memref_squeeze %swap3A_849 : memref<1x80x128xf32, #tpu.memory_space<vmem>> -> memref<80x128xf32, #tpu.memory_space<vmem>>
      %swap3A_851 = arith.index_cast %scan3A_737 : i32 to index
      %swap3A_852 = arith.constant 112 : index
      %swap3A_853 = tpu.vector_load %swap3A_850[%swap3A_851, %swap3A_852] {strides = array<i32>} : memref<80x128xf32, #tpu.memory_space<vmem>>, vector<1x16xf32>,
      %swap3A_854 = vector.shape_cast %swap3A_853 : vector<1x16xf32> to vector<16xf32>
      %swap3A_855 = vector.shape_cast %get3A_846 : vector<16xf32> to vector<1x16xf32>
      tpu.vector_store %swap3A_850[%swap3A_851, %swap3A_852], %swap3A_855 {strides = array<i32>} : memref<80x128xf32, #tpu.memory_space<vmem>>, vector<1x16xf32>,
    }
    %scan3A_7 = arith.constant 80 : i32
    %dma_start3A = arith.constant 0 : i32
    %dma_start3A_8 = arith.constant 0 : i32
    %dma_start3A_9 = arith.constant 0 : i32
    %dma_start3A_10 = arith.constant 0 : i32
    %dma_start3A_11 = arith.constant 0 : i32
    %dma_start3A_12 = tpu.memref_slice %arg8[%dma_start3A_8, %dma_start3A_10, %dma_start3A_11] : memref<5x80x128xf32, #tpu.memory_space<vmem>> -> memref<1x80x128xf32, #tpu.memory_space<vmem>>
    %dma_start3A_13 = tpu.memref_squeeze %dma_start3A_12 : memref<1x80x128xf32, #tpu.memory_space<vmem>> -> memref<80x128xf32, #tpu.memory_space<vmem>>
    %dma_start3A_14 = arith.constant 0 : i32
    %dma_start3A_15 = tpu.memref_slice %arg6[%dma_start3A, %dma_start3A_14] : memref<80x80xi32, #tpu.memory_space<vmem>> -> memref<1x80xi32, #tpu.memory_space<vmem>>
    %dma_start3A_16 = tpu.memref_squeeze %dma_start3A_15 : memref<1x80xi32, #tpu.memory_space<vmem>> -> memref<80xi32, #tpu.memory_space<vmem>>
    %dma_start3A_17 = arith.constant 0 : i32
    %dma_start3A_18 = arith.constant 0 : i32
    %dma_start3A_19 = tpu.memref_slice %arg3[%dma_start3A_17, %dma_start3A_18] : memref<100000x128xf32, #tpu.memory_space<hbm>> -> memref<100000x128xf32, #tpu.memory_space<hbm>>
    %dma_start3A_20 = tpu.memref_slice %arg9[%dma_start3A_9] : memref<5x!tpu.dma_semaphore, #tpu.memory_space<semaphore_mem>> -> memref<1x!tpu.dma_semaphore, #tpu.memory_space<semaphore_mem>>
    %dma_start3A_21 = tpu.memref_squeeze %dma_start3A_20 : memref<1x!tpu.dma_semaphore, #tpu.memory_space<semaphore_mem>> -> memref<!tpu.dma_semaphore, #tpu.memory_space<semaphore_mem>>
    tpu.enqueue_indirect_dma source(%dma_start3A_19 : memref<100000x128xf32, #tpu.memory_space<hbm>>) target(%dma_start3A_13 : memref<80x128xf32, #tpu.memory_space<vmem>>) offsets(%dma_start3A_16 : memref<80xi32, #tpu.memory_space<vmem>>) semaphore(%dma_start3A_21 : memref<!tpu.dma_semaphore, #tpu.memory_space<semaphore_mem>>) {add = true}
    %scan3A_22 = arith.constant 1 : i32
    %scan3A_23 = arith.constant 0 : i32
    %scan3A_24 = arith.constant 80 : i32
    %scan3A_25 = arith.addi %scan3A_23, %scan3A_24 : i32
    %scan3A_26 = arith.constant 1 : i32
    scf.for %scan3A_737 = %scan3A_23 to %scan3A_25 step %scan3A_26  : i32 {
      %add3A_738 = arith.constant 80 : i32
      %add3A_739 = arith.addi %add3A_738, %scan3A_737 : i32
      %get3A = arith.index_cast %add3A_739 : i32 to index
      %get3A_740 = arith.constant 0 : index
      %get3A_741 = tpu.vector_load %arg7[%get3A, %get3A_740] {strides = array<i32>} : memref<200x128xf32, #tpu.memory_space<vmem>>, vector<1x16xf32>,
      %get3A_742 = vector.shape_cast %get3A_741 : vector<1x16xf32> to vector<16xf32>
      %swap3A = arith.constant 0 : i32
      %swap3A_743 = arith.constant 0 : i32
      %swap3A_744 = tpu.memref_slice %arg8[%scan3A_22, %swap3A, %swap3A_743] : memref<5x80x128xf32, #tpu.memory_space<vmem>> -> memref<1x80x128xf32, #tpu.memory_space<vmem>>
      %swap3A_745 = tpu.memref_squeeze %swap3A_744 : memref<1x80x128xf32, #tpu.memory_space<vmem>> -> memref<80x128xf32, #tpu.memory_space<vmem>>
      %swap3A_746 = arith.index_cast %scan3A_737 : i32 to index
      %swap3A_747 = arith.constant 0 : index
      %swap3A_748 = tpu.vector_load %swap3A_745[%swap3A_746, %swap3A_747] {strides = array<i32>} : memref<80x128xf32, #tpu.memory_space<vmem>>, vector<1x16xf32>,
      %swap3A_749 = vector.shape_cast %swap3A_748 : vector<1x16xf32> to vector<16xf32>
      %swap3A_750 = vector.shape_cast %get3A_742 : vector<16xf32> to vector<1x16xf32>
      tpu.vector_store %swap3A_745[%swap3A_746, %swap3A_747], %swap3A_750 {strides = array<i32>} : memref<80x128xf32, #tpu.memory_space<vmem>>, vector<1x16xf32>,
      %add3A_751 = arith.constant 80 : i32
      %add3A_752 = arith.addi %add3A_751, %scan3A_737 : i32
      %get3A_753 = arith.index_cast %add3A_752 : i32 to index
      %get3A_754 = arith.constant 16 : index
      %get3A_755 = tpu.vector_load %arg7[%get3A_753, %get3A_754] {strides = array<i32>} : memref<200x128xf32, #tpu.memory_space<vmem>>, vector<1x16xf32>,
      %get3A_756 = vector.shape_cast %get3A_755 : vector<1x16xf32> to vector<16xf32>
      %swap3A_757 = arith.constant 0 : i32
      %swap3A_758 = arith.constant 0 : i32
      %swap3A_759 = tpu.memref_slice %arg8[%scan3A_22, %swap3A_757, %swap3A_758] : memref<5x80x128xf32, #tpu.memory_space<vmem>> -> memref<1x80x128xf32, #tpu.memory_space<vmem>>
      %swap3A_760 = tpu.memref_squeeze %swap3A_759 : memref<1x80x128xf32, #tpu.memory_space<vmem>> -> memref<80x128xf32, #tpu.memory_space<vmem>>
      %swap3A_761 = arith.index_cast %scan3A_737 : i32 to index
      %swap3A_762 = arith.constant 16 : index
      %swap3A_763 = tpu.vector_load %swap3A_760[%swap3A_761, %swap3A_762] {strides = array<i32>} : memref<80x128xf32, #tpu.memory_space<vmem>>, vector<1x16xf32>,
      %swap3A_764 = vector.shape_cast %swap3A_763 : vector<1x16xf32> to vector<16xf32>
      %swap3A_765 = vector.shape_cast %get3A_756 : vector<16xf32> to vector<1x16xf32>
      tpu.vector_store %swap3A_760[%swap3A_761, %swap3A_762], %swap3A_765 {strides = array<i32>} : memref<80x128xf32, #tpu.memory_space<vmem>>, vector<1x16xf32>,
      %add3A_766 = arith.constant 80 : i32
      %add3A_767 = arith.addi %add3A_766, %scan3A_737 : i32
      %get3A_768 = arith.index_cast %add3A_767 : i32 to index
      %get3A_769 = arith.constant 32 : index
      %get3A_770 = tpu.vector_load %arg7[%get3A_768, %get3A_769] {strides = array<i32>} : memref<200x128xf32, #tpu.memory_space<vmem>>, vector<1x16xf32>,
      %get3A_771 = vector.shape_cast %get3A_770 : vector<1x16xf32> to vector<16xf32>
      %swap3A_772 = arith.constant 0 : i32
      %swap3A_773 = arith.constant 0 : i32
      %swap3A_774 = tpu.memref_slice %arg8[%scan3A_22, %swap3A_772, %swap3A_773] : memref<5x80x128xf32, #tpu.memory_space<vmem>> -> memref<1x80x128xf32, #tpu.memory_space<vmem>>
      %swap3A_775 = tpu.memref_squeeze %swap3A_774 : memref<1x80x128xf32, #tpu.memory_space<vmem>> -> memref<80x128xf32, #tpu.memory_space<vmem>>
      %swap3A_776 = arith.index_cast %scan3A_737 : i32 to index
      %swap3A_777 = arith.constant 32 : index
      %swap3A_778 = tpu.vector_load %swap3A_775[%swap3A_776, %swap3A_777] {strides = array<i32>} : memref<80x128xf32, #tpu.memory_space<vmem>>, vector<1x16xf32>,
      %swap3A_779 = vector.shape_cast %swap3A_778 : vector<1x16xf32> to vector<16xf32>
      %swap3A_780 = vector.shape_cast %get3A_771 : vector<16xf32> to vector<1x16xf32>
      tpu.vector_store %swap3A_775[%swap3A_776, %swap3A_777], %swap3A_780 {strides = array<i32>} : memref<80x128xf32, #tpu.memory_space<vmem>>, vector<1x16xf32>,
      %add3A_781 = arith.constant 80 : i32
      %add3A_782 = arith.addi %add3A_781, %scan3A_737 : i32
      %get3A_783 = arith.index_cast %add3A_782 : i32 to index
      %get3A_784 = arith.constant 48 : index
      %get3A_785 = tpu.vector_load %arg7[%get3A_783, %get3A_784] {strides = array<i32>} : memref<200x128xf32, #tpu.memory_space<vmem>>, vector<1x16xf32>,
      %get3A_786 = vector.shape_cast %get3A_785 : vector<1x16xf32> to vector<16xf32>
      %swap3A_787 = arith.constant 0 : i32
      %swap3A_788 = arith.constant 0 : i32
      %swap3A_789 = tpu.memref_slice %arg8[%scan3A_22, %swap3A_787, %swap3A_788] : memref<5x80x128xf32, #tpu.memory_space<vmem>> -> memref<1x80x128xf32, #tpu.memory_space<vmem>>
      %swap3A_790 = tpu.memref_squeeze %swap3A_789 : memref<1x80x128xf32, #tpu.memory_space<vmem>> -> memref<80x128xf32, #tpu.memory_space<vmem>>
      %swap3A_791 = arith.index_cast %scan3A_737 : i32 to index
      %swap3A_792 = arith.constant 48 : index
      %swap3A_793 = tpu.vector_load %swap3A_790[%swap3A_791, %swap3A_792] {strides = array<i32>} : memref<80x128xf32, #tpu.memory_space<vmem>>, vector<1x16xf32>,
      %swap3A_794 = vector.shape_cast %swap3A_793 : vector<1x16xf32> to vector<16xf32>
      %swap3A_795 = vector.shape_cast %get3A_786 : vector<16xf32> to vector<1x16xf32>
      tpu.vector_store %swap3A_790[%swap3A_791, %swap3A_792], %swap3A_795 {strides = array<i32>} : memref<80x128xf32, #tpu.memory_space<vmem>>, vector<1x16xf32>,
      %add3A_796 = arith.constant 80 : i32
      %add3A_797 = arith.addi %add3A_796, %scan3A_737 : i32
      %get3A_798 = arith.index_cast %add3A_797 : i32 to index
      %get3A_799 = arith.constant 64 : index
      %get3A_800 = tpu.vector_load %arg7[%get3A_798, %get3A_799] {strides = array<i32>} : memref<200x128xf32, #tpu.memory_space<vmem>>, vector<1x16xf32>,
      %get3A_801 = vector.shape_cast %get3A_800 : vector<1x16xf32> to vector<16xf32>
      %swap3A_802 = arith.constant 0 : i32
      %swap3A_803 = arith.constant 0 : i32
      %swap3A_804 = tpu.memref_slice %arg8[%scan3A_22, %swap3A_802, %swap3A_803] : memref<5x80x128xf32, #tpu.memory_space<vmem>> -> memref<1x80x128xf32, #tpu.memory_space<vmem>>
      %swap3A_805 = tpu.memref_squeeze %swap3A_804 : memref<1x80x128xf32, #tpu.memory_space<vmem>> -> memref<80x128xf32, #tpu.memory_space<vmem>>
      %swap3A_806 = arith.index_cast %scan3A_737 : i32 to index
      %swap3A_807 = arith.constant 64 : index
      %swap3A_808 = tpu.vector_load %swap3A_805[%swap3A_806, %swap3A_807] {strides = array<i32>} : memref<80x128xf32, #tpu.memory_space<vmem>>, vector<1x16xf32>,
      %swap3A_809 = vector.shape_cast %swap3A_808 : vector<1x16xf32> to vector<16xf32>
      %swap3A_810 = vector.shape_cast %get3A_801 : vector<16xf32> to vector<1x16xf32>
      tpu.vector_store %swap3A_805[%swap3A_806, %swap3A_807], %swap3A_810 {strides = array<i32>} : memref<80x128xf32, #tpu.memory_space<vmem>>, vector<1x16xf32>,
      %add3A_811 = arith.constant 80 : i32
      %add3A_812 = arith.addi %add3A_811, %scan3A_737 : i32
      %get3A_813 = arith.index_cast %add3A_812 : i32 to index
      %get3A_814 = arith.constant 80 : index
      %get3A_815 = tpu.vector_load %arg7[%get3A_813, %get3A_814] {strides = array<i32>} : memref<200x128xf32, #tpu.memory_space<vmem>>, vector<1x16xf32>,
      %get3A_816 = vector.shape_cast %get3A_815 : vector<1x16xf32> to vector<16xf32>
      %swap3A_817 = arith.constant 0 : i32
      %swap3A_818 = arith.constant 0 : i32
      %swap3A_819 = tpu.memref_slice %arg8[%scan3A_22, %swap3A_817, %swap3A_818] : memref<5x80x128xf32, #tpu.memory_space<vmem>> -> memref<1x80x128xf32, #tpu.memory_space<vmem>>
      %swap3A_820 = tpu.memref_squeeze %swap3A_819 : memref<1x80x128xf32, #tpu.memory_space<vmem>> -> memref<80x128xf32, #tpu.memory_space<vmem>>
      %swap3A_821 = arith.index_cast %scan3A_737 : i32 to index
      %swap3A_822 = arith.constant 80 : index
      %swap3A_823 = tpu.vector_load %swap3A_820[%swap3A_821, %swap3A_822] {strides = array<i32>} : memref<80x128xf32, #tpu.memory_space<vmem>>, vector<1x16xf32>,
      %swap3A_824 = vector.shape_cast %swap3A_823 : vector<1x16xf32> to vector<16xf32>
      %swap3A_825 = vector.shape_cast %get3A_816 : vector<16xf32> to vector<1x16xf32>
      tpu.vector_store %swap3A_820[%swap3A_821, %swap3A_822], %swap3A_825 {strides = array<i32>} : memref<80x128xf32, #tpu.memory_space<vmem>>, vector<1x16xf32>,
      %add3A_826 = arith.constant 80 : i32
      %add3A_827 = arith.addi %add3A_826, %scan3A_737 : i32
      %get3A_828 = arith.index_cast %add3A_827 : i32 to index
      %get3A_829 = arith.constant 96 : index
      %get3A_830 = tpu.vector_load %arg7[%get3A_828, %get3A_829] {strides = array<i32>} : memref<200x128xf32, #tpu.memory_space<vmem>>, vector<1x16xf32>,
      %get3A_831 = vector.shape_cast %get3A_830 : vector<1x16xf32> to vector<16xf32>
      %swap3A_832 = arith.constant 0 : i32
      %swap3A_833 = arith.constant 0 : i32
      %swap3A_834 = tpu.memref_slice %arg8[%scan3A_22, %swap3A_832, %swap3A_833] : memref<5x80x128xf32, #tpu.memory_space<vmem>> -> memref<1x80x128xf32, #tpu.memory_space<vmem>>
      %swap3A_835 = tpu.memref_squeeze %swap3A_834 : memref<1x80x128xf32, #tpu.memory_space<vmem>> -> memref<80x128xf32, #tpu.memory_space<vmem>>
      %swap3A_836 = arith.index_cast %scan3A_737 : i32 to index
      %swap3A_837 = arith.constant 96 : index
      %swap3A_838 = tpu.vector_load %swap3A_835[%swap3A_836, %swap3A_837] {strides = array<i32>} : memref<80x128xf32, #tpu.memory_space<vmem>>, vector<1x16xf32>,
      %swap3A_839 = vector.shape_cast %swap3A_838 : vector<1x16xf32> to vector<16xf32>
      %swap3A_840 = vector.shape_cast %get3A_831 : vector<16xf32> to vector<1x16xf32>
      tpu.vector_store %swap3A_835[%swap3A_836, %swap3A_837], %swap3A_840 {strides = array<i32>} : memref<80x128xf32, #tpu.memory_space<vmem>>, vector<1x16xf32>,
      %add3A_841 = arith.constant 80 : i32
      %add3A_842 = arith.addi %add3A_841, %scan3A_737 : i32
      %get3A_843 = arith.index_cast %add3A_842 : i32 to index
      %get3A_844 = arith.constant 112 : index
      %get3A_845 = tpu.vector_load %arg7[%get3A_843, %get3A_844] {strides = array<i32>} : memref<200x128xf32, #tpu.memory_space<vmem>>, vector<1x16xf32>,
      %get3A_846 = vector.shape_cast %get3A_845 : vector<1x16xf32> to vector<16xf32>
      %swap3A_847 = arith.constant 0 : i32
      %swap3A_848 = arith.constant 0 : i32
      %swap3A_849 = tpu.memref_slice %arg8[%scan3A_22, %swap3A_847, %swap3A_848] : memref<5x80x128xf32, #tpu.memory_space<vmem>> -> memref<1x80x128xf32, #tpu.memory_space<vmem>>
      %swap3A_850 = tpu.memref_squeeze %swap3A_849 : memref<1x80x128xf32, #tpu.memory_space<vmem>> -> memref<80x128xf32, #tpu.memory_space<vmem>>
      %swap3A_851 = arith.index_cast %scan3A_737 : i32 to index
      %swap3A_852 = arith.constant 112 : index
      %swap3A_853 = tpu.vector_load %swap3A_850[%swap3A_851, %swap3A_852] {strides = array<i32>} : memref<80x128xf32, #tpu.memory_space<vmem>>, vector<1x16xf32>,
      %swap3A_854 = vector.shape_cast %swap3A_853 : vector<1x16xf32> to vector<16xf32>
      %swap3A_855 = vector.shape_cast %get3A_846 : vector<16xf32> to vector<1x16xf32>
      tpu.vector_store %swap3A_850[%swap3A_851, %swap3A_852], %swap3A_855 {strides = array<i32>} : memref<80x128xf32, #tpu.memory_space<vmem>>, vector<1x16xf32>,
    }
    %scan3A_27 = arith.constant 80 : i32
    %dma_start3A_28 = arith.constant 1 : i32
    %dma_start3A_29 = arith.constant 1 : i32
    %dma_start3A_30 = arith.constant 1 : i32
    %dma_start3A_31 = arith.constant 0 : i32
    %dma_start3A_32 = arith.constant 0 : i32
    %dma_start3A_33 = tpu.memref_slice %arg8[%dma_start3A_29, %dma_start3A_31, %dma_start3A_32] : memref<5x80x128xf32, #tpu.memory_space<vmem>> -> memref<1x80x128xf32, #tpu.memory_space<vmem>>
    %dma_start3A_34 = tpu.memref_squeeze %dma_start3A_33 : memref<1x80x128xf32, #tpu.memory_space<vmem>> -> memref<80x128xf32, #tpu.memory_space<vmem>>
    %dma_start3A_35 = arith.constant 0 : i32
    %dma_start3A_36 = tpu.memref_slice %arg6[%dma_start3A_28, %dma_start3A_35] : memref<80x80xi32, #tpu.memory_space<vmem>> -> memref<1x80xi32, #tpu.memory_space<vmem>>
    %dma_start3A_37 = tpu.memref_squeeze %dma_start3A_36 : memref<1x80xi32, #tpu.memory_space<vmem>> -> memref<80xi32, #tpu.memory_space<vmem>>
    %dma_start3A_38 = arith.constant 0 : i32
    %dma_start3A_39 = arith.constant 0 : i32
    %dma_start3A_40 = tpu.memref_slice %arg3[%dma_start3A_38, %dma_start3A_39] : memref<100000x128xf32, #tpu.memory_space<hbm>> -> memref<100000x128xf32, #tpu.memory_space<hbm>>
    %dma_start3A_41 = tpu.memref_slice %arg9[%dma_start3A_30] : memref<5x!tpu.dma_semaphore, #tpu.memory_space<semaphore_mem>> -> memref<1x!tpu.dma_semaphore, #tpu.memory_space<semaphore_mem>>
    %dma_start3A_42 = tpu.memref_squeeze %dma_start3A_41 : memref<1x!tpu.dma_semaphore, #tpu.memory_space<semaphore_mem>> -> memref<!tpu.dma_semaphore, #tpu.memory_space<semaphore_mem>>
    tpu.enqueue_indirect_dma source(%dma_start3A_40 : memref<100000x128xf32, #tpu.memory_space<hbm>>) target(%dma_start3A_34 : memref<80x128xf32, #tpu.memory_space<vmem>>) offsets(%dma_start3A_37 : memref<80xi32, #tpu.memory_space<vmem>>) semaphore(%dma_start3A_42 : memref<!tpu.dma_semaphore, #tpu.memory_space<semaphore_mem>>) {add = true}
    %scan3A_43 = arith.constant 2 : i32
    %scan3A_44 = arith.constant 0 : i32
    %scan3A_45 = arith.constant 40 : i32
    %scan3A_46 = arith.addi %scan3A_44, %scan3A_45 : i32
    %scan3A_47 = arith.constant 1 : i32
    scf.for %scan3A_737 = %scan3A_44 to %scan3A_46 step %scan3A_47  : i32 {
      %add3A_738 = arith.constant 160 : i32
      %add3A_739 = arith.addi %add3A_738, %scan3A_737 : i32
      %get3A = arith.index_cast %add3A_739 : i32 to index
      %get3A_740 = arith.constant 0 : index
      %get3A_741 = tpu.vector_load %arg7[%get3A, %get3A_740] {strides = array<i32>} : memref<200x128xf32, #tpu.memory_space<vmem>>, vector<1x16xf32>,
      %get3A_742 = vector.shape_cast %get3A_741 : vector<1x16xf32> to vector<16xf32>
      %swap3A = arith.constant 0 : i32
      %swap3A_743 = arith.constant 0 : i32
      %swap3A_744 = tpu.memref_slice %arg8[%scan3A_43, %swap3A, %swap3A_743] : memref<5x80x128xf32, #tpu.memory_space<vmem>> -> memref<1x80x128xf32, #tpu.memory_space<vmem>>
      %swap3A_745 = tpu.memref_squeeze %swap3A_744 : memref<1x80x128xf32, #tpu.memory_space<vmem>> -> memref<80x128xf32, #tpu.memory_space<vmem>>
      %swap3A_746 = arith.index_cast %scan3A_737 : i32 to index
      %swap3A_747 = arith.constant 0 : index
      %swap3A_748 = tpu.vector_load %swap3A_745[%swap3A_746, %swap3A_747] {strides = array<i32>} : memref<80x128xf32, #tpu.memory_space<vmem>>, vector<1x16xf32>,
      %swap3A_749 = vector.shape_cast %swap3A_748 : vector<1x16xf32> to vector<16xf32>
      %swap3A_750 = vector.shape_cast %get3A_742 : vector<16xf32> to vector<1x16xf32>
      tpu.vector_store %swap3A_745[%swap3A_746, %swap3A_747], %swap3A_750 {strides = array<i32>} : memref<80x128xf32, #tpu.memory_space<vmem>>, vector<1x16xf32>,
      %add3A_751 = arith.constant 160 : i32
      %add3A_752 = arith.addi %add3A_751, %scan3A_737 : i32
      %get3A_753 = arith.index_cast %add3A_752 : i32 to index
      %get3A_754 = arith.constant 16 : index
      %get3A_755 = tpu.vector_load %arg7[%get3A_753, %get3A_754] {strides = array<i32>} : memref<200x128xf32, #tpu.memory_space<vmem>>, vector<1x16xf32>,
      %get3A_756 = vector.shape_cast %get3A_755 : vector<1x16xf32> to vector<16xf32>
      %swap3A_757 = arith.constant 0 : i32
      %swap3A_758 = arith.constant 0 : i32
      %swap3A_759 = tpu.memref_slice %arg8[%scan3A_43, %swap3A_757, %swap3A_758] : memref<5x80x128xf32, #tpu.memory_space<vmem>> -> memref<1x80x128xf32, #tpu.memory_space<vmem>>
      %swap3A_760 = tpu.memref_squeeze %swap3A_759 : memref<1x80x128xf32, #tpu.memory_space<vmem>> -> memref<80x128xf32, #tpu.memory_space<vmem>>
      %swap3A_761 = arith.index_cast %scan3A_737 : i32 to index
      %swap3A_762 = arith.constant 16 : index
      %swap3A_763 = tpu.vector_load %swap3A_760[%swap3A_761, %swap3A_762] {strides = array<i32>} : memref<80x128xf32, #tpu.memory_space<vmem>>, vector<1x16xf32>,
      %swap3A_764 = vector.shape_cast %swap3A_763 : vector<1x16xf32> to vector<16xf32>
      %swap3A_765 = vector.shape_cast %get3A_756 : vector<16xf32> to vector<1x16xf32>
      tpu.vector_store %swap3A_760[%swap3A_761, %swap3A_762], %swap3A_765 {strides = array<i32>} : memref<80x128xf32, #tpu.memory_space<vmem>>, vector<1x16xf32>,
      %add3A_766 = arith.constant 160 : i32
      %add3A_767 = arith.addi %add3A_766, %scan3A_737 : i32
      %get3A_768 = arith.index_cast %add3A_767 : i32 to index
      %get3A_769 = arith.constant 32 : index
      %get3A_770 = tpu.vector_load %arg7[%get3A_768, %get3A_769] {strides = array<i32>} : memref<200x128xf32, #tpu.memory_space<vmem>>, vector<1x16xf32>,
      %get3A_771 = vector.shape_cast %get3A_770 : vector<1x16xf32> to vector<16xf32>
      %swap3A_772 = arith.constant 0 : i32
      %swap3A_773 = arith.constant 0 : i32
      %swap3A_774 = tpu.memref_slice %arg8[%scan3A_43, %swap3A_772, %swap3A_773] : memref<5x80x128xf32, #tpu.memory_space<vmem>> -> memref<1x80x128xf32, #tpu.memory_space<vmem>>
      %swap3A_775 = tpu.memref_squeeze %swap3A_774 : memref<1x80x128xf32, #tpu.memory_space<vmem>> -> memref<80x128xf32, #tpu.memory_space<vmem>>
      %swap3A_776 = arith.index_cast %scan3A_737 : i32 to index
      %swap3A_777 = arith.constant 32 : index
      %swap3A_778 = tpu.vector_load %swap3A_775[%swap3A_776, %swap3A_777] {strides = array<i32>} : memref<80x128xf32, #tpu.memory_space<vmem>>, vector<1x16xf32>,
      %swap3A_779 = vector.shape_cast %swap3A_778 : vector<1x16xf32> to vector<16xf32>
      %swap3A_780 = vector.shape_cast %get3A_771 : vector<16xf32> to vector<1x16xf32>
      tpu.vector_store %swap3A_775[%swap3A_776, %swap3A_777], %swap3A_780 {strides = array<i32>} : memref<80x128xf32, #tpu.memory_space<vmem>>, vector<1x16xf32>,
      %add3A_781 = arith.constant 160 : i32
      %add3A_782 = arith.addi %add3A_781, %scan3A_737 : i32
      %get3A_783 = arith.index_cast %add3A_782 : i32 to index
      %get3A_784 = arith.constant 48 : index
      %get3A_785 = tpu.vector_load %arg7[%get3A_783, %get3A_784] {strides = array<i32>} : memref<200x128xf32, #tpu.memory_space<vmem>>, vector<1x16xf32>,
      %get3A_786 = vector.shape_cast %get3A_785 : vector<1x16xf32> to vector<16xf32>
      %swap3A_787 = arith.constant 0 : i32
      %swap3A_788 = arith.constant 0 : i32
      %swap3A_789 = tpu.memref_slice %arg8[%scan3A_43, %swap3A_787, %swap3A_788] : memref<5x80x128xf32, #tpu.memory_space<vmem>> -> memref<1x80x128xf32, #tpu.memory_space<vmem>>
      %swap3A_790 = tpu.memref_squeeze %swap3A_789 : memref<1x80x128xf32, #tpu.memory_space<vmem>> -> memref<80x128xf32, #tpu.memory_space<vmem>>
      %swap3A_791 = arith.index_cast %scan3A_737 : i32 to index
      %swap3A_792 = arith.constant 48 : index
      %swap3A_793 = tpu.vector_load %swap3A_790[%swap3A_791, %swap3A_792] {strides = array<i32>} : memref<80x128xf32, #tpu.memory_space<vmem>>, vector<1x16xf32>,
      %swap3A_794 = vector.shape_cast %swap3A_793 : vector<1x16xf32> to vector<16xf32>
      %swap3A_795 = vector.shape_cast %get3A_786 : vector<16xf32> to vector<1x16xf32>
      tpu.vector_store %swap3A_790[%swap3A_791, %swap3A_792], %swap3A_795 {strides = array<i32>} : memref<80x128xf32, #tpu.memory_space<vmem>>, vector<1x16xf32>,
      %add3A_796 = arith.constant 160 : i32
      %add3A_797 = arith.addi %add3A_796, %scan3A_737 : i32
      %get3A_798 = arith.index_cast %add3A_797 : i32 to index
      %get3A_799 = arith.constant 64 : index
      %get3A_800 = tpu.vector_load %arg7[%get3A_798, %get3A_799] {strides = array<i32>} : memref<200x128xf32, #tpu.memory_space<vmem>>, vector<1x16xf32>,
      %get3A_801 = vector.shape_cast %get3A_800 : vector<1x16xf32> to vector<16xf32>
      %swap3A_802 = arith.constant 0 : i32
      %swap3A_803 = arith.constant 0 : i32
      %swap3A_804 = tpu.memref_slice %arg8[%scan3A_43, %swap3A_802, %swap3A_803] : memref<5x80x128xf32, #tpu.memory_space<vmem>> -> memref<1x80x128xf32, #tpu.memory_space<vmem>>
      %swap3A_805 = tpu.memref_squeeze %swap3A_804 : memref<1x80x128xf32, #tpu.memory_space<vmem>> -> memref<80x128xf32, #tpu.memory_space<vmem>>
      %swap3A_806 = arith.index_cast %scan3A_737 : i32 to index
      %swap3A_807 = arith.constant 64 : index
      %swap3A_808 = tpu.vector_load %swap3A_805[%swap3A_806, %swap3A_807] {strides = array<i32>} : memref<80x128xf32, #tpu.memory_space<vmem>>, vector<1x16xf32>,
      %swap3A_809 = vector.shape_cast %swap3A_808 : vector<1x16xf32> to vector<16xf32>
      %swap3A_810 = vector.shape_cast %get3A_801 : vector<16xf32> to vector<1x16xf32>
      tpu.vector_store %swap3A_805[%swap3A_806, %swap3A_807], %swap3A_810 {strides = array<i32>} : memref<80x128xf32, #tpu.memory_space<vmem>>, vector<1x16xf32>,
      %add3A_811 = arith.constant 160 : i32
      %add3A_812 = arith.addi %add3A_811, %scan3A_737 : i32
      %get3A_813 = arith.index_cast %add3A_812 : i32 to index
      %get3A_814 = arith.constant 80 : index
      %get3A_815 = tpu.vector_load %arg7[%get3A_813, %get3A_814] {strides = array<i32>} : memref<200x128xf32, #tpu.memory_space<vmem>>, vector<1x16xf32>,
      %get3A_816 = vector.shape_cast %get3A_815 : vector<1x16xf32> to vector<16xf32>
      %swap3A_817 = arith.constant 0 : i32
      %swap3A_818 = arith.constant 0 : i32
      %swap3A_819 = tpu.memref_slice %arg8[%scan3A_43, %swap3A_817, %swap3A_818] : memref<5x80x128xf32, #tpu.memory_space<vmem>> -> memref<1x80x128xf32, #tpu.memory_space<vmem>>
      %swap3A_820 = tpu.memref_squeeze %swap3A_819 : memref<1x80x128xf32, #tpu.memory_space<vmem>> -> memref<80x128xf32, #tpu.memory_space<vmem>>
      %swap3A_821 = arith.index_cast %scan3A_737 : i32 to index
      %swap3A_822 = arith.constant 80 : index
      %swap3A_823 = tpu.vector_load %swap3A_820[%swap3A_821, %swap3A_822] {strides = array<i32>} : memref<80x128xf32, #tpu.memory_space<vmem>>, vector<1x16xf32>,
      %swap3A_824 = vector.shape_cast %swap3A_823 : vector<1x16xf32> to vector<16xf32>
      %swap3A_825 = vector.shape_cast %get3A_816 : vector<16xf32> to vector<1x16xf32>
      tpu.vector_store %swap3A_820[%swap3A_821, %swap3A_822], %swap3A_825 {strides = array<i32>} : memref<80x128xf32, #tpu.memory_space<vmem>>, vector<1x16xf32>,
      %add3A_826 = arith.constant 160 : i32
      %add3A_827 = arith.addi %add3A_826, %scan3A_737 : i32
      %get3A_828 = arith.index_cast %add3A_827 : i32 to index
      %get3A_829 = arith.constant 96 : index
      %get3A_830 = tpu.vector_load %arg7[%get3A_828, %get3A_829] {strides = array<i32>} : memref<200x128xf32, #tpu.memory_space<vmem>>, vector<1x16xf32>,
      %get3A_831 = vector.shape_cast %get3A_830 : vector<1x16xf32> to vector<16xf32>
      %swap3A_832 = arith.constant 0 : i32
      %swap3A_833 = arith.constant 0 : i32
      %swap3A_834 = tpu.memref_slice %arg8[%scan3A_43, %swap3A_832, %swap3A_833] : memref<5x80x128xf32, #tpu.memory_space<vmem>> -> memref<1x80x128xf32, #tpu.memory_space<vmem>>
      %swap3A_835 = tpu.memref_squeeze %swap3A_834 : memref<1x80x128xf32, #tpu.memory_space<vmem>> -> memref<80x128xf32, #tpu.memory_space<vmem>>
      %swap3A_836 = arith.index_cast %scan3A_737 : i32 to index
      %swap3A_837 = arith.constant 96 : index
      %swap3A_838 = tpu.vector_load %swap3A_835[%swap3A_836, %swap3A_837] {strides = array<i32>} : memref<80x128xf32, #tpu.memory_space<vmem>>, vector<1x16xf32>,
      %swap3A_839 = vector.shape_cast %swap3A_838 : vector<1x16xf32> to vector<16xf32>
      %swap3A_840 = vector.shape_cast %get3A_831 : vector<16xf32> to vector<1x16xf32>
      tpu.vector_store %swap3A_835[%swap3A_836, %swap3A_837], %swap3A_840 {strides = array<i32>} : memref<80x128xf32, #tpu.memory_space<vmem>>, vector<1x16xf32>,
      %add3A_841 = arith.constant 160 : i32
      %add3A_842 = arith.addi %add3A_841, %scan3A_737 : i32
      %get3A_843 = arith.index_cast %add3A_842 : i32 to index
      %get3A_844 = arith.constant 112 : index
      %get3A_845 = tpu.vector_load %arg7[%get3A_843, %get3A_844] {strides = array<i32>} : memref<200x128xf32, #tpu.memory_space<vmem>>, vector<1x16xf32>,
      %get3A_846 = vector.shape_cast %get3A_845 : vector<1x16xf32> to vector<16xf32>
      %swap3A_847 = arith.constant 0 : i32
      %swap3A_848 = arith.constant 0 : i32
      %swap3A_849 = tpu.memref_slice %arg8[%scan3A_43, %swap3A_847, %swap3A_848] : memref<5x80x128xf32, #tpu.memory_space<vmem>> -> memref<1x80x128xf32, #tpu.memory_space<vmem>>
      %swap3A_850 = tpu.memref_squeeze %swap3A_849 : memref<1x80x128xf32, #tpu.memory_space<vmem>> -> memref<80x128xf32, #tpu.memory_space<vmem>>
      %swap3A_851 = arith.index_cast %scan3A_737 : i32 to index
      %swap3A_852 = arith.constant 112 : index
      %swap3A_853 = tpu.vector_load %swap3A_850[%swap3A_851, %swap3A_852] {strides = array<i32>} : memref<80x128xf32, #tpu.memory_space<vmem>>, vector<1x16xf32>,
      %swap3A_854 = vector.shape_cast %swap3A_853 : vector<1x16xf32> to vector<16xf32>
      %swap3A_855 = vector.shape_cast %get3A_846 : vector<16xf32> to vector<1x16xf32>
      tpu.vector_store %swap3A_850[%swap3A_851, %swap3A_852], %swap3A_855 {strides = array<i32>} : memref<80x128xf32, #tpu.memory_space<vmem>>, vector<1x16xf32>,
    }
    %scan3A_48 = arith.constant 40 : i32
    %scan3A_49 = arith.constant 2 : i32
    %scan3A_50 = arith.constant 40 : i32
    %scan3A_51 = arith.constant 40 : i32
    %scan3A_52 = arith.addi %scan3A_50, %scan3A_51 : i32
    %scan3A_53 = arith.constant 1 : i32
    scf.for %scan3A_737 = %scan3A_50 to %scan3A_52 step %scan3A_53  : i32 {
      %add3A_738 = arith.constant -40 : i32
      %add3A_739 = arith.addi %add3A_738, %scan3A_737 : i32
      %get3A = arith.index_cast %add3A_739 : i32 to index
      %get3A_740 = arith.constant 0 : index
      %get3A_741 = tpu.vector_load %arg7[%get3A, %get3A_740] {strides = array<i32>} : memref<200x128xf32, #tpu.memory_space<vmem>>, vector<1x16xf32>,
      %get3A_742 = vector.shape_cast %get3A_741 : vector<1x16xf32> to vector<16xf32>
      %swap3A = arith.constant 0 : i32
      %swap3A_743 = arith.constant 0 : i32
      %swap3A_744 = tpu.memref_slice %arg8[%scan3A_49, %swap3A, %swap3A_743] : memref<5x80x128xf32, #tpu.memory_space<vmem>> -> memref<1x80x128xf32, #tpu.memory_space<vmem>>
      %swap3A_745 = tpu.memref_squeeze %swap3A_744 : memref<1x80x128xf32, #tpu.memory_space<vmem>> -> memref<80x128xf32, #tpu.memory_space<vmem>>
      %swap3A_746 = arith.index_cast %scan3A_737 : i32 to index
      %swap3A_747 = arith.constant 0 : index
      %swap3A_748 = tpu.vector_load %swap3A_745[%swap3A_746, %swap3A_747] {strides = array<i32>} : memref<80x128xf32, #tpu.memory_space<vmem>>, vector<1x16xf32>,
      %swap3A_749 = vector.shape_cast %swap3A_748 : vector<1x16xf32> to vector<16xf32>
      %swap3A_750 = vector.shape_cast %get3A_742 : vector<16xf32> to vector<1x16xf32>
      tpu.vector_store %swap3A_745[%swap3A_746, %swap3A_747], %swap3A_750 {strides = array<i32>} : memref<80x128xf32, #tpu.memory_space<vmem>>, vector<1x16xf32>,
      %add3A_751 = arith.constant -40 : i32
      %add3A_752 = arith.addi %add3A_751, %scan3A_737 : i32
      %get3A_753 = arith.index_cast %add3A_752 : i32 to index
      %get3A_754 = arith.constant 16 : index
      %get3A_755 = tpu.vector_load %arg7[%get3A_753, %get3A_754] {strides = array<i32>} : memref<200x128xf32, #tpu.memory_space<vmem>>, vector<1x16xf32>,
      %get3A_756 = vector.shape_cast %get3A_755 : vector<1x16xf32> to vector<16xf32>
      %swap3A_757 = arith.constant 0 : i32
      %swap3A_758 = arith.constant 0 : i32
      %swap3A_759 = tpu.memref_slice %arg8[%scan3A_49, %swap3A_757, %swap3A_758] : memref<5x80x128xf32, #tpu.memory_space<vmem>> -> memref<1x80x128xf32, #tpu.memory_space<vmem>>
      %swap3A_760 = tpu.memref_squeeze %swap3A_759 : memref<1x80x128xf32, #tpu.memory_space<vmem>> -> memref<80x128xf32, #tpu.memory_space<vmem>>
      %swap3A_761 = arith.index_cast %scan3A_737 : i32 to index
      %swap3A_762 = arith.constant 16 : index
      %swap3A_763 = tpu.vector_load %swap3A_760[%swap3A_761, %swap3A_762] {strides = array<i32>} : memref<80x128xf32, #tpu.memory_space<vmem>>, vector<1x16xf32>,
      %swap3A_764 = vector.shape_cast %swap3A_763 : vector<1x16xf32> to vector<16xf32>
      %swap3A_765 = vector.shape_cast %get3A_756 : vector<16xf32> to vector<1x16xf32>
      tpu.vector_store %swap3A_760[%swap3A_761, %swap3A_762], %swap3A_765 {strides = array<i32>} : memref<80x128xf32, #tpu.memory_space<vmem>>, vector<1x16xf32>,
      %add3A_766 = arith.constant -40 : i32
      %add3A_767 = arith.addi %add3A_766, %scan3A_737 : i32
      %get3A_768 = arith.index_cast %add3A_767 : i32 to index
      %get3A_769 = arith.constant 32 : index
      %get3A_770 = tpu.vector_load %arg7[%get3A_768, %get3A_769] {strides = array<i32>} : memref<200x128xf32, #tpu.memory_space<vmem>>, vector<1x16xf32>,
      %get3A_771 = vector.shape_cast %get3A_770 : vector<1x16xf32> to vector<16xf32>
      %swap3A_772 = arith.constant 0 : i32
      %swap3A_773 = arith.constant 0 : i32
      %swap3A_774 = tpu.memref_slice %arg8[%scan3A_49, %swap3A_772, %swap3A_773] : memref<5x80x128xf32, #tpu.memory_space<vmem>> -> memref<1x80x128xf32, #tpu.memory_space<vmem>>
      %swap3A_775 = tpu.memref_squeeze %swap3A_774 : memref<1x80x128xf32, #tpu.memory_space<vmem>> -> memref<80x128xf32, #tpu.memory_space<vmem>>
      %swap3A_776 = arith.index_cast %scan3A_737 : i32 to index
      %swap3A_777 = arith.constant 32 : index
      %swap3A_778 = tpu.vector_load %swap3A_775[%swap3A_776, %swap3A_777] {strides = array<i32>} : memref<80x128xf32, #tpu.memory_space<vmem>>, vector<1x16xf32>,
      %swap3A_779 = vector.shape_cast %swap3A_778 : vector<1x16xf32> to vector<16xf32>
      %swap3A_780 = vector.shape_cast %get3A_771 : vector<16xf32> to vector<1x16xf32>
      tpu.vector_store %swap3A_775[%swap3A_776, %swap3A_777], %swap3A_780 {strides = array<i32>} : memref<80x128xf32, #tpu.memory_space<vmem>>, vector<1x16xf32>,
      %add3A_781 = arith.constant -40 : i32
      %add3A_782 = arith.addi %add3A_781, %scan3A_737 : i32
      %get3A_783 = arith.index_cast %add3A_782 : i32 to index
      %get3A_784 = arith.constant 48 : index
      %get3A_785 = tpu.vector_load %arg7[%get3A_783, %get3A_784] {strides = array<i32>} : memref<200x128xf32, #tpu.memory_space<vmem>>, vector<1x16xf32>,
      %get3A_786 = vector.shape_cast %get3A_785 : vector<1x16xf32> to vector<16xf32>
      %swap3A_787 = arith.constant 0 : i32
      %swap3A_788 = arith.constant 0 : i32
      %swap3A_789 = tpu.memref_slice %arg8[%scan3A_49, %swap3A_787, %swap3A_788] : memref<5x80x128xf32, #tpu.memory_space<vmem>> -> memref<1x80x128xf32, #tpu.memory_space<vmem>>
      %swap3A_790 = tpu.memref_squeeze %swap3A_789 : memref<1x80x128xf32, #tpu.memory_space<vmem>> -> memref<80x128xf32, #tpu.memory_space<vmem>>
      %swap3A_791 = arith.index_cast %scan3A_737 : i32 to index
      %swap3A_792 = arith.constant 48 : index
      %swap3A_793 = tpu.vector_load %swap3A_790[%swap3A_791, %swap3A_792] {strides = array<i32>} : memref<80x128xf32, #tpu.memory_space<vmem>>, vector<1x16xf32>,
      %swap3A_794 = vector.shape_cast %swap3A_793 : vector<1x16xf32> to vector<16xf32>
      %swap3A_795 = vector.shape_cast %get3A_786 : vector<16xf32> to vector<1x16xf32>
      tpu.vector_store %swap3A_790[%swap3A_791, %swap3A_792], %swap3A_795 {strides = array<i32>} : memref<80x128xf32, #tpu.memory_space<vmem>>, vector<1x16xf32>,
      %add3A_796 = arith.constant -40 : i32
      %add3A_797 = arith.addi %add3A_796, %scan3A_737 : i32
      %get3A_798 = arith.index_cast %add3A_797 : i32 to index
      %get3A_799 = arith.constant 64 : index
      %get3A_800 = tpu.vector_load %arg7[%get3A_798, %get3A_799] {strides = array<i32>} : memref<200x128xf32, #tpu.memory_space<vmem>>, vector<1x16xf32>,
      %get3A_801 = vector.shape_cast %get3A_800 : vector<1x16xf32> to vector<16xf32>
      %swap3A_802 = arith.constant 0 : i32
      %swap3A_803 = arith.constant 0 : i32
      %swap3A_804 = tpu.memref_slice %arg8[%scan3A_49, %swap3A_802, %swap3A_803] : memref<5x80x128xf32, #tpu.memory_space<vmem>> -> memref<1x80x128xf32, #tpu.memory_space<vmem>>
      %swap3A_805 = tpu.memref_squeeze %swap3A_804 : memref<1x80x128xf32, #tpu.memory_space<vmem>> -> memref<80x128xf32, #tpu.memory_space<vmem>>
      %swap3A_806 = arith.index_cast %scan3A_737 : i32 to index
      %swap3A_807 = arith.constant 64 : index
      %swap3A_808 = tpu.vector_load %swap3A_805[%swap3A_806, %swap3A_807] {strides = array<i32>} : memref<80x128xf32, #tpu.memory_space<vmem>>, vector<1x16xf32>,
      %swap3A_809 = vector.shape_cast %swap3A_808 : vector<1x16xf32> to vector<16xf32>
      %swap3A_810 = vector.shape_cast %get3A_801 : vector<16xf32> to vector<1x16xf32>
      tpu.vector_store %swap3A_805[%swap3A_806, %swap3A_807], %swap3A_810 {strides = array<i32>} : memref<80x128xf32, #tpu.memory_space<vmem>>, vector<1x16xf32>,
      %add3A_811 = arith.constant -40 : i32
      %add3A_812 = arith.addi %add3A_811, %scan3A_737 : i32
      %get3A_813 = arith.index_cast %add3A_812 : i32 to index
      %get3A_814 = arith.constant 80 : index
      %get3A_815 = tpu.vector_load %arg7[%get3A_813, %get3A_814] {strides = array<i32>} : memref<200x128xf32, #tpu.memory_space<vmem>>, vector<1x16xf32>,
      %get3A_816 = vector.shape_cast %get3A_815 : vector<1x16xf32> to vector<16xf32>
      %swap3A_817 = arith.constant 0 : i32
      %swap3A_818 = arith.constant 0 : i32
      %swap3A_819 = tpu.memref_slice %arg8[%scan3A_49, %swap3A_817, %swap3A_818] : memref<5x80x128xf32, #tpu.memory_space<vmem>> -> memref<1x80x128xf32, #tpu.memory_space<vmem>>
      %swap3A_820 = tpu.memref_squeeze %swap3A_819 : memref<1x80x128xf32, #tpu.memory_space<vmem>> -> memref<80x128xf32, #tpu.memory_space<vmem>>
      %swap3A_821 = arith.index_cast %scan3A_737 : i32 to index
      %swap3A_822 = arith.constant 80 : index
      %swap3A_823 = tpu.vector_load %swap3A_820[%swap3A_821, %swap3A_822] {strides = array<i32>} : memref<80x128xf32, #tpu.memory_space<vmem>>, vector<1x16xf32>,
      %swap3A_824 = vector.shape_cast %swap3A_823 : vector<1x16xf32> to vector<16xf32>
      %swap3A_825 = vector.shape_cast %get3A_816 : vector<16xf32> to vector<1x16xf32>
      tpu.vector_store %swap3A_820[%swap3A_821, %swap3A_822], %swap3A_825 {strides = array<i32>} : memref<80x128xf32, #tpu.memory_space<vmem>>, vector<1x16xf32>,
      %add3A_826 = arith.constant -40 : i32
      %add3A_827 = arith.addi %add3A_826, %scan3A_737 : i32
      %get3A_828 = arith.index_cast %add3A_827 : i32 to index
      %get3A_829 = arith.constant 96 : index
      %get3A_830 = tpu.vector_load %arg7[%get3A_828, %get3A_829] {strides = array<i32>} : memref<200x128xf32, #tpu.memory_space<vmem>>, vector<1x16xf32>,
      %get3A_831 = vector.shape_cast %get3A_830 : vector<1x16xf32> to vector<16xf32>
      %swap3A_832 = arith.constant 0 : i32
      %swap3A_833 = arith.constant 0 : i32
      %swap3A_834 = tpu.memref_slice %arg8[%scan3A_49, %swap3A_832, %swap3A_833] : memref<5x80x128xf32, #tpu.memory_space<vmem>> -> memref<1x80x128xf32, #tpu.memory_space<vmem>>
      %swap3A_835 = tpu.memref_squeeze %swap3A_834 : memref<1x80x128xf32, #tpu.memory_space<vmem>> -> memref<80x128xf32, #tpu.memory_space<vmem>>
      %swap3A_836 = arith.index_cast %scan3A_737 : i32 to index
      %swap3A_837 = arith.constant 96 : index
      %swap3A_838 = tpu.vector_load %swap3A_835[%swap3A_836, %swap3A_837] {strides = array<i32>} : memref<80x128xf32, #tpu.memory_space<vmem>>, vector<1x16xf32>,
      %swap3A_839 = vector.shape_cast %swap3A_838 : vector<1x16xf32> to vector<16xf32>
      %swap3A_840 = vector.shape_cast %get3A_831 : vector<16xf32> to vector<1x16xf32>
      tpu.vector_store %swap3A_835[%swap3A_836, %swap3A_837], %swap3A_840 {strides = array<i32>} : memref<80x128xf32, #tpu.memory_space<vmem>>, vector<1x16xf32>,
      %add3A_841 = arith.constant -40 : i32
      %add3A_842 = arith.addi %add3A_841, %scan3A_737 : i32
      %get3A_843 = arith.index_cast %add3A_842 : i32 to index
      %get3A_844 = arith.constant 112 : index
      %get3A_845 = tpu.vector_load %arg7[%get3A_843, %get3A_844] {strides = array<i32>} : memref<200x128xf32, #tpu.memory_space<vmem>>, vector<1x16xf32>,
      %get3A_846 = vector.shape_cast %get3A_845 : vector<1x16xf32> to vector<16xf32>
      %swap3A_847 = arith.constant 0 : i32
      %swap3A_848 = arith.constant 0 : i32
      %swap3A_849 = tpu.memref_slice %arg8[%scan3A_49, %swap3A_847, %swap3A_848] : memref<5x80x128xf32, #tpu.memory_space<vmem>> -> memref<1x80x128xf32, #tpu.memory_space<vmem>>
      %swap3A_850 = tpu.memref_squeeze %swap3A_849 : memref<1x80x128xf32, #tpu.memory_space<vmem>> -> memref<80x128xf32, #tpu.memory_space<vmem>>
      %swap3A_851 = arith.index_cast %scan3A_737 : i32 to index
      %swap3A_852 = arith.constant 112 : index
      %swap3A_853 = tpu.vector_load %swap3A_850[%swap3A_851, %swap3A_852] {strides = array<i32>} : memref<80x128xf32, #tpu.memory_space<vmem>>, vector<1x16xf32>,
      %swap3A_854 = vector.shape_cast %swap3A_853 : vector<1x16xf32> to vector<16xf32>
      %swap3A_855 = vector.shape_cast %get3A_846 : vector<16xf32> to vector<1x16xf32>
      tpu.vector_store %swap3A_850[%swap3A_851, %swap3A_852], %swap3A_855 {strides = array<i32>} : memref<80x128xf32, #tpu.memory_space<vmem>>, vector<1x16xf32>,
    }
    %scan3A_54 = arith.constant 40 : i32
    %dma_start3A_55 = arith.constant 2 : i32
    %dma_start3A_56 = arith.constant 2 : i32
    %dma_start3A_57 = arith.constant 2 : i32
    %dma_start3A_58 = arith.constant 0 : i32
    %dma_start3A_59 = arith.constant 0 : i32
    %dma_start3A_60 = tpu.memref_slice %arg8[%dma_start3A_56, %dma_start3A_58, %dma_start3A_59] : memref<5x80x128xf32, #tpu.memory_space<vmem>> -> memref<1x80x128xf32, #tpu.memory_space<vmem>>
    %dma_start3A_61 = tpu.memref_squeeze %dma_start3A_60 : memref<1x80x128xf32, #tpu.memory_space<vmem>> -> memref<80x128xf32, #tpu.memory_space<vmem>>
    %dma_start3A_62 = arith.constant 0 : i32
    %dma_start3A_63 = tpu.memref_slice %arg6[%dma_start3A_55, %dma_start3A_62] : memref<80x80xi32, #tpu.memory_space<vmem>> -> memref<1x80xi32, #tpu.memory_space<vmem>>
    %dma_start3A_64 = tpu.memref_squeeze %dma_start3A_63 : memref<1x80xi32, #tpu.memory_space<vmem>> -> memref<80xi32, #tpu.memory_space<vmem>>
    %dma_start3A_65 = arith.constant 0 : i32
    %dma_start3A_66 = arith.constant 0 : i32
    %dma_start3A_67 = tpu.memref_slice %arg3[%dma_start3A_65, %dma_start3A_66] : memref<100000x128xf32, #tpu.memory_space<hbm>> -> memref<100000x128xf32, #tpu.memory_space<hbm>>
    %dma_start3A_68 = tpu.memref_slice %arg9[%dma_start3A_57] : memref<5x!tpu.dma_semaphore, #tpu.memory_space<semaphore_mem>> -> memref<1x!tpu.dma_semaphore, #tpu.memory_space<semaphore_mem>>
    %dma_start3A_69 = tpu.memref_squeeze %dma_start3A_68 : memref<1x!tpu.dma_semaphore, #tpu.memory_space<semaphore_mem>> -> memref<!tpu.dma_semaphore, #tpu.memory_space<semaphore_mem>>
    tpu.enqueue_indirect_dma source(%dma_start3A_67 : memref<100000x128xf32, #tpu.memory_space<hbm>>) target(%dma_start3A_61 : memref<80x128xf32, #tpu.memory_space<vmem>>) offsets(%dma_start3A_64 : memref<80xi32, #tpu.memory_space<vmem>>) semaphore(%dma_start3A_69 : memref<!tpu.dma_semaphore, #tpu.memory_space<semaphore_mem>>) {add = true}
    %dma_wait3A = arith.constant 0 : i32
    %dma_wait3A_70 = arith.constant 0 : i32
    %dma_wait3A_71 = arith.constant 0 : i32
    %dma_wait3A_72 = arith.constant 0 : i32
    %dma_wait3A_73 = arith.constant 0 : i32
    %dma_wait3A_74 = tpu.memref_slice %arg8[%dma_wait3A_70, %dma_wait3A_72, %dma_wait3A_73] : memref<5x80x128xf32, #tpu.memory_space<vmem>> -> memref<1x80x128xf32, #tpu.memory_space<vmem>>
    %dma_wait3A_75 = tpu.memref_squeeze %dma_wait3A_74 : memref<1x80x128xf32, #tpu.memory_space<vmem>> -> memref<80x128xf32, #tpu.memory_space<vmem>>
    %dma_wait3A_76 = arith.constant 0 : i32
    %dma_wait3A_77 = tpu.memref_slice %arg6[%dma_wait3A, %dma_wait3A_76] : memref<80x80xi32, #tpu.memory_space<vmem>> -> memref<1x80xi32, #tpu.memory_space<vmem>>
    %dma_wait3A_78 = tpu.memref_squeeze %dma_wait3A_77 : memref<1x80xi32, #tpu.memory_space<vmem>> -> memref<80xi32, #tpu.memory_space<vmem>>
    %dma_wait3A_79 = arith.constant 0 : i32
    %dma_wait3A_80 = arith.constant 0 : i32
    %dma_wait3A_81 = tpu.memref_slice %arg3[%dma_wait3A_79, %dma_wait3A_80] : memref<100000x128xf32, #tpu.memory_space<hbm>> -> memref<100000x128xf32, #tpu.memory_space<hbm>>
    %dma_wait3A_82 = tpu.memref_slice %arg9[%dma_wait3A_71] : memref<5x!tpu.dma_semaphore, #tpu.memory_space<semaphore_mem>> -> memref<1x!tpu.dma_semaphore, #tpu.memory_space<semaphore_mem>>
    %dma_wait3A_83 = tpu.memref_squeeze %dma_wait3A_82 : memref<1x!tpu.dma_semaphore, #tpu.memory_space<semaphore_mem>> -> memref<!tpu.dma_semaphore, #tpu.memory_space<semaphore_mem>>
    tpu.wait_indirect_dma semaphore(%dma_wait3A_83 : memref<!tpu.dma_semaphore, #tpu.memory_space<semaphore_mem>>) src(%dma_wait3A_81 : memref<100000x128xf32, #tpu.memory_space<hbm>>) dst(%dma_wait3A_75 : memref<80x128xf32, #tpu.memory_space<vmem>>)
    %add3A_84 = arith.constant 0 : i32
    %add3A_85 = arith.addi %mul3A_2, %add3A_84 : i32
    %dma_start3A_86 = arith.constant 0 : i32
    %dma_start3A_87 = arith.constant 0 : i32
    %dma_start3A_88 = arith.constant 0 : i32
    %dma_start3A_89 = arith.constant 0 : i32
    %dma_start3A_90 = tpu.memref_slice %arg8[%dma_start3A_86, %dma_start3A_88, %dma_start3A_89] : memref<5x80x128xf32, #tpu.memory_space<vmem>> -> memref<1x80x128xf32, #tpu.memory_space<vmem>>
    %dma_start3A_91 = tpu.memref_squeeze %dma_start3A_90 : memref<1x80x128xf32, #tpu.memory_space<vmem>> -> memref<80x128xf32, #tpu.memory_space<vmem>>
    %dma_start3A_92 = arith.constant 0 : i32
    %dma_start3A_93 = tpu.memref_slice %arg5[%add3A_85, %dma_start3A_92] : memref<204800x128xf32, #tpu.memory_space<hbm>> -> memref<80x128xf32, #tpu.memory_space<hbm>>
    %dma_start3A_94 = tpu.memref_slice %arg10[%dma_start3A_87] : memref<5x!tpu.dma_semaphore, #tpu.memory_space<semaphore_mem>> -> memref<1x!tpu.dma_semaphore, #tpu.memory_space<semaphore_mem>>
    %dma_start3A_95 = tpu.memref_squeeze %dma_start3A_94 : memref<1x!tpu.dma_semaphore, #tpu.memory_space<semaphore_mem>> -> memref<!tpu.dma_semaphore, #tpu.memory_space<semaphore_mem>>
    %dma_start3A_96 = arith.constant 0 : i32
    %dma_start3A_97 = tpu.memref_slice %arg5[%add3A_85, %dma_start3A_96] : memref<204800x128xf32, #tpu.memory_space<hbm>> -> memref<80x128xf32, #tpu.memory_space<hbm>>
    %dma_start3A_98 = arith.constant 0 : i32
    %dma_start3A_99 = arith.constant 0 : i32
    %dma_start3A_100 = tpu.memref_slice %arg8[%dma_start3A_86, %dma_start3A_98, %dma_start3A_99] : memref<5x80x128xf32, #tpu.memory_space<vmem>> -> memref<1x80x128xf32, #tpu.memory_space<vmem>>
    %dma_start3A_101 = tpu.memref_squeeze %dma_start3A_100 : memref<1x80x128xf32, #tpu.memory_space<vmem>> -> memref<80x128xf32, #tpu.memory_space<vmem>>
    tpu.enqueue_dma source(%dma_start3A_101 : memref<80x128xf32, #tpu.memory_space<vmem>>) target(%dma_start3A_97 : memref<80x128xf32, #tpu.memory_space<hbm>>) target_semaphore(%dma_start3A_95 : memref<!tpu.dma_semaphore, #tpu.memory_space<semaphore_mem>>)
    %scan3A_102 = arith.constant 3 : i32
    %scan3A_103 = arith.constant 0 : i32
    %scan3A_104 = arith.constant 80 : i32
    %scan3A_105 = arith.addi %scan3A_103, %scan3A_104 : i32
    %scan3A_106 = arith.constant 1 : i32
    scf.for %scan3A_737 = %scan3A_103 to %scan3A_105 step %scan3A_106  : i32 {
      %add3A_738 = arith.constant 40 : i32
      %add3A_739 = arith.addi %add3A_738, %scan3A_737 : i32
      %get3A = arith.index_cast %add3A_739 : i32 to index
      %get3A_740 = arith.constant 0 : index
      %get3A_741 = tpu.vector_load %arg7[%get3A, %get3A_740] {strides = array<i32>} : memref<200x128xf32, #tpu.memory_space<vmem>>, vector<1x16xf32>,
      %get3A_742 = vector.shape_cast %get3A_741 : vector<1x16xf32> to vector<16xf32>
      %swap3A = arith.constant 0 : i32
      %swap3A_743 = arith.constant 0 : i32
      %swap3A_744 = tpu.memref_slice %arg8[%scan3A_102, %swap3A, %swap3A_743] : memref<5x80x128xf32, #tpu.memory_space<vmem>> -> memref<1x80x128xf32, #tpu.memory_space<vmem>>
      %swap3A_745 = tpu.memref_squeeze %swap3A_744 : memref<1x80x128xf32, #tpu.memory_space<vmem>> -> memref<80x128xf32, #tpu.memory_space<vmem>>
      %swap3A_746 = arith.index_cast %scan3A_737 : i32 to index
      %swap3A_747 = arith.constant 0 : index
      %swap3A_748 = tpu.vector_load %swap3A_745[%swap3A_746, %swap3A_747] {strides = array<i32>} : memref<80x128xf32, #tpu.memory_space<vmem>>, vector<1x16xf32>,
      %swap3A_749 = vector.shape_cast %swap3A_748 : vector<1x16xf32> to vector<16xf32>
      %swap3A_750 = vector.shape_cast %get3A_742 : vector<16xf32> to vector<1x16xf32>
      tpu.vector_store %swap3A_745[%swap3A_746, %swap3A_747], %swap3A_750 {strides = array<i32>} : memref<80x128xf32, #tpu.memory_space<vmem>>, vector<1x16xf32>,
      %add3A_751 = arith.constant 40 : i32
      %add3A_752 = arith.addi %add3A_751, %scan3A_737 : i32
      %get3A_753 = arith.index_cast %add3A_752 : i32 to index
      %get3A_754 = arith.constant 16 : index
      %get3A_755 = tpu.vector_load %arg7[%get3A_753, %get3A_754] {strides = array<i32>} : memref<200x128xf32, #tpu.memory_space<vmem>>, vector<1x16xf32>,
      %get3A_756 = vector.shape_cast %get3A_755 : vector<1x16xf32> to vector<16xf32>
      %swap3A_757 = arith.constant 0 : i32
      %swap3A_758 = arith.constant 0 : i32
      %swap3A_759 = tpu.memref_slice %arg8[%scan3A_102, %swap3A_757, %swap3A_758] : memref<5x80x128xf32, #tpu.memory_space<vmem>> -> memref<1x80x128xf32, #tpu.memory_space<vmem>>
      %swap3A_760 = tpu.memref_squeeze %swap3A_759 : memref<1x80x128xf32, #tpu.memory_space<vmem>> -> memref<80x128xf32, #tpu.memory_space<vmem>>
      %swap3A_761 = arith.index_cast %scan3A_737 : i32 to index
      %swap3A_762 = arith.constant 16 : index
      %swap3A_763 = tpu.vector_load %swap3A_760[%swap3A_761, %swap3A_762] {strides = array<i32>} : memref<80x128xf32, #tpu.memory_space<vmem>>, vector<1x16xf32>,
      %swap3A_764 = vector.shape_cast %swap3A_763 : vector<1x16xf32> to vector<16xf32>
      %swap3A_765 = vector.shape_cast %get3A_756 : vector<16xf32> to vector<1x16xf32>
      tpu.vector_store %swap3A_760[%swap3A_761, %swap3A_762], %swap3A_765 {strides = array<i32>} : memref<80x128xf32, #tpu.memory_space<vmem>>, vector<1x16xf32>,
      %add3A_766 = arith.constant 40 : i32
      %add3A_767 = arith.addi %add3A_766, %scan3A_737 : i32
      %get3A_768 = arith.index_cast %add3A_767 : i32 to index
      %get3A_769 = arith.constant 32 : index
      %get3A_770 = tpu.vector_load %arg7[%get3A_768, %get3A_769] {strides = array<i32>} : memref<200x128xf32, #tpu.memory_space<vmem>>, vector<1x16xf32>,
      %get3A_771 = vector.shape_cast %get3A_770 : vector<1x16xf32> to vector<16xf32>
      %swap3A_772 = arith.constant 0 : i32
      %swap3A_773 = arith.constant 0 : i32
      %swap3A_774 = tpu.memref_slice %arg8[%scan3A_102, %swap3A_772, %swap3A_773] : memref<5x80x128xf32, #tpu.memory_space<vmem>> -> memref<1x80x128xf32, #tpu.memory_space<vmem>>
      %swap3A_775 = tpu.memref_squeeze %swap3A_774 : memref<1x80x128xf32, #tpu.memory_space<vmem>> -> memref<80x128xf32, #tpu.memory_space<vmem>>
      %swap3A_776 = arith.index_cast %scan3A_737 : i32 to index
      %swap3A_777 = arith.constant 32 : index
      %swap3A_778 = tpu.vector_load %swap3A_775[%swap3A_776, %swap3A_777] {strides = array<i32>} : memref<80x128xf32, #tpu.memory_space<vmem>>, vector<1x16xf32>,
      %swap3A_779 = vector.shape_cast %swap3A_778 : vector<1x16xf32> to vector<16xf32>
      %swap3A_780 = vector.shape_cast %get3A_771 : vector<16xf32> to vector<1x16xf32>
      tpu.vector_store %swap3A_775[%swap3A_776, %swap3A_777], %swap3A_780 {strides = array<i32>} : memref<80x128xf32, #tpu.memory_space<vmem>>, vector<1x16xf32>,
      %add3A_781 = arith.constant 40 : i32
      %add3A_782 = arith.addi %add3A_781, %scan3A_737 : i32
      %get3A_783 = arith.index_cast %add3A_782 : i32 to index
      %get3A_784 = arith.constant 48 : index
      %get3A_785 = tpu.vector_load %arg7[%get3A_783, %get3A_784] {strides = array<i32>} : memref<200x128xf32, #tpu.memory_space<vmem>>, vector<1x16xf32>,
      %get3A_786 = vector.shape_cast %get3A_785 : vector<1x16xf32> to vector<16xf32>
      %swap3A_787 = arith.constant 0 : i32
      %swap3A_788 = arith.constant 0 : i32
      %swap3A_789 = tpu.memref_slice %arg8[%scan3A_102, %swap3A_787, %swap3A_788] : memref<5x80x128xf32, #tpu.memory_space<vmem>> -> memref<1x80x128xf32, #tpu.memory_space<vmem>>
      %swap3A_790 = tpu.memref_squeeze %swap3A_789 : memref<1x80x128xf32, #tpu.memory_space<vmem>> -> memref<80x128xf32, #tpu.memory_space<vmem>>
      %swap3A_791 = arith.index_cast %scan3A_737 : i32 to index
      %swap3A_792 = arith.constant 48 : index
      %swap3A_793 = tpu.vector_load %swap3A_790[%swap3A_791, %swap3A_792] {strides = array<i32>} : memref<80x128xf32, #tpu.memory_space<vmem>>, vector<1x16xf32>,
      %swap3A_794 = vector.shape_cast %swap3A_793 : vector<1x16xf32> to vector<16xf32>
      %swap3A_795 = vector.shape_cast %get3A_786 : vector<16xf32> to vector<1x16xf32>
      tpu.vector_store %swap3A_790[%swap3A_791, %swap3A_792], %swap3A_795 {strides = array<i32>} : memref<80x128xf32, #tpu.memory_space<vmem>>, vector<1x16xf32>,
      %add3A_796 = arith.constant 40 : i32
      %add3A_797 = arith.addi %add3A_796, %scan3A_737 : i32
      %get3A_798 = arith.index_cast %add3A_797 : i32 to index
      %get3A_799 = arith.constant 64 : index
      %get3A_800 = tpu.vector_load %arg7[%get3A_798, %get3A_799] {strides = array<i32>} : memref<200x128xf32, #tpu.memory_space<vmem>>, vector<1x16xf32>,
      %get3A_801 = vector.shape_cast %get3A_800 : vector<1x16xf32> to vector<16xf32>
      %swap3A_802 = arith.constant 0 : i32
      %swap3A_803 = arith.constant 0 : i32
      %swap3A_804 = tpu.memref_slice %arg8[%scan3A_102, %swap3A_802, %swap3A_803] : memref<5x80x128xf32, #tpu.memory_space<vmem>> -> memref<1x80x128xf32, #tpu.memory_space<vmem>>
      %swap3A_805 = tpu.memref_squeeze %swap3A_804 : memref<1x80x128xf32, #tpu.memory_space<vmem>> -> memref<80x128xf32, #tpu.memory_space<vmem>>
      %swap3A_806 = arith.index_cast %scan3A_737 : i32 to index
      %swap3A_807 = arith.constant 64 : index
      %swap3A_808 = tpu.vector_load %swap3A_805[%swap3A_806, %swap3A_807] {strides = array<i32>} : memref<80x128xf32, #tpu.memory_space<vmem>>, vector<1x16xf32>,
      %swap3A_809 = vector.shape_cast %swap3A_808 : vector<1x16xf32> to vector<16xf32>
      %swap3A_810 = vector.shape_cast %get3A_801 : vector<16xf32> to vector<1x16xf32>
      tpu.vector_store %swap3A_805[%swap3A_806, %swap3A_807], %swap3A_810 {strides = array<i32>} : memref<80x128xf32, #tpu.memory_space<vmem>>, vector<1x16xf32>,
      %add3A_811 = arith.constant 40 : i32
      %add3A_812 = arith.addi %add3A_811, %scan3A_737 : i32
      %get3A_813 = arith.index_cast %add3A_812 : i32 to index
      %get3A_814 = arith.constant 80 : index
      %get3A_815 = tpu.vector_load %arg7[%get3A_813, %get3A_814] {strides = array<i32>} : memref<200x128xf32, #tpu.memory_space<vmem>>, vector<1x16xf32>,
      %get3A_816 = vector.shape_cast %get3A_815 : vector<1x16xf32> to vector<16xf32>
      %swap3A_817 = arith.constant 0 : i32
      %swap3A_818 = arith.constant 0 : i32
      %swap3A_819 = tpu.memref_slice %arg8[%scan3A_102, %swap3A_817, %swap3A_818] : memref<5x80x128xf32, #tpu.memory_space<vmem>> -> memref<1x80x128xf32, #tpu.memory_space<vmem>>
      %swap3A_820 = tpu.memref_squeeze %swap3A_819 : memref<1x80x128xf32, #tpu.memory_space<vmem>> -> memref<80x128xf32, #tpu.memory_space<vmem>>
      %swap3A_821 = arith.index_cast %scan3A_737 : i32 to index
      %swap3A_822 = arith.constant 80 : index
      %swap3A_823 = tpu.vector_load %swap3A_820[%swap3A_821, %swap3A_822] {strides = array<i32>} : memref<80x128xf32, #tpu.memory_space<vmem>>, vector<1x16xf32>,
      %swap3A_824 = vector.shape_cast %swap3A_823 : vector<1x16xf32> to vector<16xf32>
      %swap3A_825 = vector.shape_cast %get3A_816 : vector<16xf32> to vector<1x16xf32>
      tpu.vector_store %swap3A_820[%swap3A_821, %swap3A_822], %swap3A_825 {strides = array<i32>} : memref<80x128xf32, #tpu.memory_space<vmem>>, vector<1x16xf32>,
      %add3A_826 = arith.constant 40 : i32
      %add3A_827 = arith.addi %add3A_826, %scan3A_737 : i32
      %get3A_828 = arith.index_cast %add3A_827 : i32 to index
      %get3A_829 = arith.constant 96 : index
      %get3A_830 = tpu.vector_load %arg7[%get3A_828, %get3A_829] {strides = array<i32>} : memref<200x128xf32, #tpu.memory_space<vmem>>, vector<1x16xf32>,
      %get3A_831 = vector.shape_cast %get3A_830 : vector<1x16xf32> to vector<16xf32>
      %swap3A_832 = arith.constant 0 : i32
      %swap3A_833 = arith.constant 0 : i32
      %swap3A_834 = tpu.memref_slice %arg8[%scan3A_102, %swap3A_832, %swap3A_833] : memref<5x80x128xf32, #tpu.memory_space<vmem>> -> memref<1x80x128xf32, #tpu.memory_space<vmem>>
      %swap3A_835 = tpu.memref_squeeze %swap3A_834 : memref<1x80x128xf32, #tpu.memory_space<vmem>> -> memref<80x128xf32, #tpu.memory_space<vmem>>
      %swap3A_836 = arith.index_cast %scan3A_737 : i32 to index
      %swap3A_837 = arith.constant 96 : index
      %swap3A_838 = tpu.vector_load %swap3A_835[%swap3A_836, %swap3A_837] {strides = array<i32>} : memref<80x128xf32, #tpu.memory_space<vmem>>, vector<1x16xf32>,
      %swap3A_839 = vector.shape_cast %swap3A_838 : vector<1x16xf32> to vector<16xf32>
      %swap3A_840 = vector.shape_cast %get3A_831 : vector<16xf32> to vector<1x16xf32>
      tpu.vector_store %swap3A_835[%swap3A_836, %swap3A_837], %swap3A_840 {strides = array<i32>} : memref<80x128xf32, #tpu.memory_space<vmem>>, vector<1x16xf32>,
      %add3A_841 = arith.constant 40 : i32
      %add3A_842 = arith.addi %add3A_841, %scan3A_737 : i32
      %get3A_843 = arith.index_cast %add3A_842 : i32 to index
      %get3A_844 = arith.constant 112 : index
      %get3A_845 = tpu.vector_load %arg7[%get3A_843, %get3A_844] {strides = array<i32>} : memref<200x128xf32, #tpu.memory_space<vmem>>, vector<1x16xf32>,
      %get3A_846 = vector.shape_cast %get3A_845 : vector<1x16xf32> to vector<16xf32>
      %swap3A_847 = arith.constant 0 : i32
      %swap3A_848 = arith.constant 0 : i32
      %swap3A_849 = tpu.memref_slice %arg8[%scan3A_102, %swap3A_847, %swap3A_848] : memref<5x80x128xf32, #tpu.memory_space<vmem>> -> memref<1x80x128xf32, #tpu.memory_space<vmem>>
      %swap3A_850 = tpu.memref_squeeze %swap3A_849 : memref<1x80x128xf32, #tpu.memory_space<vmem>> -> memref<80x128xf32, #tpu.memory_space<vmem>>
      %swap3A_851 = arith.index_cast %scan3A_737 : i32 to index
      %swap3A_852 = arith.constant 112 : index
      %swap3A_853 = tpu.vector_load %swap3A_850[%swap3A_851, %swap3A_852] {strides = array<i32>} : memref<80x128xf32, #tpu.memory_space<vmem>>, vector<1x16xf32>,
      %swap3A_854 = vector.shape_cast %swap3A_853 : vector<1x16xf32> to vector<16xf32>
      %swap3A_855 = vector.shape_cast %get3A_846 : vector<16xf32> to vector<1x16xf32>
      tpu.vector_store %swap3A_850[%swap3A_851, %swap3A_852], %swap3A_855 {strides = array<i32>} : memref<80x128xf32, #tpu.memory_space<vmem>>, vector<1x16xf32>,
    }
    %scan3A_107 = arith.constant 80 : i32
    %dma_start3A_108 = arith.constant 3 : i32
    %dma_start3A_109 = arith.constant 3 : i32
    %dma_start3A_110 = arith.constant 3 : i32
    %dma_start3A_111 = arith.constant 0 : i32
    %dma_start3A_112 = arith.constant 0 : i32
    %dma_start3A_113 = tpu.memref_slice %arg8[%dma_start3A_109, %dma_start3A_111, %dma_start3A_112] : memref<5x80x128xf32, #tpu.memory_space<vmem>> -> memref<1x80x128xf32, #tpu.memory_space<vmem>>
    %dma_start3A_114 = tpu.memref_squeeze %dma_start3A_113 : memref<1x80x128xf32, #tpu.memory_space<vmem>> -> memref<80x128xf32, #tpu.memory_space<vmem>>
    %dma_start3A_115 = arith.constant 0 : i32
    %dma_start3A_116 = tpu.memref_slice %arg6[%dma_start3A_108, %dma_start3A_115] : memref<80x80xi32, #tpu.memory_space<vmem>> -> memref<1x80xi32, #tpu.memory_space<vmem>>
    %dma_start3A_117 = tpu.memref_squeeze %dma_start3A_116 : memref<1x80xi32, #tpu.memory_space<vmem>> -> memref<80xi32, #tpu.memory_space<vmem>>
    %dma_start3A_118 = arith.constant 0 : i32
    %dma_start3A_119 = arith.constant 0 : i32
    %dma_start3A_120 = tpu.memref_slice %arg3[%dma_start3A_118, %dma_start3A_119] : memref<100000x128xf32, #tpu.memory_space<hbm>> -> memref<100000x128xf32, #tpu.memory_space<hbm>>
    %dma_start3A_121 = tpu.memref_slice %arg9[%dma_start3A_110] : memref<5x!tpu.dma_semaphore, #tpu.memory_space<semaphore_mem>> -> memref<1x!tpu.dma_semaphore, #tpu.memory_space<semaphore_mem>>
    %dma_start3A_122 = tpu.memref_squeeze %dma_start3A_121 : memref<1x!tpu.dma_semaphore, #tpu.memory_space<semaphore_mem>> -> memref<!tpu.dma_semaphore, #tpu.memory_space<semaphore_mem>>
    tpu.enqueue_indirect_dma source(%dma_start3A_120 : memref<100000x128xf32, #tpu.memory_space<hbm>>) target(%dma_start3A_114 : memref<80x128xf32, #tpu.memory_space<vmem>>) offsets(%dma_start3A_117 : memref<80xi32, #tpu.memory_space<vmem>>) semaphore(%dma_start3A_122 : memref<!tpu.dma_semaphore, #tpu.memory_space<semaphore_mem>>) {add = true}
    %dma_wait3A_123 = arith.constant 1 : i32
    %dma_wait3A_124 = arith.constant 1 : i32
    %dma_wait3A_125 = arith.constant 1 : i32
    %dma_wait3A_126 = arith.constant 0 : i32
    %dma_wait3A_127 = arith.constant 0 : i32
    %dma_wait3A_128 = tpu.memref_slice %arg8[%dma_wait3A_124, %dma_wait3A_126, %dma_wait3A_127] : memref<5x80x128xf32, #tpu.memory_space<vmem>> -> memref<1x80x128xf32, #tpu.memory_space<vmem>>
    %dma_wait3A_129 = tpu.memref_squeeze %dma_wait3A_128 : memref<1x80x128xf32, #tpu.memory_space<vmem>> -> memref<80x128xf32, #tpu.memory_space<vmem>>
    %dma_wait3A_130 = arith.constant 0 : i32
    %dma_wait3A_131 = tpu.memref_slice %arg6[%dma_wait3A_123, %dma_wait3A_130] : memref<80x80xi32, #tpu.memory_space<vmem>> -> memref<1x80xi32, #tpu.memory_space<vmem>>
    %dma_wait3A_132 = tpu.memref_squeeze %dma_wait3A_131 : memref<1x80xi32, #tpu.memory_space<vmem>> -> memref<80xi32, #tpu.memory_space<vmem>>
    %dma_wait3A_133 = arith.constant 0 : i32
    %dma_wait3A_134 = arith.constant 0 : i32
    %dma_wait3A_135 = tpu.memref_slice %arg3[%dma_wait3A_133, %dma_wait3A_134] : memref<100000x128xf32, #tpu.memory_space<hbm>> -> memref<100000x128xf32, #tpu.memory_space<hbm>>
    %dma_wait3A_136 = tpu.memref_slice %arg9[%dma_wait3A_125] : memref<5x!tpu.dma_semaphore, #tpu.memory_space<semaphore_mem>> -> memref<1x!tpu.dma_semaphore, #tpu.memory_space<semaphore_mem>>
    %dma_wait3A_137 = tpu.memref_squeeze %dma_wait3A_136 : memref<1x!tpu.dma_semaphore, #tpu.memory_space<semaphore_mem>> -> memref<!tpu.dma_semaphore, #tpu.memory_space<semaphore_mem>>
    tpu.wait_indirect_dma semaphore(%dma_wait3A_137 : memref<!tpu.dma_semaphore, #tpu.memory_space<semaphore_mem>>) src(%dma_wait3A_135 : memref<100000x128xf32, #tpu.memory_space<hbm>>) dst(%dma_wait3A_129 : memref<80x128xf32, #tpu.memory_space<vmem>>)
    %add3A_138 = arith.constant 80 : i32
    %add3A_139 = arith.addi %mul3A_2, %add3A_138 : i32
    %dma_start3A_140 = arith.constant 1 : i32
    %dma_start3A_141 = arith.constant 1 : i32
    %dma_start3A_142 = arith.constant 0 : i32
    %dma_start3A_143 = arith.constant 0 : i32
    %dma_start3A_144 = tpu.memref_slice %arg8[%dma_start3A_140, %dma_start3A_142, %dma_start3A_143] : memref<5x80x128xf32, #tpu.memory_space<vmem>> -> memref<1x80x128xf32, #tpu.memory_space<vmem>>
    %dma_start3A_145 = tpu.memref_squeeze %dma_start3A_144 : memref<1x80x128xf32, #tpu.memory_space<vmem>> -> memref<80x128xf32, #tpu.memory_space<vmem>>
    %dma_start3A_146 = arith.constant 0 : i32
    %dma_start3A_147 = tpu.memref_slice %arg5[%add3A_139, %dma_start3A_146] : memref<204800x128xf32, #tpu.memory_space<hbm>> -> memref<80x128xf32, #tpu.memory_space<hbm>>
    %dma_start3A_148 = tpu.memref_slice %arg10[%dma_start3A_141] : memref<5x!tpu.dma_semaphore, #tpu.memory_space<semaphore_mem>> -> memref<1x!tpu.dma_semaphore, #tpu.memory_space<semaphore_mem>>
    %dma_start3A_149 = tpu.memref_squeeze %dma_start3A_148 : memref<1x!tpu.dma_semaphore, #tpu.memory_space<semaphore_mem>> -> memref<!tpu.dma_semaphore, #tpu.memory_space<semaphore_mem>>
    %dma_start3A_150 = arith.constant 0 : i32
    %dma_start3A_151 = tpu.memref_slice %arg5[%add3A_139, %dma_start3A_150] : memref<204800x128xf32, #tpu.memory_space<hbm>> -> memref<80x128xf32, #tpu.memory_space<hbm>>
    %dma_start3A_152 = arith.constant 0 : i32
    %dma_start3A_153 = arith.constant 0 : i32
    %dma_start3A_154 = tpu.memref_slice %arg8[%dma_start3A_140, %dma_start3A_152, %dma_start3A_153] : memref<5x80x128xf32, #tpu.memory_space<vmem>> -> memref<1x80x128xf32, #tpu.memory_space<vmem>>
    %dma_start3A_155 = tpu.memref_squeeze %dma_start3A_154 : memref<1x80x128xf32, #tpu.memory_space<vmem>> -> memref<80x128xf32, #tpu.memory_space<vmem>>
    tpu.enqueue_dma source(%dma_start3A_155 : memref<80x128xf32, #tpu.memory_space<vmem>>) target(%dma_start3A_151 : memref<80x128xf32, #tpu.memory_space<hbm>>) target_semaphore(%dma_start3A_149 : memref<!tpu.dma_semaphore, #tpu.memory_space<semaphore_mem>>)
    %scan3A_156 = arith.constant 4 : i32
    %scan3A_157 = arith.constant 0 : i32
    %scan3A_158 = arith.constant 80 : i32
    %scan3A_159 = arith.addi %scan3A_157, %scan3A_158 : i32
    %scan3A_160 = arith.constant 1 : i32
    scf.for %scan3A_737 = %scan3A_157 to %scan3A_159 step %scan3A_160  : i32 {
      %add3A_738 = arith.constant 120 : i32
      %add3A_739 = arith.addi %add3A_738, %scan3A_737 : i32
      %get3A = arith.index_cast %add3A_739 : i32 to index
      %get3A_740 = arith.constant 0 : index
      %get3A_741 = tpu.vector_load %arg7[%get3A, %get3A_740] {strides = array<i32>} : memref<200x128xf32, #tpu.memory_space<vmem>>, vector<1x16xf32>,
      %get3A_742 = vector.shape_cast %get3A_741 : vector<1x16xf32> to vector<16xf32>
      %swap3A = arith.constant 0 : i32
      %swap3A_743 = arith.constant 0 : i32
      %swap3A_744 = tpu.memref_slice %arg8[%scan3A_156, %swap3A, %swap3A_743] : memref<5x80x128xf32, #tpu.memory_space<vmem>> -> memref<1x80x128xf32, #tpu.memory_space<vmem>>
      %swap3A_745 = tpu.memref_squeeze %swap3A_744 : memref<1x80x128xf32, #tpu.memory_space<vmem>> -> memref<80x128xf32, #tpu.memory_space<vmem>>
      %swap3A_746 = arith.index_cast %scan3A_737 : i32 to index
      %swap3A_747 = arith.constant 0 : index
      %swap3A_748 = tpu.vector_load %swap3A_745[%swap3A_746, %swap3A_747] {strides = array<i32>} : memref<80x128xf32, #tpu.memory_space<vmem>>, vector<1x16xf32>,
      %swap3A_749 = vector.shape_cast %swap3A_748 : vector<1x16xf32> to vector<16xf32>
      %swap3A_750 = vector.shape_cast %get3A_742 : vector<16xf32> to vector<1x16xf32>
      tpu.vector_store %swap3A_745[%swap3A_746, %swap3A_747], %swap3A_750 {strides = array<i32>} : memref<80x128xf32, #tpu.memory_space<vmem>>, vector<1x16xf32>,
      %add3A_751 = arith.constant 120 : i32
      %add3A_752 = arith.addi %add3A_751, %scan3A_737 : i32
      %get3A_753 = arith.index_cast %add3A_752 : i32 to index
      %get3A_754 = arith.constant 16 : index
      %get3A_755 = tpu.vector_load %arg7[%get3A_753, %get3A_754] {strides = array<i32>} : memref<200x128xf32, #tpu.memory_space<vmem>>, vector<1x16xf32>,
      %get3A_756 = vector.shape_cast %get3A_755 : vector<1x16xf32> to vector<16xf32>
      %swap3A_757 = arith.constant 0 : i32
      %swap3A_758 = arith.constant 0 : i32
      %swap3A_759 = tpu.memref_slice %arg8[%scan3A_156, %swap3A_757, %swap3A_758] : memref<5x80x128xf32, #tpu.memory_space<vmem>> -> memref<1x80x128xf32, #tpu.memory_space<vmem>>
      %swap3A_760 = tpu.memref_squeeze %swap3A_759 : memref<1x80x128xf32, #tpu.memory_space<vmem>> -> memref<80x128xf32, #tpu.memory_space<vmem>>
      %swap3A_761 = arith.index_cast %scan3A_737 : i32 to index
      %swap3A_762 = arith.constant 16 : index
      %swap3A_763 = tpu.vector_load %swap3A_760[%swap3A_761, %swap3A_762] {strides = array<i32>} : memref<80x128xf32, #tpu.memory_space<vmem>>, vector<1x16xf32>,
      %swap3A_764 = vector.shape_cast %swap3A_763 : vector<1x16xf32> to vector<16xf32>
      %swap3A_765 = vector.shape_cast %get3A_756 : vector<16xf32> to vector<1x16xf32>
      tpu.vector_store %swap3A_760[%swap3A_761, %swap3A_762], %swap3A_765 {strides = array<i32>} : memref<80x128xf32, #tpu.memory_space<vmem>>, vector<1x16xf32>,
      %add3A_766 = arith.constant 120 : i32
      %add3A_767 = arith.addi %add3A_766, %scan3A_737 : i32
      %get3A_768 = arith.index_cast %add3A_767 : i32 to index
      %get3A_769 = arith.constant 32 : index
      %get3A_770 = tpu.vector_load %arg7[%get3A_768, %get3A_769] {strides = array<i32>} : memref<200x128xf32, #tpu.memory_space<vmem>>, vector<1x16xf32>,
      %get3A_771 = vector.shape_cast %get3A_770 : vector<1x16xf32> to vector<16xf32>
      %swap3A_772 = arith.constant 0 : i32
      %swap3A_773 = arith.constant 0 : i32
      %swap3A_774 = tpu.memref_slice %arg8[%scan3A_156, %swap3A_772, %swap3A_773] : memref<5x80x128xf32, #tpu.memory_space<vmem>> -> memref<1x80x128xf32, #tpu.memory_space<vmem>>
      %swap3A_775 = tpu.memref_squeeze %swap3A_774 : memref<1x80x128xf32, #tpu.memory_space<vmem>> -> memref<80x128xf32, #tpu.memory_space<vmem>>
      %swap3A_776 = arith.index_cast %scan3A_737 : i32 to index
      %swap3A_777 = arith.constant 32 : index
      %swap3A_778 = tpu.vector_load %swap3A_775[%swap3A_776, %swap3A_777] {strides = array<i32>} : memref<80x128xf32, #tpu.memory_space<vmem>>, vector<1x16xf32>,
      %swap3A_779 = vector.shape_cast %swap3A_778 : vector<1x16xf32> to vector<16xf32>
      %swap3A_780 = vector.shape_cast %get3A_771 : vector<16xf32> to vector<1x16xf32>
      tpu.vector_store %swap3A_775[%swap3A_776, %swap3A_777], %swap3A_780 {strides = array<i32>} : memref<80x128xf32, #tpu.memory_space<vmem>>, vector<1x16xf32>,
      %add3A_781 = arith.constant 120 : i32
      %add3A_782 = arith.addi %add3A_781, %scan3A_737 : i32
      %get3A_783 = arith.index_cast %add3A_782 : i32 to index
      %get3A_784 = arith.constant 48 : index
      %get3A_785 = tpu.vector_load %arg7[%get3A_783, %get3A_784] {strides = array<i32>} : memref<200x128xf32, #tpu.memory_space<vmem>>, vector<1x16xf32>,
      %get3A_786 = vector.shape_cast %get3A_785 : vector<1x16xf32> to vector<16xf32>
      %swap3A_787 = arith.constant 0 : i32
      %swap3A_788 = arith.constant 0 : i32
      %swap3A_789 = tpu.memref_slice %arg8[%scan3A_156, %swap3A_787, %swap3A_788] : memref<5x80x128xf32, #tpu.memory_space<vmem>> -> memref<1x80x128xf32, #tpu.memory_space<vmem>>
      %swap3A_790 = tpu.memref_squeeze %swap3A_789 : memref<1x80x128xf32, #tpu.memory_space<vmem>> -> memref<80x128xf32, #tpu.memory_space<vmem>>
      %swap3A_791 = arith.index_cast %scan3A_737 : i32 to index
      %swap3A_792 = arith.constant 48 : index
      %swap3A_793 = tpu.vector_load %swap3A_790[%swap3A_791, %swap3A_792] {strides = array<i32>} : memref<80x128xf32, #tpu.memory_space<vmem>>, vector<1x16xf32>,
      %swap3A_794 = vector.shape_cast %swap3A_793 : vector<1x16xf32> to vector<16xf32>
      %swap3A_795 = vector.shape_cast %get3A_786 : vector<16xf32> to vector<1x16xf32>
      tpu.vector_store %swap3A_790[%swap3A_791, %swap3A_792], %swap3A_795 {strides = array<i32>} : memref<80x128xf32, #tpu.memory_space<vmem>>, vector<1x16xf32>,
      %add3A_796 = arith.constant 120 : i32
      %add3A_797 = arith.addi %add3A_796, %scan3A_737 : i32
      %get3A_798 = arith.index_cast %add3A_797 : i32 to index
      %get3A_799 = arith.constant 64 : index
      %get3A_800 = tpu.vector_load %arg7[%get3A_798, %get3A_799] {strides = array<i32>} : memref<200x128xf32, #tpu.memory_space<vmem>>, vector<1x16xf32>,
      %get3A_801 = vector.shape_cast %get3A_800 : vector<1x16xf32> to vector<16xf32>
      %swap3A_802 = arith.constant 0 : i32
      %swap3A_803 = arith.constant 0 : i32
      %swap3A_804 = tpu.memref_slice %arg8[%scan3A_156, %swap3A_802, %swap3A_803] : memref<5x80x128xf32, #tpu.memory_space<vmem>> -> memref<1x80x128xf32, #tpu.memory_space<vmem>>
      %swap3A_805 = tpu.memref_squeeze %swap3A_804 : memref<1x80x128xf32, #tpu.memory_space<vmem>> -> memref<80x128xf32, #tpu.memory_space<vmem>>
      %swap3A_806 = arith.index_cast %scan3A_737 : i32 to index
      %swap3A_807 = arith.constant 64 : index
      %swap3A_808 = tpu.vector_load %swap3A_805[%swap3A_806, %swap3A_807] {strides = array<i32>} : memref<80x128xf32, #tpu.memory_space<vmem>>, vector<1x16xf32>,
      %swap3A_809 = vector.shape_cast %swap3A_808 : vector<1x16xf32> to vector<16xf32>
      %swap3A_810 = vector.shape_cast %get3A_801 : vector<16xf32> to vector<1x16xf32>
      tpu.vector_store %swap3A_805[%swap3A_806, %swap3A_807], %swap3A_810 {strides = array<i32>} : memref<80x128xf32, #tpu.memory_space<vmem>>, vector<1x16xf32>,
      %add3A_811 = arith.constant 120 : i32
      %add3A_812 = arith.addi %add3A_811, %scan3A_737 : i32
      %get3A_813 = arith.index_cast %add3A_812 : i32 to index
      %get3A_814 = arith.constant 80 : index
      %get3A_815 = tpu.vector_load %arg7[%get3A_813, %get3A_814] {strides = array<i32>} : memref<200x128xf32, #tpu.memory_space<vmem>>, vector<1x16xf32>,
      %get3A_816 = vector.shape_cast %get3A_815 : vector<1x16xf32> to vector<16xf32>
      %swap3A_817 = arith.constant 0 : i32
      %swap3A_818 = arith.constant 0 : i32
      %swap3A_819 = tpu.memref_slice %arg8[%scan3A_156, %swap3A_817, %swap3A_818] : memref<5x80x128xf32, #tpu.memory_space<vmem>> -> memref<1x80x128xf32, #tpu.memory_space<vmem>>
      %swap3A_820 = tpu.memref_squeeze %swap3A_819 : memref<1x80x128xf32, #tpu.memory_space<vmem>> -> memref<80x128xf32, #tpu.memory_space<vmem>>
      %swap3A_821 = arith.index_cast %scan3A_737 : i32 to index
      %swap3A_822 = arith.constant 80 : index
      %swap3A_823 = tpu.vector_load %swap3A_820[%swap3A_821, %swap3A_822] {strides = array<i32>} : memref<80x128xf32, #tpu.memory_space<vmem>>, vector<1x16xf32>,
      %swap3A_824 = vector.shape_cast %swap3A_823 : vector<1x16xf32> to vector<16xf32>
      %swap3A_825 = vector.shape_cast %get3A_816 : vector<16xf32> to vector<1x16xf32>
      tpu.vector_store %swap3A_820[%swap3A_821, %swap3A_822], %swap3A_825 {strides = array<i32>} : memref<80x128xf32, #tpu.memory_space<vmem>>, vector<1x16xf32>,
      %add3A_826 = arith.constant 120 : i32
      %add3A_827 = arith.addi %add3A_826, %scan3A_737 : i32
      %get3A_828 = arith.index_cast %add3A_827 : i32 to index
      %get3A_829 = arith.constant 96 : index
      %get3A_830 = tpu.vector_load %arg7[%get3A_828, %get3A_829] {strides = array<i32>} : memref<200x128xf32, #tpu.memory_space<vmem>>, vector<1x16xf32>,
      %get3A_831 = vector.shape_cast %get3A_830 : vector<1x16xf32> to vector<16xf32>
      %swap3A_832 = arith.constant 0 : i32
      %swap3A_833 = arith.constant 0 : i32
      %swap3A_834 = tpu.memref_slice %arg8[%scan3A_156, %swap3A_832, %swap3A_833] : memref<5x80x128xf32, #tpu.memory_space<vmem>> -> memref<1x80x128xf32, #tpu.memory_space<vmem>>
      %swap3A_835 = tpu.memref_squeeze %swap3A_834 : memref<1x80x128xf32, #tpu.memory_space<vmem>> -> memref<80x128xf32, #tpu.memory_space<vmem>>
      %swap3A_836 = arith.index_cast %scan3A_737 : i32 to index
      %swap3A_837 = arith.constant 96 : index
      %swap3A_838 = tpu.vector_load %swap3A_835[%swap3A_836, %swap3A_837] {strides = array<i32>} : memref<80x128xf32, #tpu.memory_space<vmem>>, vector<1x16xf32>,
      %swap3A_839 = vector.shape_cast %swap3A_838 : vector<1x16xf32> to vector<16xf32>
      %swap3A_840 = vector.shape_cast %get3A_831 : vector<16xf32> to vector<1x16xf32>
      tpu.vector_store %swap3A_835[%swap3A_836, %swap3A_837], %swap3A_840 {strides = array<i32>} : memref<80x128xf32, #tpu.memory_space<vmem>>, vector<1x16xf32>,
      %add3A_841 = arith.constant 120 : i32
      %add3A_842 = arith.addi %add3A_841, %scan3A_737 : i32
      %get3A_843 = arith.index_cast %add3A_842 : i32 to index
      %get3A_844 = arith.constant 112 : index
      %get3A_845 = tpu.vector_load %arg7[%get3A_843, %get3A_844] {strides = array<i32>} : memref<200x128xf32, #tpu.memory_space<vmem>>, vector<1x16xf32>,
      %get3A_846 = vector.shape_cast %get3A_845 : vector<1x16xf32> to vector<16xf32>
      %swap3A_847 = arith.constant 0 : i32
      %swap3A_848 = arith.constant 0 : i32
      %swap3A_849 = tpu.memref_slice %arg8[%scan3A_156, %swap3A_847, %swap3A_848] : memref<5x80x128xf32, #tpu.memory_space<vmem>> -> memref<1x80x128xf32, #tpu.memory_space<vmem>>
      %swap3A_850 = tpu.memref_squeeze %swap3A_849 : memref<1x80x128xf32, #tpu.memory_space<vmem>> -> memref<80x128xf32, #tpu.memory_space<vmem>>
      %swap3A_851 = arith.index_cast %scan3A_737 : i32 to index
      %swap3A_852 = arith.constant 112 : index
      %swap3A_853 = tpu.vector_load %swap3A_850[%swap3A_851, %swap3A_852] {strides = array<i32>} : memref<80x128xf32, #tpu.memory_space<vmem>>, vector<1x16xf32>,
      %swap3A_854 = vector.shape_cast %swap3A_853 : vector<1x16xf32> to vector<16xf32>
      %swap3A_855 = vector.shape_cast %get3A_846 : vector<16xf32> to vector<1x16xf32>
      tpu.vector_store %swap3A_850[%swap3A_851, %swap3A_852], %swap3A_855 {strides = array<i32>} : memref<80x128xf32, #tpu.memory_space<vmem>>, vector<1x16xf32>,
    }
    %scan3A_161 = arith.constant 80 : i32
    %dma_start3A_162 = arith.constant 4 : i32
    %dma_start3A_163 = arith.constant 4 : i32
    %dma_start3A_164 = arith.constant 4 : i32
    %dma_start3A_165 = arith.constant 0 : i32
    %dma_start3A_166 = arith.constant 0 : i32
    %dma_start3A_167 = tpu.memref_slice %arg8[%dma_start3A_163, %dma_start3A_165, %dma_start3A_166] : memref<5x80x128xf32, #tpu.memory_space<vmem>> -> memref<1x80x128xf32, #tpu.memory_space<vmem>>
    %dma_start3A_168 = tpu.memref_squeeze %dma_start3A_167 : memref<1x80x128xf32, #tpu.memory_space<vmem>> -> memref<80x128xf32, #tpu.memory_space<vmem>>
    %dma_start3A_169 = arith.constant 0 : i32
    %dma_start3A_170 = tpu.memref_slice %arg6[%dma_start3A_162, %dma_start3A_169] : memref<80x80xi32, #tpu.memory_space<vmem>> -> memref<1x80xi32, #tpu.memory_space<vmem>>
    %dma_start3A_171 = tpu.memref_squeeze %dma_start3A_170 : memref<1x80xi32, #tpu.memory_space<vmem>> -> memref<80xi32, #tpu.memory_space<vmem>>
    %dma_start3A_172 = arith.constant 0 : i32
    %dma_start3A_173 = arith.constant 0 : i32
    %dma_start3A_174 = tpu.memref_slice %arg3[%dma_start3A_172, %dma_start3A_173] : memref<100000x128xf32, #tpu.memory_space<hbm>> -> memref<100000x128xf32, #tpu.memory_space<hbm>>
    %dma_start3A_175 = tpu.memref_slice %arg9[%dma_start3A_164] : memref<5x!tpu.dma_semaphore, #tpu.memory_space<semaphore_mem>> -> memref<1x!tpu.dma_semaphore, #tpu.memory_space<semaphore_mem>>
    %dma_start3A_176 = tpu.memref_squeeze %dma_start3A_175 : memref<1x!tpu.dma_semaphore, #tpu.memory_space<semaphore_mem>> -> memref<!tpu.dma_semaphore, #tpu.memory_space<semaphore_mem>>
    tpu.enqueue_indirect_dma source(%dma_start3A_174 : memref<100000x128xf32, #tpu.memory_space<hbm>>) target(%dma_start3A_168 : memref<80x128xf32, #tpu.memory_space<vmem>>) offsets(%dma_start3A_171 : memref<80xi32, #tpu.memory_space<vmem>>) semaphore(%dma_start3A_176 : memref<!tpu.dma_semaphore, #tpu.memory_space<semaphore_mem>>) {add = true}
    %dma_wait3A_177 = arith.constant 2 : i32
    %dma_wait3A_178 = arith.constant 2 : i32
    %dma_wait3A_179 = arith.constant 2 : i32
    %dma_wait3A_180 = arith.constant 0 : i32
    %dma_wait3A_181 = arith.constant 0 : i32
    %dma_wait3A_182 = tpu.memref_slice %arg8[%dma_wait3A_178, %dma_wait3A_180, %dma_wait3A_181] : memref<5x80x128xf32, #tpu.memory_space<vmem>> -> memref<1x80x128xf32, #tpu.memory_space<vmem>>
    %dma_wait3A_183 = tpu.memref_squeeze %dma_wait3A_182 : memref<1x80x128xf32, #tpu.memory_space<vmem>> -> memref<80x128xf32, #tpu.memory_space<vmem>>
    %dma_wait3A_184 = arith.constant 0 : i32
    %dma_wait3A_185 = tpu.memref_slice %arg6[%dma_wait3A_177, %dma_wait3A_184] : memref<80x80xi32, #tpu.memory_space<vmem>> -> memref<1x80xi32, #tpu.memory_space<vmem>>
    %dma_wait3A_186 = tpu.memref_squeeze %dma_wait3A_185 : memref<1x80xi32, #tpu.memory_space<vmem>> -> memref<80xi32, #tpu.memory_space<vmem>>
    %dma_wait3A_187 = arith.constant 0 : i32
    %dma_wait3A_188 = arith.constant 0 : i32
    %dma_wait3A_189 = tpu.memref_slice %arg3[%dma_wait3A_187, %dma_wait3A_188] : memref<100000x128xf32, #tpu.memory_space<hbm>> -> memref<100000x128xf32, #tpu.memory_space<hbm>>
    %dma_wait3A_190 = tpu.memref_slice %arg9[%dma_wait3A_179] : memref<5x!tpu.dma_semaphore, #tpu.memory_space<semaphore_mem>> -> memref<1x!tpu.dma_semaphore, #tpu.memory_space<semaphore_mem>>
    %dma_wait3A_191 = tpu.memref_squeeze %dma_wait3A_190 : memref<1x!tpu.dma_semaphore, #tpu.memory_space<semaphore_mem>> -> memref<!tpu.dma_semaphore, #tpu.memory_space<semaphore_mem>>
    tpu.wait_indirect_dma semaphore(%dma_wait3A_191 : memref<!tpu.dma_semaphore, #tpu.memory_space<semaphore_mem>>) src(%dma_wait3A_189 : memref<100000x128xf32, #tpu.memory_space<hbm>>) dst(%dma_wait3A_183 : memref<80x128xf32, #tpu.memory_space<vmem>>)
    %add3A_192 = arith.constant 160 : i32
    %add3A_193 = arith.addi %mul3A_2, %add3A_192 : i32
    %dma_start3A_194 = arith.constant 2 : i32
    %dma_start3A_195 = arith.constant 2 : i32
    %dma_start3A_196 = arith.constant 0 : i32
    %dma_start3A_197 = arith.constant 0 : i32
    %dma_start3A_198 = tpu.memref_slice %arg8[%dma_start3A_194, %dma_start3A_196, %dma_start3A_197] : memref<5x80x128xf32, #tpu.memory_space<vmem>> -> memref<1x80x128xf32, #tpu.memory_space<vmem>>
    %dma_start3A_199 = tpu.memref_squeeze %dma_start3A_198 : memref<1x80x128xf32, #tpu.memory_space<vmem>> -> memref<80x128xf32, #tpu.memory_space<vmem>>
    %dma_start3A_200 = arith.constant 0 : i32
    %dma_start3A_201 = tpu.memref_slice %arg5[%add3A_193, %dma_start3A_200] : memref<204800x128xf32, #tpu.memory_space<hbm>> -> memref<80x128xf32, #tpu.memory_space<hbm>>
    %dma_start3A_202 = tpu.memref_slice %arg10[%dma_start3A_195] : memref<5x!tpu.dma_semaphore, #tpu.memory_space<semaphore_mem>> -> memref<1x!tpu.dma_semaphore, #tpu.memory_space<semaphore_mem>>
    %dma_start3A_203 = tpu.memref_squeeze %dma_start3A_202 : memref<1x!tpu.dma_semaphore, #tpu.memory_space<semaphore_mem>> -> memref<!tpu.dma_semaphore, #tpu.memory_space<semaphore_mem>>
    %dma_start3A_204 = arith.constant 0 : i32
    %dma_start3A_205 = tpu.memref_slice %arg5[%add3A_193, %dma_start3A_204] : memref<204800x128xf32, #tpu.memory_space<hbm>> -> memref<80x128xf32, #tpu.memory_space<hbm>>
    %dma_start3A_206 = arith.constant 0 : i32
    %dma_start3A_207 = arith.constant 0 : i32
    %dma_start3A_208 = tpu.memref_slice %arg8[%dma_start3A_194, %dma_start3A_206, %dma_start3A_207] : memref<5x80x128xf32, #tpu.memory_space<vmem>> -> memref<1x80x128xf32, #tpu.memory_space<vmem>>
    %dma_start3A_209 = tpu.memref_squeeze %dma_start3A_208 : memref<1x80x128xf32, #tpu.memory_space<vmem>> -> memref<80x128xf32, #tpu.memory_space<vmem>>
    tpu.enqueue_dma source(%dma_start3A_209 : memref<80x128xf32, #tpu.memory_space<vmem>>) target(%dma_start3A_205 : memref<80x128xf32, #tpu.memory_space<hbm>>) target_semaphore(%dma_start3A_203 : memref<!tpu.dma_semaphore, #tpu.memory_space<semaphore_mem>>)
    %dma_wait3A_210 = arith.constant 0 : i32
    %dma_wait3A_211 = arith.constant 0 : i32
    %dma_wait3A_212 = arith.constant 0 : i32
    %dma_wait3A_213 = arith.constant 0 : i32
    %dma_wait3A_214 = tpu.memref_slice %arg8[%dma_wait3A_210, %dma_wait3A_212, %dma_wait3A_213] : memref<5x80x128xf32, #tpu.memory_space<vmem>> -> memref<1x80x128xf32, #tpu.memory_space<vmem>>
    %dma_wait3A_215 = tpu.memref_squeeze %dma_wait3A_214 : memref<1x80x128xf32, #tpu.memory_space<vmem>> -> memref<80x128xf32, #tpu.memory_space<vmem>>
    %dma_wait3A_216 = arith.constant 0 : i32
    %dma_wait3A_217 = arith.constant 0 : i32
    %dma_wait3A_218 = tpu.memref_slice %arg5[%dma_wait3A_216, %dma_wait3A_217] : memref<204800x128xf32, #tpu.memory_space<hbm>> -> memref<80x128xf32, #tpu.memory_space<hbm>>
    %dma_wait3A_219 = tpu.memref_slice %arg10[%dma_wait3A_211] : memref<5x!tpu.dma_semaphore, #tpu.memory_space<semaphore_mem>> -> memref<1x!tpu.dma_semaphore, #tpu.memory_space<semaphore_mem>>
    %dma_wait3A_220 = tpu.memref_squeeze %dma_wait3A_219 : memref<1x!tpu.dma_semaphore, #tpu.memory_space<semaphore_mem>> -> memref<!tpu.dma_semaphore, #tpu.memory_space<semaphore_mem>>
    %dma_wait3A_221 = arith.constant 0 : i32
    %dma_wait3A_222 = arith.constant 0 : i32
    %dma_wait3A_223 = tpu.memref_slice %arg5[%dma_wait3A_221, %dma_wait3A_222] : memref<204800x128xf32, #tpu.memory_space<hbm>> -> memref<80x128xf32, #tpu.memory_space<hbm>>
    %dma_wait3A_224 = arith.constant 0 : i32
    %dma_wait3A_225 = arith.constant 0 : i32
    %dma_wait3A_226 = tpu.memref_slice %arg8[%dma_wait3A_210, %dma_wait3A_224, %dma_wait3A_225] : memref<5x80x128xf32, #tpu.memory_space<vmem>> -> memref<1x80x128xf32, #tpu.memory_space<vmem>>
    %dma_wait3A_227 = tpu.memref_squeeze %dma_wait3A_226 : memref<1x80x128xf32, #tpu.memory_space<vmem>> -> memref<80x128xf32, #tpu.memory_space<vmem>>
    tpu.wait_dma2 semaphore(%dma_wait3A_220 : memref<!tpu.dma_semaphore, #tpu.memory_space<semaphore_mem>>) src(%dma_wait3A_227 : memref<80x128xf32, #tpu.memory_space<vmem>>) dst(%dma_wait3A_223 : memref<80x128xf32, #tpu.memory_space<hbm>>)
    %scan3A_228 = arith.constant 0 : i32
    %scan3A_229 = arith.constant 0 : i32
    %scan3A_230 = arith.constant 80 : i32
    %scan3A_231 = arith.addi %scan3A_229, %scan3A_230 : i32
    %scan3A_232 = arith.constant 1 : i32
    scf.for %scan3A_737 = %scan3A_229 to %scan3A_231 step %scan3A_232  : i32 {
      %add3A_738 = arith.constant 0 : i32
      %add3A_739 = arith.addi %add3A_738, %scan3A_737 : i32
      %get3A = arith.index_cast %add3A_739 : i32 to index
      %get3A_740 = arith.constant 0 : index
      %get3A_741 = tpu.vector_load %arg7[%get3A, %get3A_740] {strides = array<i32>} : memref<200x128xf32, #tpu.memory_space<vmem>>, vector<1x16xf32>,
      %get3A_742 = vector.shape_cast %get3A_741 : vector<1x16xf32> to vector<16xf32>
      %swap3A = arith.constant 0 : i32
      %swap3A_743 = arith.constant 0 : i32
      %swap3A_744 = tpu.memref_slice %arg8[%scan3A_228, %swap3A, %swap3A_743] : memref<5x80x128xf32, #tpu.memory_space<vmem>> -> memref<1x80x128xf32, #tpu.memory_space<vmem>>
      %swap3A_745 = tpu.memref_squeeze %swap3A_744 : memref<1x80x128xf32, #tpu.memory_space<vmem>> -> memref<80x128xf32, #tpu.memory_space<vmem>>
      %swap3A_746 = arith.index_cast %scan3A_737 : i32 to index
      %swap3A_747 = arith.constant 0 : index
      %swap3A_748 = tpu.vector_load %swap3A_745[%swap3A_746, %swap3A_747] {strides = array<i32>} : memref<80x128xf32, #tpu.memory_space<vmem>>, vector<1x16xf32>,
      %swap3A_749 = vector.shape_cast %swap3A_748 : vector<1x16xf32> to vector<16xf32>
      %swap3A_750 = vector.shape_cast %get3A_742 : vector<16xf32> to vector<1x16xf32>
      tpu.vector_store %swap3A_745[%swap3A_746, %swap3A_747], %swap3A_750 {strides = array<i32>} : memref<80x128xf32, #tpu.memory_space<vmem>>, vector<1x16xf32>,
      %add3A_751 = arith.constant 0 : i32
      %add3A_752 = arith.addi %add3A_751, %scan3A_737 : i32
      %get3A_753 = arith.index_cast %add3A_752 : i32 to index
      %get3A_754 = arith.constant 16 : index
      %get3A_755 = tpu.vector_load %arg7[%get3A_753, %get3A_754] {strides = array<i32>} : memref<200x128xf32, #tpu.memory_space<vmem>>, vector<1x16xf32>,
      %get3A_756 = vector.shape_cast %get3A_755 : vector<1x16xf32> to vector<16xf32>
      %swap3A_757 = arith.constant 0 : i32
      %swap3A_758 = arith.constant 0 : i32
      %swap3A_759 = tpu.memref_slice %arg8[%scan3A_228, %swap3A_757, %swap3A_758] : memref<5x80x128xf32, #tpu.memory_space<vmem>> -> memref<1x80x128xf32, #tpu.memory_space<vmem>>
      %swap3A_760 = tpu.memref_squeeze %swap3A_759 : memref<1x80x128xf32, #tpu.memory_space<vmem>> -> memref<80x128xf32, #tpu.memory_space<vmem>>
      %swap3A_761 = arith.index_cast %scan3A_737 : i32 to index
      %swap3A_762 = arith.constant 16 : index
      %swap3A_763 = tpu.vector_load %swap3A_760[%swap3A_761, %swap3A_762] {strides = array<i32>} : memref<80x128xf32, #tpu.memory_space<vmem>>, vector<1x16xf32>,
      %swap3A_764 = vector.shape_cast %swap3A_763 : vector<1x16xf32> to vector<16xf32>
      %swap3A_765 = vector.shape_cast %get3A_756 : vector<16xf32> to vector<1x16xf32>
      tpu.vector_store %swap3A_760[%swap3A_761, %swap3A_762], %swap3A_765 {strides = array<i32>} : memref<80x128xf32, #tpu.memory_space<vmem>>, vector<1x16xf32>,
      %add3A_766 = arith.constant 0 : i32
      %add3A_767 = arith.addi %add3A_766, %scan3A_737 : i32
      %get3A_768 = arith.index_cast %add3A_767 : i32 to index
      %get3A_769 = arith.constant 32 : index
      %get3A_770 = tpu.vector_load %arg7[%get3A_768, %get3A_769] {strides = array<i32>} : memref<200x128xf32, #tpu.memory_space<vmem>>, vector<1x16xf32>,
      %get3A_771 = vector.shape_cast %get3A_770 : vector<1x16xf32> to vector<16xf32>
      %swap3A_772 = arith.constant 0 : i32
      %swap3A_773 = arith.constant 0 : i32
      %swap3A_774 = tpu.memref_slice %arg8[%scan3A_228, %swap3A_772, %swap3A_773] : memref<5x80x128xf32, #tpu.memory_space<vmem>> -> memref<1x80x128xf32, #tpu.memory_space<vmem>>
      %swap3A_775 = tpu.memref_squeeze %swap3A_774 : memref<1x80x128xf32, #tpu.memory_space<vmem>> -> memref<80x128xf32, #tpu.memory_space<vmem>>
      %swap3A_776 = arith.index_cast %scan3A_737 : i32 to index
      %swap3A_777 = arith.constant 32 : index
      %swap3A_778 = tpu.vector_load %swap3A_775[%swap3A_776, %swap3A_777] {strides = array<i32>} : memref<80x128xf32, #tpu.memory_space<vmem>>, vector<1x16xf32>,
      %swap3A_779 = vector.shape_cast %swap3A_778 : vector<1x16xf32> to vector<16xf32>
      %swap3A_780 = vector.shape_cast %get3A_771 : vector<16xf32> to vector<1x16xf32>
      tpu.vector_store %swap3A_775[%swap3A_776, %swap3A_777], %swap3A_780 {strides = array<i32>} : memref<80x128xf32, #tpu.memory_space<vmem>>, vector<1x16xf32>,
      %add3A_781 = arith.constant 0 : i32
      %add3A_782 = arith.addi %add3A_781, %scan3A_737 : i32
      %get3A_783 = arith.index_cast %add3A_782 : i32 to index
      %get3A_784 = arith.constant 48 : index
      %get3A_785 = tpu.vector_load %arg7[%get3A_783, %get3A_784] {strides = array<i32>} : memref<200x128xf32, #tpu.memory_space<vmem>>, vector<1x16xf32>,
      %get3A_786 = vector.shape_cast %get3A_785 : vector<1x16xf32> to vector<16xf32>
      %swap3A_787 = arith.constant 0 : i32
      %swap3A_788 = arith.constant 0 : i32
      %swap3A_789 = tpu.memref_slice %arg8[%scan3A_228, %swap3A_787, %swap3A_788] : memref<5x80x128xf32, #tpu.memory_space<vmem>> -> memref<1x80x128xf32, #tpu.memory_space<vmem>>
      %swap3A_790 = tpu.memref_squeeze %swap3A_789 : memref<1x80x128xf32, #tpu.memory_space<vmem>> -> memref<80x128xf32, #tpu.memory_space<vmem>>
      %swap3A_791 = arith.index_cast %scan3A_737 : i32 to index
      %swap3A_792 = arith.constant 48 : index
      %swap3A_793 = tpu.vector_load %swap3A_790[%swap3A_791, %swap3A_792] {strides = array<i32>} : memref<80x128xf32, #tpu.memory_space<vmem>>, vector<1x16xf32>,
      %swap3A_794 = vector.shape_cast %swap3A_793 : vector<1x16xf32> to vector<16xf32>
      %swap3A_795 = vector.shape_cast %get3A_786 : vector<16xf32> to vector<1x16xf32>
      tpu.vector_store %swap3A_790[%swap3A_791, %swap3A_792], %swap3A_795 {strides = array<i32>} : memref<80x128xf32, #tpu.memory_space<vmem>>, vector<1x16xf32>,
      %add3A_796 = arith.constant 0 : i32
      %add3A_797 = arith.addi %add3A_796, %scan3A_737 : i32
      %get3A_798 = arith.index_cast %add3A_797 : i32 to index
      %get3A_799 = arith.constant 64 : index
      %get3A_800 = tpu.vector_load %arg7[%get3A_798, %get3A_799] {strides = array<i32>} : memref<200x128xf32, #tpu.memory_space<vmem>>, vector<1x16xf32>,
      %get3A_801 = vector.shape_cast %get3A_800 : vector<1x16xf32> to vector<16xf32>
      %swap3A_802 = arith.constant 0 : i32
      %swap3A_803 = arith.constant 0 : i32
      %swap3A_804 = tpu.memref_slice %arg8[%scan3A_228, %swap3A_802, %swap3A_803] : memref<5x80x128xf32, #tpu.memory_space<vmem>> -> memref<1x80x128xf32, #tpu.memory_space<vmem>>
      %swap3A_805 = tpu.memref_squeeze %swap3A_804 : memref<1x80x128xf32, #tpu.memory_space<vmem>> -> memref<80x128xf32, #tpu.memory_space<vmem>>
      %swap3A_806 = arith.index_cast %scan3A_737 : i32 to index
      %swap3A_807 = arith.constant 64 : index
      %swap3A_808 = tpu.vector_load %swap3A_805[%swap3A_806, %swap3A_807] {strides = array<i32>} : memref<80x128xf32, #tpu.memory_space<vmem>>, vector<1x16xf32>,
      %swap3A_809 = vector.shape_cast %swap3A_808 : vector<1x16xf32> to vector<16xf32>
      %swap3A_810 = vector.shape_cast %get3A_801 : vector<16xf32> to vector<1x16xf32>
      tpu.vector_store %swap3A_805[%swap3A_806, %swap3A_807], %swap3A_810 {strides = array<i32>} : memref<80x128xf32, #tpu.memory_space<vmem>>, vector<1x16xf32>,
      %add3A_811 = arith.constant 0 : i32
      %add3A_812 = arith.addi %add3A_811, %scan3A_737 : i32
      %get3A_813 = arith.index_cast %add3A_812 : i32 to index
      %get3A_814 = arith.constant 80 : index
      %get3A_815 = tpu.vector_load %arg7[%get3A_813, %get3A_814] {strides = array<i32>} : memref<200x128xf32, #tpu.memory_space<vmem>>, vector<1x16xf32>,
      %get3A_816 = vector.shape_cast %get3A_815 : vector<1x16xf32> to vector<16xf32>
      %swap3A_817 = arith.constant 0 : i32
      %swap3A_818 = arith.constant 0 : i32
      %swap3A_819 = tpu.memref_slice %arg8[%scan3A_228, %swap3A_817, %swap3A_818] : memref<5x80x128xf32, #tpu.memory_space<vmem>> -> memref<1x80x128xf32, #tpu.memory_space<vmem>>
      %swap3A_820 = tpu.memref_squeeze %swap3A_819 : memref<1x80x128xf32, #tpu.memory_space<vmem>> -> memref<80x128xf32, #tpu.memory_space<vmem>>
      %swap3A_821 = arith.index_cast %scan3A_737 : i32 to index
      %swap3A_822 = arith.constant 80 : index
      %swap3A_823 = tpu.vector_load %swap3A_820[%swap3A_821, %swap3A_822] {strides = array<i32>} : memref<80x128xf32, #tpu.memory_space<vmem>>, vector<1x16xf32>,
      %swap3A_824 = vector.shape_cast %swap3A_823 : vector<1x16xf32> to vector<16xf32>
      %swap3A_825 = vector.shape_cast %get3A_816 : vector<16xf32> to vector<1x16xf32>
      tpu.vector_store %swap3A_820[%swap3A_821, %swap3A_822], %swap3A_825 {strides = array<i32>} : memref<80x128xf32, #tpu.memory_space<vmem>>, vector<1x16xf32>,
      %add3A_826 = arith.constant 0 : i32
      %add3A_827 = arith.addi %add3A_826, %scan3A_737 : i32
      %get3A_828 = arith.index_cast %add3A_827 : i32 to index
      %get3A_829 = arith.constant 96 : index
      %get3A_830 = tpu.vector_load %arg7[%get3A_828, %get3A_829] {strides = array<i32>} : memref<200x128xf32, #tpu.memory_space<vmem>>, vector<1x16xf32>,
      %get3A_831 = vector.shape_cast %get3A_830 : vector<1x16xf32> to vector<16xf32>
      %swap3A_832 = arith.constant 0 : i32
      %swap3A_833 = arith.constant 0 : i32
      %swap3A_834 = tpu.memref_slice %arg8[%scan3A_228, %swap3A_832, %swap3A_833] : memref<5x80x128xf32, #tpu.memory_space<vmem>> -> memref<1x80x128xf32, #tpu.memory_space<vmem>>
      %swap3A_835 = tpu.memref_squeeze %swap3A_834 : memref<1x80x128xf32, #tpu.memory_space<vmem>> -> memref<80x128xf32, #tpu.memory_space<vmem>>
      %swap3A_836 = arith.index_cast %scan3A_737 : i32 to index
      %swap3A_837 = arith.constant 96 : index
      %swap3A_838 = tpu.vector_load %swap3A_835[%swap3A_836, %swap3A_837] {strides = array<i32>} : memref<80x128xf32, #tpu.memory_space<vmem>>, vector<1x16xf32>,
      %swap3A_839 = vector.shape_cast %swap3A_838 : vector<1x16xf32> to vector<16xf32>
      %swap3A_840 = vector.shape_cast %get3A_831 : vector<16xf32> to vector<1x16xf32>
      tpu.vector_store %swap3A_835[%swap3A_836, %swap3A_837], %swap3A_840 {strides = array<i32>} : memref<80x128xf32, #tpu.memory_space<vmem>>, vector<1x16xf32>,
      %add3A_841 = arith.constant 0 : i32
      %add3A_842 = arith.addi %add3A_841, %scan3A_737 : i32
      %get3A_843 = arith.index_cast %add3A_842 : i32 to index
      %get3A_844 = arith.constant 112 : index
      %get3A_845 = tpu.vector_load %arg7[%get3A_843, %get3A_844] {strides = array<i32>} : memref<200x128xf32, #tpu.memory_space<vmem>>, vector<1x16xf32>,
      %get3A_846 = vector.shape_cast %get3A_845 : vector<1x16xf32> to vector<16xf32>
      %swap3A_847 = arith.constant 0 : i32
      %swap3A_848 = arith.constant 0 : i32
      %swap3A_849 = tpu.memref_slice %arg8[%scan3A_228, %swap3A_847, %swap3A_848] : memref<5x80x128xf32, #tpu.memory_space<vmem>> -> memref<1x80x128xf32, #tpu.memory_space<vmem>>
      %swap3A_850 = tpu.memref_squeeze %swap3A_849 : memref<1x80x128xf32, #tpu.memory_space<vmem>> -> memref<80x128xf32, #tpu.memory_space<vmem>>
      %swap3A_851 = arith.index_cast %scan3A_737 : i32 to index
      %swap3A_852 = arith.constant 112 : index
      %swap3A_853 = tpu.vector_load %swap3A_850[%swap3A_851, %swap3A_852] {strides = array<i32>} : memref<80x128xf32, #tpu.memory_space<vmem>>, vector<1x16xf32>,
      %swap3A_854 = vector.shape_cast %swap3A_853 : vector<1x16xf32> to vector<16xf32>
      %swap3A_855 = vector.shape_cast %get3A_846 : vector<16xf32> to vector<1x16xf32>
      tpu.vector_store %swap3A_850[%swap3A_851, %swap3A_852], %swap3A_855 {strides = array<i32>} : memref<80x128xf32, #tpu.memory_space<vmem>>, vector<1x16xf32>,
    }
    %scan3A_233 = arith.constant 80 : i32
    %dma_start3A_234 = arith.constant 5 : i32
    %dma_start3A_235 = arith.constant 0 : i32
    %dma_start3A_236 = arith.constant 0 : i32
    %dma_start3A_237 = arith.constant 0 : i32
    %dma_start3A_238 = arith.constant 0 : i32
    %dma_start3A_239 = tpu.memref_slice %arg8[%dma_start3A_235, %dma_start3A_237, %dma_start3A_238] : memref<5x80x128xf32, #tpu.memory_space<vmem>> -> memref<1x80x128xf32, #tpu.memory_space<vmem>>
    %dma_start3A_240 = tpu.memref_squeeze %dma_start3A_239 : memref<1x80x128xf32, #tpu.memory_space<vmem>> -> memref<80x128xf32, #tpu.memory_space<vmem>>
    %dma_start3A_241 = arith.constant 0 : i32
    %dma_start3A_242 = tpu.memref_slice %arg6[%dma_start3A_234, %dma_start3A_241] : memref<80x80xi32, #tpu.memory_space<vmem>> -> memref<1x80xi32, #tpu.memory_space<vmem>>
    %dma_start3A_243 = tpu.memref_squeeze %dma_start3A_242 : memref<1x80xi32, #tpu.memory_space<vmem>> -> memref<80xi32, #tpu.memory_space<vmem>>
    %dma_start3A_244 = arith.constant 0 : i32
    %dma_start3A_245 = arith.constant 0 : i32
    %dma_start3A_246 = tpu.memref_slice %arg3[%dma_start3A_244, %dma_start3A_245] : memref<100000x128xf32, #tpu.memory_space<hbm>> -> memref<100000x128xf32, #tpu.memory_space<hbm>>
    %dma_start3A_247 = tpu.memref_slice %arg9[%dma_start3A_236] : memref<5x!tpu.dma_semaphore, #tpu.memory_space<semaphore_mem>> -> memref<1x!tpu.dma_semaphore, #tpu.memory_space<semaphore_mem>>
    %dma_start3A_248 = tpu.memref_squeeze %dma_start3A_247 : memref<1x!tpu.dma_semaphore, #tpu.memory_space<semaphore_mem>> -> memref<!tpu.dma_semaphore, #tpu.memory_space<semaphore_mem>>
    tpu.enqueue_indirect_dma source(%dma_start3A_246 : memref<100000x128xf32, #tpu.memory_space<hbm>>) target(%dma_start3A_240 : memref<80x128xf32, #tpu.memory_space<vmem>>) offsets(%dma_start3A_243 : memref<80xi32, #tpu.memory_space<vmem>>) semaphore(%dma_start3A_248 : memref<!tpu.dma_semaphore, #tpu.memory_space<semaphore_mem>>) {add = true}
    %dma_wait3A_249 = arith.constant 3 : i32
    %dma_wait3A_250 = arith.constant 3 : i32
    %dma_wait3A_251 = arith.constant 3 : i32
    %dma_wait3A_252 = arith.constant 0 : i32
    %dma_wait3A_253 = arith.constant 0 : i32
    %dma_wait3A_254 = tpu.memref_slice %arg8[%dma_wait3A_250, %dma_wait3A_252, %dma_wait3A_253] : memref<5x80x128xf32, #tpu.memory_space<vmem>> -> memref<1x80x128xf32, #tpu.memory_space<vmem>>
    %dma_wait3A_255 = tpu.memref_squeeze %dma_wait3A_254 : memref<1x80x128xf32, #tpu.memory_space<vmem>> -> memref<80x128xf32, #tpu.memory_space<vmem>>
    %dma_wait3A_256 = arith.constant 0 : i32
    %dma_wait3A_257 = tpu.memref_slice %arg6[%dma_wait3A_249, %dma_wait3A_256] : memref<80x80xi32, #tpu.memory_space<vmem>> -> memref<1x80xi32, #tpu.memory_space<vmem>>
    %dma_wait3A_258 = tpu.memref_squeeze %dma_wait3A_257 : memref<1x80xi32, #tpu.memory_space<vmem>> -> memref<80xi32, #tpu.memory_space<vmem>>
    %dma_wait3A_259 = arith.constant 0 : i32
    %dma_wait3A_260 = arith.constant 0 : i32
    %dma_wait3A_261 = tpu.memref_slice %arg3[%dma_wait3A_259, %dma_wait3A_260] : memref<100000x128xf32, #tpu.memory_space<hbm>> -> memref<100000x128xf32, #tpu.memory_space<hbm>>
    %dma_wait3A_262 = tpu.memref_slice %arg9[%dma_wait3A_251] : memref<5x!tpu.dma_semaphore, #tpu.memory_space<semaphore_mem>> -> memref<1x!tpu.dma_semaphore, #tpu.memory_space<semaphore_mem>>
    %dma_wait3A_263 = tpu.memref_squeeze %dma_wait3A_262 : memref<1x!tpu.dma_semaphore, #tpu.memory_space<semaphore_mem>> -> memref<!tpu.dma_semaphore, #tpu.memory_space<semaphore_mem>>
    tpu.wait_indirect_dma semaphore(%dma_wait3A_263 : memref<!tpu.dma_semaphore, #tpu.memory_space<semaphore_mem>>) src(%dma_wait3A_261 : memref<100000x128xf32, #tpu.memory_space<hbm>>) dst(%dma_wait3A_255 : memref<80x128xf32, #tpu.memory_space<vmem>>)
    %add3A_264 = arith.constant 240 : i32
    %add3A_265 = arith.addi %mul3A_2, %add3A_264 : i32
    %dma_start3A_266 = arith.constant 3 : i32
    %dma_start3A_267 = arith.constant 3 : i32
    %dma_start3A_268 = arith.constant 0 : i32
    %dma_start3A_269 = arith.constant 0 : i32
    %dma_start3A_270 = tpu.memref_slice %arg8[%dma_start3A_266, %dma_start3A_268, %dma_start3A_269] : memref<5x80x128xf32, #tpu.memory_space<vmem>> -> memref<1x80x128xf32, #tpu.memory_space<vmem>>
    %dma_start3A_271 = tpu.memref_squeeze %dma_start3A_270 : memref<1x80x128xf32, #tpu.memory_space<vmem>> -> memref<80x128xf32, #tpu.memory_space<vmem>>
    %dma_start3A_272 = arith.constant 0 : i32
    %dma_start3A_273 = tpu.memref_slice %arg5[%add3A_265, %dma_start3A_272] : memref<204800x128xf32, #tpu.memory_space<hbm>> -> memref<80x128xf32, #tpu.memory_space<hbm>>
    %dma_start3A_274 = tpu.memref_slice %arg10[%dma_start3A_267] : memref<5x!tpu.dma_semaphore, #tpu.memory_space<semaphore_mem>> -> memref<1x!tpu.dma_semaphore, #tpu.memory_space<semaphore_mem>>
    %dma_start3A_275 = tpu.memref_squeeze %dma_start3A_274 : memref<1x!tpu.dma_semaphore, #tpu.memory_space<semaphore_mem>> -> memref<!tpu.dma_semaphore, #tpu.memory_space<semaphore_mem>>
    %dma_start3A_276 = arith.constant 0 : i32
    %dma_start3A_277 = tpu.memref_slice %arg5[%add3A_265, %dma_start3A_276] : memref<204800x128xf32, #tpu.memory_space<hbm>> -> memref<80x128xf32, #tpu.memory_space<hbm>>
    %dma_start3A_278 = arith.constant 0 : i32
    %dma_start3A_279 = arith.constant 0 : i32
    %dma_start3A_280 = tpu.memref_slice %arg8[%dma_start3A_266, %dma_start3A_278, %dma_start3A_279] : memref<5x80x128xf32, #tpu.memory_space<vmem>> -> memref<1x80x128xf32, #tpu.memory_space<vmem>>
    %dma_start3A_281 = tpu.memref_squeeze %dma_start3A_280 : memref<1x80x128xf32, #tpu.memory_space<vmem>> -> memref<80x128xf32, #tpu.memory_space<vmem>>
    tpu.enqueue_dma source(%dma_start3A_281 : memref<80x128xf32, #tpu.memory_space<vmem>>) target(%dma_start3A_277 : memref<80x128xf32, #tpu.memory_space<hbm>>) target_semaphore(%dma_start3A_275 : memref<!tpu.dma_semaphore, #tpu.memory_space<semaphore_mem>>)
    %dma_wait3A_282 = arith.constant 1 : i32
    %dma_wait3A_283 = arith.constant 1 : i32
    %dma_wait3A_284 = arith.constant 0 : i32
    %dma_wait3A_285 = arith.constant 0 : i32
    %dma_wait3A_286 = tpu.memref_slice %arg8[%dma_wait3A_282, %dma_wait3A_284, %dma_wait3A_285] : memref<5x80x128xf32, #tpu.memory_space<vmem>> -> memref<1x80x128xf32, #tpu.memory_space<vmem>>
    %dma_wait3A_287 = tpu.memref_squeeze %dma_wait3A_286 : memref<1x80x128xf32, #tpu.memory_space<vmem>> -> memref<80x128xf32, #tpu.memory_space<vmem>>
    %dma_wait3A_288 = arith.constant 0 : i32
    %dma_wait3A_289 = arith.constant 0 : i32
    %dma_wait3A_290 = tpu.memref_slice %arg5[%dma_wait3A_288, %dma_wait3A_289] : memref<204800x128xf32, #tpu.memory_space<hbm>> -> memref<80x128xf32, #tpu.memory_space<hbm>>
    %dma_wait3A_291 = tpu.memref_slice %arg10[%dma_wait3A_283] : memref<5x!tpu.dma_semaphore, #tpu.memory_space<semaphore_mem>> -> memref<1x!tpu.dma_semaphore, #tpu.memory_space<semaphore_mem>>
    %dma_wait3A_292 = tpu.memref_squeeze %dma_wait3A_291 : memref<1x!tpu.dma_semaphore, #tpu.memory_space<semaphore_mem>> -> memref<!tpu.dma_semaphore, #tpu.memory_space<semaphore_mem>>
    %dma_wait3A_293 = arith.constant 0 : i32
    %dma_wait3A_294 = arith.constant 0 : i32
    %dma_wait3A_295 = tpu.memref_slice %arg5[%dma_wait3A_293, %dma_wait3A_294] : memref<204800x128xf32, #tpu.memory_space<hbm>> -> memref<80x128xf32, #tpu.memory_space<hbm>>
    %dma_wait3A_296 = arith.constant 0 : i32
    %dma_wait3A_297 = arith.constant 0 : i32
    %dma_wait3A_298 = tpu.memref_slice %arg8[%dma_wait3A_282, %dma_wait3A_296, %dma_wait3A_297] : memref<5x80x128xf32, #tpu.memory_space<vmem>> -> memref<1x80x128xf32, #tpu.memory_space<vmem>>
    %dma_wait3A_299 = tpu.memref_squeeze %dma_wait3A_298 : memref<1x80x128xf32, #tpu.memory_space<vmem>> -> memref<80x128xf32, #tpu.memory_space<vmem>>
    tpu.wait_dma2 semaphore(%dma_wait3A_292 : memref<!tpu.dma_semaphore, #tpu.memory_space<semaphore_mem>>) src(%dma_wait3A_299 : memref<80x128xf32, #tpu.memory_space<vmem>>) dst(%dma_wait3A_295 : memref<80x128xf32, #tpu.memory_space<hbm>>)
    %scan3A_300 = arith.constant 1 : i32
    %scan3A_301 = arith.constant 0 : i32
    %scan3A_302 = arith.constant 80 : i32
    %scan3A_303 = arith.addi %scan3A_301, %scan3A_302 : i32
    %scan3A_304 = arith.constant 1 : i32
    scf.for %scan3A_737 = %scan3A_301 to %scan3A_303 step %scan3A_304  : i32 {
      %add3A_738 = arith.constant 80 : i32
      %add3A_739 = arith.addi %add3A_738, %scan3A_737 : i32
      %get3A = arith.index_cast %add3A_739 : i32 to index
      %get3A_740 = arith.constant 0 : index
      %get3A_741 = tpu.vector_load %arg7[%get3A, %get3A_740] {strides = array<i32>} : memref<200x128xf32, #tpu.memory_space<vmem>>, vector<1x16xf32>,
      %get3A_742 = vector.shape_cast %get3A_741 : vector<1x16xf32> to vector<16xf32>
      %swap3A = arith.constant 0 : i32
      %swap3A_743 = arith.constant 0 : i32
      %swap3A_744 = tpu.memref_slice %arg8[%scan3A_300, %swap3A, %swap3A_743] : memref<5x80x128xf32, #tpu.memory_space<vmem>> -> memref<1x80x128xf32, #tpu.memory_space<vmem>>
      %swap3A_745 = tpu.memref_squeeze %swap3A_744 : memref<1x80x128xf32, #tpu.memory_space<vmem>> -> memref<80x128xf32, #tpu.memory_space<vmem>>
      %swap3A_746 = arith.index_cast %scan3A_737 : i32 to index
      %swap3A_747 = arith.constant 0 : index
      %swap3A_748 = tpu.vector_load %swap3A_745[%swap3A_746, %swap3A_747] {strides = array<i32>} : memref<80x128xf32, #tpu.memory_space<vmem>>, vector<1x16xf32>,
      %swap3A_749 = vector.shape_cast %swap3A_748 : vector<1x16xf32> to vector<16xf32>
      %swap3A_750 = vector.shape_cast %get3A_742 : vector<16xf32> to vector<1x16xf32>
      tpu.vector_store %swap3A_745[%swap3A_746, %swap3A_747], %swap3A_750 {strides = array<i32>} : memref<80x128xf32, #tpu.memory_space<vmem>>, vector<1x16xf32>,
      %add3A_751 = arith.constant 80 : i32
      %add3A_752 = arith.addi %add3A_751, %scan3A_737 : i32
      %get3A_753 = arith.index_cast %add3A_752 : i32 to index
      %get3A_754 = arith.constant 16 : index
      %get3A_755 = tpu.vector_load %arg7[%get3A_753, %get3A_754] {strides = array<i32>} : memref<200x128xf32, #tpu.memory_space<vmem>>, vector<1x16xf32>,
      %get3A_756 = vector.shape_cast %get3A_755 : vector<1x16xf32> to vector<16xf32>
      %swap3A_757 = arith.constant 0 : i32
      %swap3A_758 = arith.constant 0 : i32
      %swap3A_759 = tpu.memref_slice %arg8[%scan3A_300, %swap3A_757, %swap3A_758] : memref<5x80x128xf32, #tpu.memory_space<vmem>> -> memref<1x80x128xf32, #tpu.memory_space<vmem>>
      %swap3A_760 = tpu.memref_squeeze %swap3A_759 : memref<1x80x128xf32, #tpu.memory_space<vmem>> -> memref<80x128xf32, #tpu.memory_space<vmem>>
      %swap3A_761 = arith.index_cast %scan3A_737 : i32 to index
      %swap3A_762 = arith.constant 16 : index
      %swap3A_763 = tpu.vector_load %swap3A_760[%swap3A_761, %swap3A_762] {strides = array<i32>} : memref<80x128xf32, #tpu.memory_space<vmem>>, vector<1x16xf32>,
      %swap3A_764 = vector.shape_cast %swap3A_763 : vector<1x16xf32> to vector<16xf32>
      %swap3A_765 = vector.shape_cast %get3A_756 : vector<16xf32> to vector<1x16xf32>
      tpu.vector_store %swap3A_760[%swap3A_761, %swap3A_762], %swap3A_765 {strides = array<i32>} : memref<80x128xf32, #tpu.memory_space<vmem>>, vector<1x16xf32>,
      %add3A_766 = arith.constant 80 : i32
      %add3A_767 = arith.addi %add3A_766, %scan3A_737 : i32
      %get3A_768 = arith.index_cast %add3A_767 : i32 to index
      %get3A_769 = arith.constant 32 : index
      %get3A_770 = tpu.vector_load %arg7[%get3A_768, %get3A_769] {strides = array<i32>} : memref<200x128xf32, #tpu.memory_space<vmem>>, vector<1x16xf32>,
      %get3A_771 = vector.shape_cast %get3A_770 : vector<1x16xf32> to vector<16xf32>
      %swap3A_772 = arith.constant 0 : i32
      %swap3A_773 = arith.constant 0 : i32
      %swap3A_774 = tpu.memref_slice %arg8[%scan3A_300, %swap3A_772, %swap3A_773] : memref<5x80x128xf32, #tpu.memory_space<vmem>> -> memref<1x80x128xf32, #tpu.memory_space<vmem>>
      %swap3A_775 = tpu.memref_squeeze %swap3A_774 : memref<1x80x128xf32, #tpu.memory_space<vmem>> -> memref<80x128xf32, #tpu.memory_space<vmem>>
      %swap3A_776 = arith.index_cast %scan3A_737 : i32 to index
      %swap3A_777 = arith.constant 32 : index
      %swap3A_778 = tpu.vector_load %swap3A_775[%swap3A_776, %swap3A_777] {strides = array<i32>} : memref<80x128xf32, #tpu.memory_space<vmem>>, vector<1x16xf32>,
      %swap3A_779 = vector.shape_cast %swap3A_778 : vector<1x16xf32> to vector<16xf32>
      %swap3A_780 = vector.shape_cast %get3A_771 : vector<16xf32> to vector<1x16xf32>
      tpu.vector_store %swap3A_775[%swap3A_776, %swap3A_777], %swap3A_780 {strides = array<i32>} : memref<80x128xf32, #tpu.memory_space<vmem>>, vector<1x16xf32>,
      %add3A_781 = arith.constant 80 : i32
      %add3A_782 = arith.addi %add3A_781, %scan3A_737 : i32
      %get3A_783 = arith.index_cast %add3A_782 : i32 to index
      %get3A_784 = arith.constant 48 : index
      %get3A_785 = tpu.vector_load %arg7[%get3A_783, %get3A_784] {strides = array<i32>} : memref<200x128xf32, #tpu.memory_space<vmem>>, vector<1x16xf32>,
      %get3A_786 = vector.shape_cast %get3A_785 : vector<1x16xf32> to vector<16xf32>
      %swap3A_787 = arith.constant 0 : i32
      %swap3A_788 = arith.constant 0 : i32
      %swap3A_789 = tpu.memref_slice %arg8[%scan3A_300, %swap3A_787, %swap3A_788] : memref<5x80x128xf32, #tpu.memory_space<vmem>> -> memref<1x80x128xf32, #tpu.memory_space<vmem>>
      %swap3A_790 = tpu.memref_squeeze %swap3A_789 : memref<1x80x128xf32, #tpu.memory_space<vmem>> -> memref<80x128xf32, #tpu.memory_space<vmem>>
      %swap3A_791 = arith.index_cast %scan3A_737 : i32 to index
      %swap3A_792 = arith.constant 48 : index
      %swap3A_793 = tpu.vector_load %swap3A_790[%swap3A_791, %swap3A_792] {strides = array<i32>} : memref<80x128xf32, #tpu.memory_space<vmem>>, vector<1x16xf32>,
      %swap3A_794 = vector.shape_cast %swap3A_793 : vector<1x16xf32> to vector<16xf32>
      %swap3A_795 = vector.shape_cast %get3A_786 : vector<16xf32> to vector<1x16xf32>
      tpu.vector_store %swap3A_790[%swap3A_791, %swap3A_792], %swap3A_795 {strides = array<i32>} : memref<80x128xf32, #tpu.memory_space<vmem>>, vector<1x16xf32>,
      %add3A_796 = arith.constant 80 : i32
      %add3A_797 = arith.addi %add3A_796, %scan3A_737 : i32
      %get3A_798 = arith.index_cast %add3A_797 : i32 to index
      %get3A_799 = arith.constant 64 : index
      %get3A_800 = tpu.vector_load %arg7[%get3A_798, %get3A_799] {strides = array<i32>} : memref<200x128xf32, #tpu.memory_space<vmem>>, vector<1x16xf32>,
      %get3A_801 = vector.shape_cast %get3A_800 : vector<1x16xf32> to vector<16xf32>
      %swap3A_802 = arith.constant 0 : i32
      %swap3A_803 = arith.constant 0 : i32
      %swap3A_804 = tpu.memref_slice %arg8[%scan3A_300, %swap3A_802, %swap3A_803] : memref<5x80x128xf32, #tpu.memory_space<vmem>> -> memref<1x80x128xf32, #tpu.memory_space<vmem>>
      %swap3A_805 = tpu.memref_squeeze %swap3A_804 : memref<1x80x128xf32, #tpu.memory_space<vmem>> -> memref<80x128xf32, #tpu.memory_space<vmem>>
      %swap3A_806 = arith.index_cast %scan3A_737 : i32 to index
      %swap3A_807 = arith.constant 64 : index
      %swap3A_808 = tpu.vector_load %swap3A_805[%swap3A_806, %swap3A_807] {strides = array<i32>} : memref<80x128xf32, #tpu.memory_space<vmem>>, vector<1x16xf32>,
      %swap3A_809 = vector.shape_cast %swap3A_808 : vector<1x16xf32> to vector<16xf32>
      %swap3A_810 = vector.shape_cast %get3A_801 : vector<16xf32> to vector<1x16xf32>
      tpu.vector_store %swap3A_805[%swap3A_806, %swap3A_807], %swap3A_810 {strides = array<i32>} : memref<80x128xf32, #tpu.memory_space<vmem>>, vector<1x16xf32>,
      %add3A_811 = arith.constant 80 : i32
      %add3A_812 = arith.addi %add3A_811, %scan3A_737 : i32
      %get3A_813 = arith.index_cast %add3A_812 : i32 to index
      %get3A_814 = arith.constant 80 : index
      %get3A_815 = tpu.vector_load %arg7[%get3A_813, %get3A_814] {strides = array<i32>} : memref<200x128xf32, #tpu.memory_space<vmem>>, vector<1x16xf32>,
      %get3A_816 = vector.shape_cast %get3A_815 : vector<1x16xf32> to vector<16xf32>
      %swap3A_817 = arith.constant 0 : i32
      %swap3A_818 = arith.constant 0 : i32
      %swap3A_819 = tpu.memref_slice %arg8[%scan3A_300, %swap3A_817, %swap3A_818] : memref<5x80x128xf32, #tpu.memory_space<vmem>> -> memref<1x80x128xf32, #tpu.memory_space<vmem>>
      %swap3A_820 = tpu.memref_squeeze %swap3A_819 : memref<1x80x128xf32, #tpu.memory_space<vmem>> -> memref<80x128xf32, #tpu.memory_space<vmem>>
      %swap3A_821 = arith.index_cast %scan3A_737 : i32 to index
      %swap3A_822 = arith.constant 80 : index
      %swap3A_823 = tpu.vector_load %swap3A_820[%swap3A_821, %swap3A_822] {strides = array<i32>} : memref<80x128xf32, #tpu.memory_space<vmem>>, vector<1x16xf32>,
      %swap3A_824 = vector.shape_cast %swap3A_823 : vector<1x16xf32> to vector<16xf32>
      %swap3A_825 = vector.shape_cast %get3A_816 : vector<16xf32> to vector<1x16xf32>
      tpu.vector_store %swap3A_820[%swap3A_821, %swap3A_822], %swap3A_825 {strides = array<i32>} : memref<80x128xf32, #tpu.memory_space<vmem>>, vector<1x16xf32>,
      %add3A_826 = arith.constant 80 : i32
      %add3A_827 = arith.addi %add3A_826, %scan3A_737 : i32
      %get3A_828 = arith.index_cast %add3A_827 : i32 to index
      %get3A_829 = arith.constant 96 : index
      %get3A_830 = tpu.vector_load %arg7[%get3A_828, %get3A_829] {strides = array<i32>} : memref<200x128xf32, #tpu.memory_space<vmem>>, vector<1x16xf32>,
      %get3A_831 = vector.shape_cast %get3A_830 : vector<1x16xf32> to vector<16xf32>
      %swap3A_832 = arith.constant 0 : i32
      %swap3A_833 = arith.constant 0 : i32
      %swap3A_834 = tpu.memref_slice %arg8[%scan3A_300, %swap3A_832, %swap3A_833] : memref<5x80x128xf32, #tpu.memory_space<vmem>> -> memref<1x80x128xf32, #tpu.memory_space<vmem>>
      %swap3A_835 = tpu.memref_squeeze %swap3A_834 : memref<1x80x128xf32, #tpu.memory_space<vmem>> -> memref<80x128xf32, #tpu.memory_space<vmem>>
      %swap3A_836 = arith.index_cast %scan3A_737 : i32 to index
      %swap3A_837 = arith.constant 96 : index
      %swap3A_838 = tpu.vector_load %swap3A_835[%swap3A_836, %swap3A_837] {strides = array<i32>} : memref<80x128xf32, #tpu.memory_space<vmem>>, vector<1x16xf32>,
      %swap3A_839 = vector.shape_cast %swap3A_838 : vector<1x16xf32> to vector<16xf32>
      %swap3A_840 = vector.shape_cast %get3A_831 : vector<16xf32> to vector<1x16xf32>
      tpu.vector_store %swap3A_835[%swap3A_836, %swap3A_837], %swap3A_840 {strides = array<i32>} : memref<80x128xf32, #tpu.memory_space<vmem>>, vector<1x16xf32>,
      %add3A_841 = arith.constant 80 : i32
      %add3A_842 = arith.addi %add3A_841, %scan3A_737 : i32
      %get3A_843 = arith.index_cast %add3A_842 : i32 to index
      %get3A_844 = arith.constant 112 : index
      %get3A_845 = tpu.vector_load %arg7[%get3A_843, %get3A_844] {strides = array<i32>} : memref<200x128xf32, #tpu.memory_space<vmem>>, vector<1x16xf32>,
      %get3A_846 = vector.shape_cast %get3A_845 : vector<1x16xf32> to vector<16xf32>
      %swap3A_847 = arith.constant 0 : i32
      %swap3A_848 = arith.constant 0 : i32
      %swap3A_849 = tpu.memref_slice %arg8[%scan3A_300, %swap3A_847, %swap3A_848] : memref<5x80x128xf32, #tpu.memory_space<vmem>> -> memref<1x80x128xf32, #tpu.memory_space<vmem>>
      %swap3A_850 = tpu.memref_squeeze %swap3A_849 : memref<1x80x128xf32, #tpu.memory_space<vmem>> -> memref<80x128xf32, #tpu.memory_space<vmem>>
      %swap3A_851 = arith.index_cast %scan3A_737 : i32 to index
      %swap3A_852 = arith.constant 112 : index
      %swap3A_853 = tpu.vector_load %swap3A_850[%swap3A_851, %swap3A_852] {strides = array<i32>} : memref<80x128xf32, #tpu.memory_space<vmem>>, vector<1x16xf32>,
      %swap3A_854 = vector.shape_cast %swap3A_853 : vector<1x16xf32> to vector<16xf32>
      %swap3A_855 = vector.shape_cast %get3A_846 : vector<16xf32> to vector<1x16xf32>
      tpu.vector_store %swap3A_850[%swap3A_851, %swap3A_852], %swap3A_855 {strides = array<i32>} : memref<80x128xf32, #tpu.memory_space<vmem>>, vector<1x16xf32>,
    }
    %scan3A_305 = arith.constant 80 : i32
    %dma_start3A_306 = arith.constant 6 : i32
    %dma_start3A_307 = arith.constant 1 : i32
    %dma_start3A_308 = arith.constant 1 : i32
    %dma_start3A_309 = arith.constant 0 : i32
    %dma_start3A_310 = arith.constant 0 : i32
    %dma_start3A_311 = tpu.memref_slice %arg8[%dma_start3A_307, %dma_start3A_309, %dma_start3A_310] : memref<5x80x128xf32, #tpu.memory_space<vmem>> -> memref<1x80x128xf32, #tpu.memory_space<vmem>>
    %dma_start3A_312 = tpu.memref_squeeze %dma_start3A_311 : memref<1x80x128xf32, #tpu.memory_space<vmem>> -> memref<80x128xf32, #tpu.memory_space<vmem>>
    %dma_start3A_313 = arith.constant 0 : i32
    %dma_start3A_314 = tpu.memref_slice %arg6[%dma_start3A_306, %dma_start3A_313] : memref<80x80xi32, #tpu.memory_space<vmem>> -> memref<1x80xi32, #tpu.memory_space<vmem>>
    %dma_start3A_315 = tpu.memref_squeeze %dma_start3A_314 : memref<1x80xi32, #tpu.memory_space<vmem>> -> memref<80xi32, #tpu.memory_space<vmem>>
    %dma_start3A_316 = arith.constant 0 : i32
    %dma_start3A_317 = arith.constant 0 : i32
    %dma_start3A_318 = tpu.memref_slice %arg3[%dma_start3A_316, %dma_start3A_317] : memref<100000x128xf32, #tpu.memory_space<hbm>> -> memref<100000x128xf32, #tpu.memory_space<hbm>>
    %dma_start3A_319 = tpu.memref_slice %arg9[%dma_start3A_308] : memref<5x!tpu.dma_semaphore, #tpu.memory_space<semaphore_mem>> -> memref<1x!tpu.dma_semaphore, #tpu.memory_space<semaphore_mem>>
    %dma_start3A_320 = tpu.memref_squeeze %dma_start3A_319 : memref<1x!tpu.dma_semaphore, #tpu.memory_space<semaphore_mem>> -> memref<!tpu.dma_semaphore, #tpu.memory_space<semaphore_mem>>
    tpu.enqueue_indirect_dma source(%dma_start3A_318 : memref<100000x128xf32, #tpu.memory_space<hbm>>) target(%dma_start3A_312 : memref<80x128xf32, #tpu.memory_space<vmem>>) offsets(%dma_start3A_315 : memref<80xi32, #tpu.memory_space<vmem>>) semaphore(%dma_start3A_320 : memref<!tpu.dma_semaphore, #tpu.memory_space<semaphore_mem>>) {add = true}
    %dma_wait3A_321 = arith.constant 4 : i32
    %dma_wait3A_322 = arith.constant 4 : i32
    %dma_wait3A_323 = arith.constant 4 : i32
    %dma_wait3A_324 = arith.constant 0 : i32
    %dma_wait3A_325 = arith.constant 0 : i32
    %dma_wait3A_326 = tpu.memref_slice %arg8[%dma_wait3A_322, %dma_wait3A_324, %dma_wait3A_325] : memref<5x80x128xf32, #tpu.memory_space<vmem>> -> memref<1x80x128xf32, #tpu.memory_space<vmem>>
    %dma_wait3A_327 = tpu.memref_squeeze %dma_wait3A_326 : memref<1x80x128xf32, #tpu.memory_space<vmem>> -> memref<80x128xf32, #tpu.memory_space<vmem>>
    %dma_wait3A_328 = arith.constant 0 : i32
    %dma_wait3A_329 = tpu.memref_slice %arg6[%dma_wait3A_321, %dma_wait3A_328] : memref<80x80xi32, #tpu.memory_space<vmem>> -> memref<1x80xi32, #tpu.memory_space<vmem>>
    %dma_wait3A_330 = tpu.memref_squeeze %dma_wait3A_329 : memref<1x80xi32, #tpu.memory_space<vmem>> -> memref<80xi32, #tpu.memory_space<vmem>>
    %dma_wait3A_331 = arith.constant 0 : i32
    %dma_wait3A_332 = arith.constant 0 : i32
    %dma_wait3A_333 = tpu.memref_slice %arg3[%dma_wait3A_331, %dma_wait3A_332] : memref<100000x128xf32, #tpu.memory_space<hbm>> -> memref<100000x128xf32, #tpu.memory_space<hbm>>
    %dma_wait3A_334 = tpu.memref_slice %arg9[%dma_wait3A_323] : memref<5x!tpu.dma_semaphore, #tpu.memory_space<semaphore_mem>> -> memref<1x!tpu.dma_semaphore, #tpu.memory_space<semaphore_mem>>
    %dma_wait3A_335 = tpu.memref_squeeze %dma_wait3A_334 : memref<1x!tpu.dma_semaphore, #tpu.memory_space<semaphore_mem>> -> memref<!tpu.dma_semaphore, #tpu.memory_space<semaphore_mem>>
    tpu.wait_indirect_dma semaphore(%dma_wait3A_335 : memref<!tpu.dma_semaphore, #tpu.memory_space<semaphore_mem>>) src(%dma_wait3A_333 : memref<100000x128xf32, #tpu.memory_space<hbm>>) dst(%dma_wait3A_327 : memref<80x128xf32, #tpu.memory_space<vmem>>)
    %add3A_336 = arith.constant 320 : i32
    %add3A_337 = arith.addi %mul3A_2, %add3A_336 : i32
    %dma_start3A_338 = arith.constant 4 : i32
    %dma_start3A_339 = arith.constant 4 : i32
    %dma_start3A_340 = arith.constant 0 : i32
    %dma_start3A_341 = arith.constant 0 : i32
    %dma_start3A_342 = tpu.memref_slice %arg8[%dma_start3A_338, %dma_start3A_340, %dma_start3A_341] : memref<5x80x128xf32, #tpu.memory_space<vmem>> -> memref<1x80x128xf32, #tpu.memory_space<vmem>>
    %dma_start3A_343 = tpu.memref_squeeze %dma_start3A_342 : memref<1x80x128xf32, #tpu.memory_space<vmem>> -> memref<80x128xf32, #tpu.memory_space<vmem>>
    %dma_start3A_344 = arith.constant 0 : i32
    %dma_start3A_345 = tpu.memref_slice %arg5[%add3A_337, %dma_start3A_344] : memref<204800x128xf32, #tpu.memory_space<hbm>> -> memref<80x128xf32, #tpu.memory_space<hbm>>
    %dma_start3A_346 = tpu.memref_slice %arg10[%dma_start3A_339] : memref<5x!tpu.dma_semaphore, #tpu.memory_space<semaphore_mem>> -> memref<1x!tpu.dma_semaphore, #tpu.memory_space<semaphore_mem>>
    %dma_start3A_347 = tpu.memref_squeeze %dma_start3A_346 : memref<1x!tpu.dma_semaphore, #tpu.memory_space<semaphore_mem>> -> memref<!tpu.dma_semaphore, #tpu.memory_space<semaphore_mem>>
    %dma_start3A_348 = arith.constant 0 : i32
    %dma_start3A_349 = tpu.memref_slice %arg5[%add3A_337, %dma_start3A_348] : memref<204800x128xf32, #tpu.memory_space<hbm>> -> memref<80x128xf32, #tpu.memory_space<hbm>>
    %dma_start3A_350 = arith.constant 0 : i32
    %dma_start3A_351 = arith.constant 0 : i32
    %dma_start3A_352 = tpu.memref_slice %arg8[%dma_start3A_338, %dma_start3A_350, %dma_start3A_351] : memref<5x80x128xf32, #tpu.memory_space<vmem>> -> memref<1x80x128xf32, #tpu.memory_space<vmem>>
    %dma_start3A_353 = tpu.memref_squeeze %dma_start3A_352 : memref<1x80x128xf32, #tpu.memory_space<vmem>> -> memref<80x128xf32, #tpu.memory_space<vmem>>
    tpu.enqueue_dma source(%dma_start3A_353 : memref<80x128xf32, #tpu.memory_space<vmem>>) target(%dma_start3A_349 : memref<80x128xf32, #tpu.memory_space<hbm>>) target_semaphore(%dma_start3A_347 : memref<!tpu.dma_semaphore, #tpu.memory_space<semaphore_mem>>)
    %dma_wait3A_354 = arith.constant 2 : i32
    %dma_wait3A_355 = arith.constant 2 : i32
    %dma_wait3A_356 = arith.constant 0 : i32
    %dma_wait3A_357 = arith.constant 0 : i32
    %dma_wait3A_358 = tpu.memref_slice %arg8[%dma_wait3A_354, %dma_wait3A_356, %dma_wait3A_357] : memref<5x80x128xf32, #tpu.memory_space<vmem>> -> memref<1x80x128xf32, #tpu.memory_space<vmem>>
    %dma_wait3A_359 = tpu.memref_squeeze %dma_wait3A_358 : memref<1x80x128xf32, #tpu.memory_space<vmem>> -> memref<80x128xf32, #tpu.memory_space<vmem>>
    %dma_wait3A_360 = arith.constant 0 : i32
    %dma_wait3A_361 = arith.constant 0 : i32
    %dma_wait3A_362 = tpu.memref_slice %arg5[%dma_wait3A_360, %dma_wait3A_361] : memref<204800x128xf32, #tpu.memory_space<hbm>> -> memref<80x128xf32, #tpu.memory_space<hbm>>
    %dma_wait3A_363 = tpu.memref_slice %arg10[%dma_wait3A_355] : memref<5x!tpu.dma_semaphore, #tpu.memory_space<semaphore_mem>> -> memref<1x!tpu.dma_semaphore, #tpu.memory_space<semaphore_mem>>
    %dma_wait3A_364 = tpu.memref_squeeze %dma_wait3A_363 : memref<1x!tpu.dma_semaphore, #tpu.memory_space<semaphore_mem>> -> memref<!tpu.dma_semaphore, #tpu.memory_space<semaphore_mem>>
    %dma_wait3A_365 = arith.constant 0 : i32
    %dma_wait3A_366 = arith.constant 0 : i32
    %dma_wait3A_367 = tpu.memref_slice %arg5[%dma_wait3A_365, %dma_wait3A_366] : memref<204800x128xf32, #tpu.memory_space<hbm>> -> memref<80x128xf32, #tpu.memory_space<hbm>>
    %dma_wait3A_368 = arith.constant 0 : i32
    %dma_wait3A_369 = arith.constant 0 : i32
    %dma_wait3A_370 = tpu.memref_slice %arg8[%dma_wait3A_354, %dma_wait3A_368, %dma_wait3A_369] : memref<5x80x128xf32, #tpu.memory_space<vmem>> -> memref<1x80x128xf32, #tpu.memory_space<vmem>>
    %dma_wait3A_371 = tpu.memref_squeeze %dma_wait3A_370 : memref<1x80x128xf32, #tpu.memory_space<vmem>> -> memref<80x128xf32, #tpu.memory_space<vmem>>
    tpu.wait_dma2 semaphore(%dma_wait3A_364 : memref<!tpu.dma_semaphore, #tpu.memory_space<semaphore_mem>>) src(%dma_wait3A_371 : memref<80x128xf32, #tpu.memory_space<vmem>>) dst(%dma_wait3A_367 : memref<80x128xf32, #tpu.memory_space<hbm>>)
    %scan3A_372 = arith.constant 2 : i32
    %scan3A_373 = arith.constant 0 : i32
    %scan3A_374 = arith.constant 40 : i32
    %scan3A_375 = arith.addi %scan3A_373, %scan3A_374 : i32
    %scan3A_376 = arith.constant 1 : i32
    scf.for %scan3A_737 = %scan3A_373 to %scan3A_375 step %scan3A_376  : i32 {
      %add3A_738 = arith.constant 160 : i32
      %add3A_739 = arith.addi %add3A_738, %scan3A_737 : i32
      %get3A = arith.index_cast %add3A_739 : i32 to index
      %get3A_740 = arith.constant 0 : index
      %get3A_741 = tpu.vector_load %arg7[%get3A, %get3A_740] {strides = array<i32>} : memref<200x128xf32, #tpu.memory_space<vmem>>, vector<1x16xf32>,
      %get3A_742 = vector.shape_cast %get3A_741 : vector<1x16xf32> to vector<16xf32>
      %swap3A = arith.constant 0 : i32
      %swap3A_743 = arith.constant 0 : i32
      %swap3A_744 = tpu.memref_slice %arg8[%scan3A_372, %swap3A, %swap3A_743] : memref<5x80x128xf32, #tpu.memory_space<vmem>> -> memref<1x80x128xf32, #tpu.memory_space<vmem>>
      %swap3A_745 = tpu.memref_squeeze %swap3A_744 : memref<1x80x128xf32, #tpu.memory_space<vmem>> -> memref<80x128xf32, #tpu.memory_space<vmem>>
      %swap3A_746 = arith.index_cast %scan3A_737 : i32 to index
      %swap3A_747 = arith.constant 0 : index
      %swap3A_748 = tpu.vector_load %swap3A_745[%swap3A_746, %swap3A_747] {strides = array<i32>} : memref<80x128xf32, #tpu.memory_space<vmem>>, vector<1x16xf32>,
      %swap3A_749 = vector.shape_cast %swap3A_748 : vector<1x16xf32> to vector<16xf32>
      %swap3A_750 = vector.shape_cast %get3A_742 : vector<16xf32> to vector<1x16xf32>
      tpu.vector_store %swap3A_745[%swap3A_746, %swap3A_747], %swap3A_750 {strides = array<i32>} : memref<80x128xf32, #tpu.memory_space<vmem>>, vector<1x16xf32>,
      %add3A_751 = arith.constant 160 : i32
      %add3A_752 = arith.addi %add3A_751, %scan3A_737 : i32
      %get3A_753 = arith.index_cast %add3A_752 : i32 to index
      %get3A_754 = arith.constant 16 : index
      %get3A_755 = tpu.vector_load %arg7[%get3A_753, %get3A_754] {strides = array<i32>} : memref<200x128xf32, #tpu.memory_space<vmem>>, vector<1x16xf32>,
      %get3A_756 = vector.shape_cast %get3A_755 : vector<1x16xf32> to vector<16xf32>
      %swap3A_757 = arith.constant 0 : i32
      %swap3A_758 = arith.constant 0 : i32
      %swap3A_759 = tpu.memref_slice %arg8[%scan3A_372, %swap3A_757, %swap3A_758] : memref<5x80x128xf32, #tpu.memory_space<vmem>> -> memref<1x80x128xf32, #tpu.memory_space<vmem>>
      %swap3A_760 = tpu.memref_squeeze %swap3A_759 : memref<1x80x128xf32, #tpu.memory_space<vmem>> -> memref<80x128xf32, #tpu.memory_space<vmem>>
      %swap3A_761 = arith.index_cast %scan3A_737 : i32 to index
      %swap3A_762 = arith.constant 16 : index
      %swap3A_763 = tpu.vector_load %swap3A_760[%swap3A_761, %swap3A_762] {strides = array<i32>} : memref<80x128xf32, #tpu.memory_space<vmem>>, vector<1x16xf32>,
      %swap3A_764 = vector.shape_cast %swap3A_763 : vector<1x16xf32> to vector<16xf32>
      %swap3A_765 = vector.shape_cast %get3A_756 : vector<16xf32> to vector<1x16xf32>
      tpu.vector_store %swap3A_760[%swap3A_761, %swap3A_762], %swap3A_765 {strides = array<i32>} : memref<80x128xf32, #tpu.memory_space<vmem>>, vector<1x16xf32>,
      %add3A_766 = arith.constant 160 : i32
      %add3A_767 = arith.addi %add3A_766, %scan3A_737 : i32
      %get3A_768 = arith.index_cast %add3A_767 : i32 to index
      %get3A_769 = arith.constant 32 : index
      %get3A_770 = tpu.vector_load %arg7[%get3A_768, %get3A_769] {strides = array<i32>} : memref<200x128xf32, #tpu.memory_space<vmem>>, vector<1x16xf32>,
      %get3A_771 = vector.shape_cast %get3A_770 : vector<1x16xf32> to vector<16xf32>
      %swap3A_772 = arith.constant 0 : i32
      %swap3A_773 = arith.constant 0 : i32
      %swap3A_774 = tpu.memref_slice %arg8[%scan3A_372, %swap3A_772, %swap3A_773] : memref<5x80x128xf32, #tpu.memory_space<vmem>> -> memref<1x80x128xf32, #tpu.memory_space<vmem>>
      %swap3A_775 = tpu.memref_squeeze %swap3A_774 : memref<1x80x128xf32, #tpu.memory_space<vmem>> -> memref<80x128xf32, #tpu.memory_space<vmem>>
      %swap3A_776 = arith.index_cast %scan3A_737 : i32 to index
      %swap3A_777 = arith.constant 32 : index
      %swap3A_778 = tpu.vector_load %swap3A_775[%swap3A_776, %swap3A_777] {strides = array<i32>} : memref<80x128xf32, #tpu.memory_space<vmem>>, vector<1x16xf32>,
      %swap3A_779 = vector.shape_cast %swap3A_778 : vector<1x16xf32> to vector<16xf32>
      %swap3A_780 = vector.shape_cast %get3A_771 : vector<16xf32> to vector<1x16xf32>
      tpu.vector_store %swap3A_775[%swap3A_776, %swap3A_777], %swap3A_780 {strides = array<i32>} : memref<80x128xf32, #tpu.memory_space<vmem>>, vector<1x16xf32>,
      %add3A_781 = arith.constant 160 : i32
      %add3A_782 = arith.addi %add3A_781, %scan3A_737 : i32
      %get3A_783 = arith.index_cast %add3A_782 : i32 to index
      %get3A_784 = arith.constant 48 : index
      %get3A_785 = tpu.vector_load %arg7[%get3A_783, %get3A_784] {strides = array<i32>} : memref<200x128xf32, #tpu.memory_space<vmem>>, vector<1x16xf32>,
      %get3A_786 = vector.shape_cast %get3A_785 : vector<1x16xf32> to vector<16xf32>
      %swap3A_787 = arith.constant 0 : i32
      %swap3A_788 = arith.constant 0 : i32
      %swap3A_789 = tpu.memref_slice %arg8[%scan3A_372, %swap3A_787, %swap3A_788] : memref<5x80x128xf32, #tpu.memory_space<vmem>> -> memref<1x80x128xf32, #tpu.memory_space<vmem>>
      %swap3A_790 = tpu.memref_squeeze %swap3A_789 : memref<1x80x128xf32, #tpu.memory_space<vmem>> -> memref<80x128xf32, #tpu.memory_space<vmem>>
      %swap3A_791 = arith.index_cast %scan3A_737 : i32 to index
      %swap3A_792 = arith.constant 48 : index
      %swap3A_793 = tpu.vector_load %swap3A_790[%swap3A_791, %swap3A_792] {strides = array<i32>} : memref<80x128xf32, #tpu.memory_space<vmem>>, vector<1x16xf32>,
      %swap3A_794 = vector.shape_cast %swap3A_793 : vector<1x16xf32> to vector<16xf32>
      %swap3A_795 = vector.shape_cast %get3A_786 : vector<16xf32> to vector<1x16xf32>
      tpu.vector_store %swap3A_790[%swap3A_791, %swap3A_792], %swap3A_795 {strides = array<i32>} : memref<80x128xf32, #tpu.memory_space<vmem>>, vector<1x16xf32>,
      %add3A_796 = arith.constant 160 : i32
      %add3A_797 = arith.addi %add3A_796, %scan3A_737 : i32
      %get3A_798 = arith.index_cast %add3A_797 : i32 to index
      %get3A_799 = arith.constant 64 : index
      %get3A_800 = tpu.vector_load %arg7[%get3A_798, %get3A_799] {strides = array<i32>} : memref<200x128xf32, #tpu.memory_space<vmem>>, vector<1x16xf32>,
      %get3A_801 = vector.shape_cast %get3A_800 : vector<1x16xf32> to vector<16xf32>
      %swap3A_802 = arith.constant 0 : i32
      %swap3A_803 = arith.constant 0 : i32
      %swap3A_804 = tpu.memref_slice %arg8[%scan3A_372, %swap3A_802, %swap3A_803] : memref<5x80x128xf32, #tpu.memory_space<vmem>> -> memref<1x80x128xf32, #tpu.memory_space<vmem>>
      %swap3A_805 = tpu.memref_squeeze %swap3A_804 : memref<1x80x128xf32, #tpu.memory_space<vmem>> -> memref<80x128xf32, #tpu.memory_space<vmem>>
      %swap3A_806 = arith.index_cast %scan3A_737 : i32 to index
      %swap3A_807 = arith.constant 64 : index
      %swap3A_808 = tpu.vector_load %swap3A_805[%swap3A_806, %swap3A_807] {strides = array<i32>} : memref<80x128xf32, #tpu.memory_space<vmem>>, vector<1x16xf32>,
      %swap3A_809 = vector.shape_cast %swap3A_808 : vector<1x16xf32> to vector<16xf32>
      %swap3A_810 = vector.shape_cast %get3A_801 : vector<16xf32> to vector<1x16xf32>
      tpu.vector_store %swap3A_805[%swap3A_806, %swap3A_807], %swap3A_810 {strides = array<i32>} : memref<80x128xf32, #tpu.memory_space<vmem>>, vector<1x16xf32>,
      %add3A_811 = arith.constant 160 : i32
      %add3A_812 = arith.addi %add3A_811, %scan3A_737 : i32
      %get3A_813 = arith.index_cast %add3A_812 : i32 to index
      %get3A_814 = arith.constant 80 : index
      %get3A_815 = tpu.vector_load %arg7[%get3A_813, %get3A_814] {strides = array<i32>} : memref<200x128xf32, #tpu.memory_space<vmem>>, vector<1x16xf32>,
      %get3A_816 = vector.shape_cast %get3A_815 : vector<1x16xf32> to vector<16xf32>
      %swap3A_817 = arith.constant 0 : i32
      %swap3A_818 = arith.constant 0 : i32
      %swap3A_819 = tpu.memref_slice %arg8[%scan3A_372, %swap3A_817, %swap3A_818] : memref<5x80x128xf32, #tpu.memory_space<vmem>> -> memref<1x80x128xf32, #tpu.memory_space<vmem>>
      %swap3A_820 = tpu.memref_squeeze %swap3A_819 : memref<1x80x128xf32, #tpu.memory_space<vmem>> -> memref<80x128xf32, #tpu.memory_space<vmem>>
      %swap3A_821 = arith.index_cast %scan3A_737 : i32 to index
      %swap3A_822 = arith.constant 80 : index
      %swap3A_823 = tpu.vector_load %swap3A_820[%swap3A_821, %swap3A_822] {strides = array<i32>} : memref<80x128xf32, #tpu.memory_space<vmem>>, vector<1x16xf32>,
      %swap3A_824 = vector.shape_cast %swap3A_823 : vector<1x16xf32> to vector<16xf32>
      %swap3A_825 = vector.shape_cast %get3A_816 : vector<16xf32> to vector<1x16xf32>
      tpu.vector_store %swap3A_820[%swap3A_821, %swap3A_822], %swap3A_825 {strides = array<i32>} : memref<80x128xf32, #tpu.memory_space<vmem>>, vector<1x16xf32>,
      %add3A_826 = arith.constant 160 : i32
      %add3A_827 = arith.addi %add3A_826, %scan3A_737 : i32
      %get3A_828 = arith.index_cast %add3A_827 : i32 to index
      %get3A_829 = arith.constant 96 : index
      %get3A_830 = tpu.vector_load %arg7[%get3A_828, %get3A_829] {strides = array<i32>} : memref<200x128xf32, #tpu.memory_space<vmem>>, vector<1x16xf32>,
      %get3A_831 = vector.shape_cast %get3A_830 : vector<1x16xf32> to vector<16xf32>
      %swap3A_832 = arith.constant 0 : i32
      %swap3A_833 = arith.constant 0 : i32
      %swap3A_834 = tpu.memref_slice %arg8[%scan3A_372, %swap3A_832, %swap3A_833] : memref<5x80x128xf32, #tpu.memory_space<vmem>> -> memref<1x80x128xf32, #tpu.memory_space<vmem>>
      %swap3A_835 = tpu.memref_squeeze %swap3A_834 : memref<1x80x128xf32, #tpu.memory_space<vmem>> -> memref<80x128xf32, #tpu.memory_space<vmem>>
      %swap3A_836 = arith.index_cast %scan3A_737 : i32 to index
      %swap3A_837 = arith.constant 96 : index
      %swap3A_838 = tpu.vector_load %swap3A_835[%swap3A_836, %swap3A_837] {strides = array<i32>} : memref<80x128xf32, #tpu.memory_space<vmem>>, vector<1x16xf32>,
      %swap3A_839 = vector.shape_cast %swap3A_838 : vector<1x16xf32> to vector<16xf32>
      %swap3A_840 = vector.shape_cast %get3A_831 : vector<16xf32> to vector<1x16xf32>
      tpu.vector_store %swap3A_835[%swap3A_836, %swap3A_837], %swap3A_840 {strides = array<i32>} : memref<80x128xf32, #tpu.memory_space<vmem>>, vector<1x16xf32>,
      %add3A_841 = arith.constant 160 : i32
      %add3A_842 = arith.addi %add3A_841, %scan3A_737 : i32
      %get3A_843 = arith.index_cast %add3A_842 : i32 to index
      %get3A_844 = arith.constant 112 : index
      %get3A_845 = tpu.vector_load %arg7[%get3A_843, %get3A_844] {strides = array<i32>} : memref<200x128xf32, #tpu.memory_space<vmem>>, vector<1x16xf32>,
      %get3A_846 = vector.shape_cast %get3A_845 : vector<1x16xf32> to vector<16xf32>
      %swap3A_847 = arith.constant 0 : i32
      %swap3A_848 = arith.constant 0 : i32
      %swap3A_849 = tpu.memref_slice %arg8[%scan3A_372, %swap3A_847, %swap3A_848] : memref<5x80x128xf32, #tpu.memory_space<vmem>> -> memref<1x80x128xf32, #tpu.memory_space<vmem>>
      %swap3A_850 = tpu.memref_squeeze %swap3A_849 : memref<1x80x128xf32, #tpu.memory_space<vmem>> -> memref<80x128xf32, #tpu.memory_space<vmem>>
      %swap3A_851 = arith.index_cast %scan3A_737 : i32 to index
      %swap3A_852 = arith.constant 112 : index
      %swap3A_853 = tpu.vector_load %swap3A_850[%swap3A_851, %swap3A_852] {strides = array<i32>} : memref<80x128xf32, #tpu.memory_space<vmem>>, vector<1x16xf32>,
      %swap3A_854 = vector.shape_cast %swap3A_853 : vector<1x16xf32> to vector<16xf32>
      %swap3A_855 = vector.shape_cast %get3A_846 : vector<16xf32> to vector<1x16xf32>
      tpu.vector_store %swap3A_850[%swap3A_851, %swap3A_852], %swap3A_855 {strides = array<i32>} : memref<80x128xf32, #tpu.memory_space<vmem>>, vector<1x16xf32>,
    }
    %scan3A_377 = arith.constant 40 : i32
    %scan3A_378 = arith.constant 2 : i32
    %scan3A_379 = arith.constant 40 : i32
    %scan3A_380 = arith.constant 40 : i32
    %scan3A_381 = arith.addi %scan3A_379, %scan3A_380 : i32
    %scan3A_382 = arith.constant 1 : i32
    scf.for %scan3A_737 = %scan3A_379 to %scan3A_381 step %scan3A_382  : i32 {
      %add3A_738 = arith.constant -40 : i32
      %add3A_739 = arith.addi %add3A_738, %scan3A_737 : i32
      %get3A = arith.index_cast %add3A_739 : i32 to index
      %get3A_740 = arith.constant 0 : index
      %get3A_741 = tpu.vector_load %arg7[%get3A, %get3A_740] {strides = array<i32>} : memref<200x128xf32, #tpu.memory_space<vmem>>, vector<1x16xf32>,
      %get3A_742 = vector.shape_cast %get3A_741 : vector<1x16xf32> to vector<16xf32>
      %swap3A = arith.constant 0 : i32
      %swap3A_743 = arith.constant 0 : i32
      %swap3A_744 = tpu.memref_slice %arg8[%scan3A_378, %swap3A, %swap3A_743] : memref<5x80x128xf32, #tpu.memory_space<vmem>> -> memref<1x80x128xf32, #tpu.memory_space<vmem>>
      %swap3A_745 = tpu.memref_squeeze %swap3A_744 : memref<1x80x128xf32, #tpu.memory_space<vmem>> -> memref<80x128xf32, #tpu.memory_space<vmem>>
      %swap3A_746 = arith.index_cast %scan3A_737 : i32 to index
      %swap3A_747 = arith.constant 0 : index
      %swap3A_748 = tpu.vector_load %swap3A_745[%swap3A_746, %swap3A_747] {strides = array<i32>} : memref<80x128xf32, #tpu.memory_space<vmem>>, vector<1x16xf32>,
      %swap3A_749 = vector.shape_cast %swap3A_748 : vector<1x16xf32> to vector<16xf32>
      %swap3A_750 = vector.shape_cast %get3A_742 : vector<16xf32> to vector<1x16xf32>
      tpu.vector_store %swap3A_745[%swap3A_746, %swap3A_747], %swap3A_750 {strides = array<i32>} : memref<80x128xf32, #tpu.memory_space<vmem>>, vector<1x16xf32>,
      %add3A_751 = arith.constant -40 : i32
      %add3A_752 = arith.addi %add3A_751, %scan3A_737 : i32
      %get3A_753 = arith.index_cast %add3A_752 : i32 to index
      %get3A_754 = arith.constant 16 : index
      %get3A_755 = tpu.vector_load %arg7[%get3A_753, %get3A_754] {strides = array<i32>} : memref<200x128xf32, #tpu.memory_space<vmem>>, vector<1x16xf32>,
      %get3A_756 = vector.shape_cast %get3A_755 : vector<1x16xf32> to vector<16xf32>
      %swap3A_757 = arith.constant 0 : i32
      %swap3A_758 = arith.constant 0 : i32
      %swap3A_759 = tpu.memref_slice %arg8[%scan3A_378, %swap3A_757, %swap3A_758] : memref<5x80x128xf32, #tpu.memory_space<vmem>> -> memref<1x80x128xf32, #tpu.memory_space<vmem>>
      %swap3A_760 = tpu.memref_squeeze %swap3A_759 : memref<1x80x128xf32, #tpu.memory_space<vmem>> -> memref<80x128xf32, #tpu.memory_space<vmem>>
      %swap3A_761 = arith.index_cast %scan3A_737 : i32 to index
      %swap3A_762 = arith.constant 16 : index
      %swap3A_763 = tpu.vector_load %swap3A_760[%swap3A_761, %swap3A_762] {strides = array<i32>} : memref<80x128xf32, #tpu.memory_space<vmem>>, vector<1x16xf32>,
      %swap3A_764 = vector.shape_cast %swap3A_763 : vector<1x16xf32> to vector<16xf32>
      %swap3A_765 = vector.shape_cast %get3A_756 : vector<16xf32> to vector<1x16xf32>
      tpu.vector_store %swap3A_760[%swap3A_761, %swap3A_762], %swap3A_765 {strides = array<i32>} : memref<80x128xf32, #tpu.memory_space<vmem>>, vector<1x16xf32>,
      %add3A_766 = arith.constant -40 : i32
      %add3A_767 = arith.addi %add3A_766, %scan3A_737 : i32
      %get3A_768 = arith.index_cast %add3A_767 : i32 to index
      %get3A_769 = arith.constant 32 : index
      %get3A_770 = tpu.vector_load %arg7[%get3A_768, %get3A_769] {strides = array<i32>} : memref<200x128xf32, #tpu.memory_space<vmem>>, vector<1x16xf32>,
      %get3A_771 = vector.shape_cast %get3A_770 : vector<1x16xf32> to vector<16xf32>
      %swap3A_772 = arith.constant 0 : i32
      %swap3A_773 = arith.constant 0 : i32
      %swap3A_774 = tpu.memref_slice %arg8[%scan3A_378, %swap3A_772, %swap3A_773] : memref<5x80x128xf32, #tpu.memory_space<vmem>> -> memref<1x80x128xf32, #tpu.memory_space<vmem>>
      %swap3A_775 = tpu.memref_squeeze %swap3A_774 : memref<1x80x128xf32, #tpu.memory_space<vmem>> -> memref<80x128xf32, #tpu.memory_space<vmem>>
      %swap3A_776 = arith.index_cast %scan3A_737 : i32 to index
      %swap3A_777 = arith.constant 32 : index
      %swap3A_778 = tpu.vector_load %swap3A_775[%swap3A_776, %swap3A_777] {strides = array<i32>} : memref<80x128xf32, #tpu.memory_space<vmem>>, vector<1x16xf32>,
      %swap3A_779 = vector.shape_cast %swap3A_778 : vector<1x16xf32> to vector<16xf32>
      %swap3A_780 = vector.shape_cast %get3A_771 : vector<16xf32> to vector<1x16xf32>
      tpu.vector_store %swap3A_775[%swap3A_776, %swap3A_777], %swap3A_780 {strides = array<i32>} : memref<80x128xf32, #tpu.memory_space<vmem>>, vector<1x16xf32>,
      %add3A_781 = arith.constant -40 : i32
      %add3A_782 = arith.addi %add3A_781, %scan3A_737 : i32
      %get3A_783 = arith.index_cast %add3A_782 : i32 to index
      %get3A_784 = arith.constant 48 : index
      %get3A_785 = tpu.vector_load %arg7[%get3A_783, %get3A_784] {strides = array<i32>} : memref<200x128xf32, #tpu.memory_space<vmem>>, vector<1x16xf32>,
      %get3A_786 = vector.shape_cast %get3A_785 : vector<1x16xf32> to vector<16xf32>
      %swap3A_787 = arith.constant 0 : i32
      %swap3A_788 = arith.constant 0 : i32
      %swap3A_789 = tpu.memref_slice %arg8[%scan3A_378, %swap3A_787, %swap3A_788] : memref<5x80x128xf32, #tpu.memory_space<vmem>> -> memref<1x80x128xf32, #tpu.memory_space<vmem>>
      %swap3A_790 = tpu.memref_squeeze %swap3A_789 : memref<1x80x128xf32, #tpu.memory_space<vmem>> -> memref<80x128xf32, #tpu.memory_space<vmem>>
      %swap3A_791 = arith.index_cast %scan3A_737 : i32 to index
      %swap3A_792 = arith.constant 48 : index
      %swap3A_793 = tpu.vector_load %swap3A_790[%swap3A_791, %swap3A_792] {strides = array<i32>} : memref<80x128xf32, #tpu.memory_space<vmem>>, vector<1x16xf32>,
      %swap3A_794 = vector.shape_cast %swap3A_793 : vector<1x16xf32> to vector<16xf32>
      %swap3A_795 = vector.shape_cast %get3A_786 : vector<16xf32> to vector<1x16xf32>
      tpu.vector_store %swap3A_790[%swap3A_791, %swap3A_792], %swap3A_795 {strides = array<i32>} : memref<80x128xf32, #tpu.memory_space<vmem>>, vector<1x16xf32>,
      %add3A_796 = arith.constant -40 : i32
      %add3A_797 = arith.addi %add3A_796, %scan3A_737 : i32
      %get3A_798 = arith.index_cast %add3A_797 : i32 to index
      %get3A_799 = arith.constant 64 : index
      %get3A_800 = tpu.vector_load %arg7[%get3A_798, %get3A_799] {strides = array<i32>} : memref<200x128xf32, #tpu.memory_space<vmem>>, vector<1x16xf32>,
      %get3A_801 = vector.shape_cast %get3A_800 : vector<1x16xf32> to vector<16xf32>
      %swap3A_802 = arith.constant 0 : i32
      %swap3A_803 = arith.constant 0 : i32
      %swap3A_804 = tpu.memref_slice %arg8[%scan3A_378, %swap3A_802, %swap3A_803] : memref<5x80x128xf32, #tpu.memory_space<vmem>> -> memref<1x80x128xf32, #tpu.memory_space<vmem>>
      %swap3A_805 = tpu.memref_squeeze %swap3A_804 : memref<1x80x128xf32, #tpu.memory_space<vmem>> -> memref<80x128xf32, #tpu.memory_space<vmem>>
      %swap3A_806 = arith.index_cast %scan3A_737 : i32 to index
      %swap3A_807 = arith.constant 64 : index
      %swap3A_808 = tpu.vector_load %swap3A_805[%swap3A_806, %swap3A_807] {strides = array<i32>} : memref<80x128xf32, #tpu.memory_space<vmem>>, vector<1x16xf32>,
      %swap3A_809 = vector.shape_cast %swap3A_808 : vector<1x16xf32> to vector<16xf32>
      %swap3A_810 = vector.shape_cast %get3A_801 : vector<16xf32> to vector<1x16xf32>
      tpu.vector_store %swap3A_805[%swap3A_806, %swap3A_807], %swap3A_810 {strides = array<i32>} : memref<80x128xf32, #tpu.memory_space<vmem>>, vector<1x16xf32>,
      %add3A_811 = arith.constant -40 : i32
      %add3A_812 = arith.addi %add3A_811, %scan3A_737 : i32
      %get3A_813 = arith.index_cast %add3A_812 : i32 to index
      %get3A_814 = arith.constant 80 : index
      %get3A_815 = tpu.vector_load %arg7[%get3A_813, %get3A_814] {strides = array<i32>} : memref<200x128xf32, #tpu.memory_space<vmem>>, vector<1x16xf32>,
      %get3A_816 = vector.shape_cast %get3A_815 : vector<1x16xf32> to vector<16xf32>
      %swap3A_817 = arith.constant 0 : i32
      %swap3A_818 = arith.constant 0 : i32
      %swap3A_819 = tpu.memref_slice %arg8[%scan3A_378, %swap3A_817, %swap3A_818] : memref<5x80x128xf32, #tpu.memory_space<vmem>> -> memref<1x80x128xf32, #tpu.memory_space<vmem>>
      %swap3A_820 = tpu.memref_squeeze %swap3A_819 : memref<1x80x128xf32, #tpu.memory_space<vmem>> -> memref<80x128xf32, #tpu.memory_space<vmem>>
      %swap3A_821 = arith.index_cast %scan3A_737 : i32 to index
      %swap3A_822 = arith.constant 80 : index
      %swap3A_823 = tpu.vector_load %swap3A_820[%swap3A_821, %swap3A_822] {strides = array<i32>} : memref<80x128xf32, #tpu.memory_space<vmem>>, vector<1x16xf32>,
      %swap3A_824 = vector.shape_cast %swap3A_823 : vector<1x16xf32> to vector<16xf32>
      %swap3A_825 = vector.shape_cast %get3A_816 : vector<16xf32> to vector<1x16xf32>
      tpu.vector_store %swap3A_820[%swap3A_821, %swap3A_822], %swap3A_825 {strides = array<i32>} : memref<80x128xf32, #tpu.memory_space<vmem>>, vector<1x16xf32>,
      %add3A_826 = arith.constant -40 : i32
      %add3A_827 = arith.addi %add3A_826, %scan3A_737 : i32
      %get3A_828 = arith.index_cast %add3A_827 : i32 to index
      %get3A_829 = arith.constant 96 : index
      %get3A_830 = tpu.vector_load %arg7[%get3A_828, %get3A_829] {strides = array<i32>} : memref<200x128xf32, #tpu.memory_space<vmem>>, vector<1x16xf32>,
      %get3A_831 = vector.shape_cast %get3A_830 : vector<1x16xf32> to vector<16xf32>
      %swap3A_832 = arith.constant 0 : i32
      %swap3A_833 = arith.constant 0 : i32
      %swap3A_834 = tpu.memref_slice %arg8[%scan3A_378, %swap3A_832, %swap3A_833] : memref<5x80x128xf32, #tpu.memory_space<vmem>> -> memref<1x80x128xf32, #tpu.memory_space<vmem>>
      %swap3A_835 = tpu.memref_squeeze %swap3A_834 : memref<1x80x128xf32, #tpu.memory_space<vmem>> -> memref<80x128xf32, #tpu.memory_space<vmem>>
      %swap3A_836 = arith.index_cast %scan3A_737 : i32 to index
      %swap3A_837 = arith.constant 96 : index
      %swap3A_838 = tpu.vector_load %swap3A_835[%swap3A_836, %swap3A_837] {strides = array<i32>} : memref<80x128xf32, #tpu.memory_space<vmem>>, vector<1x16xf32>,
      %swap3A_839 = vector.shape_cast %swap3A_838 : vector<1x16xf32> to vector<16xf32>
      %swap3A_840 = vector.shape_cast %get3A_831 : vector<16xf32> to vector<1x16xf32>
      tpu.vector_store %swap3A_835[%swap3A_836, %swap3A_837], %swap3A_840 {strides = array<i32>} : memref<80x128xf32, #tpu.memory_space<vmem>>, vector<1x16xf32>,
      %add3A_841 = arith.constant -40 : i32
      %add3A_842 = arith.addi %add3A_841, %scan3A_737 : i32
      %get3A_843 = arith.index_cast %add3A_842 : i32 to index
      %get3A_844 = arith.constant 112 : index
      %get3A_845 = tpu.vector_load %arg7[%get3A_843, %get3A_844] {strides = array<i32>} : memref<200x128xf32, #tpu.memory_space<vmem>>, vector<1x16xf32>,
      %get3A_846 = vector.shape_cast %get3A_845 : vector<1x16xf32> to vector<16xf32>
      %swap3A_847 = arith.constant 0 : i32
      %swap3A_848 = arith.constant 0 : i32
      %swap3A_849 = tpu.memref_slice %arg8[%scan3A_378, %swap3A_847, %swap3A_848] : memref<5x80x128xf32, #tpu.memory_space<vmem>> -> memref<1x80x128xf32, #tpu.memory_space<vmem>>
      %swap3A_850 = tpu.memref_squeeze %swap3A_849 : memref<1x80x128xf32, #tpu.memory_space<vmem>> -> memref<80x128xf32, #tpu.memory_space<vmem>>
      %swap3A_851 = arith.index_cast %scan3A_737 : i32 to index
      %swap3A_852 = arith.constant 112 : index
      %swap3A_853 = tpu.vector_load %swap3A_850[%swap3A_851, %swap3A_852] {strides = array<i32>} : memref<80x128xf32, #tpu.memory_space<vmem>>, vector<1x16xf32>,
      %swap3A_854 = vector.shape_cast %swap3A_853 : vector<1x16xf32> to vector<16xf32>
      %swap3A_855 = vector.shape_cast %get3A_846 : vector<16xf32> to vector<1x16xf32>
      tpu.vector_store %swap3A_850[%swap3A_851, %swap3A_852], %swap3A_855 {strides = array<i32>} : memref<80x128xf32, #tpu.memory_space<vmem>>, vector<1x16xf32>,
    }
    %scan3A_383 = arith.constant 40 : i32
    %dma_start3A_384 = arith.constant 7 : i32
    %dma_start3A_385 = arith.constant 2 : i32
    %dma_start3A_386 = arith.constant 2 : i32
    %dma_start3A_387 = arith.constant 0 : i32
    %dma_start3A_388 = arith.constant 0 : i32
    %dma_start3A_389 = tpu.memref_slice %arg8[%dma_start3A_385, %dma_start3A_387, %dma_start3A_388] : memref<5x80x128xf32, #tpu.memory_space<vmem>> -> memref<1x80x128xf32, #tpu.memory_space<vmem>>
    %dma_start3A_390 = tpu.memref_squeeze %dma_start3A_389 : memref<1x80x128xf32, #tpu.memory_space<vmem>> -> memref<80x128xf32, #tpu.memory_space<vmem>>
    %dma_start3A_391 = arith.constant 0 : i32
    %dma_start3A_392 = tpu.memref_slice %arg6[%dma_start3A_384, %dma_start3A_391] : memref<80x80xi32, #tpu.memory_space<vmem>> -> memref<1x80xi32, #tpu.memory_space<vmem>>
    %dma_start3A_393 = tpu.memref_squeeze %dma_start3A_392 : memref<1x80xi32, #tpu.memory_space<vmem>> -> memref<80xi32, #tpu.memory_space<vmem>>
    %dma_start3A_394 = arith.constant 0 : i32
    %dma_start3A_395 = arith.constant 0 : i32
    %dma_start3A_396 = tpu.memref_slice %arg3[%dma_start3A_394, %dma_start3A_395] : memref<100000x128xf32, #tpu.memory_space<hbm>> -> memref<100000x128xf32, #tpu.memory_space<hbm>>
    %dma_start3A_397 = tpu.memref_slice %arg9[%dma_start3A_386] : memref<5x!tpu.dma_semaphore, #tpu.memory_space<semaphore_mem>> -> memref<1x!tpu.dma_semaphore, #tpu.memory_space<semaphore_mem>>
    %dma_start3A_398 = tpu.memref_squeeze %dma_start3A_397 : memref<1x!tpu.dma_semaphore, #tpu.memory_space<semaphore_mem>> -> memref<!tpu.dma_semaphore, #tpu.memory_space<semaphore_mem>>
    tpu.enqueue_indirect_dma source(%dma_start3A_396 : memref<100000x128xf32, #tpu.memory_space<hbm>>) target(%dma_start3A_390 : memref<80x128xf32, #tpu.memory_space<vmem>>) offsets(%dma_start3A_393 : memref<80xi32, #tpu.memory_space<vmem>>) semaphore(%dma_start3A_398 : memref<!tpu.dma_semaphore, #tpu.memory_space<semaphore_mem>>) {add = true}
    %scan3A_399 = arith.constant 0 : i32
    %scan3A_400 = arith.constant 14 : i32
    %scan3A_401 = arith.addi %scan3A_399, %scan3A_400 : i32
    %scan3A_402 = arith.constant 1 : i32
    scf.for %scan3A_737 = %scan3A_399 to %scan3A_401 step %scan3A_402  : i32 {
      %mul3A_738 = arith.constant 5 : i32
      %mul3A_739 = arith.muli %scan3A_737, %mul3A_738 : i32
      %add3A_740 = arith.constant 5 : i32
      %add3A_741 = arith.addi %add3A_740, %mul3A_739 : i32
      %add3A_742 = arith.constant 0 : i32
      %add3A_743 = arith.addi %add3A_741, %add3A_742 : i32
      %dma_wait3A_744 = arith.constant 0 : i32
      %dma_wait3A_745 = arith.constant 0 : i32
      %dma_wait3A_746 = arith.constant 0 : i32
      %dma_wait3A_747 = arith.constant 0 : i32
      %dma_wait3A_748 = tpu.memref_slice %arg8[%dma_wait3A_744, %dma_wait3A_746, %dma_wait3A_747] : memref<5x80x128xf32, #tpu.memory_space<vmem>> -> memref<1x80x128xf32, #tpu.memory_space<vmem>>
      %dma_wait3A_749 = tpu.memref_squeeze %dma_wait3A_748 : memref<1x80x128xf32, #tpu.memory_space<vmem>> -> memref<80x128xf32, #tpu.memory_space<vmem>>
      %dma_wait3A_750 = arith.constant 0 : i32
      %dma_wait3A_751 = tpu.memref_slice %arg6[%add3A_743, %dma_wait3A_750] : memref<80x80xi32, #tpu.memory_space<vmem>> -> memref<1x80xi32, #tpu.memory_space<vmem>>
      %dma_wait3A_752 = tpu.memref_squeeze %dma_wait3A_751 : memref<1x80xi32, #tpu.memory_space<vmem>> -> memref<80xi32, #tpu.memory_space<vmem>>
      %dma_wait3A_753 = arith.constant 0 : i32
      %dma_wait3A_754 = arith.constant 0 : i32
      %dma_wait3A_755 = tpu.memref_slice %arg3[%dma_wait3A_753, %dma_wait3A_754] : memref<100000x128xf32, #tpu.memory_space<hbm>> -> memref<100000x128xf32, #tpu.memory_space<hbm>>
      %dma_wait3A_756 = tpu.memref_slice %arg9[%dma_wait3A_745] : memref<5x!tpu.dma_semaphore, #tpu.memory_space<semaphore_mem>> -> memref<1x!tpu.dma_semaphore, #tpu.memory_space<semaphore_mem>>
      %dma_wait3A_757 = tpu.memref_squeeze %dma_wait3A_756 : memref<1x!tpu.dma_semaphore, #tpu.memory_space<semaphore_mem>> -> memref<!tpu.dma_semaphore, #tpu.memory_space<semaphore_mem>>
      tpu.wait_indirect_dma semaphore(%dma_wait3A_757 : memref<!tpu.dma_semaphore, #tpu.memory_space<semaphore_mem>>) src(%dma_wait3A_755 : memref<100000x128xf32, #tpu.memory_space<hbm>>) dst(%dma_wait3A_749 : memref<80x128xf32, #tpu.memory_space<vmem>>)
      %mul3A_758 = arith.constant 80 : i32
      %mul3A_759 = arith.muli %add3A_743, %mul3A_758 : i32
      %add3A_760 = arith.addi %mul3A_2, %mul3A_759 : i32
      %dma_start3A_761 = arith.constant 0 : i32
      %dma_start3A_762 = arith.constant 0 : i32
      %dma_start3A_763 = arith.constant 0 : i32
      %dma_start3A_764 = arith.constant 0 : i32
      %dma_start3A_765 = tpu.memref_slice %arg8[%dma_start3A_761, %dma_start3A_763, %dma_start3A_764] : memref<5x80x128xf32, #tpu.memory_space<vmem>> -> memref<1x80x128xf32, #tpu.memory_space<vmem>>
      %dma_start3A_766 = tpu.memref_squeeze %dma_start3A_765 : memref<1x80x128xf32, #tpu.memory_space<vmem>> -> memref<80x128xf32, #tpu.memory_space<vmem>>
      %dma_start3A_767 = arith.constant 0 : i32
      %dma_start3A_768 = tpu.memref_slice %arg5[%add3A_760, %dma_start3A_767] : memref<204800x128xf32, #tpu.memory_space<hbm>> -> memref<80x128xf32, #tpu.memory_space<hbm>>
      %dma_start3A_769 = tpu.memref_slice %arg10[%dma_start3A_762] : memref<5x!tpu.dma_semaphore, #tpu.memory_space<semaphore_mem>> -> memref<1x!tpu.dma_semaphore, #tpu.memory_space<semaphore_mem>>
      %dma_start3A_770 = tpu.memref_squeeze %dma_start3A_769 : memref<1x!tpu.dma_semaphore, #tpu.memory_space<semaphore_mem>> -> memref<!tpu.dma_semaphore, #tpu.memory_space<semaphore_mem>>
      %dma_start3A_771 = arith.constant 0 : i32
      %dma_start3A_772 = tpu.memref_slice %arg5[%add3A_760, %dma_start3A_771] : memref<204800x128xf32, #tpu.memory_space<hbm>> -> memref<80x128xf32, #tpu.memory_space<hbm>>
      %dma_start3A_773 = arith.constant 0 : i32
      %dma_start3A_774 = arith.constant 0 : i32
      %dma_start3A_775 = tpu.memref_slice %arg8[%dma_start3A_761, %dma_start3A_773, %dma_start3A_774] : memref<5x80x128xf32, #tpu.memory_space<vmem>> -> memref<1x80x128xf32, #tpu.memory_space<vmem>>
      %dma_start3A_776 = tpu.memref_squeeze %dma_start3A_775 : memref<1x80x128xf32, #tpu.memory_space<vmem>> -> memref<80x128xf32, #tpu.memory_space<vmem>>
      tpu.enqueue_dma source(%dma_start3A_776 : memref<80x128xf32, #tpu.memory_space<vmem>>) target(%dma_start3A_772 : memref<80x128xf32, #tpu.memory_space<hbm>>) target_semaphore(%dma_start3A_770 : memref<!tpu.dma_semaphore, #tpu.memory_space<semaphore_mem>>)
      %dma_wait3A_777 = arith.constant 3 : i32
      %dma_wait3A_778 = arith.constant 3 : i32
      %dma_wait3A_779 = arith.constant 0 : i32
      %dma_wait3A_780 = arith.constant 0 : i32
      %dma_wait3A_781 = tpu.memref_slice %arg8[%dma_wait3A_777, %dma_wait3A_779, %dma_wait3A_780] : memref<5x80x128xf32, #tpu.memory_space<vmem>> -> memref<1x80x128xf32, #tpu.memory_space<vmem>>
      %dma_wait3A_782 = tpu.memref_squeeze %dma_wait3A_781 : memref<1x80x128xf32, #tpu.memory_space<vmem>> -> memref<80x128xf32, #tpu.memory_space<vmem>>
      %dma_wait3A_783 = arith.constant 0 : i32
      %dma_wait3A_784 = arith.constant 0 : i32
      %dma_wait3A_785 = tpu.memref_slice %arg5[%dma_wait3A_783, %dma_wait3A_784] : memref<204800x128xf32, #tpu.memory_space<hbm>> -> memref<80x128xf32, #tpu.memory_space<hbm>>
      %dma_wait3A_786 = tpu.memref_slice %arg10[%dma_wait3A_778] : memref<5x!tpu.dma_semaphore, #tpu.memory_space<semaphore_mem>> -> memref<1x!tpu.dma_semaphore, #tpu.memory_space<semaphore_mem>>
      %dma_wait3A_787 = tpu.memref_squeeze %dma_wait3A_786 : memref<1x!tpu.dma_semaphore, #tpu.memory_space<semaphore_mem>> -> memref<!tpu.dma_semaphore, #tpu.memory_space<semaphore_mem>>
      %dma_wait3A_788 = arith.constant 0 : i32
      %dma_wait3A_789 = arith.constant 0 : i32
      %dma_wait3A_790 = tpu.memref_slice %arg5[%dma_wait3A_788, %dma_wait3A_789] : memref<204800x128xf32, #tpu.memory_space<hbm>> -> memref<80x128xf32, #tpu.memory_space<hbm>>
      %dma_wait3A_791 = arith.constant 0 : i32
      %dma_wait3A_792 = arith.constant 0 : i32
      %dma_wait3A_793 = tpu.memref_slice %arg8[%dma_wait3A_777, %dma_wait3A_791, %dma_wait3A_792] : memref<5x80x128xf32, #tpu.memory_space<vmem>> -> memref<1x80x128xf32, #tpu.memory_space<vmem>>
      %dma_wait3A_794 = tpu.memref_squeeze %dma_wait3A_793 : memref<1x80x128xf32, #tpu.memory_space<vmem>> -> memref<80x128xf32, #tpu.memory_space<vmem>>
      tpu.wait_dma2 semaphore(%dma_wait3A_787 : memref<!tpu.dma_semaphore, #tpu.memory_space<semaphore_mem>>) src(%dma_wait3A_794 : memref<80x128xf32, #tpu.memory_space<vmem>>) dst(%dma_wait3A_790 : memref<80x128xf32, #tpu.memory_space<hbm>>)
      %add3A_795 = arith.constant 3 : i32
      %add3A_796 = arith.addi %add3A_743, %add3A_795 : i32
      %scan3A_797 = arith.constant 3 : i32
      %scan3A_798 = arith.constant 0 : i32
      %scan3A_799 = arith.constant 80 : i32
      %scan3A_800 = arith.addi %scan3A_798, %scan3A_799 : i32
      %scan3A_801 = arith.constant 1 : i32
      scf.for %scan3A_1139 = %scan3A_798 to %scan3A_800 step %scan3A_801  : i32 {
        %add3A_1140 = arith.constant 40 : i32
        %add3A_1141 = arith.addi %add3A_1140, %scan3A_1139 : i32
        %get3A = arith.index_cast %add3A_1141 : i32 to index
        %get3A_1142 = arith.constant 0 : index
        %get3A_1143 = tpu.vector_load %arg7[%get3A, %get3A_1142] {strides = array<i32>} : memref<200x128xf32, #tpu.memory_space<vmem>>, vector<1x16xf32>,
        %get3A_1144 = vector.shape_cast %get3A_1143 : vector<1x16xf32> to vector<16xf32>
        %swap3A = arith.constant 0 : i32
        %swap3A_1145 = arith.constant 0 : i32
        %swap3A_1146 = tpu.memref_slice %arg8[%scan3A_797, %swap3A, %swap3A_1145] : memref<5x80x128xf32, #tpu.memory_space<vmem>> -> memref<1x80x128xf32, #tpu.memory_space<vmem>>
        %swap3A_1147 = tpu.memref_squeeze %swap3A_1146 : memref<1x80x128xf32, #tpu.memory_space<vmem>> -> memref<80x128xf32, #tpu.memory_space<vmem>>
        %swap3A_1148 = arith.index_cast %scan3A_1139 : i32 to index
        %swap3A_1149 = arith.constant 0 : index
        %swap3A_1150 = tpu.vector_load %swap3A_1147[%swap3A_1148, %swap3A_1149] {strides = array<i32>} : memref<80x128xf32, #tpu.memory_space<vmem>>, vector<1x16xf32>,
        %swap3A_1151 = vector.shape_cast %swap3A_1150 : vector<1x16xf32> to vector<16xf32>
        %swap3A_1152 = vector.shape_cast %get3A_1144 : vector<16xf32> to vector<1x16xf32>
        tpu.vector_store %swap3A_1147[%swap3A_1148, %swap3A_1149], %swap3A_1152 {strides = array<i32>} : memref<80x128xf32, #tpu.memory_space<vmem>>, vector<1x16xf32>,
        %add3A_1153 = arith.constant 40 : i32
        %add3A_1154 = arith.addi %add3A_1153, %scan3A_1139 : i32
        %get3A_1155 = arith.index_cast %add3A_1154 : i32 to index
        %get3A_1156 = arith.constant 16 : index
        %get3A_1157 = tpu.vector_load %arg7[%get3A_1155, %get3A_1156] {strides = array<i32>} : memref<200x128xf32, #tpu.memory_space<vmem>>, vector<1x16xf32>,
        %get3A_1158 = vector.shape_cast %get3A_1157 : vector<1x16xf32> to vector<16xf32>
        %swap3A_1159 = arith.constant 0 : i32
        %swap3A_1160 = arith.constant 0 : i32
        %swap3A_1161 = tpu.memref_slice %arg8[%scan3A_797, %swap3A_1159, %swap3A_1160] : memref<5x80x128xf32, #tpu.memory_space<vmem>> -> memref<1x80x128xf32, #tpu.memory_space<vmem>>
        %swap3A_1162 = tpu.memref_squeeze %swap3A_1161 : memref<1x80x128xf32, #tpu.memory_space<vmem>> -> memref<80x128xf32, #tpu.memory_space<vmem>>
        %swap3A_1163 = arith.index_cast %scan3A_1139 : i32 to index
        %swap3A_1164 = arith.constant 16 : index
        %swap3A_1165 = tpu.vector_load %swap3A_1162[%swap3A_1163, %swap3A_1164] {strides = array<i32>} : memref<80x128xf32, #tpu.memory_space<vmem>>, vector<1x16xf32>,
        %swap3A_1166 = vector.shape_cast %swap3A_1165 : vector<1x16xf32> to vector<16xf32>
        %swap3A_1167 = vector.shape_cast %get3A_1158 : vector<16xf32> to vector<1x16xf32>
        tpu.vector_store %swap3A_1162[%swap3A_1163, %swap3A_1164], %swap3A_1167 {strides = array<i32>} : memref<80x128xf32, #tpu.memory_space<vmem>>, vector<1x16xf32>,
        %add3A_1168 = arith.constant 40 : i32
        %add3A_1169 = arith.addi %add3A_1168, %scan3A_1139 : i32
        %get3A_1170 = arith.index_cast %add3A_1169 : i32 to index
        %get3A_1171 = arith.constant 32 : index
        %get3A_1172 = tpu.vector_load %arg7[%get3A_1170, %get3A_1171] {strides = array<i32>} : memref<200x128xf32, #tpu.memory_space<vmem>>, vector<1x16xf32>,
        %get3A_1173 = vector.shape_cast %get3A_1172 : vector<1x16xf32> to vector<16xf32>
        %swap3A_1174 = arith.constant 0 : i32
        %swap3A_1175 = arith.constant 0 : i32
        %swap3A_1176 = tpu.memref_slice %arg8[%scan3A_797, %swap3A_1174, %swap3A_1175] : memref<5x80x128xf32, #tpu.memory_space<vmem>> -> memref<1x80x128xf32, #tpu.memory_space<vmem>>
        %swap3A_1177 = tpu.memref_squeeze %swap3A_1176 : memref<1x80x128xf32, #tpu.memory_space<vmem>> -> memref<80x128xf32, #tpu.memory_space<vmem>>
        %swap3A_1178 = arith.index_cast %scan3A_1139 : i32 to index
        %swap3A_1179 = arith.constant 32 : index
        %swap3A_1180 = tpu.vector_load %swap3A_1177[%swap3A_1178, %swap3A_1179] {strides = array<i32>} : memref<80x128xf32, #tpu.memory_space<vmem>>, vector<1x16xf32>,
        %swap3A_1181 = vector.shape_cast %swap3A_1180 : vector<1x16xf32> to vector<16xf32>
        %swap3A_1182 = vector.shape_cast %get3A_1173 : vector<16xf32> to vector<1x16xf32>
        tpu.vector_store %swap3A_1177[%swap3A_1178, %swap3A_1179], %swap3A_1182 {strides = array<i32>} : memref<80x128xf32, #tpu.memory_space<vmem>>, vector<1x16xf32>,
        %add3A_1183 = arith.constant 40 : i32
        %add3A_1184 = arith.addi %add3A_1183, %scan3A_1139 : i32
        %get3A_1185 = arith.index_cast %add3A_1184 : i32 to index
        %get3A_1186 = arith.constant 48 : index
        %get3A_1187 = tpu.vector_load %arg7[%get3A_1185, %get3A_1186] {strides = array<i32>} : memref<200x128xf32, #tpu.memory_space<vmem>>, vector<1x16xf32>,
        %get3A_1188 = vector.shape_cast %get3A_1187 : vector<1x16xf32> to vector<16xf32>
        %swap3A_1189 = arith.constant 0 : i32
        %swap3A_1190 = arith.constant 0 : i32
        %swap3A_1191 = tpu.memref_slice %arg8[%scan3A_797, %swap3A_1189, %swap3A_1190] : memref<5x80x128xf32, #tpu.memory_space<vmem>> -> memref<1x80x128xf32, #tpu.memory_space<vmem>>
        %swap3A_1192 = tpu.memref_squeeze %swap3A_1191 : memref<1x80x128xf32, #tpu.memory_space<vmem>> -> memref<80x128xf32, #tpu.memory_space<vmem>>
        %swap3A_1193 = arith.index_cast %scan3A_1139 : i32 to index
        %swap3A_1194 = arith.constant 48 : index
        %swap3A_1195 = tpu.vector_load %swap3A_1192[%swap3A_1193, %swap3A_1194] {strides = array<i32>} : memref<80x128xf32, #tpu.memory_space<vmem>>, vector<1x16xf32>,
        %swap3A_1196 = vector.shape_cast %swap3A_1195 : vector<1x16xf32> to vector<16xf32>
        %swap3A_1197 = vector.shape_cast %get3A_1188 : vector<16xf32> to vector<1x16xf32>
        tpu.vector_store %swap3A_1192[%swap3A_1193, %swap3A_1194], %swap3A_1197 {strides = array<i32>} : memref<80x128xf32, #tpu.memory_space<vmem>>, vector<1x16xf32>,
        %add3A_1198 = arith.constant 40 : i32
        %add3A_1199 = arith.addi %add3A_1198, %scan3A_1139 : i32
        %get3A_1200 = arith.index_cast %add3A_1199 : i32 to index
        %get3A_1201 = arith.constant 64 : index
        %get3A_1202 = tpu.vector_load %arg7[%get3A_1200, %get3A_1201] {strides = array<i32>} : memref<200x128xf32, #tpu.memory_space<vmem>>, vector<1x16xf32>,
        %get3A_1203 = vector.shape_cast %get3A_1202 : vector<1x16xf32> to vector<16xf32>
        %swap3A_1204 = arith.constant 0 : i32
        %swap3A_1205 = arith.constant 0 : i32
        %swap3A_1206 = tpu.memref_slice %arg8[%scan3A_797, %swap3A_1204, %swap3A_1205] : memref<5x80x128xf32, #tpu.memory_space<vmem>> -> memref<1x80x128xf32, #tpu.memory_space<vmem>>
        %swap3A_1207 = tpu.memref_squeeze %swap3A_1206 : memref<1x80x128xf32, #tpu.memory_space<vmem>> -> memref<80x128xf32, #tpu.memory_space<vmem>>
        %swap3A_1208 = arith.index_cast %scan3A_1139 : i32 to index
        %swap3A_1209 = arith.constant 64 : index
        %swap3A_1210 = tpu.vector_load %swap3A_1207[%swap3A_1208, %swap3A_1209] {strides = array<i32>} : memref<80x128xf32, #tpu.memory_space<vmem>>, vector<1x16xf32>,
        %swap3A_1211 = vector.shape_cast %swap3A_1210 : vector<1x16xf32> to vector<16xf32>
        %swap3A_1212 = vector.shape_cast %get3A_1203 : vector<16xf32> to vector<1x16xf32>
        tpu.vector_store %swap3A_1207[%swap3A_1208, %swap3A_1209], %swap3A_1212 {strides = array<i32>} : memref<80x128xf32, #tpu.memory_space<vmem>>, vector<1x16xf32>,
        %add3A_1213 = arith.constant 40 : i32
        %add3A_1214 = arith.addi %add3A_1213, %scan3A_1139 : i32
        %get3A_1215 = arith.index_cast %add3A_1214 : i32 to index
        %get3A_1216 = arith.constant 80 : index
        %get3A_1217 = tpu.vector_load %arg7[%get3A_1215, %get3A_1216] {strides = array<i32>} : memref<200x128xf32, #tpu.memory_space<vmem>>, vector<1x16xf32>,
        %get3A_1218 = vector.shape_cast %get3A_1217 : vector<1x16xf32> to vector<16xf32>
        %swap3A_1219 = arith.constant 0 : i32
        %swap3A_1220 = arith.constant 0 : i32
        %swap3A_1221 = tpu.memref_slice %arg8[%scan3A_797, %swap3A_1219, %swap3A_1220] : memref<5x80x128xf32, #tpu.memory_space<vmem>> -> memref<1x80x128xf32, #tpu.memory_space<vmem>>
        %swap3A_1222 = tpu.memref_squeeze %swap3A_1221 : memref<1x80x128xf32, #tpu.memory_space<vmem>> -> memref<80x128xf32, #tpu.memory_space<vmem>>
        %swap3A_1223 = arith.index_cast %scan3A_1139 : i32 to index
        %swap3A_1224 = arith.constant 80 : index
        %swap3A_1225 = tpu.vector_load %swap3A_1222[%swap3A_1223, %swap3A_1224] {strides = array<i32>} : memref<80x128xf32, #tpu.memory_space<vmem>>, vector<1x16xf32>,
        %swap3A_1226 = vector.shape_cast %swap3A_1225 : vector<1x16xf32> to vector<16xf32>
        %swap3A_1227 = vector.shape_cast %get3A_1218 : vector<16xf32> to vector<1x16xf32>
        tpu.vector_store %swap3A_1222[%swap3A_1223, %swap3A_1224], %swap3A_1227 {strides = array<i32>} : memref<80x128xf32, #tpu.memory_space<vmem>>, vector<1x16xf32>,
        %add3A_1228 = arith.constant 40 : i32
        %add3A_1229 = arith.addi %add3A_1228, %scan3A_1139 : i32
        %get3A_1230 = arith.index_cast %add3A_1229 : i32 to index
        %get3A_1231 = arith.constant 96 : index
        %get3A_1232 = tpu.vector_load %arg7[%get3A_1230, %get3A_1231] {strides = array<i32>} : memref<200x128xf32, #tpu.memory_space<vmem>>, vector<1x16xf32>,
        %get3A_1233 = vector.shape_cast %get3A_1232 : vector<1x16xf32> to vector<16xf32>
        %swap3A_1234 = arith.constant 0 : i32
        %swap3A_1235 = arith.constant 0 : i32
        %swap3A_1236 = tpu.memref_slice %arg8[%scan3A_797, %swap3A_1234, %swap3A_1235] : memref<5x80x128xf32, #tpu.memory_space<vmem>> -> memref<1x80x128xf32, #tpu.memory_space<vmem>>
        %swap3A_1237 = tpu.memref_squeeze %swap3A_1236 : memref<1x80x128xf32, #tpu.memory_space<vmem>> -> memref<80x128xf32, #tpu.memory_space<vmem>>
        %swap3A_1238 = arith.index_cast %scan3A_1139 : i32 to index
        %swap3A_1239 = arith.constant 96 : index
        %swap3A_1240 = tpu.vector_load %swap3A_1237[%swap3A_1238, %swap3A_1239] {strides = array<i32>} : memref<80x128xf32, #tpu.memory_space<vmem>>, vector<1x16xf32>,
        %swap3A_1241 = vector.shape_cast %swap3A_1240 : vector<1x16xf32> to vector<16xf32>
        %swap3A_1242 = vector.shape_cast %get3A_1233 : vector<16xf32> to vector<1x16xf32>
        tpu.vector_store %swap3A_1237[%swap3A_1238, %swap3A_1239], %swap3A_1242 {strides = array<i32>} : memref<80x128xf32, #tpu.memory_space<vmem>>, vector<1x16xf32>,
        %add3A_1243 = arith.constant 40 : i32
        %add3A_1244 = arith.addi %add3A_1243, %scan3A_1139 : i32
        %get3A_1245 = arith.index_cast %add3A_1244 : i32 to index
        %get3A_1246 = arith.constant 112 : index
        %get3A_1247 = tpu.vector_load %arg7[%get3A_1245, %get3A_1246] {strides = array<i32>} : memref<200x128xf32, #tpu.memory_space<vmem>>, vector<1x16xf32>,
        %get3A_1248 = vector.shape_cast %get3A_1247 : vector<1x16xf32> to vector<16xf32>
        %swap3A_1249 = arith.constant 0 : i32
        %swap3A_1250 = arith.constant 0 : i32
        %swap3A_1251 = tpu.memref_slice %arg8[%scan3A_797, %swap3A_1249, %swap3A_1250] : memref<5x80x128xf32, #tpu.memory_space<vmem>> -> memref<1x80x128xf32, #tpu.memory_space<vmem>>
        %swap3A_1252 = tpu.memref_squeeze %swap3A_1251 : memref<1x80x128xf32, #tpu.memory_space<vmem>> -> memref<80x128xf32, #tpu.memory_space<vmem>>
        %swap3A_1253 = arith.index_cast %scan3A_1139 : i32 to index
        %swap3A_1254 = arith.constant 112 : index
        %swap3A_1255 = tpu.vector_load %swap3A_1252[%swap3A_1253, %swap3A_1254] {strides = array<i32>} : memref<80x128xf32, #tpu.memory_space<vmem>>, vector<1x16xf32>,
        %swap3A_1256 = vector.shape_cast %swap3A_1255 : vector<1x16xf32> to vector<16xf32>
        %swap3A_1257 = vector.shape_cast %get3A_1248 : vector<16xf32> to vector<1x16xf32>
        tpu.vector_store %swap3A_1252[%swap3A_1253, %swap3A_1254], %swap3A_1257 {strides = array<i32>} : memref<80x128xf32, #tpu.memory_space<vmem>>, vector<1x16xf32>,
      }
      %scan3A_802 = arith.constant 80 : i32
      %dma_start3A_803 = arith.constant 3 : i32
      %dma_start3A_804 = arith.constant 3 : i32
      %dma_start3A_805 = arith.constant 0 : i32
      %dma_start3A_806 = arith.constant 0 : i32
      %dma_start3A_807 = tpu.memref_slice %arg8[%dma_start3A_803, %dma_start3A_805, %dma_start3A_806] : memref<5x80x128xf32, #tpu.memory_space<vmem>> -> memref<1x80x128xf32, #tpu.memory_space<vmem>>
      %dma_start3A_808 = tpu.memref_squeeze %dma_start3A_807 : memref<1x80x128xf32, #tpu.memory_space<vmem>> -> memref<80x128xf32, #tpu.memory_space<vmem>>
      %dma_start3A_809 = arith.constant 0 : i32
      %dma_start3A_810 = tpu.memref_slice %arg6[%add3A_796, %dma_start3A_809] : memref<80x80xi32, #tpu.memory_space<vmem>> -> memref<1x80xi32, #tpu.memory_space<vmem>>
      %dma_start3A_811 = tpu.memref_squeeze %dma_start3A_810 : memref<1x80xi32, #tpu.memory_space<vmem>> -> memref<80xi32, #tpu.memory_space<vmem>>
      %dma_start3A_812 = arith.constant 0 : i32
      %dma_start3A_813 = arith.constant 0 : i32
      %dma_start3A_814 = tpu.memref_slice %arg3[%dma_start3A_812, %dma_start3A_813] : memref<100000x128xf32, #tpu.memory_space<hbm>> -> memref<100000x128xf32, #tpu.memory_space<hbm>>
      %dma_start3A_815 = tpu.memref_slice %arg9[%dma_start3A_804] : memref<5x!tpu.dma_semaphore, #tpu.memory_space<semaphore_mem>> -> memref<1x!tpu.dma_semaphore, #tpu.memory_space<semaphore_mem>>
      %dma_start3A_816 = tpu.memref_squeeze %dma_start3A_815 : memref<1x!tpu.dma_semaphore, #tpu.memory_space<semaphore_mem>> -> memref<!tpu.dma_semaphore, #tpu.memory_space<semaphore_mem>>
      tpu.enqueue_indirect_dma source(%dma_start3A_814 : memref<100000x128xf32, #tpu.memory_space<hbm>>) target(%dma_start3A_808 : memref<80x128xf32, #tpu.memory_space<vmem>>) offsets(%dma_start3A_811 : memref<80xi32, #tpu.memory_space<vmem>>) semaphore(%dma_start3A_816 : memref<!tpu.dma_semaphore, #tpu.memory_space<semaphore_mem>>) {add = true}
      %mul3A_817 = arith.constant 5 : i32
      %mul3A_818 = arith.muli %scan3A_737, %mul3A_817 : i32
      %add3A_819 = arith.constant 5 : i32
      %add3A_820 = arith.addi %add3A_819, %mul3A_818 : i32
      %add3A_821 = arith.constant 1 : i32
      %add3A_822 = arith.addi %add3A_820, %add3A_821 : i32
      %dma_wait3A_823 = arith.constant 1 : i32
      %dma_wait3A_824 = arith.constant 1 : i32
      %dma_wait3A_825 = arith.constant 0 : i32
      %dma_wait3A_826 = arith.constant 0 : i32
      %dma_wait3A_827 = tpu.memref_slice %arg8[%dma_wait3A_823, %dma_wait3A_825, %dma_wait3A_826] : memref<5x80x128xf32, #tpu.memory_space<vmem>> -> memref<1x80x128xf32, #tpu.memory_space<vmem>>
      %dma_wait3A_828 = tpu.memref_squeeze %dma_wait3A_827 : memref<1x80x128xf32, #tpu.memory_space<vmem>> -> memref<80x128xf32, #tpu.memory_space<vmem>>
      %dma_wait3A_829 = arith.constant 0 : i32
      %dma_wait3A_830 = tpu.memref_slice %arg6[%add3A_822, %dma_wait3A_829] : memref<80x80xi32, #tpu.memory_space<vmem>> -> memref<1x80xi32, #tpu.memory_space<vmem>>
      %dma_wait3A_831 = tpu.memref_squeeze %dma_wait3A_830 : memref<1x80xi32, #tpu.memory_space<vmem>> -> memref<80xi32, #tpu.memory_space<vmem>>
      %dma_wait3A_832 = arith.constant 0 : i32
      %dma_wait3A_833 = arith.constant 0 : i32
      %dma_wait3A_834 = tpu.memref_slice %arg3[%dma_wait3A_832, %dma_wait3A_833] : memref<100000x128xf32, #tpu.memory_space<hbm>> -> memref<100000x128xf32, #tpu.memory_space<hbm>>
      %dma_wait3A_835 = tpu.memref_slice %arg9[%dma_wait3A_824] : memref<5x!tpu.dma_semaphore, #tpu.memory_space<semaphore_mem>> -> memref<1x!tpu.dma_semaphore, #tpu.memory_space<semaphore_mem>>
      %dma_wait3A_836 = tpu.memref_squeeze %dma_wait3A_835 : memref<1x!tpu.dma_semaphore, #tpu.memory_space<semaphore_mem>> -> memref<!tpu.dma_semaphore, #tpu.memory_space<semaphore_mem>>
      tpu.wait_indirect_dma semaphore(%dma_wait3A_836 : memref<!tpu.dma_semaphore, #tpu.memory_space<semaphore_mem>>) src(%dma_wait3A_834 : memref<100000x128xf32, #tpu.memory_space<hbm>>) dst(%dma_wait3A_828 : memref<80x128xf32, #tpu.memory_space<vmem>>)
      %mul3A_837 = arith.constant 80 : i32
      %mul3A_838 = arith.muli %add3A_822, %mul3A_837 : i32
      %add3A_839 = arith.addi %mul3A_2, %mul3A_838 : i32
      %dma_start3A_840 = arith.constant 1 : i32
      %dma_start3A_841 = arith.constant 1 : i32
      %dma_start3A_842 = arith.constant 0 : i32
      %dma_start3A_843 = arith.constant 0 : i32
      %dma_start3A_844 = tpu.memref_slice %arg8[%dma_start3A_840, %dma_start3A_842, %dma_start3A_843] : memref<5x80x128xf32, #tpu.memory_space<vmem>> -> memref<1x80x128xf32, #tpu.memory_space<vmem>>
      %dma_start3A_845 = tpu.memref_squeeze %dma_start3A_844 : memref<1x80x128xf32, #tpu.memory_space<vmem>> -> memref<80x128xf32, #tpu.memory_space<vmem>>
      %dma_start3A_846 = arith.constant 0 : i32
      %dma_start3A_847 = tpu.memref_slice %arg5[%add3A_839, %dma_start3A_846] : memref<204800x128xf32, #tpu.memory_space<hbm>> -> memref<80x128xf32, #tpu.memory_space<hbm>>
      %dma_start3A_848 = tpu.memref_slice %arg10[%dma_start3A_841] : memref<5x!tpu.dma_semaphore, #tpu.memory_space<semaphore_mem>> -> memref<1x!tpu.dma_semaphore, #tpu.memory_space<semaphore_mem>>
      %dma_start3A_849 = tpu.memref_squeeze %dma_start3A_848 : memref<1x!tpu.dma_semaphore, #tpu.memory_space<semaphore_mem>> -> memref<!tpu.dma_semaphore, #tpu.memory_space<semaphore_mem>>
      %dma_start3A_850 = arith.constant 0 : i32
      %dma_start3A_851 = tpu.memref_slice %arg5[%add3A_839, %dma_start3A_850] : memref<204800x128xf32, #tpu.memory_space<hbm>> -> memref<80x128xf32, #tpu.memory_space<hbm>>
      %dma_start3A_852 = arith.constant 0 : i32
      %dma_start3A_853 = arith.constant 0 : i32
      %dma_start3A_854 = tpu.memref_slice %arg8[%dma_start3A_840, %dma_start3A_852, %dma_start3A_853] : memref<5x80x128xf32, #tpu.memory_space<vmem>> -> memref<1x80x128xf32, #tpu.memory_space<vmem>>
      %dma_start3A_855 = tpu.memref_squeeze %dma_start3A_854 : memref<1x80x128xf32, #tpu.memory_space<vmem>> -> memref<80x128xf32, #tpu.memory_space<vmem>>
      tpu.enqueue_dma source(%dma_start3A_855 : memref<80x128xf32, #tpu.memory_space<vmem>>) target(%dma_start3A_851 : memref<80x128xf32, #tpu.memory_space<hbm>>) target_semaphore(%dma_start3A_849 : memref<!tpu.dma_semaphore, #tpu.memory_space<semaphore_mem>>)
      %dma_wait3A_856 = arith.constant 4 : i32
      %dma_wait3A_857 = arith.constant 4 : i32
      %dma_wait3A_858 = arith.constant 0 : i32
      %dma_wait3A_859 = arith.constant 0 : i32
      %dma_wait3A_860 = tpu.memref_slice %arg8[%dma_wait3A_856, %dma_wait3A_858, %dma_wait3A_859] : memref<5x80x128xf32, #tpu.memory_space<vmem>> -> memref<1x80x128xf32, #tpu.memory_space<vmem>>
      %dma_wait3A_861 = tpu.memref_squeeze %dma_wait3A_860 : memref<1x80x128xf32, #tpu.memory_space<vmem>> -> memref<80x128xf32, #tpu.memory_space<vmem>>
      %dma_wait3A_862 = arith.constant 0 : i32
      %dma_wait3A_863 = arith.constant 0 : i32
      %dma_wait3A_864 = tpu.memref_slice %arg5[%dma_wait3A_862, %dma_wait3A_863] : memref<204800x128xf32, #tpu.memory_space<hbm>> -> memref<80x128xf32, #tpu.memory_space<hbm>>
      %dma_wait3A_865 = tpu.memref_slice %arg10[%dma_wait3A_857] : memref<5x!tpu.dma_semaphore, #tpu.memory_space<semaphore_mem>> -> memref<1x!tpu.dma_semaphore, #tpu.memory_space<semaphore_mem>>
      %dma_wait3A_866 = tpu.memref_squeeze %dma_wait3A_865 : memref<1x!tpu.dma_semaphore, #tpu.memory_space<semaphore_mem>> -> memref<!tpu.dma_semaphore, #tpu.memory_space<semaphore_mem>>
      %dma_wait3A_867 = arith.constant 0 : i32
      %dma_wait3A_868 = arith.constant 0 : i32
      %dma_wait3A_869 = tpu.memref_slice %arg5[%dma_wait3A_867, %dma_wait3A_868] : memref<204800x128xf32, #tpu.memory_space<hbm>> -> memref<80x128xf32, #tpu.memory_space<hbm>>
      %dma_wait3A_870 = arith.constant 0 : i32
      %dma_wait3A_871 = arith.constant 0 : i32
      %dma_wait3A_872 = tpu.memref_slice %arg8[%dma_wait3A_856, %dma_wait3A_870, %dma_wait3A_871] : memref<5x80x128xf32, #tpu.memory_space<vmem>> -> memref<1x80x128xf32, #tpu.memory_space<vmem>>
      %dma_wait3A_873 = tpu.memref_squeeze %dma_wait3A_872 : memref<1x80x128xf32, #tpu.memory_space<vmem>> -> memref<80x128xf32, #tpu.memory_space<vmem>>
      tpu.wait_dma2 semaphore(%dma_wait3A_866 : memref<!tpu.dma_semaphore, #tpu.memory_space<semaphore_mem>>) src(%dma_wait3A_873 : memref<80x128xf32, #tpu.memory_space<vmem>>) dst(%dma_wait3A_869 : memref<80x128xf32, #tpu.memory_space<hbm>>)
      %add3A_874 = arith.constant 3 : i32
      %add3A_875 = arith.addi %add3A_822, %add3A_874 : i32
      %scan3A_876 = arith.constant 4 : i32
      %scan3A_877 = arith.constant 0 : i32
      %scan3A_878 = arith.constant 80 : i32
      %scan3A_879 = arith.addi %scan3A_877, %scan3A_878 : i32
      %scan3A_880 = arith.constant 1 : i32
      scf.for %scan3A_1139 = %scan3A_877 to %scan3A_879 step %scan3A_880  : i32 {
        %add3A_1140 = arith.constant 120 : i32
        %add3A_1141 = arith.addi %add3A_1140, %scan3A_1139 : i32
        %get3A = arith.index_cast %add3A_1141 : i32 to index
        %get3A_1142 = arith.constant 0 : index
        %get3A_1143 = tpu.vector_load %arg7[%get3A, %get3A_1142] {strides = array<i32>} : memref<200x128xf32, #tpu.memory_space<vmem>>, vector<1x16xf32>,
        %get3A_1144 = vector.shape_cast %get3A_1143 : vector<1x16xf32> to vector<16xf32>
        %swap3A = arith.constant 0 : i32
        %swap3A_1145 = arith.constant 0 : i32
        %swap3A_1146 = tpu.memref_slice %arg8[%scan3A_876, %swap3A, %swap3A_1145] : memref<5x80x128xf32, #tpu.memory_space<vmem>> -> memref<1x80x128xf32, #tpu.memory_space<vmem>>
        %swap3A_1147 = tpu.memref_squeeze %swap3A_1146 : memref<1x80x128xf32, #tpu.memory_space<vmem>> -> memref<80x128xf32, #tpu.memory_space<vmem>>
        %swap3A_1148 = arith.index_cast %scan3A_1139 : i32 to index
        %swap3A_1149 = arith.constant 0 : index
        %swap3A_1150 = tpu.vector_load %swap3A_1147[%swap3A_1148, %swap3A_1149] {strides = array<i32>} : memref<80x128xf32, #tpu.memory_space<vmem>>, vector<1x16xf32>,
        %swap3A_1151 = vector.shape_cast %swap3A_1150 : vector<1x16xf32> to vector<16xf32>
        %swap3A_1152 = vector.shape_cast %get3A_1144 : vector<16xf32> to vector<1x16xf32>
        tpu.vector_store %swap3A_1147[%swap3A_1148, %swap3A_1149], %swap3A_1152 {strides = array<i32>} : memref<80x128xf32, #tpu.memory_space<vmem>>, vector<1x16xf32>,
        %add3A_1153 = arith.constant 120 : i32
        %add3A_1154 = arith.addi %add3A_1153, %scan3A_1139 : i32
        %get3A_1155 = arith.index_cast %add3A_1154 : i32 to index
        %get3A_1156 = arith.constant 16 : index
        %get3A_1157 = tpu.vector_load %arg7[%get3A_1155, %get3A_1156] {strides = array<i32>} : memref<200x128xf32, #tpu.memory_space<vmem>>, vector<1x16xf32>,
        %get3A_1158 = vector.shape_cast %get3A_1157 : vector<1x16xf32> to vector<16xf32>
        %swap3A_1159 = arith.constant 0 : i32
        %swap3A_1160 = arith.constant 0 : i32
        %swap3A_1161 = tpu.memref_slice %arg8[%scan3A_876, %swap3A_1159, %swap3A_1160] : memref<5x80x128xf32, #tpu.memory_space<vmem>> -> memref<1x80x128xf32, #tpu.memory_space<vmem>>
        %swap3A_1162 = tpu.memref_squeeze %swap3A_1161 : memref<1x80x128xf32, #tpu.memory_space<vmem>> -> memref<80x128xf32, #tpu.memory_space<vmem>>
        %swap3A_1163 = arith.index_cast %scan3A_1139 : i32 to index
        %swap3A_1164 = arith.constant 16 : index
        %swap3A_1165 = tpu.vector_load %swap3A_1162[%swap3A_1163, %swap3A_1164] {strides = array<i32>} : memref<80x128xf32, #tpu.memory_space<vmem>>, vector<1x16xf32>,
        %swap3A_1166 = vector.shape_cast %swap3A_1165 : vector<1x16xf32> to vector<16xf32>
        %swap3A_1167 = vector.shape_cast %get3A_1158 : vector<16xf32> to vector<1x16xf32>
        tpu.vector_store %swap3A_1162[%swap3A_1163, %swap3A_1164], %swap3A_1167 {strides = array<i32>} : memref<80x128xf32, #tpu.memory_space<vmem>>, vector<1x16xf32>,
        %add3A_1168 = arith.constant 120 : i32
        %add3A_1169 = arith.addi %add3A_1168, %scan3A_1139 : i32
        %get3A_1170 = arith.index_cast %add3A_1169 : i32 to index
        %get3A_1171 = arith.constant 32 : index
        %get3A_1172 = tpu.vector_load %arg7[%get3A_1170, %get3A_1171] {strides = array<i32>} : memref<200x128xf32, #tpu.memory_space<vmem>>, vector<1x16xf32>,
        %get3A_1173 = vector.shape_cast %get3A_1172 : vector<1x16xf32> to vector<16xf32>
        %swap3A_1174 = arith.constant 0 : i32
        %swap3A_1175 = arith.constant 0 : i32
        %swap3A_1176 = tpu.memref_slice %arg8[%scan3A_876, %swap3A_1174, %swap3A_1175] : memref<5x80x128xf32, #tpu.memory_space<vmem>> -> memref<1x80x128xf32, #tpu.memory_space<vmem>>
        %swap3A_1177 = tpu.memref_squeeze %swap3A_1176 : memref<1x80x128xf32, #tpu.memory_space<vmem>> -> memref<80x128xf32, #tpu.memory_space<vmem>>
        %swap3A_1178 = arith.index_cast %scan3A_1139 : i32 to index
        %swap3A_1179 = arith.constant 32 : index
        %swap3A_1180 = tpu.vector_load %swap3A_1177[%swap3A_1178, %swap3A_1179] {strides = array<i32>} : memref<80x128xf32, #tpu.memory_space<vmem>>, vector<1x16xf32>,
        %swap3A_1181 = vector.shape_cast %swap3A_1180 : vector<1x16xf32> to vector<16xf32>
        %swap3A_1182 = vector.shape_cast %get3A_1173 : vector<16xf32> to vector<1x16xf32>
        tpu.vector_store %swap3A_1177[%swap3A_1178, %swap3A_1179], %swap3A_1182 {strides = array<i32>} : memref<80x128xf32, #tpu.memory_space<vmem>>, vector<1x16xf32>,
        %add3A_1183 = arith.constant 120 : i32
        %add3A_1184 = arith.addi %add3A_1183, %scan3A_1139 : i32
        %get3A_1185 = arith.index_cast %add3A_1184 : i32 to index
        %get3A_1186 = arith.constant 48 : index
        %get3A_1187 = tpu.vector_load %arg7[%get3A_1185, %get3A_1186] {strides = array<i32>} : memref<200x128xf32, #tpu.memory_space<vmem>>, vector<1x16xf32>,
        %get3A_1188 = vector.shape_cast %get3A_1187 : vector<1x16xf32> to vector<16xf32>
        %swap3A_1189 = arith.constant 0 : i32
        %swap3A_1190 = arith.constant 0 : i32
        %swap3A_1191 = tpu.memref_slice %arg8[%scan3A_876, %swap3A_1189, %swap3A_1190] : memref<5x80x128xf32, #tpu.memory_space<vmem>> -> memref<1x80x128xf32, #tpu.memory_space<vmem>>
        %swap3A_1192 = tpu.memref_squeeze %swap3A_1191 : memref<1x80x128xf32, #tpu.memory_space<vmem>> -> memref<80x128xf32, #tpu.memory_space<vmem>>
        %swap3A_1193 = arith.index_cast %scan3A_1139 : i32 to index
        %swap3A_1194 = arith.constant 48 : index
        %swap3A_1195 = tpu.vector_load %swap3A_1192[%swap3A_1193, %swap3A_1194] {strides = array<i32>} : memref<80x128xf32, #tpu.memory_space<vmem>>, vector<1x16xf32>,
        %swap3A_1196 = vector.shape_cast %swap3A_1195 : vector<1x16xf32> to vector<16xf32>
        %swap3A_1197 = vector.shape_cast %get3A_1188 : vector<16xf32> to vector<1x16xf32>
        tpu.vector_store %swap3A_1192[%swap3A_1193, %swap3A_1194], %swap3A_1197 {strides = array<i32>} : memref<80x128xf32, #tpu.memory_space<vmem>>, vector<1x16xf32>,
        %add3A_1198 = arith.constant 120 : i32
        %add3A_1199 = arith.addi %add3A_1198, %scan3A_1139 : i32
        %get3A_1200 = arith.index_cast %add3A_1199 : i32 to index
        %get3A_1201 = arith.constant 64 : index
        %get3A_1202 = tpu.vector_load %arg7[%get3A_1200, %get3A_1201] {strides = array<i32>} : memref<200x128xf32, #tpu.memory_space<vmem>>, vector<1x16xf32>,
        %get3A_1203 = vector.shape_cast %get3A_1202 : vector<1x16xf32> to vector<16xf32>
        %swap3A_1204 = arith.constant 0 : i32
        %swap3A_1205 = arith.constant 0 : i32
        %swap3A_1206 = tpu.memref_slice %arg8[%scan3A_876, %swap3A_1204, %swap3A_1205] : memref<5x80x128xf32, #tpu.memory_space<vmem>> -> memref<1x80x128xf32, #tpu.memory_space<vmem>>
        %swap3A_1207 = tpu.memref_squeeze %swap3A_1206 : memref<1x80x128xf32, #tpu.memory_space<vmem>> -> memref<80x128xf32, #tpu.memory_space<vmem>>
        %swap3A_1208 = arith.index_cast %scan3A_1139 : i32 to index
        %swap3A_1209 = arith.constant 64 : index
        %swap3A_1210 = tpu.vector_load %swap3A_1207[%swap3A_1208, %swap3A_1209] {strides = array<i32>} : memref<80x128xf32, #tpu.memory_space<vmem>>, vector<1x16xf32>,
        %swap3A_1211 = vector.shape_cast %swap3A_1210 : vector<1x16xf32> to vector<16xf32>
        %swap3A_1212 = vector.shape_cast %get3A_1203 : vector<16xf32> to vector<1x16xf32>
        tpu.vector_store %swap3A_1207[%swap3A_1208, %swap3A_1209], %swap3A_1212 {strides = array<i32>} : memref<80x128xf32, #tpu.memory_space<vmem>>, vector<1x16xf32>,
        %add3A_1213 = arith.constant 120 : i32
        %add3A_1214 = arith.addi %add3A_1213, %scan3A_1139 : i32
        %get3A_1215 = arith.index_cast %add3A_1214 : i32 to index
        %get3A_1216 = arith.constant 80 : index
        %get3A_1217 = tpu.vector_load %arg7[%get3A_1215, %get3A_1216] {strides = array<i32>} : memref<200x128xf32, #tpu.memory_space<vmem>>, vector<1x16xf32>,
        %get3A_1218 = vector.shape_cast %get3A_1217 : vector<1x16xf32> to vector<16xf32>
        %swap3A_1219 = arith.constant 0 : i32
        %swap3A_1220 = arith.constant 0 : i32
        %swap3A_1221 = tpu.memref_slice %arg8[%scan3A_876, %swap3A_1219, %swap3A_1220] : memref<5x80x128xf32, #tpu.memory_space<vmem>> -> memref<1x80x128xf32, #tpu.memory_space<vmem>>
        %swap3A_1222 = tpu.memref_squeeze %swap3A_1221 : memref<1x80x128xf32, #tpu.memory_space<vmem>> -> memref<80x128xf32, #tpu.memory_space<vmem>>
        %swap3A_1223 = arith.index_cast %scan3A_1139 : i32 to index
        %swap3A_1224 = arith.constant 80 : index
        %swap3A_1225 = tpu.vector_load %swap3A_1222[%swap3A_1223, %swap3A_1224] {strides = array<i32>} : memref<80x128xf32, #tpu.memory_space<vmem>>, vector<1x16xf32>,
        %swap3A_1226 = vector.shape_cast %swap3A_1225 : vector<1x16xf32> to vector<16xf32>
        %swap3A_1227 = vector.shape_cast %get3A_1218 : vector<16xf32> to vector<1x16xf32>
        tpu.vector_store %swap3A_1222[%swap3A_1223, %swap3A_1224], %swap3A_1227 {strides = array<i32>} : memref<80x128xf32, #tpu.memory_space<vmem>>, vector<1x16xf32>,
        %add3A_1228 = arith.constant 120 : i32
        %add3A_1229 = arith.addi %add3A_1228, %scan3A_1139 : i32
        %get3A_1230 = arith.index_cast %add3A_1229 : i32 to index
        %get3A_1231 = arith.constant 96 : index
        %get3A_1232 = tpu.vector_load %arg7[%get3A_1230, %get3A_1231] {strides = array<i32>} : memref<200x128xf32, #tpu.memory_space<vmem>>, vector<1x16xf32>,
        %get3A_1233 = vector.shape_cast %get3A_1232 : vector<1x16xf32> to vector<16xf32>
        %swap3A_1234 = arith.constant 0 : i32
        %swap3A_1235 = arith.constant 0 : i32
        %swap3A_1236 = tpu.memref_slice %arg8[%scan3A_876, %swap3A_1234, %swap3A_1235] : memref<5x80x128xf32, #tpu.memory_space<vmem>> -> memref<1x80x128xf32, #tpu.memory_space<vmem>>
        %swap3A_1237 = tpu.memref_squeeze %swap3A_1236 : memref<1x80x128xf32, #tpu.memory_space<vmem>> -> memref<80x128xf32, #tpu.memory_space<vmem>>
        %swap3A_1238 = arith.index_cast %scan3A_1139 : i32 to index
        %swap3A_1239 = arith.constant 96 : index
        %swap3A_1240 = tpu.vector_load %swap3A_1237[%swap3A_1238, %swap3A_1239] {strides = array<i32>} : memref<80x128xf32, #tpu.memory_space<vmem>>, vector<1x16xf32>,
        %swap3A_1241 = vector.shape_cast %swap3A_1240 : vector<1x16xf32> to vector<16xf32>
        %swap3A_1242 = vector.shape_cast %get3A_1233 : vector<16xf32> to vector<1x16xf32>
        tpu.vector_store %swap3A_1237[%swap3A_1238, %swap3A_1239], %swap3A_1242 {strides = array<i32>} : memref<80x128xf32, #tpu.memory_space<vmem>>, vector<1x16xf32>,
        %add3A_1243 = arith.constant 120 : i32
        %add3A_1244 = arith.addi %add3A_1243, %scan3A_1139 : i32
        %get3A_1245 = arith.index_cast %add3A_1244 : i32 to index
        %get3A_1246 = arith.constant 112 : index
        %get3A_1247 = tpu.vector_load %arg7[%get3A_1245, %get3A_1246] {strides = array<i32>} : memref<200x128xf32, #tpu.memory_space<vmem>>, vector<1x16xf32>,
        %get3A_1248 = vector.shape_cast %get3A_1247 : vector<1x16xf32> to vector<16xf32>
        %swap3A_1249 = arith.constant 0 : i32
        %swap3A_1250 = arith.constant 0 : i32
        %swap3A_1251 = tpu.memref_slice %arg8[%scan3A_876, %swap3A_1249, %swap3A_1250] : memref<5x80x128xf32, #tpu.memory_space<vmem>> -> memref<1x80x128xf32, #tpu.memory_space<vmem>>
        %swap3A_1252 = tpu.memref_squeeze %swap3A_1251 : memref<1x80x128xf32, #tpu.memory_space<vmem>> -> memref<80x128xf32, #tpu.memory_space<vmem>>
        %swap3A_1253 = arith.index_cast %scan3A_1139 : i32 to index
        %swap3A_1254 = arith.constant 112 : index
        %swap3A_1255 = tpu.vector_load %swap3A_1252[%swap3A_1253, %swap3A_1254] {strides = array<i32>} : memref<80x128xf32, #tpu.memory_space<vmem>>, vector<1x16xf32>,
        %swap3A_1256 = vector.shape_cast %swap3A_1255 : vector<1x16xf32> to vector<16xf32>
        %swap3A_1257 = vector.shape_cast %get3A_1248 : vector<16xf32> to vector<1x16xf32>
        tpu.vector_store %swap3A_1252[%swap3A_1253, %swap3A_1254], %swap3A_1257 {strides = array<i32>} : memref<80x128xf32, #tpu.memory_space<vmem>>, vector<1x16xf32>,
      }
      %scan3A_881 = arith.constant 80 : i32
      %dma_start3A_882 = arith.constant 4 : i32
      %dma_start3A_883 = arith.constant 4 : i32
      %dma_start3A_884 = arith.constant 0 : i32
      %dma_start3A_885 = arith.constant 0 : i32
      %dma_start3A_886 = tpu.memref_slice %arg8[%dma_start3A_882, %dma_start3A_884, %dma_start3A_885] : memref<5x80x128xf32, #tpu.memory_space<vmem>> -> memref<1x80x128xf32, #tpu.memory_space<vmem>>
      %dma_start3A_887 = tpu.memref_squeeze %dma_start3A_886 : memref<1x80x128xf32, #tpu.memory_space<vmem>> -> memref<80x128xf32, #tpu.memory_space<vmem>>
      %dma_start3A_888 = arith.constant 0 : i32
      %dma_start3A_889 = tpu.memref_slice %arg6[%add3A_875, %dma_start3A_888] : memref<80x80xi32, #tpu.memory_space<vmem>> -> memref<1x80xi32, #tpu.memory_space<vmem>>
      %dma_start3A_890 = tpu.memref_squeeze %dma_start3A_889 : memref<1x80xi32, #tpu.memory_space<vmem>> -> memref<80xi32, #tpu.memory_space<vmem>>
      %dma_start3A_891 = arith.constant 0 : i32
      %dma_start3A_892 = arith.constant 0 : i32
      %dma_start3A_893 = tpu.memref_slice %arg3[%dma_start3A_891, %dma_start3A_892] : memref<100000x128xf32, #tpu.memory_space<hbm>> -> memref<100000x128xf32, #tpu.memory_space<hbm>>
      %dma_start3A_894 = tpu.memref_slice %arg9[%dma_start3A_883] : memref<5x!tpu.dma_semaphore, #tpu.memory_space<semaphore_mem>> -> memref<1x!tpu.dma_semaphore, #tpu.memory_space<semaphore_mem>>
      %dma_start3A_895 = tpu.memref_squeeze %dma_start3A_894 : memref<1x!tpu.dma_semaphore, #tpu.memory_space<semaphore_mem>> -> memref<!tpu.dma_semaphore, #tpu.memory_space<semaphore_mem>>
      tpu.enqueue_indirect_dma source(%dma_start3A_893 : memref<100000x128xf32, #tpu.memory_space<hbm>>) target(%dma_start3A_887 : memref<80x128xf32, #tpu.memory_space<vmem>>) offsets(%dma_start3A_890 : memref<80xi32, #tpu.memory_space<vmem>>) semaphore(%dma_start3A_895 : memref<!tpu.dma_semaphore, #tpu.memory_space<semaphore_mem>>) {add = true}
      %mul3A_896 = arith.constant 5 : i32
      %mul3A_897 = arith.muli %scan3A_737, %mul3A_896 : i32
      %add3A_898 = arith.constant 5 : i32
      %add3A_899 = arith.addi %add3A_898, %mul3A_897 : i32
      %add3A_900 = arith.constant 2 : i32
      %add3A_901 = arith.addi %add3A_899, %add3A_900 : i32
      %dma_wait3A_902 = arith.constant 2 : i32
      %dma_wait3A_903 = arith.constant 2 : i32
      %dma_wait3A_904 = arith.constant 0 : i32
      %dma_wait3A_905 = arith.constant 0 : i32
      %dma_wait3A_906 = tpu.memref_slice %arg8[%dma_wait3A_902, %dma_wait3A_904, %dma_wait3A_905] : memref<5x80x128xf32, #tpu.memory_space<vmem>> -> memref<1x80x128xf32, #tpu.memory_space<vmem>>
      %dma_wait3A_907 = tpu.memref_squeeze %dma_wait3A_906 : memref<1x80x128xf32, #tpu.memory_space<vmem>> -> memref<80x128xf32, #tpu.memory_space<vmem>>
      %dma_wait3A_908 = arith.constant 0 : i32
      %dma_wait3A_909 = tpu.memref_slice %arg6[%add3A_901, %dma_wait3A_908] : memref<80x80xi32, #tpu.memory_space<vmem>> -> memref<1x80xi32, #tpu.memory_space<vmem>>
      %dma_wait3A_910 = tpu.memref_squeeze %dma_wait3A_909 : memref<1x80xi32, #tpu.memory_space<vmem>> -> memref<80xi32, #tpu.memory_space<vmem>>
      %dma_wait3A_911 = arith.constant 0 : i32
      %dma_wait3A_912 = arith.constant 0 : i32
      %dma_wait3A_913 = tpu.memref_slice %arg3[%dma_wait3A_911, %dma_wait3A_912] : memref<100000x128xf32, #tpu.memory_space<hbm>> -> memref<100000x128xf32, #tpu.memory_space<hbm>>
      %dma_wait3A_914 = tpu.memref_slice %arg9[%dma_wait3A_903] : memref<5x!tpu.dma_semaphore, #tpu.memory_space<semaphore_mem>> -> memref<1x!tpu.dma_semaphore, #tpu.memory_space<semaphore_mem>>
      %dma_wait3A_915 = tpu.memref_squeeze %dma_wait3A_914 : memref<1x!tpu.dma_semaphore, #tpu.memory_space<semaphore_mem>> -> memref<!tpu.dma_semaphore, #tpu.memory_space<semaphore_mem>>
      tpu.wait_indirect_dma semaphore(%dma_wait3A_915 : memref<!tpu.dma_semaphore, #tpu.memory_space<semaphore_mem>>) src(%dma_wait3A_913 : memref<100000x128xf32, #tpu.memory_space<hbm>>) dst(%dma_wait3A_907 : memref<80x128xf32, #tpu.memory_space<vmem>>)
      %mul3A_916 = arith.constant 80 : i32
      %mul3A_917 = arith.muli %add3A_901, %mul3A_916 : i32
      %add3A_918 = arith.addi %mul3A_2, %mul3A_917 : i32
      %dma_start3A_919 = arith.constant 2 : i32
      %dma_start3A_920 = arith.constant 2 : i32
      %dma_start3A_921 = arith.constant 0 : i32
      %dma_start3A_922 = arith.constant 0 : i32
      %dma_start3A_923 = tpu.memref_slice %arg8[%dma_start3A_919, %dma_start3A_921, %dma_start3A_922] : memref<5x80x128xf32, #tpu.memory_space<vmem>> -> memref<1x80x128xf32, #tpu.memory_space<vmem>>
      %dma_start3A_924 = tpu.memref_squeeze %dma_start3A_923 : memref<1x80x128xf32, #tpu.memory_space<vmem>> -> memref<80x128xf32, #tpu.memory_space<vmem>>
      %dma_start3A_925 = arith.constant 0 : i32
      %dma_start3A_926 = tpu.memref_slice %arg5[%add3A_918, %dma_start3A_925] : memref<204800x128xf32, #tpu.memory_space<hbm>> -> memref<80x128xf32, #tpu.memory_space<hbm>>
      %dma_start3A_927 = tpu.memref_slice %arg10[%dma_start3A_920] : memref<5x!tpu.dma_semaphore, #tpu.memory_space<semaphore_mem>> -> memref<1x!tpu.dma_semaphore, #tpu.memory_space<semaphore_mem>>
      %dma_start3A_928 = tpu.memref_squeeze %dma_start3A_927 : memref<1x!tpu.dma_semaphore, #tpu.memory_space<semaphore_mem>> -> memref<!tpu.dma_semaphore, #tpu.memory_space<semaphore_mem>>
      %dma_start3A_929 = arith.constant 0 : i32
      %dma_start3A_930 = tpu.memref_slice %arg5[%add3A_918, %dma_start3A_929] : memref<204800x128xf32, #tpu.memory_space<hbm>> -> memref<80x128xf32, #tpu.memory_space<hbm>>
      %dma_start3A_931 = arith.constant 0 : i32
      %dma_start3A_932 = arith.constant 0 : i32
      %dma_start3A_933 = tpu.memref_slice %arg8[%dma_start3A_919, %dma_start3A_931, %dma_start3A_932] : memref<5x80x128xf32, #tpu.memory_space<vmem>> -> memref<1x80x128xf32, #tpu.memory_space<vmem>>
      %dma_start3A_934 = tpu.memref_squeeze %dma_start3A_933 : memref<1x80x128xf32, #tpu.memory_space<vmem>> -> memref<80x128xf32, #tpu.memory_space<vmem>>
      tpu.enqueue_dma source(%dma_start3A_934 : memref<80x128xf32, #tpu.memory_space<vmem>>) target(%dma_start3A_930 : memref<80x128xf32, #tpu.memory_space<hbm>>) target_semaphore(%dma_start3A_928 : memref<!tpu.dma_semaphore, #tpu.memory_space<semaphore_mem>>)
      %dma_wait3A_935 = arith.constant 0 : i32
      %dma_wait3A_936 = arith.constant 0 : i32
      %dma_wait3A_937 = arith.constant 0 : i32
      %dma_wait3A_938 = arith.constant 0 : i32
      %dma_wait3A_939 = tpu.memref_slice %arg8[%dma_wait3A_935, %dma_wait3A_937, %dma_wait3A_938] : memref<5x80x128xf32, #tpu.memory_space<vmem>> -> memref<1x80x128xf32, #tpu.memory_space<vmem>>
      %dma_wait3A_940 = tpu.memref_squeeze %dma_wait3A_939 : memref<1x80x128xf32, #tpu.memory_space<vmem>> -> memref<80x128xf32, #tpu.memory_space<vmem>>
      %dma_wait3A_941 = arith.constant 0 : i32
      %dma_wait3A_942 = arith.constant 0 : i32
      %dma_wait3A_943 = tpu.memref_slice %arg5[%dma_wait3A_941, %dma_wait3A_942] : memref<204800x128xf32, #tpu.memory_space<hbm>> -> memref<80x128xf32, #tpu.memory_space<hbm>>
      %dma_wait3A_944 = tpu.memref_slice %arg10[%dma_wait3A_936] : memref<5x!tpu.dma_semaphore, #tpu.memory_space<semaphore_mem>> -> memref<1x!tpu.dma_semaphore, #tpu.memory_space<semaphore_mem>>
      %dma_wait3A_945 = tpu.memref_squeeze %dma_wait3A_944 : memref<1x!tpu.dma_semaphore, #tpu.memory_space<semaphore_mem>> -> memref<!tpu.dma_semaphore, #tpu.memory_space<semaphore_mem>>
      %dma_wait3A_946 = arith.constant 0 : i32
      %dma_wait3A_947 = arith.constant 0 : i32
      %dma_wait3A_948 = tpu.memref_slice %arg5[%dma_wait3A_946, %dma_wait3A_947] : memref<204800x128xf32, #tpu.memory_space<hbm>> -> memref<80x128xf32, #tpu.memory_space<hbm>>
      %dma_wait3A_949 = arith.constant 0 : i32
      %dma_wait3A_950 = arith.constant 0 : i32
      %dma_wait3A_951 = tpu.memref_slice %arg8[%dma_wait3A_935, %dma_wait3A_949, %dma_wait3A_950] : memref<5x80x128xf32, #tpu.memory_space<vmem>> -> memref<1x80x128xf32, #tpu.memory_space<vmem>>
      %dma_wait3A_952 = tpu.memref_squeeze %dma_wait3A_951 : memref<1x80x128xf32, #tpu.memory_space<vmem>> -> memref<80x128xf32, #tpu.memory_space<vmem>>
      tpu.wait_dma2 semaphore(%dma_wait3A_945 : memref<!tpu.dma_semaphore, #tpu.memory_space<semaphore_mem>>) src(%dma_wait3A_952 : memref<80x128xf32, #tpu.memory_space<vmem>>) dst(%dma_wait3A_948 : memref<80x128xf32, #tpu.memory_space<hbm>>)
      %add3A_953 = arith.constant 3 : i32
      %add3A_954 = arith.addi %add3A_901, %add3A_953 : i32
      %scan3A_955 = arith.constant 0 : i32
      %scan3A_956 = arith.constant 0 : i32
      %scan3A_957 = arith.constant 80 : i32
      %scan3A_958 = arith.addi %scan3A_956, %scan3A_957 : i32
      %scan3A_959 = arith.constant 1 : i32
      scf.for %scan3A_1139 = %scan3A_956 to %scan3A_958 step %scan3A_959  : i32 {
        %add3A_1140 = arith.constant 0 : i32
        %add3A_1141 = arith.addi %add3A_1140, %scan3A_1139 : i32
        %get3A = arith.index_cast %add3A_1141 : i32 to index
        %get3A_1142 = arith.constant 0 : index
        %get3A_1143 = tpu.vector_load %arg7[%get3A, %get3A_1142] {strides = array<i32>} : memref<200x128xf32, #tpu.memory_space<vmem>>, vector<1x16xf32>,
        %get3A_1144 = vector.shape_cast %get3A_1143 : vector<1x16xf32> to vector<16xf32>
        %swap3A = arith.constant 0 : i32
        %swap3A_1145 = arith.constant 0 : i32
        %swap3A_1146 = tpu.memref_slice %arg8[%scan3A_955, %swap3A, %swap3A_1145] : memref<5x80x128xf32, #tpu.memory_space<vmem>> -> memref<1x80x128xf32, #tpu.memory_space<vmem>>
        %swap3A_1147 = tpu.memref_squeeze %swap3A_1146 : memref<1x80x128xf32, #tpu.memory_space<vmem>> -> memref<80x128xf32, #tpu.memory_space<vmem>>
        %swap3A_1148 = arith.index_cast %scan3A_1139 : i32 to index
        %swap3A_1149 = arith.constant 0 : index
        %swap3A_1150 = tpu.vector_load %swap3A_1147[%swap3A_1148, %swap3A_1149] {strides = array<i32>} : memref<80x128xf32, #tpu.memory_space<vmem>>, vector<1x16xf32>,
        %swap3A_1151 = vector.shape_cast %swap3A_1150 : vector<1x16xf32> to vector<16xf32>
        %swap3A_1152 = vector.shape_cast %get3A_1144 : vector<16xf32> to vector<1x16xf32>
        tpu.vector_store %swap3A_1147[%swap3A_1148, %swap3A_1149], %swap3A_1152 {strides = array<i32>} : memref<80x128xf32, #tpu.memory_space<vmem>>, vector<1x16xf32>,
        %add3A_1153 = arith.constant 0 : i32
        %add3A_1154 = arith.addi %add3A_1153, %scan3A_1139 : i32
        %get3A_1155 = arith.index_cast %add3A_1154 : i32 to index
        %get3A_1156 = arith.constant 16 : index
        %get3A_1157 = tpu.vector_load %arg7[%get3A_1155, %get3A_1156] {strides = array<i32>} : memref<200x128xf32, #tpu.memory_space<vmem>>, vector<1x16xf32>,
        %get3A_1158 = vector.shape_cast %get3A_1157 : vector<1x16xf32> to vector<16xf32>
        %swap3A_1159 = arith.constant 0 : i32
        %swap3A_1160 = arith.constant 0 : i32
        %swap3A_1161 = tpu.memref_slice %arg8[%scan3A_955, %swap3A_1159, %swap3A_1160] : memref<5x80x128xf32, #tpu.memory_space<vmem>> -> memref<1x80x128xf32, #tpu.memory_space<vmem>>
        %swap3A_1162 = tpu.memref_squeeze %swap3A_1161 : memref<1x80x128xf32, #tpu.memory_space<vmem>> -> memref<80x128xf32, #tpu.memory_space<vmem>>
        %swap3A_1163 = arith.index_cast %scan3A_1139 : i32 to index
        %swap3A_1164 = arith.constant 16 : index
        %swap3A_1165 = tpu.vector_load %swap3A_1162[%swap3A_1163, %swap3A_1164] {strides = array<i32>} : memref<80x128xf32, #tpu.memory_space<vmem>>, vector<1x16xf32>,
        %swap3A_1166 = vector.shape_cast %swap3A_1165 : vector<1x16xf32> to vector<16xf32>
        %swap3A_1167 = vector.shape_cast %get3A_1158 : vector<16xf32> to vector<1x16xf32>
        tpu.vector_store %swap3A_1162[%swap3A_1163, %swap3A_1164], %swap3A_1167 {strides = array<i32>} : memref<80x128xf32, #tpu.memory_space<vmem>>, vector<1x16xf32>,
        %add3A_1168 = arith.constant 0 : i32
        %add3A_1169 = arith.addi %add3A_1168, %scan3A_1139 : i32
        %get3A_1170 = arith.index_cast %add3A_1169 : i32 to index
        %get3A_1171 = arith.constant 32 : index
        %get3A_1172 = tpu.vector_load %arg7[%get3A_1170, %get3A_1171] {strides = array<i32>} : memref<200x128xf32, #tpu.memory_space<vmem>>, vector<1x16xf32>,
        %get3A_1173 = vector.shape_cast %get3A_1172 : vector<1x16xf32> to vector<16xf32>
        %swap3A_1174 = arith.constant 0 : i32
        %swap3A_1175 = arith.constant 0 : i32
        %swap3A_1176 = tpu.memref_slice %arg8[%scan3A_955, %swap3A_1174, %swap3A_1175] : memref<5x80x128xf32, #tpu.memory_space<vmem>> -> memref<1x80x128xf32, #tpu.memory_space<vmem>>
        %swap3A_1177 = tpu.memref_squeeze %swap3A_1176 : memref<1x80x128xf32, #tpu.memory_space<vmem>> -> memref<80x128xf32, #tpu.memory_space<vmem>>
        %swap3A_1178 = arith.index_cast %scan3A_1139 : i32 to index
        %swap3A_1179 = arith.constant 32 : index
        %swap3A_1180 = tpu.vector_load %swap3A_1177[%swap3A_1178, %swap3A_1179] {strides = array<i32>} : memref<80x128xf32, #tpu.memory_space<vmem>>, vector<1x16xf32>,
        %swap3A_1181 = vector.shape_cast %swap3A_1180 : vector<1x16xf32> to vector<16xf32>
        %swap3A_1182 = vector.shape_cast %get3A_1173 : vector<16xf32> to vector<1x16xf32>
        tpu.vector_store %swap3A_1177[%swap3A_1178, %swap3A_1179], %swap3A_1182 {strides = array<i32>} : memref<80x128xf32, #tpu.memory_space<vmem>>, vector<1x16xf32>,
        %add3A_1183 = arith.constant 0 : i32
        %add3A_1184 = arith.addi %add3A_1183, %scan3A_1139 : i32
        %get3A_1185 = arith.index_cast %add3A_1184 : i32 to index
        %get3A_1186 = arith.constant 48 : index
        %get3A_1187 = tpu.vector_load %arg7[%get3A_1185, %get3A_1186] {strides = array<i32>} : memref<200x128xf32, #tpu.memory_space<vmem>>, vector<1x16xf32>,
        %get3A_1188 = vector.shape_cast %get3A_1187 : vector<1x16xf32> to vector<16xf32>
        %swap3A_1189 = arith.constant 0 : i32
        %swap3A_1190 = arith.constant 0 : i32
        %swap3A_1191 = tpu.memref_slice %arg8[%scan3A_955, %swap3A_1189, %swap3A_1190] : memref<5x80x128xf32, #tpu.memory_space<vmem>> -> memref<1x80x128xf32, #tpu.memory_space<vmem>>
        %swap3A_1192 = tpu.memref_squeeze %swap3A_1191 : memref<1x80x128xf32, #tpu.memory_space<vmem>> -> memref<80x128xf32, #tpu.memory_space<vmem>>
        %swap3A_1193 = arith.index_cast %scan3A_1139 : i32 to index
        %swap3A_1194 = arith.constant 48 : index
        %swap3A_1195 = tpu.vector_load %swap3A_1192[%swap3A_1193, %swap3A_1194] {strides = array<i32>} : memref<80x128xf32, #tpu.memory_space<vmem>>, vector<1x16xf32>,
        %swap3A_1196 = vector.shape_cast %swap3A_1195 : vector<1x16xf32> to vector<16xf32>
        %swap3A_1197 = vector.shape_cast %get3A_1188 : vector<16xf32> to vector<1x16xf32>
        tpu.vector_store %swap3A_1192[%swap3A_1193, %swap3A_1194], %swap3A_1197 {strides = array<i32>} : memref<80x128xf32, #tpu.memory_space<vmem>>, vector<1x16xf32>,
        %add3A_1198 = arith.constant 0 : i32
        %add3A_1199 = arith.addi %add3A_1198, %scan3A_1139 : i32
        %get3A_1200 = arith.index_cast %add3A_1199 : i32 to index
        %get3A_1201 = arith.constant 64 : index
        %get3A_1202 = tpu.vector_load %arg7[%get3A_1200, %get3A_1201] {strides = array<i32>} : memref<200x128xf32, #tpu.memory_space<vmem>>, vector<1x16xf32>,
        %get3A_1203 = vector.shape_cast %get3A_1202 : vector<1x16xf32> to vector<16xf32>
        %swap3A_1204 = arith.constant 0 : i32
        %swap3A_1205 = arith.constant 0 : i32
        %swap3A_1206 = tpu.memref_slice %arg8[%scan3A_955, %swap3A_1204, %swap3A_1205] : memref<5x80x128xf32, #tpu.memory_space<vmem>> -> memref<1x80x128xf32, #tpu.memory_space<vmem>>
        %swap3A_1207 = tpu.memref_squeeze %swap3A_1206 : memref<1x80x128xf32, #tpu.memory_space<vmem>> -> memref<80x128xf32, #tpu.memory_space<vmem>>
        %swap3A_1208 = arith.index_cast %scan3A_1139 : i32 to index
        %swap3A_1209 = arith.constant 64 : index
        %swap3A_1210 = tpu.vector_load %swap3A_1207[%swap3A_1208, %swap3A_1209] {strides = array<i32>} : memref<80x128xf32, #tpu.memory_space<vmem>>, vector<1x16xf32>,
        %swap3A_1211 = vector.shape_cast %swap3A_1210 : vector<1x16xf32> to vector<16xf32>
        %swap3A_1212 = vector.shape_cast %get3A_1203 : vector<16xf32> to vector<1x16xf32>
        tpu.vector_store %swap3A_1207[%swap3A_1208, %swap3A_1209], %swap3A_1212 {strides = array<i32>} : memref<80x128xf32, #tpu.memory_space<vmem>>, vector<1x16xf32>,
        %add3A_1213 = arith.constant 0 : i32
        %add3A_1214 = arith.addi %add3A_1213, %scan3A_1139 : i32
        %get3A_1215 = arith.index_cast %add3A_1214 : i32 to index
        %get3A_1216 = arith.constant 80 : index
        %get3A_1217 = tpu.vector_load %arg7[%get3A_1215, %get3A_1216] {strides = array<i32>} : memref<200x128xf32, #tpu.memory_space<vmem>>, vector<1x16xf32>,
        %get3A_1218 = vector.shape_cast %get3A_1217 : vector<1x16xf32> to vector<16xf32>
        %swap3A_1219 = arith.constant 0 : i32
        %swap3A_1220 = arith.constant 0 : i32
        %swap3A_1221 = tpu.memref_slice %arg8[%scan3A_955, %swap3A_1219, %swap3A_1220] : memref<5x80x128xf32, #tpu.memory_space<vmem>> -> memref<1x80x128xf32, #tpu.memory_space<vmem>>
        %swap3A_1222 = tpu.memref_squeeze %swap3A_1221 : memref<1x80x128xf32, #tpu.memory_space<vmem>> -> memref<80x128xf32, #tpu.memory_space<vmem>>
        %swap3A_1223 = arith.index_cast %scan3A_1139 : i32 to index
        %swap3A_1224 = arith.constant 80 : index
        %swap3A_1225 = tpu.vector_load %swap3A_1222[%swap3A_1223, %swap3A_1224] {strides = array<i32>} : memref<80x128xf32, #tpu.memory_space<vmem>>, vector<1x16xf32>,
        %swap3A_1226 = vector.shape_cast %swap3A_1225 : vector<1x16xf32> to vector<16xf32>
        %swap3A_1227 = vector.shape_cast %get3A_1218 : vector<16xf32> to vector<1x16xf32>
        tpu.vector_store %swap3A_1222[%swap3A_1223, %swap3A_1224], %swap3A_1227 {strides = array<i32>} : memref<80x128xf32, #tpu.memory_space<vmem>>, vector<1x16xf32>,
        %add3A_1228 = arith.constant 0 : i32
        %add3A_1229 = arith.addi %add3A_1228, %scan3A_1139 : i32
        %get3A_1230 = arith.index_cast %add3A_1229 : i32 to index
        %get3A_1231 = arith.constant 96 : index
        %get3A_1232 = tpu.vector_load %arg7[%get3A_1230, %get3A_1231] {strides = array<i32>} : memref<200x128xf32, #tpu.memory_space<vmem>>, vector<1x16xf32>,
        %get3A_1233 = vector.shape_cast %get3A_1232 : vector<1x16xf32> to vector<16xf32>
        %swap3A_1234 = arith.constant 0 : i32
        %swap3A_1235 = arith.constant 0 : i32
        %swap3A_1236 = tpu.memref_slice %arg8[%scan3A_955, %swap3A_1234, %swap3A_1235] : memref<5x80x128xf32, #tpu.memory_space<vmem>> -> memref<1x80x128xf32, #tpu.memory_space<vmem>>
        %swap3A_1237 = tpu.memref_squeeze %swap3A_1236 : memref<1x80x128xf32, #tpu.memory_space<vmem>> -> memref<80x128xf32, #tpu.memory_space<vmem>>
        %swap3A_1238 = arith.index_cast %scan3A_1139 : i32 to index
        %swap3A_1239 = arith.constant 96 : index
        %swap3A_1240 = tpu.vector_load %swap3A_1237[%swap3A_1238, %swap3A_1239] {strides = array<i32>} : memref<80x128xf32, #tpu.memory_space<vmem>>, vector<1x16xf32>,
        %swap3A_1241 = vector.shape_cast %swap3A_1240 : vector<1x16xf32> to vector<16xf32>
        %swap3A_1242 = vector.shape_cast %get3A_1233 : vector<16xf32> to vector<1x16xf32>
        tpu.vector_store %swap3A_1237[%swap3A_1238, %swap3A_1239], %swap3A_1242 {strides = array<i32>} : memref<80x128xf32, #tpu.memory_space<vmem>>, vector<1x16xf32>,
        %add3A_1243 = arith.constant 0 : i32
        %add3A_1244 = arith.addi %add3A_1243, %scan3A_1139 : i32
        %get3A_1245 = arith.index_cast %add3A_1244 : i32 to index
        %get3A_1246 = arith.constant 112 : index
        %get3A_1247 = tpu.vector_load %arg7[%get3A_1245, %get3A_1246] {strides = array<i32>} : memref<200x128xf32, #tpu.memory_space<vmem>>, vector<1x16xf32>,
        %get3A_1248 = vector.shape_cast %get3A_1247 : vector<1x16xf32> to vector<16xf32>
        %swap3A_1249 = arith.constant 0 : i32
        %swap3A_1250 = arith.constant 0 : i32
        %swap3A_1251 = tpu.memref_slice %arg8[%scan3A_955, %swap3A_1249, %swap3A_1250] : memref<5x80x128xf32, #tpu.memory_space<vmem>> -> memref<1x80x128xf32, #tpu.memory_space<vmem>>
        %swap3A_1252 = tpu.memref_squeeze %swap3A_1251 : memref<1x80x128xf32, #tpu.memory_space<vmem>> -> memref<80x128xf32, #tpu.memory_space<vmem>>
        %swap3A_1253 = arith.index_cast %scan3A_1139 : i32 to index
        %swap3A_1254 = arith.constant 112 : index
        %swap3A_1255 = tpu.vector_load %swap3A_1252[%swap3A_1253, %swap3A_1254] {strides = array<i32>} : memref<80x128xf32, #tpu.memory_space<vmem>>, vector<1x16xf32>,
        %swap3A_1256 = vector.shape_cast %swap3A_1255 : vector<1x16xf32> to vector<16xf32>
        %swap3A_1257 = vector.shape_cast %get3A_1248 : vector<16xf32> to vector<1x16xf32>
        tpu.vector_store %swap3A_1252[%swap3A_1253, %swap3A_1254], %swap3A_1257 {strides = array<i32>} : memref<80x128xf32, #tpu.memory_space<vmem>>, vector<1x16xf32>,
      }
      %scan3A_960 = arith.constant 80 : i32
      %dma_start3A_961 = arith.constant 0 : i32
      %dma_start3A_962 = arith.constant 0 : i32
      %dma_start3A_963 = arith.constant 0 : i32
      %dma_start3A_964 = arith.constant 0 : i32
      %dma_start3A_965 = tpu.memref_slice %arg8[%dma_start3A_961, %dma_start3A_963, %dma_start3A_964] : memref<5x80x128xf32, #tpu.memory_space<vmem>> -> memref<1x80x128xf32, #tpu.memory_space<vmem>>
      %dma_start3A_966 = tpu.memref_squeeze %dma_start3A_965 : memref<1x80x128xf32, #tpu.memory_space<vmem>> -> memref<80x128xf32, #tpu.memory_space<vmem>>
      %dma_start3A_967 = arith.constant 0 : i32
      %dma_start3A_968 = tpu.memref_slice %arg6[%add3A_954, %dma_start3A_967] : memref<80x80xi32, #tpu.memory_space<vmem>> -> memref<1x80xi32, #tpu.memory_space<vmem>>
      %dma_start3A_969 = tpu.memref_squeeze %dma_start3A_968 : memref<1x80xi32, #tpu.memory_space<vmem>> -> memref<80xi32, #tpu.memory_space<vmem>>
      %dma_start3A_970 = arith.constant 0 : i32
      %dma_start3A_971 = arith.constant 0 : i32
      %dma_start3A_972 = tpu.memref_slice %arg3[%dma_start3A_970, %dma_start3A_971] : memref<100000x128xf32, #tpu.memory_space<hbm>> -> memref<100000x128xf32, #tpu.memory_space<hbm>>
      %dma_start3A_973 = tpu.memref_slice %arg9[%dma_start3A_962] : memref<5x!tpu.dma_semaphore, #tpu.memory_space<semaphore_mem>> -> memref<1x!tpu.dma_semaphore, #tpu.memory_space<semaphore_mem>>
      %dma_start3A_974 = tpu.memref_squeeze %dma_start3A_973 : memref<1x!tpu.dma_semaphore, #tpu.memory_space<semaphore_mem>> -> memref<!tpu.dma_semaphore, #tpu.memory_space<semaphore_mem>>
      tpu.enqueue_indirect_dma source(%dma_start3A_972 : memref<100000x128xf32, #tpu.memory_space<hbm>>) target(%dma_start3A_966 : memref<80x128xf32, #tpu.memory_space<vmem>>) offsets(%dma_start3A_969 : memref<80xi32, #tpu.memory_space<vmem>>) semaphore(%dma_start3A_974 : memref<!tpu.dma_semaphore, #tpu.memory_space<semaphore_mem>>) {add = true}
      %mul3A_975 = arith.constant 5 : i32
      %mul3A_976 = arith.muli %scan3A_737, %mul3A_975 : i32
      %add3A_977 = arith.constant 5 : i32
      %add3A_978 = arith.addi %add3A_977, %mul3A_976 : i32
      %add3A_979 = arith.constant 3 : i32
      %add3A_980 = arith.addi %add3A_978, %add3A_979 : i32
      %dma_wait3A_981 = arith.constant 3 : i32
      %dma_wait3A_982 = arith.constant 3 : i32
      %dma_wait3A_983 = arith.constant 0 : i32
      %dma_wait3A_984 = arith.constant 0 : i32
      %dma_wait3A_985 = tpu.memref_slice %arg8[%dma_wait3A_981, %dma_wait3A_983, %dma_wait3A_984] : memref<5x80x128xf32, #tpu.memory_space<vmem>> -> memref<1x80x128xf32, #tpu.memory_space<vmem>>
      %dma_wait3A_986 = tpu.memref_squeeze %dma_wait3A_985 : memref<1x80x128xf32, #tpu.memory_space<vmem>> -> memref<80x128xf32, #tpu.memory_space<vmem>>
      %dma_wait3A_987 = arith.constant 0 : i32
      %dma_wait3A_988 = tpu.memref_slice %arg6[%add3A_980, %dma_wait3A_987] : memref<80x80xi32, #tpu.memory_space<vmem>> -> memref<1x80xi32, #tpu.memory_space<vmem>>
      %dma_wait3A_989 = tpu.memref_squeeze %dma_wait3A_988 : memref<1x80xi32, #tpu.memory_space<vmem>> -> memref<80xi32, #tpu.memory_space<vmem>>
      %dma_wait3A_990 = arith.constant 0 : i32
      %dma_wait3A_991 = arith.constant 0 : i32
      %dma_wait3A_992 = tpu.memref_slice %arg3[%dma_wait3A_990, %dma_wait3A_991] : memref<100000x128xf32, #tpu.memory_space<hbm>> -> memref<100000x128xf32, #tpu.memory_space<hbm>>
      %dma_wait3A_993 = tpu.memref_slice %arg9[%dma_wait3A_982] : memref<5x!tpu.dma_semaphore, #tpu.memory_space<semaphore_mem>> -> memref<1x!tpu.dma_semaphore, #tpu.memory_space<semaphore_mem>>
      %dma_wait3A_994 = tpu.memref_squeeze %dma_wait3A_993 : memref<1x!tpu.dma_semaphore, #tpu.memory_space<semaphore_mem>> -> memref<!tpu.dma_semaphore, #tpu.memory_space<semaphore_mem>>
      tpu.wait_indirect_dma semaphore(%dma_wait3A_994 : memref<!tpu.dma_semaphore, #tpu.memory_space<semaphore_mem>>) src(%dma_wait3A_992 : memref<100000x128xf32, #tpu.memory_space<hbm>>) dst(%dma_wait3A_986 : memref<80x128xf32, #tpu.memory_space<vmem>>)
      %mul3A_995 = arith.constant 80 : i32
      %mul3A_996 = arith.muli %add3A_980, %mul3A_995 : i32
      %add3A_997 = arith.addi %mul3A_2, %mul3A_996 : i32
      %dma_start3A_998 = arith.constant 3 : i32
      %dma_start3A_999 = arith.constant 3 : i32
      %dma_start3A_1000 = arith.constant 0 : i32
      %dma_start3A_1001 = arith.constant 0 : i32
      %dma_start3A_1002 = tpu.memref_slice %arg8[%dma_start3A_998, %dma_start3A_1000, %dma_start3A_1001] : memref<5x80x128xf32, #tpu.memory_space<vmem>> -> memref<1x80x128xf32, #tpu.memory_space<vmem>>
      %dma_start3A_1003 = tpu.memref_squeeze %dma_start3A_1002 : memref<1x80x128xf32, #tpu.memory_space<vmem>> -> memref<80x128xf32, #tpu.memory_space<vmem>>
      %dma_start3A_1004 = arith.constant 0 : i32
      %dma_start3A_1005 = tpu.memref_slice %arg5[%add3A_997, %dma_start3A_1004] : memref<204800x128xf32, #tpu.memory_space<hbm>> -> memref<80x128xf32, #tpu.memory_space<hbm>>
      %dma_start3A_1006 = tpu.memref_slice %arg10[%dma_start3A_999] : memref<5x!tpu.dma_semaphore, #tpu.memory_space<semaphore_mem>> -> memref<1x!tpu.dma_semaphore, #tpu.memory_space<semaphore_mem>>
      %dma_start3A_1007 = tpu.memref_squeeze %dma_start3A_1006 : memref<1x!tpu.dma_semaphore, #tpu.memory_space<semaphore_mem>> -> memref<!tpu.dma_semaphore, #tpu.memory_space<semaphore_mem>>
      %dma_start3A_1008 = arith.constant 0 : i32
      %dma_start3A_1009 = tpu.memref_slice %arg5[%add3A_997, %dma_start3A_1008] : memref<204800x128xf32, #tpu.memory_space<hbm>> -> memref<80x128xf32, #tpu.memory_space<hbm>>
      %dma_start3A_1010 = arith.constant 0 : i32
      %dma_start3A_1011 = arith.constant 0 : i32
      %dma_start3A_1012 = tpu.memref_slice %arg8[%dma_start3A_998, %dma_start3A_1010, %dma_start3A_1011] : memref<5x80x128xf32, #tpu.memory_space<vmem>> -> memref<1x80x128xf32, #tpu.memory_space<vmem>>
      %dma_start3A_1013 = tpu.memref_squeeze %dma_start3A_1012 : memref<1x80x128xf32, #tpu.memory_space<vmem>> -> memref<80x128xf32, #tpu.memory_space<vmem>>
      tpu.enqueue_dma source(%dma_start3A_1013 : memref<80x128xf32, #tpu.memory_space<vmem>>) target(%dma_start3A_1009 : memref<80x128xf32, #tpu.memory_space<hbm>>) target_semaphore(%dma_start3A_1007 : memref<!tpu.dma_semaphore, #tpu.memory_space<semaphore_mem>>)
      %dma_wait3A_1014 = arith.constant 1 : i32
      %dma_wait3A_1015 = arith.constant 1 : i32
      %dma_wait3A_1016 = arith.constant 0 : i32
      %dma_wait3A_1017 = arith.constant 0 : i32
      %dma_wait3A_1018 = tpu.memref_slice %arg8[%dma_wait3A_1014, %dma_wait3A_1016, %dma_wait3A_1017] : memref<5x80x128xf32, #tpu.memory_space<vmem>> -> memref<1x80x128xf32, #tpu.memory_space<vmem>>
      %dma_wait3A_1019 = tpu.memref_squeeze %dma_wait3A_1018 : memref<1x80x128xf32, #tpu.memory_space<vmem>> -> memref<80x128xf32, #tpu.memory_space<vmem>>
      %dma_wait3A_1020 = arith.constant 0 : i32
      %dma_wait3A_1021 = arith.constant 0 : i32
      %dma_wait3A_1022 = tpu.memref_slice %arg5[%dma_wait3A_1020, %dma_wait3A_1021] : memref<204800x128xf32, #tpu.memory_space<hbm>> -> memref<80x128xf32, #tpu.memory_space<hbm>>
      %dma_wait3A_1023 = tpu.memref_slice %arg10[%dma_wait3A_1015] : memref<5x!tpu.dma_semaphore, #tpu.memory_space<semaphore_mem>> -> memref<1x!tpu.dma_semaphore, #tpu.memory_space<semaphore_mem>>
      %dma_wait3A_1024 = tpu.memref_squeeze %dma_wait3A_1023 : memref<1x!tpu.dma_semaphore, #tpu.memory_space<semaphore_mem>> -> memref<!tpu.dma_semaphore, #tpu.memory_space<semaphore_mem>>
      %dma_wait3A_1025 = arith.constant 0 : i32
      %dma_wait3A_1026 = arith.constant 0 : i32
      %dma_wait3A_1027 = tpu.memref_slice %arg5[%dma_wait3A_1025, %dma_wait3A_1026] : memref<204800x128xf32, #tpu.memory_space<hbm>> -> memref<80x128xf32, #tpu.memory_space<hbm>>
      %dma_wait3A_1028 = arith.constant 0 : i32
      %dma_wait3A_1029 = arith.constant 0 : i32
      %dma_wait3A_1030 = tpu.memref_slice %arg8[%dma_wait3A_1014, %dma_wait3A_1028, %dma_wait3A_1029] : memref<5x80x128xf32, #tpu.memory_space<vmem>> -> memref<1x80x128xf32, #tpu.memory_space<vmem>>
      %dma_wait3A_1031 = tpu.memref_squeeze %dma_wait3A_1030 : memref<1x80x128xf32, #tpu.memory_space<vmem>> -> memref<80x128xf32, #tpu.memory_space<vmem>>
      tpu.wait_dma2 semaphore(%dma_wait3A_1024 : memref<!tpu.dma_semaphore, #tpu.memory_space<semaphore_mem>>) src(%dma_wait3A_1031 : memref<80x128xf32, #tpu.memory_space<vmem>>) dst(%dma_wait3A_1027 : memref<80x128xf32, #tpu.memory_space<hbm>>)
      %add3A_1032 = arith.constant 3 : i32
      %add3A_1033 = arith.addi %add3A_980, %add3A_1032 : i32
      %scan3A_1034 = arith.constant 1 : i32
      %scan3A_1035 = arith.constant 0 : i32
      %scan3A_1036 = arith.constant 80 : i32
      %scan3A_1037 = arith.addi %scan3A_1035, %scan3A_1036 : i32
      %scan3A_1038 = arith.constant 1 : i32
      scf.for %scan3A_1139 = %scan3A_1035 to %scan3A_1037 step %scan3A_1038  : i32 {
        %add3A_1140 = arith.constant 80 : i32
        %add3A_1141 = arith.addi %add3A_1140, %scan3A_1139 : i32
        %get3A = arith.index_cast %add3A_1141 : i32 to index
        %get3A_1142 = arith.constant 0 : index
        %get3A_1143 = tpu.vector_load %arg7[%get3A, %get3A_1142] {strides = array<i32>} : memref<200x128xf32, #tpu.memory_space<vmem>>, vector<1x16xf32>,
        %get3A_1144 = vector.shape_cast %get3A_1143 : vector<1x16xf32> to vector<16xf32>
        %swap3A = arith.constant 0 : i32
        %swap3A_1145 = arith.constant 0 : i32
        %swap3A_1146 = tpu.memref_slice %arg8[%scan3A_1034, %swap3A, %swap3A_1145] : memref<5x80x128xf32, #tpu.memory_space<vmem>> -> memref<1x80x128xf32, #tpu.memory_space<vmem>>
        %swap3A_1147 = tpu.memref_squeeze %swap3A_1146 : memref<1x80x128xf32, #tpu.memory_space<vmem>> -> memref<80x128xf32, #tpu.memory_space<vmem>>
        %swap3A_1148 = arith.index_cast %scan3A_1139 : i32 to index
        %swap3A_1149 = arith.constant 0 : index
        %swap3A_1150 = tpu.vector_load %swap3A_1147[%swap3A_1148, %swap3A_1149] {strides = array<i32>} : memref<80x128xf32, #tpu.memory_space<vmem>>, vector<1x16xf32>,
        %swap3A_1151 = vector.shape_cast %swap3A_1150 : vector<1x16xf32> to vector<16xf32>
        %swap3A_1152 = vector.shape_cast %get3A_1144 : vector<16xf32> to vector<1x16xf32>
        tpu.vector_store %swap3A_1147[%swap3A_1148, %swap3A_1149], %swap3A_1152 {strides = array<i32>} : memref<80x128xf32, #tpu.memory_space<vmem>>, vector<1x16xf32>,
        %add3A_1153 = arith.constant 80 : i32
        %add3A_1154 = arith.addi %add3A_1153, %scan3A_1139 : i32
        %get3A_1155 = arith.index_cast %add3A_1154 : i32 to index
        %get3A_1156 = arith.constant 16 : index
        %get3A_1157 = tpu.vector_load %arg7[%get3A_1155, %get3A_1156] {strides = array<i32>} : memref<200x128xf32, #tpu.memory_space<vmem>>, vector<1x16xf32>,
        %get3A_1158 = vector.shape_cast %get3A_1157 : vector<1x16xf32> to vector<16xf32>
        %swap3A_1159 = arith.constant 0 : i32
        %swap3A_1160 = arith.constant 0 : i32
        %swap3A_1161 = tpu.memref_slice %arg8[%scan3A_1034, %swap3A_1159, %swap3A_1160] : memref<5x80x128xf32, #tpu.memory_space<vmem>> -> memref<1x80x128xf32, #tpu.memory_space<vmem>>
        %swap3A_1162 = tpu.memref_squeeze %swap3A_1161 : memref<1x80x128xf32, #tpu.memory_space<vmem>> -> memref<80x128xf32, #tpu.memory_space<vmem>>
        %swap3A_1163 = arith.index_cast %scan3A_1139 : i32 to index
        %swap3A_1164 = arith.constant 16 : index
        %swap3A_1165 = tpu.vector_load %swap3A_1162[%swap3A_1163, %swap3A_1164] {strides = array<i32>} : memref<80x128xf32, #tpu.memory_space<vmem>>, vector<1x16xf32>,
        %swap3A_1166 = vector.shape_cast %swap3A_1165 : vector<1x16xf32> to vector<16xf32>
        %swap3A_1167 = vector.shape_cast %get3A_1158 : vector<16xf32> to vector<1x16xf32>
        tpu.vector_store %swap3A_1162[%swap3A_1163, %swap3A_1164], %swap3A_1167 {strides = array<i32>} : memref<80x128xf32, #tpu.memory_space<vmem>>, vector<1x16xf32>,
        %add3A_1168 = arith.constant 80 : i32
        %add3A_1169 = arith.addi %add3A_1168, %scan3A_1139 : i32
        %get3A_1170 = arith.index_cast %add3A_1169 : i32 to index
        %get3A_1171 = arith.constant 32 : index
        %get3A_1172 = tpu.vector_load %arg7[%get3A_1170, %get3A_1171] {strides = array<i32>} : memref<200x128xf32, #tpu.memory_space<vmem>>, vector<1x16xf32>,
        %get3A_1173 = vector.shape_cast %get3A_1172 : vector<1x16xf32> to vector<16xf32>
        %swap3A_1174 = arith.constant 0 : i32
        %swap3A_1175 = arith.constant 0 : i32
        %swap3A_1176 = tpu.memref_slice %arg8[%scan3A_1034, %swap3A_1174, %swap3A_1175] : memref<5x80x128xf32, #tpu.memory_space<vmem>> -> memref<1x80x128xf32, #tpu.memory_space<vmem>>
        %swap3A_1177 = tpu.memref_squeeze %swap3A_1176 : memref<1x80x128xf32, #tpu.memory_space<vmem>> -> memref<80x128xf32, #tpu.memory_space<vmem>>
        %swap3A_1178 = arith.index_cast %scan3A_1139 : i32 to index
        %swap3A_1179 = arith.constant 32 : index
        %swap3A_1180 = tpu.vector_load %swap3A_1177[%swap3A_1178, %swap3A_1179] {strides = array<i32>} : memref<80x128xf32, #tpu.memory_space<vmem>>, vector<1x16xf32>,
        %swap3A_1181 = vector.shape_cast %swap3A_1180 : vector<1x16xf32> to vector<16xf32>
        %swap3A_1182 = vector.shape_cast %get3A_1173 : vector<16xf32> to vector<1x16xf32>
        tpu.vector_store %swap3A_1177[%swap3A_1178, %swap3A_1179], %swap3A_1182 {strides = array<i32>} : memref<80x128xf32, #tpu.memory_space<vmem>>, vector<1x16xf32>,
        %add3A_1183 = arith.constant 80 : i32
        %add3A_1184 = arith.addi %add3A_1183, %scan3A_1139 : i32
        %get3A_1185 = arith.index_cast %add3A_1184 : i32 to index
        %get3A_1186 = arith.constant 48 : index
        %get3A_1187 = tpu.vector_load %arg7[%get3A_1185, %get3A_1186] {strides = array<i32>} : memref<200x128xf32, #tpu.memory_space<vmem>>, vector<1x16xf32>,
        %get3A_1188 = vector.shape_cast %get3A_1187 : vector<1x16xf32> to vector<16xf32>
        %swap3A_1189 = arith.constant 0 : i32
        %swap3A_1190 = arith.constant 0 : i32
        %swap3A_1191 = tpu.memref_slice %arg8[%scan3A_1034, %swap3A_1189, %swap3A_1190] : memref<5x80x128xf32, #tpu.memory_space<vmem>> -> memref<1x80x128xf32, #tpu.memory_space<vmem>>
        %swap3A_1192 = tpu.memref_squeeze %swap3A_1191 : memref<1x80x128xf32, #tpu.memory_space<vmem>> -> memref<80x128xf32, #tpu.memory_space<vmem>>
        %swap3A_1193 = arith.index_cast %scan3A_1139 : i32 to index
        %swap3A_1194 = arith.constant 48 : index
        %swap3A_1195 = tpu.vector_load %swap3A_1192[%swap3A_1193, %swap3A_1194] {strides = array<i32>} : memref<80x128xf32, #tpu.memory_space<vmem>>, vector<1x16xf32>,
        %swap3A_1196 = vector.shape_cast %swap3A_1195 : vector<1x16xf32> to vector<16xf32>
        %swap3A_1197 = vector.shape_cast %get3A_1188 : vector<16xf32> to vector<1x16xf32>
        tpu.vector_store %swap3A_1192[%swap3A_1193, %swap3A_1194], %swap3A_1197 {strides = array<i32>} : memref<80x128xf32, #tpu.memory_space<vmem>>, vector<1x16xf32>,
        %add3A_1198 = arith.constant 80 : i32
        %add3A_1199 = arith.addi %add3A_1198, %scan3A_1139 : i32
        %get3A_1200 = arith.index_cast %add3A_1199 : i32 to index
        %get3A_1201 = arith.constant 64 : index
        %get3A_1202 = tpu.vector_load %arg7[%get3A_1200, %get3A_1201] {strides = array<i32>} : memref<200x128xf32, #tpu.memory_space<vmem>>, vector<1x16xf32>,
        %get3A_1203 = vector.shape_cast %get3A_1202 : vector<1x16xf32> to vector<16xf32>
        %swap3A_1204 = arith.constant 0 : i32
        %swap3A_1205 = arith.constant 0 : i32
        %swap3A_1206 = tpu.memref_slice %arg8[%scan3A_1034, %swap3A_1204, %swap3A_1205] : memref<5x80x128xf32, #tpu.memory_space<vmem>> -> memref<1x80x128xf32, #tpu.memory_space<vmem>>
        %swap3A_1207 = tpu.memref_squeeze %swap3A_1206 : memref<1x80x128xf32, #tpu.memory_space<vmem>> -> memref<80x128xf32, #tpu.memory_space<vmem>>
        %swap3A_1208 = arith.index_cast %scan3A_1139 : i32 to index
        %swap3A_1209 = arith.constant 64 : index
        %swap3A_1210 = tpu.vector_load %swap3A_1207[%swap3A_1208, %swap3A_1209] {strides = array<i32>} : memref<80x128xf32, #tpu.memory_space<vmem>>, vector<1x16xf32>,
        %swap3A_1211 = vector.shape_cast %swap3A_1210 : vector<1x16xf32> to vector<16xf32>
        %swap3A_1212 = vector.shape_cast %get3A_1203 : vector<16xf32> to vector<1x16xf32>
        tpu.vector_store %swap3A_1207[%swap3A_1208, %swap3A_1209], %swap3A_1212 {strides = array<i32>} : memref<80x128xf32, #tpu.memory_space<vmem>>, vector<1x16xf32>,
        %add3A_1213 = arith.constant 80 : i32
        %add3A_1214 = arith.addi %add3A_1213, %scan3A_1139 : i32
        %get3A_1215 = arith.index_cast %add3A_1214 : i32 to index
        %get3A_1216 = arith.constant 80 : index
        %get3A_1217 = tpu.vector_load %arg7[%get3A_1215, %get3A_1216] {strides = array<i32>} : memref<200x128xf32, #tpu.memory_space<vmem>>, vector<1x16xf32>,
        %get3A_1218 = vector.shape_cast %get3A_1217 : vector<1x16xf32> to vector<16xf32>
        %swap3A_1219 = arith.constant 0 : i32
        %swap3A_1220 = arith.constant 0 : i32
        %swap3A_1221 = tpu.memref_slice %arg8[%scan3A_1034, %swap3A_1219, %swap3A_1220] : memref<5x80x128xf32, #tpu.memory_space<vmem>> -> memref<1x80x128xf32, #tpu.memory_space<vmem>>
        %swap3A_1222 = tpu.memref_squeeze %swap3A_1221 : memref<1x80x128xf32, #tpu.memory_space<vmem>> -> memref<80x128xf32, #tpu.memory_space<vmem>>
        %swap3A_1223 = arith.index_cast %scan3A_1139 : i32 to index
        %swap3A_1224 = arith.constant 80 : index
        %swap3A_1225 = tpu.vector_load %swap3A_1222[%swap3A_1223, %swap3A_1224] {strides = array<i32>} : memref<80x128xf32, #tpu.memory_space<vmem>>, vector<1x16xf32>,
        %swap3A_1226 = vector.shape_cast %swap3A_1225 : vector<1x16xf32> to vector<16xf32>
        %swap3A_1227 = vector.shape_cast %get3A_1218 : vector<16xf32> to vector<1x16xf32>
        tpu.vector_store %swap3A_1222[%swap3A_1223, %swap3A_1224], %swap3A_1227 {strides = array<i32>} : memref<80x128xf32, #tpu.memory_space<vmem>>, vector<1x16xf32>,
        %add3A_1228 = arith.constant 80 : i32
        %add3A_1229 = arith.addi %add3A_1228, %scan3A_1139 : i32
        %get3A_1230 = arith.index_cast %add3A_1229 : i32 to index
        %get3A_1231 = arith.constant 96 : index
        %get3A_1232 = tpu.vector_load %arg7[%get3A_1230, %get3A_1231] {strides = array<i32>} : memref<200x128xf32, #tpu.memory_space<vmem>>, vector<1x16xf32>,
        %get3A_1233 = vector.shape_cast %get3A_1232 : vector<1x16xf32> to vector<16xf32>
        %swap3A_1234 = arith.constant 0 : i32
        %swap3A_1235 = arith.constant 0 : i32
        %swap3A_1236 = tpu.memref_slice %arg8[%scan3A_1034, %swap3A_1234, %swap3A_1235] : memref<5x80x128xf32, #tpu.memory_space<vmem>> -> memref<1x80x128xf32, #tpu.memory_space<vmem>>
        %swap3A_1237 = tpu.memref_squeeze %swap3A_1236 : memref<1x80x128xf32, #tpu.memory_space<vmem>> -> memref<80x128xf32, #tpu.memory_space<vmem>>
        %swap3A_1238 = arith.index_cast %scan3A_1139 : i32 to index
        %swap3A_1239 = arith.constant 96 : index
        %swap3A_1240 = tpu.vector_load %swap3A_1237[%swap3A_1238, %swap3A_1239] {strides = array<i32>} : memref<80x128xf32, #tpu.memory_space<vmem>>, vector<1x16xf32>,
        %swap3A_1241 = vector.shape_cast %swap3A_1240 : vector<1x16xf32> to vector<16xf32>
        %swap3A_1242 = vector.shape_cast %get3A_1233 : vector<16xf32> to vector<1x16xf32>
        tpu.vector_store %swap3A_1237[%swap3A_1238, %swap3A_1239], %swap3A_1242 {strides = array<i32>} : memref<80x128xf32, #tpu.memory_space<vmem>>, vector<1x16xf32>,
        %add3A_1243 = arith.constant 80 : i32
        %add3A_1244 = arith.addi %add3A_1243, %scan3A_1139 : i32
        %get3A_1245 = arith.index_cast %add3A_1244 : i32 to index
        %get3A_1246 = arith.constant 112 : index
        %get3A_1247 = tpu.vector_load %arg7[%get3A_1245, %get3A_1246] {strides = array<i32>} : memref<200x128xf32, #tpu.memory_space<vmem>>, vector<1x16xf32>,
        %get3A_1248 = vector.shape_cast %get3A_1247 : vector<1x16xf32> to vector<16xf32>
        %swap3A_1249 = arith.constant 0 : i32
        %swap3A_1250 = arith.constant 0 : i32
        %swap3A_1251 = tpu.memref_slice %arg8[%scan3A_1034, %swap3A_1249, %swap3A_1250] : memref<5x80x128xf32, #tpu.memory_space<vmem>> -> memref<1x80x128xf32, #tpu.memory_space<vmem>>
        %swap3A_1252 = tpu.memref_squeeze %swap3A_1251 : memref<1x80x128xf32, #tpu.memory_space<vmem>> -> memref<80x128xf32, #tpu.memory_space<vmem>>
        %swap3A_1253 = arith.index_cast %scan3A_1139 : i32 to index
        %swap3A_1254 = arith.constant 112 : index
        %swap3A_1255 = tpu.vector_load %swap3A_1252[%swap3A_1253, %swap3A_1254] {strides = array<i32>} : memref<80x128xf32, #tpu.memory_space<vmem>>, vector<1x16xf32>,
        %swap3A_1256 = vector.shape_cast %swap3A_1255 : vector<1x16xf32> to vector<16xf32>
        %swap3A_1257 = vector.shape_cast %get3A_1248 : vector<16xf32> to vector<1x16xf32>
        tpu.vector_store %swap3A_1252[%swap3A_1253, %swap3A_1254], %swap3A_1257 {strides = array<i32>} : memref<80x128xf32, #tpu.memory_space<vmem>>, vector<1x16xf32>,
      }
      %scan3A_1039 = arith.constant 80 : i32
      %dma_start3A_1040 = arith.constant 1 : i32
      %dma_start3A_1041 = arith.constant 1 : i32
      %dma_start3A_1042 = arith.constant 0 : i32
      %dma_start3A_1043 = arith.constant 0 : i32
      %dma_start3A_1044 = tpu.memref_slice %arg8[%dma_start3A_1040, %dma_start3A_1042, %dma_start3A_1043] : memref<5x80x128xf32, #tpu.memory_space<vmem>> -> memref<1x80x128xf32, #tpu.memory_space<vmem>>
      %dma_start3A_1045 = tpu.memref_squeeze %dma_start3A_1044 : memref<1x80x128xf32, #tpu.memory_space<vmem>> -> memref<80x128xf32, #tpu.memory_space<vmem>>
      %dma_start3A_1046 = arith.constant 0 : i32
      %dma_start3A_1047 = tpu.memref_slice %arg6[%add3A_1033, %dma_start3A_1046] : memref<80x80xi32, #tpu.memory_space<vmem>> -> memref<1x80xi32, #tpu.memory_space<vmem>>
      %dma_start3A_1048 = tpu.memref_squeeze %dma_start3A_1047 : memref<1x80xi32, #tpu.memory_space<vmem>> -> memref<80xi32, #tpu.memory_space<vmem>>
      %dma_start3A_1049 = arith.constant 0 : i32
      %dma_start3A_1050 = arith.constant 0 : i32
      %dma_start3A_1051 = tpu.memref_slice %arg3[%dma_start3A_1049, %dma_start3A_1050] : memref<100000x128xf32, #tpu.memory_space<hbm>> -> memref<100000x128xf32, #tpu.memory_space<hbm>>
      %dma_start3A_1052 = tpu.memref_slice %arg9[%dma_start3A_1041] : memref<5x!tpu.dma_semaphore, #tpu.memory_space<semaphore_mem>> -> memref<1x!tpu.dma_semaphore, #tpu.memory_space<semaphore_mem>>
      %dma_start3A_1053 = tpu.memref_squeeze %dma_start3A_1052 : memref<1x!tpu.dma_semaphore, #tpu.memory_space<semaphore_mem>> -> memref<!tpu.dma_semaphore, #tpu.memory_space<semaphore_mem>>
      tpu.enqueue_indirect_dma source(%dma_start3A_1051 : memref<100000x128xf32, #tpu.memory_space<hbm>>) target(%dma_start3A_1045 : memref<80x128xf32, #tpu.memory_space<vmem>>) offsets(%dma_start3A_1048 : memref<80xi32, #tpu.memory_space<vmem>>) semaphore(%dma_start3A_1053 : memref<!tpu.dma_semaphore, #tpu.memory_space<semaphore_mem>>) {add = true}
      %mul3A_1054 = arith.constant 5 : i32
      %mul3A_1055 = arith.muli %scan3A_737, %mul3A_1054 : i32
      %add3A_1056 = arith.constant 5 : i32
      %add3A_1057 = arith.addi %add3A_1056, %mul3A_1055 : i32
      %add3A_1058 = arith.constant 4 : i32
      %add3A_1059 = arith.addi %add3A_1057, %add3A_1058 : i32
      %dma_wait3A_1060 = arith.constant 4 : i32
      %dma_wait3A_1061 = arith.constant 4 : i32
      %dma_wait3A_1062 = arith.constant 0 : i32
      %dma_wait3A_1063 = arith.constant 0 : i32
      %dma_wait3A_1064 = tpu.memref_slice %arg8[%dma_wait3A_1060, %dma_wait3A_1062, %dma_wait3A_1063] : memref<5x80x128xf32, #tpu.memory_space<vmem>> -> memref<1x80x128xf32, #tpu.memory_space<vmem>>
      %dma_wait3A_1065 = tpu.memref_squeeze %dma_wait3A_1064 : memref<1x80x128xf32, #tpu.memory_space<vmem>> -> memref<80x128xf32, #tpu.memory_space<vmem>>
      %dma_wait3A_1066 = arith.constant 0 : i32
      %dma_wait3A_1067 = tpu.memref_slice %arg6[%add3A_1059, %dma_wait3A_1066] : memref<80x80xi32, #tpu.memory_space<vmem>> -> memref<1x80xi32, #tpu.memory_space<vmem>>
      %dma_wait3A_1068 = tpu.memref_squeeze %dma_wait3A_1067 : memref<1x80xi32, #tpu.memory_space<vmem>> -> memref<80xi32, #tpu.memory_space<vmem>>
      %dma_wait3A_1069 = arith.constant 0 : i32
      %dma_wait3A_1070 = arith.constant 0 : i32
      %dma_wait3A_1071 = tpu.memref_slice %arg3[%dma_wait3A_1069, %dma_wait3A_1070] : memref<100000x128xf32, #tpu.memory_space<hbm>> -> memref<100000x128xf32, #tpu.memory_space<hbm>>
      %dma_wait3A_1072 = tpu.memref_slice %arg9[%dma_wait3A_1061] : memref<5x!tpu.dma_semaphore, #tpu.memory_space<semaphore_mem>> -> memref<1x!tpu.dma_semaphore, #tpu.memory_space<semaphore_mem>>
      %dma_wait3A_1073 = tpu.memref_squeeze %dma_wait3A_1072 : memref<1x!tpu.dma_semaphore, #tpu.memory_space<semaphore_mem>> -> memref<!tpu.dma_semaphore, #tpu.memory_space<semaphore_mem>>
      tpu.wait_indirect_dma semaphore(%dma_wait3A_1073 : memref<!tpu.dma_semaphore, #tpu.memory_space<semaphore_mem>>) src(%dma_wait3A_1071 : memref<100000x128xf32, #tpu.memory_space<hbm>>) dst(%dma_wait3A_1065 : memref<80x128xf32, #tpu.memory_space<vmem>>)
      %mul3A_1074 = arith.constant 80 : i32
      %mul3A_1075 = arith.muli %add3A_1059, %mul3A_1074 : i32
      %add3A_1076 = arith.addi %mul3A_2, %mul3A_1075 : i32
      %dma_start3A_1077 = arith.constant 4 : i32
      %dma_start3A_1078 = arith.constant 4 : i32
      %dma_start3A_1079 = arith.constant 0 : i32
      %dma_start3A_1080 = arith.constant 0 : i32
      %dma_start3A_1081 = tpu.memref_slice %arg8[%dma_start3A_1077, %dma_start3A_1079, %dma_start3A_1080] : memref<5x80x128xf32, #tpu.memory_space<vmem>> -> memref<1x80x128xf32, #tpu.memory_space<vmem>>
      %dma_start3A_1082 = tpu.memref_squeeze %dma_start3A_1081 : memref<1x80x128xf32, #tpu.memory_space<vmem>> -> memref<80x128xf32, #tpu.memory_space<vmem>>
      %dma_start3A_1083 = arith.constant 0 : i32
      %dma_start3A_1084 = tpu.memref_slice %arg5[%add3A_1076, %dma_start3A_1083] : memref<204800x128xf32, #tpu.memory_space<hbm>> -> memref<80x128xf32, #tpu.memory_space<hbm>>
      %dma_start3A_1085 = tpu.memref_slice %arg10[%dma_start3A_1078] : memref<5x!tpu.dma_semaphore, #tpu.memory_space<semaphore_mem>> -> memref<1x!tpu.dma_semaphore, #tpu.memory_space<semaphore_mem>>
      %dma_start3A_1086 = tpu.memref_squeeze %dma_start3A_1085 : memref<1x!tpu.dma_semaphore, #tpu.memory_space<semaphore_mem>> -> memref<!tpu.dma_semaphore, #tpu.memory_space<semaphore_mem>>
      %dma_start3A_1087 = arith.constant 0 : i32
      %dma_start3A_1088 = tpu.memref_slice %arg5[%add3A_1076, %dma_start3A_1087] : memref<204800x128xf32, #tpu.memory_space<hbm>> -> memref<80x128xf32, #tpu.memory_space<hbm>>
      %dma_start3A_1089 = arith.constant 0 : i32
      %dma_start3A_1090 = arith.constant 0 : i32
      %dma_start3A_1091 = tpu.memref_slice %arg8[%dma_start3A_1077, %dma_start3A_1089, %dma_start3A_1090] : memref<5x80x128xf32, #tpu.memory_space<vmem>> -> memref<1x80x128xf32, #tpu.memory_space<vmem>>
      %dma_start3A_1092 = tpu.memref_squeeze %dma_start3A_1091 : memref<1x80x128xf32, #tpu.memory_space<vmem>> -> memref<80x128xf32, #tpu.memory_space<vmem>>
      tpu.enqueue_dma source(%dma_start3A_1092 : memref<80x128xf32, #tpu.memory_space<vmem>>) target(%dma_start3A_1088 : memref<80x128xf32, #tpu.memory_space<hbm>>) target_semaphore(%dma_start3A_1086 : memref<!tpu.dma_semaphore, #tpu.memory_space<semaphore_mem>>)
      %dma_wait3A_1093 = arith.constant 2 : i32
      %dma_wait3A_1094 = arith.constant 2 : i32
      %dma_wait3A_1095 = arith.constant 0 : i32
      %dma_wait3A_1096 = arith.constant 0 : i32
      %dma_wait3A_1097 = tpu.memref_slice %arg8[%dma_wait3A_1093, %dma_wait3A_1095, %dma_wait3A_1096] : memref<5x80x128xf32, #tpu.memory_space<vmem>> -> memref<1x80x128xf32, #tpu.memory_space<vmem>>
      %dma_wait3A_1098 = tpu.memref_squeeze %dma_wait3A_1097 : memref<1x80x128xf32, #tpu.memory_space<vmem>> -> memref<80x128xf32, #tpu.memory_space<vmem>>
      %dma_wait3A_1099 = arith.constant 0 : i32
      %dma_wait3A_1100 = arith.constant 0 : i32
      %dma_wait3A_1101 = tpu.memref_slice %arg5[%dma_wait3A_1099, %dma_wait3A_1100] : memref<204800x128xf32, #tpu.memory_space<hbm>> -> memref<80x128xf32, #tpu.memory_space<hbm>>
      %dma_wait3A_1102 = tpu.memref_slice %arg10[%dma_wait3A_1094] : memref<5x!tpu.dma_semaphore, #tpu.memory_space<semaphore_mem>> -> memref<1x!tpu.dma_semaphore, #tpu.memory_space<semaphore_mem>>
      %dma_wait3A_1103 = tpu.memref_squeeze %dma_wait3A_1102 : memref<1x!tpu.dma_semaphore, #tpu.memory_space<semaphore_mem>> -> memref<!tpu.dma_semaphore, #tpu.memory_space<semaphore_mem>>
      %dma_wait3A_1104 = arith.constant 0 : i32
      %dma_wait3A_1105 = arith.constant 0 : i32
      %dma_wait3A_1106 = tpu.memref_slice %arg5[%dma_wait3A_1104, %dma_wait3A_1105] : memref<204800x128xf32, #tpu.memory_space<hbm>> -> memref<80x128xf32, #tpu.memory_space<hbm>>
      %dma_wait3A_1107 = arith.constant 0 : i32
      %dma_wait3A_1108 = arith.constant 0 : i32
      %dma_wait3A_1109 = tpu.memref_slice %arg8[%dma_wait3A_1093, %dma_wait3A_1107, %dma_wait3A_1108] : memref<5x80x128xf32, #tpu.memory_space<vmem>> -> memref<1x80x128xf32, #tpu.memory_space<vmem>>
      %dma_wait3A_1110 = tpu.memref_squeeze %dma_wait3A_1109 : memref<1x80x128xf32, #tpu.memory_space<vmem>> -> memref<80x128xf32, #tpu.memory_space<vmem>>
      tpu.wait_dma2 semaphore(%dma_wait3A_1103 : memref<!tpu.dma_semaphore, #tpu.memory_space<semaphore_mem>>) src(%dma_wait3A_1110 : memref<80x128xf32, #tpu.memory_space<vmem>>) dst(%dma_wait3A_1106 : memref<80x128xf32, #tpu.memory_space<hbm>>)
      %add3A_1111 = arith.constant 3 : i32
      %add3A_1112 = arith.addi %add3A_1059, %add3A_1111 : i32
      %scan3A_1113 = arith.constant 2 : i32
      %scan3A_1114 = arith.constant 0 : i32
      %scan3A_1115 = arith.constant 40 : i32
      %scan3A_1116 = arith.addi %scan3A_1114, %scan3A_1115 : i32
      %scan3A_1117 = arith.constant 1 : i32
      scf.for %scan3A_1139 = %scan3A_1114 to %scan3A_1116 step %scan3A_1117  : i32 {
        %add3A_1140 = arith.constant 160 : i32
        %add3A_1141 = arith.addi %add3A_1140, %scan3A_1139 : i32
        %get3A = arith.index_cast %add3A_1141 : i32 to index
        %get3A_1142 = arith.constant 0 : index
        %get3A_1143 = tpu.vector_load %arg7[%get3A, %get3A_1142] {strides = array<i32>} : memref<200x128xf32, #tpu.memory_space<vmem>>, vector<1x16xf32>,
        %get3A_1144 = vector.shape_cast %get3A_1143 : vector<1x16xf32> to vector<16xf32>
        %swap3A = arith.constant 0 : i32
        %swap3A_1145 = arith.constant 0 : i32
        %swap3A_1146 = tpu.memref_slice %arg8[%scan3A_1113, %swap3A, %swap3A_1145] : memref<5x80x128xf32, #tpu.memory_space<vmem>> -> memref<1x80x128xf32, #tpu.memory_space<vmem>>
        %swap3A_1147 = tpu.memref_squeeze %swap3A_1146 : memref<1x80x128xf32, #tpu.memory_space<vmem>> -> memref<80x128xf32, #tpu.memory_space<vmem>>
        %swap3A_1148 = arith.index_cast %scan3A_1139 : i32 to index
        %swap3A_1149 = arith.constant 0 : index
        %swap3A_1150 = tpu.vector_load %swap3A_1147[%swap3A_1148, %swap3A_1149] {strides = array<i32>} : memref<80x128xf32, #tpu.memory_space<vmem>>, vector<1x16xf32>,
        %swap3A_1151 = vector.shape_cast %swap3A_1150 : vector<1x16xf32> to vector<16xf32>
        %swap3A_1152 = vector.shape_cast %get3A_1144 : vector<16xf32> to vector<1x16xf32>
        tpu.vector_store %swap3A_1147[%swap3A_1148, %swap3A_1149], %swap3A_1152 {strides = array<i32>} : memref<80x128xf32, #tpu.memory_space<vmem>>, vector<1x16xf32>,
        %add3A_1153 = arith.constant 160 : i32
        %add3A_1154 = arith.addi %add3A_1153, %scan3A_1139 : i32
        %get3A_1155 = arith.index_cast %add3A_1154 : i32 to index
        %get3A_1156 = arith.constant 16 : index
        %get3A_1157 = tpu.vector_load %arg7[%get3A_1155, %get3A_1156] {strides = array<i32>} : memref<200x128xf32, #tpu.memory_space<vmem>>, vector<1x16xf32>,
        %get3A_1158 = vector.shape_cast %get3A_1157 : vector<1x16xf32> to vector<16xf32>
        %swap3A_1159 = arith.constant 0 : i32
        %swap3A_1160 = arith.constant 0 : i32
        %swap3A_1161 = tpu.memref_slice %arg8[%scan3A_1113, %swap3A_1159, %swap3A_1160] : memref<5x80x128xf32, #tpu.memory_space<vmem>> -> memref<1x80x128xf32, #tpu.memory_space<vmem>>
        %swap3A_1162 = tpu.memref_squeeze %swap3A_1161 : memref<1x80x128xf32, #tpu.memory_space<vmem>> -> memref<80x128xf32, #tpu.memory_space<vmem>>
        %swap3A_1163 = arith.index_cast %scan3A_1139 : i32 to index
        %swap3A_1164 = arith.constant 16 : index
        %swap3A_1165 = tpu.vector_load %swap3A_1162[%swap3A_1163, %swap3A_1164] {strides = array<i32>} : memref<80x128xf32, #tpu.memory_space<vmem>>, vector<1x16xf32>,
        %swap3A_1166 = vector.shape_cast %swap3A_1165 : vector<1x16xf32> to vector<16xf32>
        %swap3A_1167 = vector.shape_cast %get3A_1158 : vector<16xf32> to vector<1x16xf32>
        tpu.vector_store %swap3A_1162[%swap3A_1163, %swap3A_1164], %swap3A_1167 {strides = array<i32>} : memref<80x128xf32, #tpu.memory_space<vmem>>, vector<1x16xf32>,
        %add3A_1168 = arith.constant 160 : i32
        %add3A_1169 = arith.addi %add3A_1168, %scan3A_1139 : i32
        %get3A_1170 = arith.index_cast %add3A_1169 : i32 to index
        %get3A_1171 = arith.constant 32 : index
        %get3A_1172 = tpu.vector_load %arg7[%get3A_1170, %get3A_1171] {strides = array<i32>} : memref<200x128xf32, #tpu.memory_space<vmem>>, vector<1x16xf32>,
        %get3A_1173 = vector.shape_cast %get3A_1172 : vector<1x16xf32> to vector<16xf32>
        %swap3A_1174 = arith.constant 0 : i32
        %swap3A_1175 = arith.constant 0 : i32
        %swap3A_1176 = tpu.memref_slice %arg8[%scan3A_1113, %swap3A_1174, %swap3A_1175] : memref<5x80x128xf32, #tpu.memory_space<vmem>> -> memref<1x80x128xf32, #tpu.memory_space<vmem>>
        %swap3A_1177 = tpu.memref_squeeze %swap3A_1176 : memref<1x80x128xf32, #tpu.memory_space<vmem>> -> memref<80x128xf32, #tpu.memory_space<vmem>>
        %swap3A_1178 = arith.index_cast %scan3A_1139 : i32 to index
        %swap3A_1179 = arith.constant 32 : index
        %swap3A_1180 = tpu.vector_load %swap3A_1177[%swap3A_1178, %swap3A_1179] {strides = array<i32>} : memref<80x128xf32, #tpu.memory_space<vmem>>, vector<1x16xf32>,
        %swap3A_1181 = vector.shape_cast %swap3A_1180 : vector<1x16xf32> to vector<16xf32>
        %swap3A_1182 = vector.shape_cast %get3A_1173 : vector<16xf32> to vector<1x16xf32>
        tpu.vector_store %swap3A_1177[%swap3A_1178, %swap3A_1179], %swap3A_1182 {strides = array<i32>} : memref<80x128xf32, #tpu.memory_space<vmem>>, vector<1x16xf32>,
        %add3A_1183 = arith.constant 160 : i32
        %add3A_1184 = arith.addi %add3A_1183, %scan3A_1139 : i32
        %get3A_1185 = arith.index_cast %add3A_1184 : i32 to index
        %get3A_1186 = arith.constant 48 : index
        %get3A_1187 = tpu.vector_load %arg7[%get3A_1185, %get3A_1186] {strides = array<i32>} : memref<200x128xf32, #tpu.memory_space<vmem>>, vector<1x16xf32>,
        %get3A_1188 = vector.shape_cast %get3A_1187 : vector<1x16xf32> to vector<16xf32>
        %swap3A_1189 = arith.constant 0 : i32
        %swap3A_1190 = arith.constant 0 : i32
        %swap3A_1191 = tpu.memref_slice %arg8[%scan3A_1113, %swap3A_1189, %swap3A_1190] : memref<5x80x128xf32, #tpu.memory_space<vmem>> -> memref<1x80x128xf32, #tpu.memory_space<vmem>>
        %swap3A_1192 = tpu.memref_squeeze %swap3A_1191 : memref<1x80x128xf32, #tpu.memory_space<vmem>> -> memref<80x128xf32, #tpu.memory_space<vmem>>
        %swap3A_1193 = arith.index_cast %scan3A_1139 : i32 to index
        %swap3A_1194 = arith.constant 48 : index
        %swap3A_1195 = tpu.vector_load %swap3A_1192[%swap3A_1193, %swap3A_1194] {strides = array<i32>} : memref<80x128xf32, #tpu.memory_space<vmem>>, vector<1x16xf32>,
        %swap3A_1196 = vector.shape_cast %swap3A_1195 : vector<1x16xf32> to vector<16xf32>
        %swap3A_1197 = vector.shape_cast %get3A_1188 : vector<16xf32> to vector<1x16xf32>
        tpu.vector_store %swap3A_1192[%swap3A_1193, %swap3A_1194], %swap3A_1197 {strides = array<i32>} : memref<80x128xf32, #tpu.memory_space<vmem>>, vector<1x16xf32>,
        %add3A_1198 = arith.constant 160 : i32
        %add3A_1199 = arith.addi %add3A_1198, %scan3A_1139 : i32
        %get3A_1200 = arith.index_cast %add3A_1199 : i32 to index
        %get3A_1201 = arith.constant 64 : index
        %get3A_1202 = tpu.vector_load %arg7[%get3A_1200, %get3A_1201] {strides = array<i32>} : memref<200x128xf32, #tpu.memory_space<vmem>>, vector<1x16xf32>,
        %get3A_1203 = vector.shape_cast %get3A_1202 : vector<1x16xf32> to vector<16xf32>
        %swap3A_1204 = arith.constant 0 : i32
        %swap3A_1205 = arith.constant 0 : i32
        %swap3A_1206 = tpu.memref_slice %arg8[%scan3A_1113, %swap3A_1204, %swap3A_1205] : memref<5x80x128xf32, #tpu.memory_space<vmem>> -> memref<1x80x128xf32, #tpu.memory_space<vmem>>
        %swap3A_1207 = tpu.memref_squeeze %swap3A_1206 : memref<1x80x128xf32, #tpu.memory_space<vmem>> -> memref<80x128xf32, #tpu.memory_space<vmem>>
        %swap3A_1208 = arith.index_cast %scan3A_1139 : i32 to index
        %swap3A_1209 = arith.constant 64 : index
        %swap3A_1210 = tpu.vector_load %swap3A_1207[%swap3A_1208, %swap3A_1209] {strides = array<i32>} : memref<80x128xf32, #tpu.memory_space<vmem>>, vector<1x16xf32>,
        %swap3A_1211 = vector.shape_cast %swap3A_1210 : vector<1x16xf32> to vector<16xf32>
        %swap3A_1212 = vector.shape_cast %get3A_1203 : vector<16xf32> to vector<1x16xf32>
        tpu.vector_store %swap3A_1207[%swap3A_1208, %swap3A_1209], %swap3A_1212 {strides = array<i32>} : memref<80x128xf32, #tpu.memory_space<vmem>>, vector<1x16xf32>,
        %add3A_1213 = arith.constant 160 : i32
        %add3A_1214 = arith.addi %add3A_1213, %scan3A_1139 : i32
        %get3A_1215 = arith.index_cast %add3A_1214 : i32 to index
        %get3A_1216 = arith.constant 80 : index
        %get3A_1217 = tpu.vector_load %arg7[%get3A_1215, %get3A_1216] {strides = array<i32>} : memref<200x128xf32, #tpu.memory_space<vmem>>, vector<1x16xf32>,
        %get3A_1218 = vector.shape_cast %get3A_1217 : vector<1x16xf32> to vector<16xf32>
        %swap3A_1219 = arith.constant 0 : i32
        %swap3A_1220 = arith.constant 0 : i32
        %swap3A_1221 = tpu.memref_slice %arg8[%scan3A_1113, %swap3A_1219, %swap3A_1220] : memref<5x80x128xf32, #tpu.memory_space<vmem>> -> memref<1x80x128xf32, #tpu.memory_space<vmem>>
        %swap3A_1222 = tpu.memref_squeeze %swap3A_1221 : memref<1x80x128xf32, #tpu.memory_space<vmem>> -> memref<80x128xf32, #tpu.memory_space<vmem>>
        %swap3A_1223 = arith.index_cast %scan3A_1139 : i32 to index
        %swap3A_1224 = arith.constant 80 : index
        %swap3A_1225 = tpu.vector_load %swap3A_1222[%swap3A_1223, %swap3A_1224] {strides = array<i32>} : memref<80x128xf32, #tpu.memory_space<vmem>>, vector<1x16xf32>,
        %swap3A_1226 = vector.shape_cast %swap3A_1225 : vector<1x16xf32> to vector<16xf32>
        %swap3A_1227 = vector.shape_cast %get3A_1218 : vector<16xf32> to vector<1x16xf32>
        tpu.vector_store %swap3A_1222[%swap3A_1223, %swap3A_1224], %swap3A_1227 {strides = array<i32>} : memref<80x128xf32, #tpu.memory_space<vmem>>, vector<1x16xf32>,
        %add3A_1228 = arith.constant 160 : i32
        %add3A_1229 = arith.addi %add3A_1228, %scan3A_1139 : i32
        %get3A_1230 = arith.index_cast %add3A_1229 : i32 to index
        %get3A_1231 = arith.constant 96 : index
        %get3A_1232 = tpu.vector_load %arg7[%get3A_1230, %get3A_1231] {strides = array<i32>} : memref<200x128xf32, #tpu.memory_space<vmem>>, vector<1x16xf32>,
        %get3A_1233 = vector.shape_cast %get3A_1232 : vector<1x16xf32> to vector<16xf32>
        %swap3A_1234 = arith.constant 0 : i32
        %swap3A_1235 = arith.constant 0 : i32
        %swap3A_1236 = tpu.memref_slice %arg8[%scan3A_1113, %swap3A_1234, %swap3A_1235] : memref<5x80x128xf32, #tpu.memory_space<vmem>> -> memref<1x80x128xf32, #tpu.memory_space<vmem>>
        %swap3A_1237 = tpu.memref_squeeze %swap3A_1236 : memref<1x80x128xf32, #tpu.memory_space<vmem>> -> memref<80x128xf32, #tpu.memory_space<vmem>>
        %swap3A_1238 = arith.index_cast %scan3A_1139 : i32 to index
        %swap3A_1239 = arith.constant 96 : index
        %swap3A_1240 = tpu.vector_load %swap3A_1237[%swap3A_1238, %swap3A_1239] {strides = array<i32>} : memref<80x128xf32, #tpu.memory_space<vmem>>, vector<1x16xf32>,
        %swap3A_1241 = vector.shape_cast %swap3A_1240 : vector<1x16xf32> to vector<16xf32>
        %swap3A_1242 = vector.shape_cast %get3A_1233 : vector<16xf32> to vector<1x16xf32>
        tpu.vector_store %swap3A_1237[%swap3A_1238, %swap3A_1239], %swap3A_1242 {strides = array<i32>} : memref<80x128xf32, #tpu.memory_space<vmem>>, vector<1x16xf32>,
        %add3A_1243 = arith.constant 160 : i32
        %add3A_1244 = arith.addi %add3A_1243, %scan3A_1139 : i32
        %get3A_1245 = arith.index_cast %add3A_1244 : i32 to index
        %get3A_1246 = arith.constant 112 : index
        %get3A_1247 = tpu.vector_load %arg7[%get3A_1245, %get3A_1246] {strides = array<i32>} : memref<200x128xf32, #tpu.memory_space<vmem>>, vector<1x16xf32>,
        %get3A_1248 = vector.shape_cast %get3A_1247 : vector<1x16xf32> to vector<16xf32>
        %swap3A_1249 = arith.constant 0 : i32
        %swap3A_1250 = arith.constant 0 : i32
        %swap3A_1251 = tpu.memref_slice %arg8[%scan3A_1113, %swap3A_1249, %swap3A_1250] : memref<5x80x128xf32, #tpu.memory_space<vmem>> -> memref<1x80x128xf32, #tpu.memory_space<vmem>>
        %swap3A_1252 = tpu.memref_squeeze %swap3A_1251 : memref<1x80x128xf32, #tpu.memory_space<vmem>> -> memref<80x128xf32, #tpu.memory_space<vmem>>
        %swap3A_1253 = arith.index_cast %scan3A_1139 : i32 to index
        %swap3A_1254 = arith.constant 112 : index
        %swap3A_1255 = tpu.vector_load %swap3A_1252[%swap3A_1253, %swap3A_1254] {strides = array<i32>} : memref<80x128xf32, #tpu.memory_space<vmem>>, vector<1x16xf32>,
        %swap3A_1256 = vector.shape_cast %swap3A_1255 : vector<1x16xf32> to vector<16xf32>
        %swap3A_1257 = vector.shape_cast %get3A_1248 : vector<16xf32> to vector<1x16xf32>
        tpu.vector_store %swap3A_1252[%swap3A_1253, %swap3A_1254], %swap3A_1257 {strides = array<i32>} : memref<80x128xf32, #tpu.memory_space<vmem>>, vector<1x16xf32>,
      }
      %scan3A_1118 = arith.constant 40 : i32
      %scan3A_1119 = arith.constant 2 : i32
      %scan3A_1120 = arith.constant 40 : i32
      %scan3A_1121 = arith.constant 40 : i32
      %scan3A_1122 = arith.addi %scan3A_1120, %scan3A_1121 : i32
      %scan3A_1123 = arith.constant 1 : i32
      scf.for %scan3A_1139 = %scan3A_1120 to %scan3A_1122 step %scan3A_1123  : i32 {
        %add3A_1140 = arith.constant -40 : i32
        %add3A_1141 = arith.addi %add3A_1140, %scan3A_1139 : i32
        %get3A = arith.index_cast %add3A_1141 : i32 to index
        %get3A_1142 = arith.constant 0 : index
        %get3A_1143 = tpu.vector_load %arg7[%get3A, %get3A_1142] {strides = array<i32>} : memref<200x128xf32, #tpu.memory_space<vmem>>, vector<1x16xf32>,
        %get3A_1144 = vector.shape_cast %get3A_1143 : vector<1x16xf32> to vector<16xf32>
        %swap3A = arith.constant 0 : i32
        %swap3A_1145 = arith.constant 0 : i32
        %swap3A_1146 = tpu.memref_slice %arg8[%scan3A_1119, %swap3A, %swap3A_1145] : memref<5x80x128xf32, #tpu.memory_space<vmem>> -> memref<1x80x128xf32, #tpu.memory_space<vmem>>
        %swap3A_1147 = tpu.memref_squeeze %swap3A_1146 : memref<1x80x128xf32, #tpu.memory_space<vmem>> -> memref<80x128xf32, #tpu.memory_space<vmem>>
        %swap3A_1148 = arith.index_cast %scan3A_1139 : i32 to index
        %swap3A_1149 = arith.constant 0 : index
        %swap3A_1150 = tpu.vector_load %swap3A_1147[%swap3A_1148, %swap3A_1149] {strides = array<i32>} : memref<80x128xf32, #tpu.memory_space<vmem>>, vector<1x16xf32>,
        %swap3A_1151 = vector.shape_cast %swap3A_1150 : vector<1x16xf32> to vector<16xf32>
        %swap3A_1152 = vector.shape_cast %get3A_1144 : vector<16xf32> to vector<1x16xf32>
        tpu.vector_store %swap3A_1147[%swap3A_1148, %swap3A_1149], %swap3A_1152 {strides = array<i32>} : memref<80x128xf32, #tpu.memory_space<vmem>>, vector<1x16xf32>,
        %add3A_1153 = arith.constant -40 : i32
        %add3A_1154 = arith.addi %add3A_1153, %scan3A_1139 : i32
        %get3A_1155 = arith.index_cast %add3A_1154 : i32 to index
        %get3A_1156 = arith.constant 16 : index
        %get3A_1157 = tpu.vector_load %arg7[%get3A_1155, %get3A_1156] {strides = array<i32>} : memref<200x128xf32, #tpu.memory_space<vmem>>, vector<1x16xf32>,
        %get3A_1158 = vector.shape_cast %get3A_1157 : vector<1x16xf32> to vector<16xf32>
        %swap3A_1159 = arith.constant 0 : i32
        %swap3A_1160 = arith.constant 0 : i32
        %swap3A_1161 = tpu.memref_slice %arg8[%scan3A_1119, %swap3A_1159, %swap3A_1160] : memref<5x80x128xf32, #tpu.memory_space<vmem>> -> memref<1x80x128xf32, #tpu.memory_space<vmem>>
        %swap3A_1162 = tpu.memref_squeeze %swap3A_1161 : memref<1x80x128xf32, #tpu.memory_space<vmem>> -> memref<80x128xf32, #tpu.memory_space<vmem>>
        %swap3A_1163 = arith.index_cast %scan3A_1139 : i32 to index
        %swap3A_1164 = arith.constant 16 : index
        %swap3A_1165 = tpu.vector_load %swap3A_1162[%swap3A_1163, %swap3A_1164] {strides = array<i32>} : memref<80x128xf32, #tpu.memory_space<vmem>>, vector<1x16xf32>,
        %swap3A_1166 = vector.shape_cast %swap3A_1165 : vector<1x16xf32> to vector<16xf32>
        %swap3A_1167 = vector.shape_cast %get3A_1158 : vector<16xf32> to vector<1x16xf32>
        tpu.vector_store %swap3A_1162[%swap3A_1163, %swap3A_1164], %swap3A_1167 {strides = array<i32>} : memref<80x128xf32, #tpu.memory_space<vmem>>, vector<1x16xf32>,
        %add3A_1168 = arith.constant -40 : i32
        %add3A_1169 = arith.addi %add3A_1168, %scan3A_1139 : i32
        %get3A_1170 = arith.index_cast %add3A_1169 : i32 to index
        %get3A_1171 = arith.constant 32 : index
        %get3A_1172 = tpu.vector_load %arg7[%get3A_1170, %get3A_1171] {strides = array<i32>} : memref<200x128xf32, #tpu.memory_space<vmem>>, vector<1x16xf32>,
        %get3A_1173 = vector.shape_cast %get3A_1172 : vector<1x16xf32> to vector<16xf32>
        %swap3A_1174 = arith.constant 0 : i32
        %swap3A_1175 = arith.constant 0 : i32
        %swap3A_1176 = tpu.memref_slice %arg8[%scan3A_1119, %swap3A_1174, %swap3A_1175] : memref<5x80x128xf32, #tpu.memory_space<vmem>> -> memref<1x80x128xf32, #tpu.memory_space<vmem>>
        %swap3A_1177 = tpu.memref_squeeze %swap3A_1176 : memref<1x80x128xf32, #tpu.memory_space<vmem>> -> memref<80x128xf32, #tpu.memory_space<vmem>>
        %swap3A_1178 = arith.index_cast %scan3A_1139 : i32 to index
        %swap3A_1179 = arith.constant 32 : index
        %swap3A_1180 = tpu.vector_load %swap3A_1177[%swap3A_1178, %swap3A_1179] {strides = array<i32>} : memref<80x128xf32, #tpu.memory_space<vmem>>, vector<1x16xf32>,
        %swap3A_1181 = vector.shape_cast %swap3A_1180 : vector<1x16xf32> to vector<16xf32>
        %swap3A_1182 = vector.shape_cast %get3A_1173 : vector<16xf32> to vector<1x16xf32>
        tpu.vector_store %swap3A_1177[%swap3A_1178, %swap3A_1179], %swap3A_1182 {strides = array<i32>} : memref<80x128xf32, #tpu.memory_space<vmem>>, vector<1x16xf32>,
        %add3A_1183 = arith.constant -40 : i32
        %add3A_1184 = arith.addi %add3A_1183, %scan3A_1139 : i32
        %get3A_1185 = arith.index_cast %add3A_1184 : i32 to index
        %get3A_1186 = arith.constant 48 : index
        %get3A_1187 = tpu.vector_load %arg7[%get3A_1185, %get3A_1186] {strides = array<i32>} : memref<200x128xf32, #tpu.memory_space<vmem>>, vector<1x16xf32>,
        %get3A_1188 = vector.shape_cast %get3A_1187 : vector<1x16xf32> to vector<16xf32>
        %swap3A_1189 = arith.constant 0 : i32
        %swap3A_1190 = arith.constant 0 : i32
        %swap3A_1191 = tpu.memref_slice %arg8[%scan3A_1119, %swap3A_1189, %swap3A_1190] : memref<5x80x128xf32, #tpu.memory_space<vmem>> -> memref<1x80x128xf32, #tpu.memory_space<vmem>>
        %swap3A_1192 = tpu.memref_squeeze %swap3A_1191 : memref<1x80x128xf32, #tpu.memory_space<vmem>> -> memref<80x128xf32, #tpu.memory_space<vmem>>
        %swap3A_1193 = arith.index_cast %scan3A_1139 : i32 to index
        %swap3A_1194 = arith.constant 48 : index
        %swap3A_1195 = tpu.vector_load %swap3A_1192[%swap3A_1193, %swap3A_1194] {strides = array<i32>} : memref<80x128xf32, #tpu.memory_space<vmem>>, vector<1x16xf32>,
        %swap3A_1196 = vector.shape_cast %swap3A_1195 : vector<1x16xf32> to vector<16xf32>
        %swap3A_1197 = vector.shape_cast %get3A_1188 : vector<16xf32> to vector<1x16xf32>
        tpu.vector_store %swap3A_1192[%swap3A_1193, %swap3A_1194], %swap3A_1197 {strides = array<i32>} : memref<80x128xf32, #tpu.memory_space<vmem>>, vector<1x16xf32>,
        %add3A_1198 = arith.constant -40 : i32
        %add3A_1199 = arith.addi %add3A_1198, %scan3A_1139 : i32
        %get3A_1200 = arith.index_cast %add3A_1199 : i32 to index
        %get3A_1201 = arith.constant 64 : index
        %get3A_1202 = tpu.vector_load %arg7[%get3A_1200, %get3A_1201] {strides = array<i32>} : memref<200x128xf32, #tpu.memory_space<vmem>>, vector<1x16xf32>,
        %get3A_1203 = vector.shape_cast %get3A_1202 : vector<1x16xf32> to vector<16xf32>
        %swap3A_1204 = arith.constant 0 : i32
        %swap3A_1205 = arith.constant 0 : i32
        %swap3A_1206 = tpu.memref_slice %arg8[%scan3A_1119, %swap3A_1204, %swap3A_1205] : memref<5x80x128xf32, #tpu.memory_space<vmem>> -> memref<1x80x128xf32, #tpu.memory_space<vmem>>
        %swap3A_1207 = tpu.memref_squeeze %swap3A_1206 : memref<1x80x128xf32, #tpu.memory_space<vmem>> -> memref<80x128xf32, #tpu.memory_space<vmem>>
        %swap3A_1208 = arith.index_cast %scan3A_1139 : i32 to index
        %swap3A_1209 = arith.constant 64 : index
        %swap3A_1210 = tpu.vector_load %swap3A_1207[%swap3A_1208, %swap3A_1209] {strides = array<i32>} : memref<80x128xf32, #tpu.memory_space<vmem>>, vector<1x16xf32>,
        %swap3A_1211 = vector.shape_cast %swap3A_1210 : vector<1x16xf32> to vector<16xf32>
        %swap3A_1212 = vector.shape_cast %get3A_1203 : vector<16xf32> to vector<1x16xf32>
        tpu.vector_store %swap3A_1207[%swap3A_1208, %swap3A_1209], %swap3A_1212 {strides = array<i32>} : memref<80x128xf32, #tpu.memory_space<vmem>>, vector<1x16xf32>,
        %add3A_1213 = arith.constant -40 : i32
        %add3A_1214 = arith.addi %add3A_1213, %scan3A_1139 : i32
        %get3A_1215 = arith.index_cast %add3A_1214 : i32 to index
        %get3A_1216 = arith.constant 80 : index
        %get3A_1217 = tpu.vector_load %arg7[%get3A_1215, %get3A_1216] {strides = array<i32>} : memref<200x128xf32, #tpu.memory_space<vmem>>, vector<1x16xf32>,
        %get3A_1218 = vector.shape_cast %get3A_1217 : vector<1x16xf32> to vector<16xf32>
        %swap3A_1219 = arith.constant 0 : i32
        %swap3A_1220 = arith.constant 0 : i32
        %swap3A_1221 = tpu.memref_slice %arg8[%scan3A_1119, %swap3A_1219, %swap3A_1220] : memref<5x80x128xf32, #tpu.memory_space<vmem>> -> memref<1x80x128xf32, #tpu.memory_space<vmem>>
        %swap3A_1222 = tpu.memref_squeeze %swap3A_1221 : memref<1x80x128xf32, #tpu.memory_space<vmem>> -> memref<80x128xf32, #tpu.memory_space<vmem>>
        %swap3A_1223 = arith.index_cast %scan3A_1139 : i32 to index
        %swap3A_1224 = arith.constant 80 : index
        %swap3A_1225 = tpu.vector_load %swap3A_1222[%swap3A_1223, %swap3A_1224] {strides = array<i32>} : memref<80x128xf32, #tpu.memory_space<vmem>>, vector<1x16xf32>,
        %swap3A_1226 = vector.shape_cast %swap3A_1225 : vector<1x16xf32> to vector<16xf32>
        %swap3A_1227 = vector.shape_cast %get3A_1218 : vector<16xf32> to vector<1x16xf32>
        tpu.vector_store %swap3A_1222[%swap3A_1223, %swap3A_1224], %swap3A_1227 {strides = array<i32>} : memref<80x128xf32, #tpu.memory_space<vmem>>, vector<1x16xf32>,
        %add3A_1228 = arith.constant -40 : i32
        %add3A_1229 = arith.addi %add3A_1228, %scan3A_1139 : i32
        %get3A_1230 = arith.index_cast %add3A_1229 : i32 to index
        %get3A_1231 = arith.constant 96 : index
        %get3A_1232 = tpu.vector_load %arg7[%get3A_1230, %get3A_1231] {strides = array<i32>} : memref<200x128xf32, #tpu.memory_space<vmem>>, vector<1x16xf32>,
        %get3A_1233 = vector.shape_cast %get3A_1232 : vector<1x16xf32> to vector<16xf32>
        %swap3A_1234 = arith.constant 0 : i32
        %swap3A_1235 = arith.constant 0 : i32
        %swap3A_1236 = tpu.memref_slice %arg8[%scan3A_1119, %swap3A_1234, %swap3A_1235] : memref<5x80x128xf32, #tpu.memory_space<vmem>> -> memref<1x80x128xf32, #tpu.memory_space<vmem>>
        %swap3A_1237 = tpu.memref_squeeze %swap3A_1236 : memref<1x80x128xf32, #tpu.memory_space<vmem>> -> memref<80x128xf32, #tpu.memory_space<vmem>>
        %swap3A_1238 = arith.index_cast %scan3A_1139 : i32 to index
        %swap3A_1239 = arith.constant 96 : index
        %swap3A_1240 = tpu.vector_load %swap3A_1237[%swap3A_1238, %swap3A_1239] {strides = array<i32>} : memref<80x128xf32, #tpu.memory_space<vmem>>, vector<1x16xf32>,
        %swap3A_1241 = vector.shape_cast %swap3A_1240 : vector<1x16xf32> to vector<16xf32>
        %swap3A_1242 = vector.shape_cast %get3A_1233 : vector<16xf32> to vector<1x16xf32>
        tpu.vector_store %swap3A_1237[%swap3A_1238, %swap3A_1239], %swap3A_1242 {strides = array<i32>} : memref<80x128xf32, #tpu.memory_space<vmem>>, vector<1x16xf32>,
        %add3A_1243 = arith.constant -40 : i32
        %add3A_1244 = arith.addi %add3A_1243, %scan3A_1139 : i32
        %get3A_1245 = arith.index_cast %add3A_1244 : i32 to index
        %get3A_1246 = arith.constant 112 : index
        %get3A_1247 = tpu.vector_load %arg7[%get3A_1245, %get3A_1246] {strides = array<i32>} : memref<200x128xf32, #tpu.memory_space<vmem>>, vector<1x16xf32>,
        %get3A_1248 = vector.shape_cast %get3A_1247 : vector<1x16xf32> to vector<16xf32>
        %swap3A_1249 = arith.constant 0 : i32
        %swap3A_1250 = arith.constant 0 : i32
        %swap3A_1251 = tpu.memref_slice %arg8[%scan3A_1119, %swap3A_1249, %swap3A_1250] : memref<5x80x128xf32, #tpu.memory_space<vmem>> -> memref<1x80x128xf32, #tpu.memory_space<vmem>>
        %swap3A_1252 = tpu.memref_squeeze %swap3A_1251 : memref<1x80x128xf32, #tpu.memory_space<vmem>> -> memref<80x128xf32, #tpu.memory_space<vmem>>
        %swap3A_1253 = arith.index_cast %scan3A_1139 : i32 to index
        %swap3A_1254 = arith.constant 112 : index
        %swap3A_1255 = tpu.vector_load %swap3A_1252[%swap3A_1253, %swap3A_1254] {strides = array<i32>} : memref<80x128xf32, #tpu.memory_space<vmem>>, vector<1x16xf32>,
        %swap3A_1256 = vector.shape_cast %swap3A_1255 : vector<1x16xf32> to vector<16xf32>
        %swap3A_1257 = vector.shape_cast %get3A_1248 : vector<16xf32> to vector<1x16xf32>
        tpu.vector_store %swap3A_1252[%swap3A_1253, %swap3A_1254], %swap3A_1257 {strides = array<i32>} : memref<80x128xf32, #tpu.memory_space<vmem>>, vector<1x16xf32>,
      }
      %scan3A_1124 = arith.constant 40 : i32
      %dma_start3A_1125 = arith.constant 2 : i32
      %dma_start3A_1126 = arith.constant 2 : i32
      %dma_start3A_1127 = arith.constant 0 : i32
      %dma_start3A_1128 = arith.constant 0 : i32
      %dma_start3A_1129 = tpu.memref_slice %arg8[%dma_start3A_1125, %dma_start3A_1127, %dma_start3A_1128] : memref<5x80x128xf32, #tpu.memory_space<vmem>> -> memref<1x80x128xf32, #tpu.memory_space<vmem>>
      %dma_start3A_1130 = tpu.memref_squeeze %dma_start3A_1129 : memref<1x80x128xf32, #tpu.memory_space<vmem>> -> memref<80x128xf32, #tpu.memory_space<vmem>>
      %dma_start3A_1131 = arith.constant 0 : i32
      %dma_start3A_1132 = tpu.memref_slice %arg6[%add3A_1112, %dma_start3A_1131] : memref<80x80xi32, #tpu.memory_space<vmem>> -> memref<1x80xi32, #tpu.memory_space<vmem>>
      %dma_start3A_1133 = tpu.memref_squeeze %dma_start3A_1132 : memref<1x80xi32, #tpu.memory_space<vmem>> -> memref<80xi32, #tpu.memory_space<vmem>>
      %dma_start3A_1134 = arith.constant 0 : i32
      %dma_start3A_1135 = arith.constant 0 : i32
      %dma_start3A_1136 = tpu.memref_slice %arg3[%dma_start3A_1134, %dma_start3A_1135] : memref<100000x128xf32, #tpu.memory_space<hbm>> -> memref<100000x128xf32, #tpu.memory_space<hbm>>
      %dma_start3A_1137 = tpu.memref_slice %arg9[%dma_start3A_1126] : memref<5x!tpu.dma_semaphore, #tpu.memory_space<semaphore_mem>> -> memref<1x!tpu.dma_semaphore, #tpu.memory_space<semaphore_mem>>
      %dma_start3A_1138 = tpu.memref_squeeze %dma_start3A_1137 : memref<1x!tpu.dma_semaphore, #tpu.memory_space<semaphore_mem>> -> memref<!tpu.dma_semaphore, #tpu.memory_space<semaphore_mem>>
      tpu.enqueue_indirect_dma source(%dma_start3A_1136 : memref<100000x128xf32, #tpu.memory_space<hbm>>) target(%dma_start3A_1130 : memref<80x128xf32, #tpu.memory_space<vmem>>) offsets(%dma_start3A_1133 : memref<80xi32, #tpu.memory_space<vmem>>) semaphore(%dma_start3A_1138 : memref<!tpu.dma_semaphore, #tpu.memory_space<semaphore_mem>>) {add = true}
    }
    %scan3A_403 = arith.constant 14 : i32
    %dma_wait3A_404 = arith.constant 75 : i32
    %dma_wait3A_405 = arith.constant 0 : i32
    %dma_wait3A_406 = arith.constant 0 : i32
    %dma_wait3A_407 = arith.constant 0 : i32
    %dma_wait3A_408 = arith.constant 0 : i32
    %dma_wait3A_409 = tpu.memref_slice %arg8[%dma_wait3A_405, %dma_wait3A_407, %dma_wait3A_408] : memref<5x80x128xf32, #tpu.memory_space<vmem>> -> memref<1x80x128xf32, #tpu.memory_space<vmem>>
    %dma_wait3A_410 = tpu.memref_squeeze %dma_wait3A_409 : memref<1x80x128xf32, #tpu.memory_space<vmem>> -> memref<80x128xf32, #tpu.memory_space<vmem>>
    %dma_wait3A_411 = arith.constant 0 : i32
    %dma_wait3A_412 = tpu.memref_slice %arg6[%dma_wait3A_404, %dma_wait3A_411] : memref<80x80xi32, #tpu.memory_space<vmem>> -> memref<1x80xi32, #tpu.memory_space<vmem>>
    %dma_wait3A_413 = tpu.memref_squeeze %dma_wait3A_412 : memref<1x80xi32, #tpu.memory_space<vmem>> -> memref<80xi32, #tpu.memory_space<vmem>>
    %dma_wait3A_414 = arith.constant 0 : i32
    %dma_wait3A_415 = arith.constant 0 : i32
    %dma_wait3A_416 = tpu.memref_slice %arg3[%dma_wait3A_414, %dma_wait3A_415] : memref<100000x128xf32, #tpu.memory_space<hbm>> -> memref<100000x128xf32, #tpu.memory_space<hbm>>
    %dma_wait3A_417 = tpu.memref_slice %arg9[%dma_wait3A_406] : memref<5x!tpu.dma_semaphore, #tpu.memory_space<semaphore_mem>> -> memref<1x!tpu.dma_semaphore, #tpu.memory_space<semaphore_mem>>
    %dma_wait3A_418 = tpu.memref_squeeze %dma_wait3A_417 : memref<1x!tpu.dma_semaphore, #tpu.memory_space<semaphore_mem>> -> memref<!tpu.dma_semaphore, #tpu.memory_space<semaphore_mem>>
    tpu.wait_indirect_dma semaphore(%dma_wait3A_418 : memref<!tpu.dma_semaphore, #tpu.memory_space<semaphore_mem>>) src(%dma_wait3A_416 : memref<100000x128xf32, #tpu.memory_space<hbm>>) dst(%dma_wait3A_410 : memref<80x128xf32, #tpu.memory_space<vmem>>)
    %add3A_419 = arith.constant 6000 : i32
    %add3A_420 = arith.addi %mul3A_2, %add3A_419 : i32
    %dma_start3A_421 = arith.constant 0 : i32
    %dma_start3A_422 = arith.constant 0 : i32
    %dma_start3A_423 = arith.constant 0 : i32
    %dma_start3A_424 = arith.constant 0 : i32
    %dma_start3A_425 = tpu.memref_slice %arg8[%dma_start3A_421, %dma_start3A_423, %dma_start3A_424] : memref<5x80x128xf32, #tpu.memory_space<vmem>> -> memref<1x80x128xf32, #tpu.memory_space<vmem>>
    %dma_start3A_426 = tpu.memref_squeeze %dma_start3A_425 : memref<1x80x128xf32, #tpu.memory_space<vmem>> -> memref<80x128xf32, #tpu.memory_space<vmem>>
    %dma_start3A_427 = arith.constant 0 : i32
    %dma_start3A_428 = tpu.memref_slice %arg5[%add3A_420, %dma_start3A_427] : memref<204800x128xf32, #tpu.memory_space<hbm>> -> memref<80x128xf32, #tpu.memory_space<hbm>>
    %dma_start3A_429 = tpu.memref_slice %arg10[%dma_start3A_422] : memref<5x!tpu.dma_semaphore, #tpu.memory_space<semaphore_mem>> -> memref<1x!tpu.dma_semaphore, #tpu.memory_space<semaphore_mem>>
    %dma_start3A_430 = tpu.memref_squeeze %dma_start3A_429 : memref<1x!tpu.dma_semaphore, #tpu.memory_space<semaphore_mem>> -> memref<!tpu.dma_semaphore, #tpu.memory_space<semaphore_mem>>
    %dma_start3A_431 = arith.constant 0 : i32
    %dma_start3A_432 = tpu.memref_slice %arg5[%add3A_420, %dma_start3A_431] : memref<204800x128xf32, #tpu.memory_space<hbm>> -> memref<80x128xf32, #tpu.memory_space<hbm>>
    %dma_start3A_433 = arith.constant 0 : i32
    %dma_start3A_434 = arith.constant 0 : i32
    %dma_start3A_435 = tpu.memref_slice %arg8[%dma_start3A_421, %dma_start3A_433, %dma_start3A_434] : memref<5x80x128xf32, #tpu.memory_space<vmem>> -> memref<1x80x128xf32, #tpu.memory_space<vmem>>
    %dma_start3A_436 = tpu.memref_squeeze %dma_start3A_435 : memref<1x80x128xf32, #tpu.memory_space<vmem>> -> memref<80x128xf32, #tpu.memory_space<vmem>>
    tpu.enqueue_dma source(%dma_start3A_436 : memref<80x128xf32, #tpu.memory_space<vmem>>) target(%dma_start3A_432 : memref<80x128xf32, #tpu.memory_space<hbm>>) target_semaphore(%dma_start3A_430 : memref<!tpu.dma_semaphore, #tpu.memory_space<semaphore_mem>>)
    %dma_wait3A_437 = arith.constant 3 : i32
    %dma_wait3A_438 = arith.constant 3 : i32
    %dma_wait3A_439 = arith.constant 0 : i32
    %dma_wait3A_440 = arith.constant 0 : i32
    %dma_wait3A_441 = tpu.memref_slice %arg8[%dma_wait3A_437, %dma_wait3A_439, %dma_wait3A_440] : memref<5x80x128xf32, #tpu.memory_space<vmem>> -> memref<1x80x128xf32, #tpu.memory_space<vmem>>
    %dma_wait3A_442 = tpu.memref_squeeze %dma_wait3A_441 : memref<1x80x128xf32, #tpu.memory_space<vmem>> -> memref<80x128xf32, #tpu.memory_space<vmem>>
    %dma_wait3A_443 = arith.constant 0 : i32
    %dma_wait3A_444 = arith.constant 0 : i32
    %dma_wait3A_445 = tpu.memref_slice %arg5[%dma_wait3A_443, %dma_wait3A_444] : memref<204800x128xf32, #tpu.memory_space<hbm>> -> memref<80x128xf32, #tpu.memory_space<hbm>>
    %dma_wait3A_446 = tpu.memref_slice %arg10[%dma_wait3A_438] : memref<5x!tpu.dma_semaphore, #tpu.memory_space<semaphore_mem>> -> memref<1x!tpu.dma_semaphore, #tpu.memory_space<semaphore_mem>>
    %dma_wait3A_447 = tpu.memref_squeeze %dma_wait3A_446 : memref<1x!tpu.dma_semaphore, #tpu.memory_space<semaphore_mem>> -> memref<!tpu.dma_semaphore, #tpu.memory_space<semaphore_mem>>
    %dma_wait3A_448 = arith.constant 0 : i32
    %dma_wait3A_449 = arith.constant 0 : i32
    %dma_wait3A_450 = tpu.memref_slice %arg5[%dma_wait3A_448, %dma_wait3A_449] : memref<204800x128xf32, #tpu.memory_space<hbm>> -> memref<80x128xf32, #tpu.memory_space<hbm>>
    %dma_wait3A_451 = arith.constant 0 : i32
    %dma_wait3A_452 = arith.constant 0 : i32
    %dma_wait3A_453 = tpu.memref_slice %arg8[%dma_wait3A_437, %dma_wait3A_451, %dma_wait3A_452] : memref<5x80x128xf32, #tpu.memory_space<vmem>> -> memref<1x80x128xf32, #tpu.memory_space<vmem>>
    %dma_wait3A_454 = tpu.memref_squeeze %dma_wait3A_453 : memref<1x80x128xf32, #tpu.memory_space<vmem>> -> memref<80x128xf32, #tpu.memory_space<vmem>>
    tpu.wait_dma2 semaphore(%dma_wait3A_447 : memref<!tpu.dma_semaphore, #tpu.memory_space<semaphore_mem>>) src(%dma_wait3A_454 : memref<80x128xf32, #tpu.memory_space<vmem>>) dst(%dma_wait3A_450 : memref<80x128xf32, #tpu.memory_space<hbm>>)
    %scan3A_455 = arith.constant 3 : i32
    %scan3A_456 = arith.constant 0 : i32
    %scan3A_457 = arith.constant 80 : i32
    %scan3A_458 = arith.addi %scan3A_456, %scan3A_457 : i32
    %scan3A_459 = arith.constant 1 : i32
    scf.for %scan3A_737 = %scan3A_456 to %scan3A_458 step %scan3A_459  : i32 {
      %add3A_738 = arith.constant 40 : i32
      %add3A_739 = arith.addi %add3A_738, %scan3A_737 : i32
      %get3A = arith.index_cast %add3A_739 : i32 to index
      %get3A_740 = arith.constant 0 : index
      %get3A_741 = tpu.vector_load %arg7[%get3A, %get3A_740] {strides = array<i32>} : memref<200x128xf32, #tpu.memory_space<vmem>>, vector<1x16xf32>,
      %get3A_742 = vector.shape_cast %get3A_741 : vector<1x16xf32> to vector<16xf32>
      %swap3A = arith.constant 0 : i32
      %swap3A_743 = arith.constant 0 : i32
      %swap3A_744 = tpu.memref_slice %arg8[%scan3A_455, %swap3A, %swap3A_743] : memref<5x80x128xf32, #tpu.memory_space<vmem>> -> memref<1x80x128xf32, #tpu.memory_space<vmem>>
      %swap3A_745 = tpu.memref_squeeze %swap3A_744 : memref<1x80x128xf32, #tpu.memory_space<vmem>> -> memref<80x128xf32, #tpu.memory_space<vmem>>
      %swap3A_746 = arith.index_cast %scan3A_737 : i32 to index
      %swap3A_747 = arith.constant 0 : index
      %swap3A_748 = tpu.vector_load %swap3A_745[%swap3A_746, %swap3A_747] {strides = array<i32>} : memref<80x128xf32, #tpu.memory_space<vmem>>, vector<1x16xf32>,
      %swap3A_749 = vector.shape_cast %swap3A_748 : vector<1x16xf32> to vector<16xf32>
      %swap3A_750 = vector.shape_cast %get3A_742 : vector<16xf32> to vector<1x16xf32>
      tpu.vector_store %swap3A_745[%swap3A_746, %swap3A_747], %swap3A_750 {strides = array<i32>} : memref<80x128xf32, #tpu.memory_space<vmem>>, vector<1x16xf32>,
      %add3A_751 = arith.constant 40 : i32
      %add3A_752 = arith.addi %add3A_751, %scan3A_737 : i32
      %get3A_753 = arith.index_cast %add3A_752 : i32 to index
      %get3A_754 = arith.constant 16 : index
      %get3A_755 = tpu.vector_load %arg7[%get3A_753, %get3A_754] {strides = array<i32>} : memref<200x128xf32, #tpu.memory_space<vmem>>, vector<1x16xf32>,
      %get3A_756 = vector.shape_cast %get3A_755 : vector<1x16xf32> to vector<16xf32>
      %swap3A_757 = arith.constant 0 : i32
      %swap3A_758 = arith.constant 0 : i32
      %swap3A_759 = tpu.memref_slice %arg8[%scan3A_455, %swap3A_757, %swap3A_758] : memref<5x80x128xf32, #tpu.memory_space<vmem>> -> memref<1x80x128xf32, #tpu.memory_space<vmem>>
      %swap3A_760 = tpu.memref_squeeze %swap3A_759 : memref<1x80x128xf32, #tpu.memory_space<vmem>> -> memref<80x128xf32, #tpu.memory_space<vmem>>
      %swap3A_761 = arith.index_cast %scan3A_737 : i32 to index
      %swap3A_762 = arith.constant 16 : index
      %swap3A_763 = tpu.vector_load %swap3A_760[%swap3A_761, %swap3A_762] {strides = array<i32>} : memref<80x128xf32, #tpu.memory_space<vmem>>, vector<1x16xf32>,
      %swap3A_764 = vector.shape_cast %swap3A_763 : vector<1x16xf32> to vector<16xf32>
      %swap3A_765 = vector.shape_cast %get3A_756 : vector<16xf32> to vector<1x16xf32>
      tpu.vector_store %swap3A_760[%swap3A_761, %swap3A_762], %swap3A_765 {strides = array<i32>} : memref<80x128xf32, #tpu.memory_space<vmem>>, vector<1x16xf32>,
      %add3A_766 = arith.constant 40 : i32
      %add3A_767 = arith.addi %add3A_766, %scan3A_737 : i32
      %get3A_768 = arith.index_cast %add3A_767 : i32 to index
      %get3A_769 = arith.constant 32 : index
      %get3A_770 = tpu.vector_load %arg7[%get3A_768, %get3A_769] {strides = array<i32>} : memref<200x128xf32, #tpu.memory_space<vmem>>, vector<1x16xf32>,
      %get3A_771 = vector.shape_cast %get3A_770 : vector<1x16xf32> to vector<16xf32>
      %swap3A_772 = arith.constant 0 : i32
      %swap3A_773 = arith.constant 0 : i32
      %swap3A_774 = tpu.memref_slice %arg8[%scan3A_455, %swap3A_772, %swap3A_773] : memref<5x80x128xf32, #tpu.memory_space<vmem>> -> memref<1x80x128xf32, #tpu.memory_space<vmem>>
      %swap3A_775 = tpu.memref_squeeze %swap3A_774 : memref<1x80x128xf32, #tpu.memory_space<vmem>> -> memref<80x128xf32, #tpu.memory_space<vmem>>
      %swap3A_776 = arith.index_cast %scan3A_737 : i32 to index
      %swap3A_777 = arith.constant 32 : index
      %swap3A_778 = tpu.vector_load %swap3A_775[%swap3A_776, %swap3A_777] {strides = array<i32>} : memref<80x128xf32, #tpu.memory_space<vmem>>, vector<1x16xf32>,
      %swap3A_779 = vector.shape_cast %swap3A_778 : vector<1x16xf32> to vector<16xf32>
      %swap3A_780 = vector.shape_cast %get3A_771 : vector<16xf32> to vector<1x16xf32>
      tpu.vector_store %swap3A_775[%swap3A_776, %swap3A_777], %swap3A_780 {strides = array<i32>} : memref<80x128xf32, #tpu.memory_space<vmem>>, vector<1x16xf32>,
      %add3A_781 = arith.constant 40 : i32
      %add3A_782 = arith.addi %add3A_781, %scan3A_737 : i32
      %get3A_783 = arith.index_cast %add3A_782 : i32 to index
      %get3A_784 = arith.constant 48 : index
      %get3A_785 = tpu.vector_load %arg7[%get3A_783, %get3A_784] {strides = array<i32>} : memref<200x128xf32, #tpu.memory_space<vmem>>, vector<1x16xf32>,
      %get3A_786 = vector.shape_cast %get3A_785 : vector<1x16xf32> to vector<16xf32>
      %swap3A_787 = arith.constant 0 : i32
      %swap3A_788 = arith.constant 0 : i32
      %swap3A_789 = tpu.memref_slice %arg8[%scan3A_455, %swap3A_787, %swap3A_788] : memref<5x80x128xf32, #tpu.memory_space<vmem>> -> memref<1x80x128xf32, #tpu.memory_space<vmem>>
      %swap3A_790 = tpu.memref_squeeze %swap3A_789 : memref<1x80x128xf32, #tpu.memory_space<vmem>> -> memref<80x128xf32, #tpu.memory_space<vmem>>
      %swap3A_791 = arith.index_cast %scan3A_737 : i32 to index
      %swap3A_792 = arith.constant 48 : index
      %swap3A_793 = tpu.vector_load %swap3A_790[%swap3A_791, %swap3A_792] {strides = array<i32>} : memref<80x128xf32, #tpu.memory_space<vmem>>, vector<1x16xf32>,
      %swap3A_794 = vector.shape_cast %swap3A_793 : vector<1x16xf32> to vector<16xf32>
      %swap3A_795 = vector.shape_cast %get3A_786 : vector<16xf32> to vector<1x16xf32>
      tpu.vector_store %swap3A_790[%swap3A_791, %swap3A_792], %swap3A_795 {strides = array<i32>} : memref<80x128xf32, #tpu.memory_space<vmem>>, vector<1x16xf32>,
      %add3A_796 = arith.constant 40 : i32
      %add3A_797 = arith.addi %add3A_796, %scan3A_737 : i32
      %get3A_798 = arith.index_cast %add3A_797 : i32 to index
      %get3A_799 = arith.constant 64 : index
      %get3A_800 = tpu.vector_load %arg7[%get3A_798, %get3A_799] {strides = array<i32>} : memref<200x128xf32, #tpu.memory_space<vmem>>, vector<1x16xf32>,
      %get3A_801 = vector.shape_cast %get3A_800 : vector<1x16xf32> to vector<16xf32>
      %swap3A_802 = arith.constant 0 : i32
      %swap3A_803 = arith.constant 0 : i32
      %swap3A_804 = tpu.memref_slice %arg8[%scan3A_455, %swap3A_802, %swap3A_803] : memref<5x80x128xf32, #tpu.memory_space<vmem>> -> memref<1x80x128xf32, #tpu.memory_space<vmem>>
      %swap3A_805 = tpu.memref_squeeze %swap3A_804 : memref<1x80x128xf32, #tpu.memory_space<vmem>> -> memref<80x128xf32, #tpu.memory_space<vmem>>
      %swap3A_806 = arith.index_cast %scan3A_737 : i32 to index
      %swap3A_807 = arith.constant 64 : index
      %swap3A_808 = tpu.vector_load %swap3A_805[%swap3A_806, %swap3A_807] {strides = array<i32>} : memref<80x128xf32, #tpu.memory_space<vmem>>, vector<1x16xf32>,
      %swap3A_809 = vector.shape_cast %swap3A_808 : vector<1x16xf32> to vector<16xf32>
      %swap3A_810 = vector.shape_cast %get3A_801 : vector<16xf32> to vector<1x16xf32>
      tpu.vector_store %swap3A_805[%swap3A_806, %swap3A_807], %swap3A_810 {strides = array<i32>} : memref<80x128xf32, #tpu.memory_space<vmem>>, vector<1x16xf32>,
      %add3A_811 = arith.constant 40 : i32
      %add3A_812 = arith.addi %add3A_811, %scan3A_737 : i32
      %get3A_813 = arith.index_cast %add3A_812 : i32 to index
      %get3A_814 = arith.constant 80 : index
      %get3A_815 = tpu.vector_load %arg7[%get3A_813, %get3A_814] {strides = array<i32>} : memref<200x128xf32, #tpu.memory_space<vmem>>, vector<1x16xf32>,
      %get3A_816 = vector.shape_cast %get3A_815 : vector<1x16xf32> to vector<16xf32>
      %swap3A_817 = arith.constant 0 : i32
      %swap3A_818 = arith.constant 0 : i32
      %swap3A_819 = tpu.memref_slice %arg8[%scan3A_455, %swap3A_817, %swap3A_818] : memref<5x80x128xf32, #tpu.memory_space<vmem>> -> memref<1x80x128xf32, #tpu.memory_space<vmem>>
      %swap3A_820 = tpu.memref_squeeze %swap3A_819 : memref<1x80x128xf32, #tpu.memory_space<vmem>> -> memref<80x128xf32, #tpu.memory_space<vmem>>
      %swap3A_821 = arith.index_cast %scan3A_737 : i32 to index
      %swap3A_822 = arith.constant 80 : index
      %swap3A_823 = tpu.vector_load %swap3A_820[%swap3A_821, %swap3A_822] {strides = array<i32>} : memref<80x128xf32, #tpu.memory_space<vmem>>, vector<1x16xf32>,
      %swap3A_824 = vector.shape_cast %swap3A_823 : vector<1x16xf32> to vector<16xf32>
      %swap3A_825 = vector.shape_cast %get3A_816 : vector<16xf32> to vector<1x16xf32>
      tpu.vector_store %swap3A_820[%swap3A_821, %swap3A_822], %swap3A_825 {strides = array<i32>} : memref<80x128xf32, #tpu.memory_space<vmem>>, vector<1x16xf32>,
      %add3A_826 = arith.constant 40 : i32
      %add3A_827 = arith.addi %add3A_826, %scan3A_737 : i32
      %get3A_828 = arith.index_cast %add3A_827 : i32 to index
      %get3A_829 = arith.constant 96 : index
      %get3A_830 = tpu.vector_load %arg7[%get3A_828, %get3A_829] {strides = array<i32>} : memref<200x128xf32, #tpu.memory_space<vmem>>, vector<1x16xf32>,
      %get3A_831 = vector.shape_cast %get3A_830 : vector<1x16xf32> to vector<16xf32>
      %swap3A_832 = arith.constant 0 : i32
      %swap3A_833 = arith.constant 0 : i32
      %swap3A_834 = tpu.memref_slice %arg8[%scan3A_455, %swap3A_832, %swap3A_833] : memref<5x80x128xf32, #tpu.memory_space<vmem>> -> memref<1x80x128xf32, #tpu.memory_space<vmem>>
      %swap3A_835 = tpu.memref_squeeze %swap3A_834 : memref<1x80x128xf32, #tpu.memory_space<vmem>> -> memref<80x128xf32, #tpu.memory_space<vmem>>
      %swap3A_836 = arith.index_cast %scan3A_737 : i32 to index
      %swap3A_837 = arith.constant 96 : index
      %swap3A_838 = tpu.vector_load %swap3A_835[%swap3A_836, %swap3A_837] {strides = array<i32>} : memref<80x128xf32, #tpu.memory_space<vmem>>, vector<1x16xf32>,
      %swap3A_839 = vector.shape_cast %swap3A_838 : vector<1x16xf32> to vector<16xf32>
      %swap3A_840 = vector.shape_cast %get3A_831 : vector<16xf32> to vector<1x16xf32>
      tpu.vector_store %swap3A_835[%swap3A_836, %swap3A_837], %swap3A_840 {strides = array<i32>} : memref<80x128xf32, #tpu.memory_space<vmem>>, vector<1x16xf32>,
      %add3A_841 = arith.constant 40 : i32
      %add3A_842 = arith.addi %add3A_841, %scan3A_737 : i32
      %get3A_843 = arith.index_cast %add3A_842 : i32 to index
      %get3A_844 = arith.constant 112 : index
      %get3A_845 = tpu.vector_load %arg7[%get3A_843, %get3A_844] {strides = array<i32>} : memref<200x128xf32, #tpu.memory_space<vmem>>, vector<1x16xf32>,
      %get3A_846 = vector.shape_cast %get3A_845 : vector<1x16xf32> to vector<16xf32>
      %swap3A_847 = arith.constant 0 : i32
      %swap3A_848 = arith.constant 0 : i32
      %swap3A_849 = tpu.memref_slice %arg8[%scan3A_455, %swap3A_847, %swap3A_848] : memref<5x80x128xf32, #tpu.memory_space<vmem>> -> memref<1x80x128xf32, #tpu.memory_space<vmem>>
      %swap3A_850 = tpu.memref_squeeze %swap3A_849 : memref<1x80x128xf32, #tpu.memory_space<vmem>> -> memref<80x128xf32, #tpu.memory_space<vmem>>
      %swap3A_851 = arith.index_cast %scan3A_737 : i32 to index
      %swap3A_852 = arith.constant 112 : index
      %swap3A_853 = tpu.vector_load %swap3A_850[%swap3A_851, %swap3A_852] {strides = array<i32>} : memref<80x128xf32, #tpu.memory_space<vmem>>, vector<1x16xf32>,
      %swap3A_854 = vector.shape_cast %swap3A_853 : vector<1x16xf32> to vector<16xf32>
      %swap3A_855 = vector.shape_cast %get3A_846 : vector<16xf32> to vector<1x16xf32>
      tpu.vector_store %swap3A_850[%swap3A_851, %swap3A_852], %swap3A_855 {strides = array<i32>} : memref<80x128xf32, #tpu.memory_space<vmem>>, vector<1x16xf32>,
    }
    %scan3A_460 = arith.constant 80 : i32
    %dma_start3A_461 = arith.constant 78 : i32
    %dma_start3A_462 = arith.constant 3 : i32
    %dma_start3A_463 = arith.constant 3 : i32
    %dma_start3A_464 = arith.constant 0 : i32
    %dma_start3A_465 = arith.constant 0 : i32
    %dma_start3A_466 = tpu.memref_slice %arg8[%dma_start3A_462, %dma_start3A_464, %dma_start3A_465] : memref<5x80x128xf32, #tpu.memory_space<vmem>> -> memref<1x80x128xf32, #tpu.memory_space<vmem>>
    %dma_start3A_467 = tpu.memref_squeeze %dma_start3A_466 : memref<1x80x128xf32, #tpu.memory_space<vmem>> -> memref<80x128xf32, #tpu.memory_space<vmem>>
    %dma_start3A_468 = arith.constant 0 : i32
    %dma_start3A_469 = tpu.memref_slice %arg6[%dma_start3A_461, %dma_start3A_468] : memref<80x80xi32, #tpu.memory_space<vmem>> -> memref<1x80xi32, #tpu.memory_space<vmem>>
    %dma_start3A_470 = tpu.memref_squeeze %dma_start3A_469 : memref<1x80xi32, #tpu.memory_space<vmem>> -> memref<80xi32, #tpu.memory_space<vmem>>
    %dma_start3A_471 = arith.constant 0 : i32
    %dma_start3A_472 = arith.constant 0 : i32
    %dma_start3A_473 = tpu.memref_slice %arg3[%dma_start3A_471, %dma_start3A_472] : memref<100000x128xf32, #tpu.memory_space<hbm>> -> memref<100000x128xf32, #tpu.memory_space<hbm>>
    %dma_start3A_474 = tpu.memref_slice %arg9[%dma_start3A_463] : memref<5x!tpu.dma_semaphore, #tpu.memory_space<semaphore_mem>> -> memref<1x!tpu.dma_semaphore, #tpu.memory_space<semaphore_mem>>
    %dma_start3A_475 = tpu.memref_squeeze %dma_start3A_474 : memref<1x!tpu.dma_semaphore, #tpu.memory_space<semaphore_mem>> -> memref<!tpu.dma_semaphore, #tpu.memory_space<semaphore_mem>>
    tpu.enqueue_indirect_dma source(%dma_start3A_473 : memref<100000x128xf32, #tpu.memory_space<hbm>>) target(%dma_start3A_467 : memref<80x128xf32, #tpu.memory_space<vmem>>) offsets(%dma_start3A_470 : memref<80xi32, #tpu.memory_space<vmem>>) semaphore(%dma_start3A_475 : memref<!tpu.dma_semaphore, #tpu.memory_space<semaphore_mem>>) {add = true}
    %dma_wait3A_476 = arith.constant 76 : i32
    %dma_wait3A_477 = arith.constant 1 : i32
    %dma_wait3A_478 = arith.constant 1 : i32
    %dma_wait3A_479 = arith.constant 0 : i32
    %dma_wait3A_480 = arith.constant 0 : i32
    %dma_wait3A_481 = tpu.memref_slice %arg8[%dma_wait3A_477, %dma_wait3A_479, %dma_wait3A_480] : memref<5x80x128xf32, #tpu.memory_space<vmem>> -> memref<1x80x128xf32, #tpu.memory_space<vmem>>
    %dma_wait3A_482 = tpu.memref_squeeze %dma_wait3A_481 : memref<1x80x128xf32, #tpu.memory_space<vmem>> -> memref<80x128xf32, #tpu.memory_space<vmem>>
    %dma_wait3A_483 = arith.constant 0 : i32
    %dma_wait3A_484 = tpu.memref_slice %arg6[%dma_wait3A_476, %dma_wait3A_483] : memref<80x80xi32, #tpu.memory_space<vmem>> -> memref<1x80xi32, #tpu.memory_space<vmem>>
    %dma_wait3A_485 = tpu.memref_squeeze %dma_wait3A_484 : memref<1x80xi32, #tpu.memory_space<vmem>> -> memref<80xi32, #tpu.memory_space<vmem>>
    %dma_wait3A_486 = arith.constant 0 : i32
    %dma_wait3A_487 = arith.constant 0 : i32
    %dma_wait3A_488 = tpu.memref_slice %arg3[%dma_wait3A_486, %dma_wait3A_487] : memref<100000x128xf32, #tpu.memory_space<hbm>> -> memref<100000x128xf32, #tpu.memory_space<hbm>>
    %dma_wait3A_489 = tpu.memref_slice %arg9[%dma_wait3A_478] : memref<5x!tpu.dma_semaphore, #tpu.memory_space<semaphore_mem>> -> memref<1x!tpu.dma_semaphore, #tpu.memory_space<semaphore_mem>>
    %dma_wait3A_490 = tpu.memref_squeeze %dma_wait3A_489 : memref<1x!tpu.dma_semaphore, #tpu.memory_space<semaphore_mem>> -> memref<!tpu.dma_semaphore, #tpu.memory_space<semaphore_mem>>
    tpu.wait_indirect_dma semaphore(%dma_wait3A_490 : memref<!tpu.dma_semaphore, #tpu.memory_space<semaphore_mem>>) src(%dma_wait3A_488 : memref<100000x128xf32, #tpu.memory_space<hbm>>) dst(%dma_wait3A_482 : memref<80x128xf32, #tpu.memory_space<vmem>>)
    %add3A_491 = arith.constant 6080 : i32
    %add3A_492 = arith.addi %mul3A_2, %add3A_491 : i32
    %dma_start3A_493 = arith.constant 1 : i32
    %dma_start3A_494 = arith.constant 1 : i32
    %dma_start3A_495 = arith.constant 0 : i32
    %dma_start3A_496 = arith.constant 0 : i32
    %dma_start3A_497 = tpu.memref_slice %arg8[%dma_start3A_493, %dma_start3A_495, %dma_start3A_496] : memref<5x80x128xf32, #tpu.memory_space<vmem>> -> memref<1x80x128xf32, #tpu.memory_space<vmem>>
    %dma_start3A_498 = tpu.memref_squeeze %dma_start3A_497 : memref<1x80x128xf32, #tpu.memory_space<vmem>> -> memref<80x128xf32, #tpu.memory_space<vmem>>
    %dma_start3A_499 = arith.constant 0 : i32
    %dma_start3A_500 = tpu.memref_slice %arg5[%add3A_492, %dma_start3A_499] : memref<204800x128xf32, #tpu.memory_space<hbm>> -> memref<80x128xf32, #tpu.memory_space<hbm>>
    %dma_start3A_501 = tpu.memref_slice %arg10[%dma_start3A_494] : memref<5x!tpu.dma_semaphore, #tpu.memory_space<semaphore_mem>> -> memref<1x!tpu.dma_semaphore, #tpu.memory_space<semaphore_mem>>
    %dma_start3A_502 = tpu.memref_squeeze %dma_start3A_501 : memref<1x!tpu.dma_semaphore, #tpu.memory_space<semaphore_mem>> -> memref<!tpu.dma_semaphore, #tpu.memory_space<semaphore_mem>>
    %dma_start3A_503 = arith.constant 0 : i32
    %dma_start3A_504 = tpu.memref_slice %arg5[%add3A_492, %dma_start3A_503] : memref<204800x128xf32, #tpu.memory_space<hbm>> -> memref<80x128xf32, #tpu.memory_space<hbm>>
    %dma_start3A_505 = arith.constant 0 : i32
    %dma_start3A_506 = arith.constant 0 : i32
    %dma_start3A_507 = tpu.memref_slice %arg8[%dma_start3A_493, %dma_start3A_505, %dma_start3A_506] : memref<5x80x128xf32, #tpu.memory_space<vmem>> -> memref<1x80x128xf32, #tpu.memory_space<vmem>>
    %dma_start3A_508 = tpu.memref_squeeze %dma_start3A_507 : memref<1x80x128xf32, #tpu.memory_space<vmem>> -> memref<80x128xf32, #tpu.memory_space<vmem>>
    tpu.enqueue_dma source(%dma_start3A_508 : memref<80x128xf32, #tpu.memory_space<vmem>>) target(%dma_start3A_504 : memref<80x128xf32, #tpu.memory_space<hbm>>) target_semaphore(%dma_start3A_502 : memref<!tpu.dma_semaphore, #tpu.memory_space<semaphore_mem>>)
    %dma_wait3A_509 = arith.constant 4 : i32
    %dma_wait3A_510 = arith.constant 4 : i32
    %dma_wait3A_511 = arith.constant 0 : i32
    %dma_wait3A_512 = arith.constant 0 : i32
    %dma_wait3A_513 = tpu.memref_slice %arg8[%dma_wait3A_509, %dma_wait3A_511, %dma_wait3A_512] : memref<5x80x128xf32, #tpu.memory_space<vmem>> -> memref<1x80x128xf32, #tpu.memory_space<vmem>>
    %dma_wait3A_514 = tpu.memref_squeeze %dma_wait3A_513 : memref<1x80x128xf32, #tpu.memory_space<vmem>> -> memref<80x128xf32, #tpu.memory_space<vmem>>
    %dma_wait3A_515 = arith.constant 0 : i32
    %dma_wait3A_516 = arith.constant 0 : i32
    %dma_wait3A_517 = tpu.memref_slice %arg5[%dma_wait3A_515, %dma_wait3A_516] : memref<204800x128xf32, #tpu.memory_space<hbm>> -> memref<80x128xf32, #tpu.memory_space<hbm>>
    %dma_wait3A_518 = tpu.memref_slice %arg10[%dma_wait3A_510] : memref<5x!tpu.dma_semaphore, #tpu.memory_space<semaphore_mem>> -> memref<1x!tpu.dma_semaphore, #tpu.memory_space<semaphore_mem>>
    %dma_wait3A_519 = tpu.memref_squeeze %dma_wait3A_518 : memref<1x!tpu.dma_semaphore, #tpu.memory_space<semaphore_mem>> -> memref<!tpu.dma_semaphore, #tpu.memory_space<semaphore_mem>>
    %dma_wait3A_520 = arith.constant 0 : i32
    %dma_wait3A_521 = arith.constant 0 : i32
    %dma_wait3A_522 = tpu.memref_slice %arg5[%dma_wait3A_520, %dma_wait3A_521] : memref<204800x128xf32, #tpu.memory_space<hbm>> -> memref<80x128xf32, #tpu.memory_space<hbm>>
    %dma_wait3A_523 = arith.constant 0 : i32
    %dma_wait3A_524 = arith.constant 0 : i32
    %dma_wait3A_525 = tpu.memref_slice %arg8[%dma_wait3A_509, %dma_wait3A_523, %dma_wait3A_524] : memref<5x80x128xf32, #tpu.memory_space<vmem>> -> memref<1x80x128xf32, #tpu.memory_space<vmem>>
    %dma_wait3A_526 = tpu.memref_squeeze %dma_wait3A_525 : memref<1x80x128xf32, #tpu.memory_space<vmem>> -> memref<80x128xf32, #tpu.memory_space<vmem>>
    tpu.wait_dma2 semaphore(%dma_wait3A_519 : memref<!tpu.dma_semaphore, #tpu.memory_space<semaphore_mem>>) src(%dma_wait3A_526 : memref<80x128xf32, #tpu.memory_space<vmem>>) dst(%dma_wait3A_522 : memref<80x128xf32, #tpu.memory_space<hbm>>)
    %scan3A_527 = arith.constant 4 : i32
    %scan3A_528 = arith.constant 0 : i32
    %scan3A_529 = arith.constant 80 : i32
    %scan3A_530 = arith.addi %scan3A_528, %scan3A_529 : i32
    %scan3A_531 = arith.constant 1 : i32
    scf.for %scan3A_737 = %scan3A_528 to %scan3A_530 step %scan3A_531  : i32 {
      %add3A_738 = arith.constant 120 : i32
      %add3A_739 = arith.addi %add3A_738, %scan3A_737 : i32
      %get3A = arith.index_cast %add3A_739 : i32 to index
      %get3A_740 = arith.constant 0 : index
      %get3A_741 = tpu.vector_load %arg7[%get3A, %get3A_740] {strides = array<i32>} : memref<200x128xf32, #tpu.memory_space<vmem>>, vector<1x16xf32>,
      %get3A_742 = vector.shape_cast %get3A_741 : vector<1x16xf32> to vector<16xf32>
      %swap3A = arith.constant 0 : i32
      %swap3A_743 = arith.constant 0 : i32
      %swap3A_744 = tpu.memref_slice %arg8[%scan3A_527, %swap3A, %swap3A_743] : memref<5x80x128xf32, #tpu.memory_space<vmem>> -> memref<1x80x128xf32, #tpu.memory_space<vmem>>
      %swap3A_745 = tpu.memref_squeeze %swap3A_744 : memref<1x80x128xf32, #tpu.memory_space<vmem>> -> memref<80x128xf32, #tpu.memory_space<vmem>>
      %swap3A_746 = arith.index_cast %scan3A_737 : i32 to index
      %swap3A_747 = arith.constant 0 : index
      %swap3A_748 = tpu.vector_load %swap3A_745[%swap3A_746, %swap3A_747] {strides = array<i32>} : memref<80x128xf32, #tpu.memory_space<vmem>>, vector<1x16xf32>,
      %swap3A_749 = vector.shape_cast %swap3A_748 : vector<1x16xf32> to vector<16xf32>
      %swap3A_750 = vector.shape_cast %get3A_742 : vector<16xf32> to vector<1x16xf32>
      tpu.vector_store %swap3A_745[%swap3A_746, %swap3A_747], %swap3A_750 {strides = array<i32>} : memref<80x128xf32, #tpu.memory_space<vmem>>, vector<1x16xf32>,
      %add3A_751 = arith.constant 120 : i32
      %add3A_752 = arith.addi %add3A_751, %scan3A_737 : i32
      %get3A_753 = arith.index_cast %add3A_752 : i32 to index
      %get3A_754 = arith.constant 16 : index
      %get3A_755 = tpu.vector_load %arg7[%get3A_753, %get3A_754] {strides = array<i32>} : memref<200x128xf32, #tpu.memory_space<vmem>>, vector<1x16xf32>,
      %get3A_756 = vector.shape_cast %get3A_755 : vector<1x16xf32> to vector<16xf32>
      %swap3A_757 = arith.constant 0 : i32
      %swap3A_758 = arith.constant 0 : i32
      %swap3A_759 = tpu.memref_slice %arg8[%scan3A_527, %swap3A_757, %swap3A_758] : memref<5x80x128xf32, #tpu.memory_space<vmem>> -> memref<1x80x128xf32, #tpu.memory_space<vmem>>
      %swap3A_760 = tpu.memref_squeeze %swap3A_759 : memref<1x80x128xf32, #tpu.memory_space<vmem>> -> memref<80x128xf32, #tpu.memory_space<vmem>>
      %swap3A_761 = arith.index_cast %scan3A_737 : i32 to index
      %swap3A_762 = arith.constant 16 : index
      %swap3A_763 = tpu.vector_load %swap3A_760[%swap3A_761, %swap3A_762] {strides = array<i32>} : memref<80x128xf32, #tpu.memory_space<vmem>>, vector<1x16xf32>,
      %swap3A_764 = vector.shape_cast %swap3A_763 : vector<1x16xf32> to vector<16xf32>
      %swap3A_765 = vector.shape_cast %get3A_756 : vector<16xf32> to vector<1x16xf32>
      tpu.vector_store %swap3A_760[%swap3A_761, %swap3A_762], %swap3A_765 {strides = array<i32>} : memref<80x128xf32, #tpu.memory_space<vmem>>, vector<1x16xf32>,
      %add3A_766 = arith.constant 120 : i32
      %add3A_767 = arith.addi %add3A_766, %scan3A_737 : i32
      %get3A_768 = arith.index_cast %add3A_767 : i32 to index
      %get3A_769 = arith.constant 32 : index
      %get3A_770 = tpu.vector_load %arg7[%get3A_768, %get3A_769] {strides = array<i32>} : memref<200x128xf32, #tpu.memory_space<vmem>>, vector<1x16xf32>,
      %get3A_771 = vector.shape_cast %get3A_770 : vector<1x16xf32> to vector<16xf32>
      %swap3A_772 = arith.constant 0 : i32
      %swap3A_773 = arith.constant 0 : i32
      %swap3A_774 = tpu.memref_slice %arg8[%scan3A_527, %swap3A_772, %swap3A_773] : memref<5x80x128xf32, #tpu.memory_space<vmem>> -> memref<1x80x128xf32, #tpu.memory_space<vmem>>
      %swap3A_775 = tpu.memref_squeeze %swap3A_774 : memref<1x80x128xf32, #tpu.memory_space<vmem>> -> memref<80x128xf32, #tpu.memory_space<vmem>>
      %swap3A_776 = arith.index_cast %scan3A_737 : i32 to index
      %swap3A_777 = arith.constant 32 : index
      %swap3A_778 = tpu.vector_load %swap3A_775[%swap3A_776, %swap3A_777] {strides = array<i32>} : memref<80x128xf32, #tpu.memory_space<vmem>>, vector<1x16xf32>,
      %swap3A_779 = vector.shape_cast %swap3A_778 : vector<1x16xf32> to vector<16xf32>
      %swap3A_780 = vector.shape_cast %get3A_771 : vector<16xf32> to vector<1x16xf32>
      tpu.vector_store %swap3A_775[%swap3A_776, %swap3A_777], %swap3A_780 {strides = array<i32>} : memref<80x128xf32, #tpu.memory_space<vmem>>, vector<1x16xf32>,
      %add3A_781 = arith.constant 120 : i32
      %add3A_782 = arith.addi %add3A_781, %scan3A_737 : i32
      %get3A_783 = arith.index_cast %add3A_782 : i32 to index
      %get3A_784 = arith.constant 48 : index
      %get3A_785 = tpu.vector_load %arg7[%get3A_783, %get3A_784] {strides = array<i32>} : memref<200x128xf32, #tpu.memory_space<vmem>>, vector<1x16xf32>,
      %get3A_786 = vector.shape_cast %get3A_785 : vector<1x16xf32> to vector<16xf32>
      %swap3A_787 = arith.constant 0 : i32
      %swap3A_788 = arith.constant 0 : i32
      %swap3A_789 = tpu.memref_slice %arg8[%scan3A_527, %swap3A_787, %swap3A_788] : memref<5x80x128xf32, #tpu.memory_space<vmem>> -> memref<1x80x128xf32, #tpu.memory_space<vmem>>
      %swap3A_790 = tpu.memref_squeeze %swap3A_789 : memref<1x80x128xf32, #tpu.memory_space<vmem>> -> memref<80x128xf32, #tpu.memory_space<vmem>>
      %swap3A_791 = arith.index_cast %scan3A_737 : i32 to index
      %swap3A_792 = arith.constant 48 : index
      %swap3A_793 = tpu.vector_load %swap3A_790[%swap3A_791, %swap3A_792] {strides = array<i32>} : memref<80x128xf32, #tpu.memory_space<vmem>>, vector<1x16xf32>,
      %swap3A_794 = vector.shape_cast %swap3A_793 : vector<1x16xf32> to vector<16xf32>
      %swap3A_795 = vector.shape_cast %get3A_786 : vector<16xf32> to vector<1x16xf32>
      tpu.vector_store %swap3A_790[%swap3A_791, %swap3A_792], %swap3A_795 {strides = array<i32>} : memref<80x128xf32, #tpu.memory_space<vmem>>, vector<1x16xf32>,
      %add3A_796 = arith.constant 120 : i32
      %add3A_797 = arith.addi %add3A_796, %scan3A_737 : i32
      %get3A_798 = arith.index_cast %add3A_797 : i32 to index
      %get3A_799 = arith.constant 64 : index
      %get3A_800 = tpu.vector_load %arg7[%get3A_798, %get3A_799] {strides = array<i32>} : memref<200x128xf32, #tpu.memory_space<vmem>>, vector<1x16xf32>,
      %get3A_801 = vector.shape_cast %get3A_800 : vector<1x16xf32> to vector<16xf32>
      %swap3A_802 = arith.constant 0 : i32
      %swap3A_803 = arith.constant 0 : i32
      %swap3A_804 = tpu.memref_slice %arg8[%scan3A_527, %swap3A_802, %swap3A_803] : memref<5x80x128xf32, #tpu.memory_space<vmem>> -> memref<1x80x128xf32, #tpu.memory_space<vmem>>
      %swap3A_805 = tpu.memref_squeeze %swap3A_804 : memref<1x80x128xf32, #tpu.memory_space<vmem>> -> memref<80x128xf32, #tpu.memory_space<vmem>>
      %swap3A_806 = arith.index_cast %scan3A_737 : i32 to index
      %swap3A_807 = arith.constant 64 : index
      %swap3A_808 = tpu.vector_load %swap3A_805[%swap3A_806, %swap3A_807] {strides = array<i32>} : memref<80x128xf32, #tpu.memory_space<vmem>>, vector<1x16xf32>,
      %swap3A_809 = vector.shape_cast %swap3A_808 : vector<1x16xf32> to vector<16xf32>
      %swap3A_810 = vector.shape_cast %get3A_801 : vector<16xf32> to vector<1x16xf32>
      tpu.vector_store %swap3A_805[%swap3A_806, %swap3A_807], %swap3A_810 {strides = array<i32>} : memref<80x128xf32, #tpu.memory_space<vmem>>, vector<1x16xf32>,
      %add3A_811 = arith.constant 120 : i32
      %add3A_812 = arith.addi %add3A_811, %scan3A_737 : i32
      %get3A_813 = arith.index_cast %add3A_812 : i32 to index
      %get3A_814 = arith.constant 80 : index
      %get3A_815 = tpu.vector_load %arg7[%get3A_813, %get3A_814] {strides = array<i32>} : memref<200x128xf32, #tpu.memory_space<vmem>>, vector<1x16xf32>,
      %get3A_816 = vector.shape_cast %get3A_815 : vector<1x16xf32> to vector<16xf32>
      %swap3A_817 = arith.constant 0 : i32
      %swap3A_818 = arith.constant 0 : i32
      %swap3A_819 = tpu.memref_slice %arg8[%scan3A_527, %swap3A_817, %swap3A_818] : memref<5x80x128xf32, #tpu.memory_space<vmem>> -> memref<1x80x128xf32, #tpu.memory_space<vmem>>
      %swap3A_820 = tpu.memref_squeeze %swap3A_819 : memref<1x80x128xf32, #tpu.memory_space<vmem>> -> memref<80x128xf32, #tpu.memory_space<vmem>>
      %swap3A_821 = arith.index_cast %scan3A_737 : i32 to index
      %swap3A_822 = arith.constant 80 : index
      %swap3A_823 = tpu.vector_load %swap3A_820[%swap3A_821, %swap3A_822] {strides = array<i32>} : memref<80x128xf32, #tpu.memory_space<vmem>>, vector<1x16xf32>,
      %swap3A_824 = vector.shape_cast %swap3A_823 : vector<1x16xf32> to vector<16xf32>
      %swap3A_825 = vector.shape_cast %get3A_816 : vector<16xf32> to vector<1x16xf32>
      tpu.vector_store %swap3A_820[%swap3A_821, %swap3A_822], %swap3A_825 {strides = array<i32>} : memref<80x128xf32, #tpu.memory_space<vmem>>, vector<1x16xf32>,
      %add3A_826 = arith.constant 120 : i32
      %add3A_827 = arith.addi %add3A_826, %scan3A_737 : i32
      %get3A_828 = arith.index_cast %add3A_827 : i32 to index
      %get3A_829 = arith.constant 96 : index
      %get3A_830 = tpu.vector_load %arg7[%get3A_828, %get3A_829] {strides = array<i32>} : memref<200x128xf32, #tpu.memory_space<vmem>>, vector<1x16xf32>,
      %get3A_831 = vector.shape_cast %get3A_830 : vector<1x16xf32> to vector<16xf32>
      %swap3A_832 = arith.constant 0 : i32
      %swap3A_833 = arith.constant 0 : i32
      %swap3A_834 = tpu.memref_slice %arg8[%scan3A_527, %swap3A_832, %swap3A_833] : memref<5x80x128xf32, #tpu.memory_space<vmem>> -> memref<1x80x128xf32, #tpu.memory_space<vmem>>
      %swap3A_835 = tpu.memref_squeeze %swap3A_834 : memref<1x80x128xf32, #tpu.memory_space<vmem>> -> memref<80x128xf32, #tpu.memory_space<vmem>>
      %swap3A_836 = arith.index_cast %scan3A_737 : i32 to index
      %swap3A_837 = arith.constant 96 : index
      %swap3A_838 = tpu.vector_load %swap3A_835[%swap3A_836, %swap3A_837] {strides = array<i32>} : memref<80x128xf32, #tpu.memory_space<vmem>>, vector<1x16xf32>,
      %swap3A_839 = vector.shape_cast %swap3A_838 : vector<1x16xf32> to vector<16xf32>
      %swap3A_840 = vector.shape_cast %get3A_831 : vector<16xf32> to vector<1x16xf32>
      tpu.vector_store %swap3A_835[%swap3A_836, %swap3A_837], %swap3A_840 {strides = array<i32>} : memref<80x128xf32, #tpu.memory_space<vmem>>, vector<1x16xf32>,
      %add3A_841 = arith.constant 120 : i32
      %add3A_842 = arith.addi %add3A_841, %scan3A_737 : i32
      %get3A_843 = arith.index_cast %add3A_842 : i32 to index
      %get3A_844 = arith.constant 112 : index
      %get3A_845 = tpu.vector_load %arg7[%get3A_843, %get3A_844] {strides = array<i32>} : memref<200x128xf32, #tpu.memory_space<vmem>>, vector<1x16xf32>,
      %get3A_846 = vector.shape_cast %get3A_845 : vector<1x16xf32> to vector<16xf32>
      %swap3A_847 = arith.constant 0 : i32
      %swap3A_848 = arith.constant 0 : i32
      %swap3A_849 = tpu.memref_slice %arg8[%scan3A_527, %swap3A_847, %swap3A_848] : memref<5x80x128xf32, #tpu.memory_space<vmem>> -> memref<1x80x128xf32, #tpu.memory_space<vmem>>
      %swap3A_850 = tpu.memref_squeeze %swap3A_849 : memref<1x80x128xf32, #tpu.memory_space<vmem>> -> memref<80x128xf32, #tpu.memory_space<vmem>>
      %swap3A_851 = arith.index_cast %scan3A_737 : i32 to index
      %swap3A_852 = arith.constant 112 : index
      %swap3A_853 = tpu.vector_load %swap3A_850[%swap3A_851, %swap3A_852] {strides = array<i32>} : memref<80x128xf32, #tpu.memory_space<vmem>>, vector<1x16xf32>,
      %swap3A_854 = vector.shape_cast %swap3A_853 : vector<1x16xf32> to vector<16xf32>
      %swap3A_855 = vector.shape_cast %get3A_846 : vector<16xf32> to vector<1x16xf32>
      tpu.vector_store %swap3A_850[%swap3A_851, %swap3A_852], %swap3A_855 {strides = array<i32>} : memref<80x128xf32, #tpu.memory_space<vmem>>, vector<1x16xf32>,
    }
    %scan3A_532 = arith.constant 80 : i32
    %dma_start3A_533 = arith.constant 79 : i32
    %dma_start3A_534 = arith.constant 4 : i32
    %dma_start3A_535 = arith.constant 4 : i32
    %dma_start3A_536 = arith.constant 0 : i32
    %dma_start3A_537 = arith.constant 0 : i32
    %dma_start3A_538 = tpu.memref_slice %arg8[%dma_start3A_534, %dma_start3A_536, %dma_start3A_537] : memref<5x80x128xf32, #tpu.memory_space<vmem>> -> memref<1x80x128xf32, #tpu.memory_space<vmem>>
    %dma_start3A_539 = tpu.memref_squeeze %dma_start3A_538 : memref<1x80x128xf32, #tpu.memory_space<vmem>> -> memref<80x128xf32, #tpu.memory_space<vmem>>
    %dma_start3A_540 = arith.constant 0 : i32
    %dma_start3A_541 = tpu.memref_slice %arg6[%dma_start3A_533, %dma_start3A_540] : memref<80x80xi32, #tpu.memory_space<vmem>> -> memref<1x80xi32, #tpu.memory_space<vmem>>
    %dma_start3A_542 = tpu.memref_squeeze %dma_start3A_541 : memref<1x80xi32, #tpu.memory_space<vmem>> -> memref<80xi32, #tpu.memory_space<vmem>>
    %dma_start3A_543 = arith.constant 0 : i32
    %dma_start3A_544 = arith.constant 0 : i32
    %dma_start3A_545 = tpu.memref_slice %arg3[%dma_start3A_543, %dma_start3A_544] : memref<100000x128xf32, #tpu.memory_space<hbm>> -> memref<100000x128xf32, #tpu.memory_space<hbm>>
    %dma_start3A_546 = tpu.memref_slice %arg9[%dma_start3A_535] : memref<5x!tpu.dma_semaphore, #tpu.memory_space<semaphore_mem>> -> memref<1x!tpu.dma_semaphore, #tpu.memory_space<semaphore_mem>>
    %dma_start3A_547 = tpu.memref_squeeze %dma_start3A_546 : memref<1x!tpu.dma_semaphore, #tpu.memory_space<semaphore_mem>> -> memref<!tpu.dma_semaphore, #tpu.memory_space<semaphore_mem>>
    tpu.enqueue_indirect_dma source(%dma_start3A_545 : memref<100000x128xf32, #tpu.memory_space<hbm>>) target(%dma_start3A_539 : memref<80x128xf32, #tpu.memory_space<vmem>>) offsets(%dma_start3A_542 : memref<80xi32, #tpu.memory_space<vmem>>) semaphore(%dma_start3A_547 : memref<!tpu.dma_semaphore, #tpu.memory_space<semaphore_mem>>) {add = true}
    %dma_wait3A_548 = arith.constant 77 : i32
    %dma_wait3A_549 = arith.constant 2 : i32
    %dma_wait3A_550 = arith.constant 2 : i32
    %dma_wait3A_551 = arith.constant 0 : i32
    %dma_wait3A_552 = arith.constant 0 : i32
    %dma_wait3A_553 = tpu.memref_slice %arg8[%dma_wait3A_549, %dma_wait3A_551, %dma_wait3A_552] : memref<5x80x128xf32, #tpu.memory_space<vmem>> -> memref<1x80x128xf32, #tpu.memory_space<vmem>>
    %dma_wait3A_554 = tpu.memref_squeeze %dma_wait3A_553 : memref<1x80x128xf32, #tpu.memory_space<vmem>> -> memref<80x128xf32, #tpu.memory_space<vmem>>
    %dma_wait3A_555 = arith.constant 0 : i32
    %dma_wait3A_556 = tpu.memref_slice %arg6[%dma_wait3A_548, %dma_wait3A_555] : memref<80x80xi32, #tpu.memory_space<vmem>> -> memref<1x80xi32, #tpu.memory_space<vmem>>
    %dma_wait3A_557 = tpu.memref_squeeze %dma_wait3A_556 : memref<1x80xi32, #tpu.memory_space<vmem>> -> memref<80xi32, #tpu.memory_space<vmem>>
    %dma_wait3A_558 = arith.constant 0 : i32
    %dma_wait3A_559 = arith.constant 0 : i32
    %dma_wait3A_560 = tpu.memref_slice %arg3[%dma_wait3A_558, %dma_wait3A_559] : memref<100000x128xf32, #tpu.memory_space<hbm>> -> memref<100000x128xf32, #tpu.memory_space<hbm>>
    %dma_wait3A_561 = tpu.memref_slice %arg9[%dma_wait3A_550] : memref<5x!tpu.dma_semaphore, #tpu.memory_space<semaphore_mem>> -> memref<1x!tpu.dma_semaphore, #tpu.memory_space<semaphore_mem>>
    %dma_wait3A_562 = tpu.memref_squeeze %dma_wait3A_561 : memref<1x!tpu.dma_semaphore, #tpu.memory_space<semaphore_mem>> -> memref<!tpu.dma_semaphore, #tpu.memory_space<semaphore_mem>>
    tpu.wait_indirect_dma semaphore(%dma_wait3A_562 : memref<!tpu.dma_semaphore, #tpu.memory_space<semaphore_mem>>) src(%dma_wait3A_560 : memref<100000x128xf32, #tpu.memory_space<hbm>>) dst(%dma_wait3A_554 : memref<80x128xf32, #tpu.memory_space<vmem>>)
    %add3A_563 = arith.constant 6160 : i32
    %add3A_564 = arith.addi %mul3A_2, %add3A_563 : i32
    %dma_start3A_565 = arith.constant 2 : i32
    %dma_start3A_566 = arith.constant 2 : i32
    %dma_start3A_567 = arith.constant 0 : i32
    %dma_start3A_568 = arith.constant 0 : i32
    %dma_start3A_569 = tpu.memref_slice %arg8[%dma_start3A_565, %dma_start3A_567, %dma_start3A_568] : memref<5x80x128xf32, #tpu.memory_space<vmem>> -> memref<1x80x128xf32, #tpu.memory_space<vmem>>
    %dma_start3A_570 = tpu.memref_squeeze %dma_start3A_569 : memref<1x80x128xf32, #tpu.memory_space<vmem>> -> memref<80x128xf32, #tpu.memory_space<vmem>>
    %dma_start3A_571 = arith.constant 0 : i32
    %dma_start3A_572 = tpu.memref_slice %arg5[%add3A_564, %dma_start3A_571] : memref<204800x128xf32, #tpu.memory_space<hbm>> -> memref<80x128xf32, #tpu.memory_space<hbm>>
    %dma_start3A_573 = tpu.memref_slice %arg10[%dma_start3A_566] : memref<5x!tpu.dma_semaphore, #tpu.memory_space<semaphore_mem>> -> memref<1x!tpu.dma_semaphore, #tpu.memory_space<semaphore_mem>>
    %dma_start3A_574 = tpu.memref_squeeze %dma_start3A_573 : memref<1x!tpu.dma_semaphore, #tpu.memory_space<semaphore_mem>> -> memref<!tpu.dma_semaphore, #tpu.memory_space<semaphore_mem>>
    %dma_start3A_575 = arith.constant 0 : i32
    %dma_start3A_576 = tpu.memref_slice %arg5[%add3A_564, %dma_start3A_575] : memref<204800x128xf32, #tpu.memory_space<hbm>> -> memref<80x128xf32, #tpu.memory_space<hbm>>
    %dma_start3A_577 = arith.constant 0 : i32
    %dma_start3A_578 = arith.constant 0 : i32
    %dma_start3A_579 = tpu.memref_slice %arg8[%dma_start3A_565, %dma_start3A_577, %dma_start3A_578] : memref<5x80x128xf32, #tpu.memory_space<vmem>> -> memref<1x80x128xf32, #tpu.memory_space<vmem>>
    %dma_start3A_580 = tpu.memref_squeeze %dma_start3A_579 : memref<1x80x128xf32, #tpu.memory_space<vmem>> -> memref<80x128xf32, #tpu.memory_space<vmem>>
    tpu.enqueue_dma source(%dma_start3A_580 : memref<80x128xf32, #tpu.memory_space<vmem>>) target(%dma_start3A_576 : memref<80x128xf32, #tpu.memory_space<hbm>>) target_semaphore(%dma_start3A_574 : memref<!tpu.dma_semaphore, #tpu.memory_space<semaphore_mem>>)
    %dma_wait3A_581 = arith.constant 78 : i32
    %dma_wait3A_582 = arith.constant 3 : i32
    %dma_wait3A_583 = arith.constant 3 : i32
    %dma_wait3A_584 = arith.constant 0 : i32
    %dma_wait3A_585 = arith.constant 0 : i32
    %dma_wait3A_586 = tpu.memref_slice %arg8[%dma_wait3A_582, %dma_wait3A_584, %dma_wait3A_585] : memref<5x80x128xf32, #tpu.memory_space<vmem>> -> memref<1x80x128xf32, #tpu.memory_space<vmem>>
    %dma_wait3A_587 = tpu.memref_squeeze %dma_wait3A_586 : memref<1x80x128xf32, #tpu.memory_space<vmem>> -> memref<80x128xf32, #tpu.memory_space<vmem>>
    %dma_wait3A_588 = arith.constant 0 : i32
    %dma_wait3A_589 = tpu.memref_slice %arg6[%dma_wait3A_581, %dma_wait3A_588] : memref<80x80xi32, #tpu.memory_space<vmem>> -> memref<1x80xi32, #tpu.memory_space<vmem>>
    %dma_wait3A_590 = tpu.memref_squeeze %dma_wait3A_589 : memref<1x80xi32, #tpu.memory_space<vmem>> -> memref<80xi32, #tpu.memory_space<vmem>>
    %dma_wait3A_591 = arith.constant 0 : i32
    %dma_wait3A_592 = arith.constant 0 : i32
    %dma_wait3A_593 = tpu.memref_slice %arg3[%dma_wait3A_591, %dma_wait3A_592] : memref<100000x128xf32, #tpu.memory_space<hbm>> -> memref<100000x128xf32, #tpu.memory_space<hbm>>
    %dma_wait3A_594 = tpu.memref_slice %arg9[%dma_wait3A_583] : memref<5x!tpu.dma_semaphore, #tpu.memory_space<semaphore_mem>> -> memref<1x!tpu.dma_semaphore, #tpu.memory_space<semaphore_mem>>
    %dma_wait3A_595 = tpu.memref_squeeze %dma_wait3A_594 : memref<1x!tpu.dma_semaphore, #tpu.memory_space<semaphore_mem>> -> memref<!tpu.dma_semaphore, #tpu.memory_space<semaphore_mem>>
    tpu.wait_indirect_dma semaphore(%dma_wait3A_595 : memref<!tpu.dma_semaphore, #tpu.memory_space<semaphore_mem>>) src(%dma_wait3A_593 : memref<100000x128xf32, #tpu.memory_space<hbm>>) dst(%dma_wait3A_587 : memref<80x128xf32, #tpu.memory_space<vmem>>)
    %add3A_596 = arith.constant 6240 : i32
    %add3A_597 = arith.addi %mul3A_2, %add3A_596 : i32
    %dma_start3A_598 = arith.constant 3 : i32
    %dma_start3A_599 = arith.constant 3 : i32
    %dma_start3A_600 = arith.constant 0 : i32
    %dma_start3A_601 = arith.constant 0 : i32
    %dma_start3A_602 = tpu.memref_slice %arg8[%dma_start3A_598, %dma_start3A_600, %dma_start3A_601] : memref<5x80x128xf32, #tpu.memory_space<vmem>> -> memref<1x80x128xf32, #tpu.memory_space<vmem>>
    %dma_start3A_603 = tpu.memref_squeeze %dma_start3A_602 : memref<1x80x128xf32, #tpu.memory_space<vmem>> -> memref<80x128xf32, #tpu.memory_space<vmem>>
    %dma_start3A_604 = arith.constant 0 : i32
    %dma_start3A_605 = tpu.memref_slice %arg5[%add3A_597, %dma_start3A_604] : memref<204800x128xf32, #tpu.memory_space<hbm>> -> memref<80x128xf32, #tpu.memory_space<hbm>>
    %dma_start3A_606 = tpu.memref_slice %arg10[%dma_start3A_599] : memref<5x!tpu.dma_semaphore, #tpu.memory_space<semaphore_mem>> -> memref<1x!tpu.dma_semaphore, #tpu.memory_space<semaphore_mem>>
    %dma_start3A_607 = tpu.memref_squeeze %dma_start3A_606 : memref<1x!tpu.dma_semaphore, #tpu.memory_space<semaphore_mem>> -> memref<!tpu.dma_semaphore, #tpu.memory_space<semaphore_mem>>
    %dma_start3A_608 = arith.constant 0 : i32
    %dma_start3A_609 = tpu.memref_slice %arg5[%add3A_597, %dma_start3A_608] : memref<204800x128xf32, #tpu.memory_space<hbm>> -> memref<80x128xf32, #tpu.memory_space<hbm>>
    %dma_start3A_610 = arith.constant 0 : i32
    %dma_start3A_611 = arith.constant 0 : i32
    %dma_start3A_612 = tpu.memref_slice %arg8[%dma_start3A_598, %dma_start3A_610, %dma_start3A_611] : memref<5x80x128xf32, #tpu.memory_space<vmem>> -> memref<1x80x128xf32, #tpu.memory_space<vmem>>
    %dma_start3A_613 = tpu.memref_squeeze %dma_start3A_612 : memref<1x80x128xf32, #tpu.memory_space<vmem>> -> memref<80x128xf32, #tpu.memory_space<vmem>>
    tpu.enqueue_dma source(%dma_start3A_613 : memref<80x128xf32, #tpu.memory_space<vmem>>) target(%dma_start3A_609 : memref<80x128xf32, #tpu.memory_space<hbm>>) target_semaphore(%dma_start3A_607 : memref<!tpu.dma_semaphore, #tpu.memory_space<semaphore_mem>>)
    %dma_wait3A_614 = arith.constant 79 : i32
    %dma_wait3A_615 = arith.constant 4 : i32
    %dma_wait3A_616 = arith.constant 4 : i32
    %dma_wait3A_617 = arith.constant 0 : i32
    %dma_wait3A_618 = arith.constant 0 : i32
    %dma_wait3A_619 = tpu.memref_slice %arg8[%dma_wait3A_615, %dma_wait3A_617, %dma_wait3A_618] : memref<5x80x128xf32, #tpu.memory_space<vmem>> -> memref<1x80x128xf32, #tpu.memory_space<vmem>>
    %dma_wait3A_620 = tpu.memref_squeeze %dma_wait3A_619 : memref<1x80x128xf32, #tpu.memory_space<vmem>> -> memref<80x128xf32, #tpu.memory_space<vmem>>
    %dma_wait3A_621 = arith.constant 0 : i32
    %dma_wait3A_622 = tpu.memref_slice %arg6[%dma_wait3A_614, %dma_wait3A_621] : memref<80x80xi32, #tpu.memory_space<vmem>> -> memref<1x80xi32, #tpu.memory_space<vmem>>
    %dma_wait3A_623 = tpu.memref_squeeze %dma_wait3A_622 : memref<1x80xi32, #tpu.memory_space<vmem>> -> memref<80xi32, #tpu.memory_space<vmem>>
    %dma_wait3A_624 = arith.constant 0 : i32
    %dma_wait3A_625 = arith.constant 0 : i32
    %dma_wait3A_626 = tpu.memref_slice %arg3[%dma_wait3A_624, %dma_wait3A_625] : memref<100000x128xf32, #tpu.memory_space<hbm>> -> memref<100000x128xf32, #tpu.memory_space<hbm>>
    %dma_wait3A_627 = tpu.memref_slice %arg9[%dma_wait3A_616] : memref<5x!tpu.dma_semaphore, #tpu.memory_space<semaphore_mem>> -> memref<1x!tpu.dma_semaphore, #tpu.memory_space<semaphore_mem>>
    %dma_wait3A_628 = tpu.memref_squeeze %dma_wait3A_627 : memref<1x!tpu.dma_semaphore, #tpu.memory_space<semaphore_mem>> -> memref<!tpu.dma_semaphore, #tpu.memory_space<semaphore_mem>>
    tpu.wait_indirect_dma semaphore(%dma_wait3A_628 : memref<!tpu.dma_semaphore, #tpu.memory_space<semaphore_mem>>) src(%dma_wait3A_626 : memref<100000x128xf32, #tpu.memory_space<hbm>>) dst(%dma_wait3A_620 : memref<80x128xf32, #tpu.memory_space<vmem>>)
    %add3A_629 = arith.constant 6320 : i32
    %add3A_630 = arith.addi %mul3A_2, %add3A_629 : i32
    %dma_start3A_631 = arith.constant 4 : i32
    %dma_start3A_632 = arith.constant 4 : i32
    %dma_start3A_633 = arith.constant 0 : i32
    %dma_start3A_634 = arith.constant 0 : i32
    %dma_start3A_635 = tpu.memref_slice %arg8[%dma_start3A_631, %dma_start3A_633, %dma_start3A_634] : memref<5x80x128xf32, #tpu.memory_space<vmem>> -> memref<1x80x128xf32, #tpu.memory_space<vmem>>
    %dma_start3A_636 = tpu.memref_squeeze %dma_start3A_635 : memref<1x80x128xf32, #tpu.memory_space<vmem>> -> memref<80x128xf32, #tpu.memory_space<vmem>>
    %dma_start3A_637 = arith.constant 0 : i32
    %dma_start3A_638 = tpu.memref_slice %arg5[%add3A_630, %dma_start3A_637] : memref<204800x128xf32, #tpu.memory_space<hbm>> -> memref<80x128xf32, #tpu.memory_space<hbm>>
    %dma_start3A_639 = tpu.memref_slice %arg10[%dma_start3A_632] : memref<5x!tpu.dma_semaphore, #tpu.memory_space<semaphore_mem>> -> memref<1x!tpu.dma_semaphore, #tpu.memory_space<semaphore_mem>>
    %dma_start3A_640 = tpu.memref_squeeze %dma_start3A_639 : memref<1x!tpu.dma_semaphore, #tpu.memory_space<semaphore_mem>> -> memref<!tpu.dma_semaphore, #tpu.memory_space<semaphore_mem>>
    %dma_start3A_641 = arith.constant 0 : i32
    %dma_start3A_642 = tpu.memref_slice %arg5[%add3A_630, %dma_start3A_641] : memref<204800x128xf32, #tpu.memory_space<hbm>> -> memref<80x128xf32, #tpu.memory_space<hbm>>
    %dma_start3A_643 = arith.constant 0 : i32
    %dma_start3A_644 = arith.constant 0 : i32
    %dma_start3A_645 = tpu.memref_slice %arg8[%dma_start3A_631, %dma_start3A_643, %dma_start3A_644] : memref<5x80x128xf32, #tpu.memory_space<vmem>> -> memref<1x80x128xf32, #tpu.memory_space<vmem>>
    %dma_start3A_646 = tpu.memref_squeeze %dma_start3A_645 : memref<1x80x128xf32, #tpu.memory_space<vmem>> -> memref<80x128xf32, #tpu.memory_space<vmem>>
    tpu.enqueue_dma source(%dma_start3A_646 : memref<80x128xf32, #tpu.memory_space<vmem>>) target(%dma_start3A_642 : memref<80x128xf32, #tpu.memory_space<hbm>>) target_semaphore(%dma_start3A_640 : memref<!tpu.dma_semaphore, #tpu.memory_space<semaphore_mem>>)
    %dma_wait3A_647 = arith.constant 0 : i32
    %dma_wait3A_648 = arith.constant 0 : i32
    %dma_wait3A_649 = arith.constant 0 : i32
    %dma_wait3A_650 = arith.constant 0 : i32
    %dma_wait3A_651 = tpu.memref_slice %arg8[%dma_wait3A_647, %dma_wait3A_649, %dma_wait3A_650] : memref<5x80x128xf32, #tpu.memory_space<vmem>> -> memref<1x80x128xf32, #tpu.memory_space<vmem>>
    %dma_wait3A_652 = tpu.memref_squeeze %dma_wait3A_651 : memref<1x80x128xf32, #tpu.memory_space<vmem>> -> memref<80x128xf32, #tpu.memory_space<vmem>>
    %dma_wait3A_653 = arith.constant 0 : i32
    %dma_wait3A_654 = arith.constant 0 : i32
    %dma_wait3A_655 = tpu.memref_slice %arg5[%dma_wait3A_653, %dma_wait3A_654] : memref<204800x128xf32, #tpu.memory_space<hbm>> -> memref<80x128xf32, #tpu.memory_space<hbm>>
    %dma_wait3A_656 = tpu.memref_slice %arg10[%dma_wait3A_648] : memref<5x!tpu.dma_semaphore, #tpu.memory_space<semaphore_mem>> -> memref<1x!tpu.dma_semaphore, #tpu.memory_space<semaphore_mem>>
    %dma_wait3A_657 = tpu.memref_squeeze %dma_wait3A_656 : memref<1x!tpu.dma_semaphore, #tpu.memory_space<semaphore_mem>> -> memref<!tpu.dma_semaphore, #tpu.memory_space<semaphore_mem>>
    %dma_wait3A_658 = arith.constant 0 : i32
    %dma_wait3A_659 = arith.constant 0 : i32
    %dma_wait3A_660 = tpu.memref_slice %arg5[%dma_wait3A_658, %dma_wait3A_659] : memref<204800x128xf32, #tpu.memory_space<hbm>> -> memref<80x128xf32, #tpu.memory_space<hbm>>
    %dma_wait3A_661 = arith.constant 0 : i32
    %dma_wait3A_662 = arith.constant 0 : i32
    %dma_wait3A_663 = tpu.memref_slice %arg8[%dma_wait3A_647, %dma_wait3A_661, %dma_wait3A_662] : memref<5x80x128xf32, #tpu.memory_space<vmem>> -> memref<1x80x128xf32, #tpu.memory_space<vmem>>
    %dma_wait3A_664 = tpu.memref_squeeze %dma_wait3A_663 : memref<1x80x128xf32, #tpu.memory_space<vmem>> -> memref<80x128xf32, #tpu.memory_space<vmem>>
    tpu.wait_dma2 semaphore(%dma_wait3A_657 : memref<!tpu.dma_semaphore, #tpu.memory_space<semaphore_mem>>) src(%dma_wait3A_664 : memref<80x128xf32, #tpu.memory_space<vmem>>) dst(%dma_wait3A_660 : memref<80x128xf32, #tpu.memory_space<hbm>>)
    %dma_wait3A_665 = arith.constant 1 : i32
    %dma_wait3A_666 = arith.constant 1 : i32
    %dma_wait3A_667 = arith.constant 0 : i32
    %dma_wait3A_668 = arith.constant 0 : i32
    %dma_wait3A_669 = tpu.memref_slice %arg8[%dma_wait3A_665, %dma_wait3A_667, %dma_wait3A_668] : memref<5x80x128xf32, #tpu.memory_space<vmem>> -> memref<1x80x128xf32, #tpu.memory_space<vmem>>
    %dma_wait3A_670 = tpu.memref_squeeze %dma_wait3A_669 : memref<1x80x128xf32, #tpu.memory_space<vmem>> -> memref<80x128xf32, #tpu.memory_space<vmem>>
    %dma_wait3A_671 = arith.constant 0 : i32
    %dma_wait3A_672 = arith.constant 0 : i32
    %dma_wait3A_673 = tpu.memref_slice %arg5[%dma_wait3A_671, %dma_wait3A_672] : memref<204800x128xf32, #tpu.memory_space<hbm>> -> memref<80x128xf32, #tpu.memory_space<hbm>>
    %dma_wait3A_674 = tpu.memref_slice %arg10[%dma_wait3A_666] : memref<5x!tpu.dma_semaphore, #tpu.memory_space<semaphore_mem>> -> memref<1x!tpu.dma_semaphore, #tpu.memory_space<semaphore_mem>>
    %dma_wait3A_675 = tpu.memref_squeeze %dma_wait3A_674 : memref<1x!tpu.dma_semaphore, #tpu.memory_space<semaphore_mem>> -> memref<!tpu.dma_semaphore, #tpu.memory_space<semaphore_mem>>
    %dma_wait3A_676 = arith.constant 0 : i32
    %dma_wait3A_677 = arith.constant 0 : i32
    %dma_wait3A_678 = tpu.memref_slice %arg5[%dma_wait3A_676, %dma_wait3A_677] : memref<204800x128xf32, #tpu.memory_space<hbm>> -> memref<80x128xf32, #tpu.memory_space<hbm>>
    %dma_wait3A_679 = arith.constant 0 : i32
    %dma_wait3A_680 = arith.constant 0 : i32
    %dma_wait3A_681 = tpu.memref_slice %arg8[%dma_wait3A_665, %dma_wait3A_679, %dma_wait3A_680] : memref<5x80x128xf32, #tpu.memory_space<vmem>> -> memref<1x80x128xf32, #tpu.memory_space<vmem>>
    %dma_wait3A_682 = tpu.memref_squeeze %dma_wait3A_681 : memref<1x80x128xf32, #tpu.memory_space<vmem>> -> memref<80x128xf32, #tpu.memory_space<vmem>>
    tpu.wait_dma2 semaphore(%dma_wait3A_675 : memref<!tpu.dma_semaphore, #tpu.memory_space<semaphore_mem>>) src(%dma_wait3A_682 : memref<80x128xf32, #tpu.memory_space<vmem>>) dst(%dma_wait3A_678 : memref<80x128xf32, #tpu.memory_space<hbm>>)
    %dma_wait3A_683 = arith.constant 2 : i32
    %dma_wait3A_684 = arith.constant 2 : i32
    %dma_wait3A_685 = arith.constant 0 : i32
    %dma_wait3A_686 = arith.constant 0 : i32
    %dma_wait3A_687 = tpu.memref_slice %arg8[%dma_wait3A_683, %dma_wait3A_685, %dma_wait3A_686] : memref<5x80x128xf32, #tpu.memory_space<vmem>> -> memref<1x80x128xf32, #tpu.memory_space<vmem>>
    %dma_wait3A_688 = tpu.memref_squeeze %dma_wait3A_687 : memref<1x80x128xf32, #tpu.memory_space<vmem>> -> memref<80x128xf32, #tpu.memory_space<vmem>>
    %dma_wait3A_689 = arith.constant 0 : i32
    %dma_wait3A_690 = arith.constant 0 : i32
    %dma_wait3A_691 = tpu.memref_slice %arg5[%dma_wait3A_689, %dma_wait3A_690] : memref<204800x128xf32, #tpu.memory_space<hbm>> -> memref<80x128xf32, #tpu.memory_space<hbm>>
    %dma_wait3A_692 = tpu.memref_slice %arg10[%dma_wait3A_684] : memref<5x!tpu.dma_semaphore, #tpu.memory_space<semaphore_mem>> -> memref<1x!tpu.dma_semaphore, #tpu.memory_space<semaphore_mem>>
    %dma_wait3A_693 = tpu.memref_squeeze %dma_wait3A_692 : memref<1x!tpu.dma_semaphore, #tpu.memory_space<semaphore_mem>> -> memref<!tpu.dma_semaphore, #tpu.memory_space<semaphore_mem>>
    %dma_wait3A_694 = arith.constant 0 : i32
    %dma_wait3A_695 = arith.constant 0 : i32
    %dma_wait3A_696 = tpu.memref_slice %arg5[%dma_wait3A_694, %dma_wait3A_695] : memref<204800x128xf32, #tpu.memory_space<hbm>> -> memref<80x128xf32, #tpu.memory_space<hbm>>
    %dma_wait3A_697 = arith.constant 0 : i32
    %dma_wait3A_698 = arith.constant 0 : i32
    %dma_wait3A_699 = tpu.memref_slice %arg8[%dma_wait3A_683, %dma_wait3A_697, %dma_wait3A_698] : memref<5x80x128xf32, #tpu.memory_space<vmem>> -> memref<1x80x128xf32, #tpu.memory_space<vmem>>
    %dma_wait3A_700 = tpu.memref_squeeze %dma_wait3A_699 : memref<1x80x128xf32, #tpu.memory_space<vmem>> -> memref<80x128xf32, #tpu.memory_space<vmem>>
    tpu.wait_dma2 semaphore(%dma_wait3A_693 : memref<!tpu.dma_semaphore, #tpu.memory_space<semaphore_mem>>) src(%dma_wait3A_700 : memref<80x128xf32, #tpu.memory_space<vmem>>) dst(%dma_wait3A_696 : memref<80x128xf32, #tpu.memory_space<hbm>>)
    %dma_wait3A_701 = arith.constant 3 : i32
    %dma_wait3A_702 = arith.constant 3 : i32
    %dma_wait3A_703 = arith.constant 0 : i32
    %dma_wait3A_704 = arith.constant 0 : i32
    %dma_wait3A_705 = tpu.memref_slice %arg8[%dma_wait3A_701, %dma_wait3A_703, %dma_wait3A_704] : memref<5x80x128xf32, #tpu.memory_space<vmem>> -> memref<1x80x128xf32, #tpu.memory_space<vmem>>
    %dma_wait3A_706 = tpu.memref_squeeze %dma_wait3A_705 : memref<1x80x128xf32, #tpu.memory_space<vmem>> -> memref<80x128xf32, #tpu.memory_space<vmem>>
    %dma_wait3A_707 = arith.constant 0 : i32
    %dma_wait3A_708 = arith.constant 0 : i32
    %dma_wait3A_709 = tpu.memref_slice %arg5[%dma_wait3A_707, %dma_wait3A_708] : memref<204800x128xf32, #tpu.memory_space<hbm>> -> memref<80x128xf32, #tpu.memory_space<hbm>>
    %dma_wait3A_710 = tpu.memref_slice %arg10[%dma_wait3A_702] : memref<5x!tpu.dma_semaphore, #tpu.memory_space<semaphore_mem>> -> memref<1x!tpu.dma_semaphore, #tpu.memory_space<semaphore_mem>>
    %dma_wait3A_711 = tpu.memref_squeeze %dma_wait3A_710 : memref<1x!tpu.dma_semaphore, #tpu.memory_space<semaphore_mem>> -> memref<!tpu.dma_semaphore, #tpu.memory_space<semaphore_mem>>
    %dma_wait3A_712 = arith.constant 0 : i32
    %dma_wait3A_713 = arith.constant 0 : i32
    %dma_wait3A_714 = tpu.memref_slice %arg5[%dma_wait3A_712, %dma_wait3A_713] : memref<204800x128xf32, #tpu.memory_space<hbm>> -> memref<80x128xf32, #tpu.memory_space<hbm>>
    %dma_wait3A_715 = arith.constant 0 : i32
    %dma_wait3A_716 = arith.constant 0 : i32
    %dma_wait3A_717 = tpu.memref_slice %arg8[%dma_wait3A_701, %dma_wait3A_715, %dma_wait3A_716] : memref<5x80x128xf32, #tpu.memory_space<vmem>> -> memref<1x80x128xf32, #tpu.memory_space<vmem>>
    %dma_wait3A_718 = tpu.memref_squeeze %dma_wait3A_717 : memref<1x80x128xf32, #tpu.memory_space<vmem>> -> memref<80x128xf32, #tpu.memory_space<vmem>>
    tpu.wait_dma2 semaphore(%dma_wait3A_711 : memref<!tpu.dma_semaphore, #tpu.memory_space<semaphore_mem>>) src(%dma_wait3A_718 : memref<80x128xf32, #tpu.memory_space<vmem>>) dst(%dma_wait3A_714 : memref<80x128xf32, #tpu.memory_space<hbm>>)
    %dma_wait3A_719 = arith.constant 4 : i32
    %dma_wait3A_720 = arith.constant 4 : i32
    %dma_wait3A_721 = arith.constant 0 : i32
    %dma_wait3A_722 = arith.constant 0 : i32
    %dma_wait3A_723 = tpu.memref_slice %arg8[%dma_wait3A_719, %dma_wait3A_721, %dma_wait3A_722] : memref<5x80x128xf32, #tpu.memory_space<vmem>> -> memref<1x80x128xf32, #tpu.memory_space<vmem>>
    %dma_wait3A_724 = tpu.memref_squeeze %dma_wait3A_723 : memref<1x80x128xf32, #tpu.memory_space<vmem>> -> memref<80x128xf32, #tpu.memory_space<vmem>>
    %dma_wait3A_725 = arith.constant 0 : i32
    %dma_wait3A_726 = arith.constant 0 : i32
    %dma_wait3A_727 = tpu.memref_slice %arg5[%dma_wait3A_725, %dma_wait3A_726] : memref<204800x128xf32, #tpu.memory_space<hbm>> -> memref<80x128xf32, #tpu.memory_space<hbm>>
    %dma_wait3A_728 = tpu.memref_slice %arg10[%dma_wait3A_720] : memref<5x!tpu.dma_semaphore, #tpu.memory_space<semaphore_mem>> -> memref<1x!tpu.dma_semaphore, #tpu.memory_space<semaphore_mem>>
    %dma_wait3A_729 = tpu.memref_squeeze %dma_wait3A_728 : memref<1x!tpu.dma_semaphore, #tpu.memory_space<semaphore_mem>> -> memref<!tpu.dma_semaphore, #tpu.memory_space<semaphore_mem>>
    %dma_wait3A_730 = arith.constant 0 : i32
    %dma_wait3A_731 = arith.constant 0 : i32
    %dma_wait3A_732 = tpu.memref_slice %arg5[%dma_wait3A_730, %dma_wait3A_731] : memref<204800x128xf32, #tpu.memory_space<hbm>> -> memref<80x128xf32, #tpu.memory_space<hbm>>
    %dma_wait3A_733 = arith.constant 0 : i32
    %dma_wait3A_734 = arith.constant 0 : i32
    %dma_wait3A_735 = tpu.memref_slice %arg8[%dma_wait3A_719, %dma_wait3A_733, %dma_wait3A_734] : memref<5x80x128xf32, #tpu.memory_space<vmem>> -> memref<1x80x128xf32, #tpu.memory_space<vmem>>
    %dma_wait3A_736 = tpu.memref_squeeze %dma_wait3A_735 : memref<1x80x128xf32, #tpu.memory_space<vmem>> -> memref<80x128xf32, #tpu.memory_space<vmem>>
    tpu.wait_dma2 semaphore(%dma_wait3A_729 : memref<!tpu.dma_semaphore, #tpu.memory_space<semaphore_mem>>) src(%dma_wait3A_736 : memref<80x128xf32, #tpu.memory_space<vmem>>) dst(%dma_wait3A_732 : memref<80x128xf32, #tpu.memory_space<hbm>>)
    return
  }
}

</mosaic_0001>

<sc_bundles>
// kernel: kernel.3.cloned.1.call-start
scs
__scs_entry_jumppad:
0x0: {  	(pc) =	sbr.rel $0x88, $3  }
0x1: {  	(tag) =	ssettag $0x0;
	lr =	simm.s32 $0x1  }
0x2: {  	[smem:$0x3F9E] =	sst lr;
	_ =	strace $0xD0000000  }
0x3: {  	_ = 	snop  }
0x4: {  	_ = 	snop  }
0x5: {  	_ = 	snop  }
0x6: {  	_ = 	snop  }
0x7: {  	_ = 	snop  }
__scs_overlays_trampoline_lowered:
0x8: {  	[smem:$0x3FAD] =	sst s0  }
0x9: {  	[smem:$0x3FAE] =	sst s1  }
0xa: {  	[smem:$0x3FAF] =	sst s2  }
0xb: {  	[smem:$0x3FB0] =	sst s3  }
0xc: {  	[smem:$0x3FB1] =	sst s4  }
0xd: {  	[smem:$0x3FB2] =	sst s5  }
0xe: {  	[smem:$0x3FB3] =	sst s6  }
0xf: {  	[smem:$0x3FB4] =	sst s7  }
0x10: {  	[smem:$0x3FB5] =	sst s8  }
0x11: {  	[smem:$0x3FB6] =	sst s9;
	s0 =	simm.s32 @!p0 $0x0  }
0x12: {  	s1 =	sld [smem:$0x3F9C];
	s0 =	simm.s32 @p0 $0x1  }
0x13: {  	[smem:$0x3FB7] =	sst s0;
	s0 =	simm.s32 @!p1 $0x0  }
0x14: {  	s2 =	sld [smem:$0x3F9B];
	s0 =	simm.s32 @p1 $0x1  }
0x15: {  	[smem:$0x3FB8] =	sst s0;
	s0 =	simm.s32 @!p2 $0x0  }
0x16: {  	s3 =	sld [smem:$0x3FDB];
	s0 =	simm.s32 @p2 $0x1  }
0x17: {  	s4 =	simm.s32 $0x1BF5;
	[smem:$0x3FBA] =	sst s0  }
0x18: {  	s0 =	sld [smem:$0x3F9D];
	_ =	swait.ge [sflag:s4], $0x0  }
0x19: {  	s7 =	sld [smem:$0x3F9E]  }
0x1a: {  	s8 =	sadd.s32 $0xFFFFE003, lr  }
0x1b: {  	s9 =	sadd.s32 $0xFFFFFEF7, lr;
	s5 =	simm.s32 $0xFFFFFFFF;
	p2 =	slt.u32 s8, $0xFFFFF086  }
0x1c: {  	p1 =	slt.u32 s9, $0xF7A;
	s5 =	simm.s32 @!p2 $0x0  }
0x1d: {  	s5 =	simm.s32 @p1 $0x1;
	p0 =	seq.s32 s7, s2  }
0x1e: {  	s7 =	smul.u32 @!p0 $0xF7A, s2;
	p2 =	seq.s32 @!p0 s5, $0x0  }
0x1f: {  	s9 =	smul.u32 $0xF7A, s1;
	s8 =	simm.s32 @!p0 $0x1BF5;
	p2 =	por !p2, p0  }
0x20: {  	[sflag:s8] =	ssyncset.s32 @!p0 $0xFFFFF086;
	s6 =	sadd.s32 @!p0 s3, s7;
	s7 =	simm.s32 @!p0 $0x108  }
0x21: {  	s3 =	sadd.s32 s3, s9;
	s6 =	sadd.s32 @!p0 $0x88, s6;
	s7 =	simm.s32 @p2 $0x1082  }
0x22: {  	[simem:s7], [sflag:s8] =	dma.local @!p0 [hbm:s6], $0xF7A  }
0x23: {  	s9 =	sor.u32 $0xD0000000, s2;
	s6 =	simm.s32 $0x108;
	_ =	swait.ge @!p0 [sflag:s8], $0x0  }
0x24: {  	s3 =	sadd.s32 $0x88, s3;
	s6 =	simm.s32 @!p1 $0x1082;
	[sflag:s4] =	ssyncset.s32 $0xFFFFF086  }
0x25: {  	[simem:s6], [sflag:s4] =	dma.local [hbm:s3], $0xF7A  }
0x26: {  	[smem:$0x3F9E] =	sst s1;
	(tag) =	ssettag s2;
	_ =	strace s9  }
0x27: {  	s1 =	sld [smem:$0x3FAE]  }
0x28: {  	s2 =	sld [smem:$0x3FAF]  }
0x29: {  	s4 =	sld [smem:$0x3FB1]  }
0x2a: {  	p0 =	seq.s32 s5, $0x0;
	s5 =	sld [smem:$0x3FB2]  }
0x2b: {  	s6 =	sld [smem:$0x3FB3]  }
0x2c: {  	s7 =	sld [smem:$0x3FB4]  }
0x2d: {  	s3 =	simm.s32 $0x108;
	s8 =	sld [smem:$0x3FB5]  }
0x2e: {  	s3 =	simm.s32 @!p0 $0x1082;
	s9 =	sld [smem:$0x3FB6]  }
0x2f: {  	lr =	sadd.s32 s0, s3;
	s0 =	sld [smem:$0x3FAD]  }
0x30: {  	s3 =	sld [smem:$0x3FB0]  }
0x31: {  	[smem:$0x3FB9] =	sst s10  }
0x32: {  	s10 =	sld [smem:$0x3FB7];
	_ =	sdelay $0x3  }
0x33: {  	p0 =	seq.s32 s10, $0x1;
	s10 =	sld [smem:$0x3FB9];
	_ =	sdelay $0x3  }
0x34: {  	[smem:$0x3FB9] =	sst s10  }
0x35: {  	s10 =	sld [smem:$0x3FB8];
	_ =	sdelay $0x3  }
0x36: {  	p1 =	seq.s32 s10, $0x1;
	s10 =	sld [smem:$0x3FB9];
	_ =	sdelay $0x3  }
0x37: {  	[smem:$0x3FB9] =	sst s10  }
0x38: {  	s10 =	sld [smem:$0x3FBA]  }
0x39: {  	_ = 	snop;
	(pc) =	sbr.ind lr, $3  }
0x3a: {  	_ = 	snop  }
0x3b: {  	_ = 	snop  }
0x3c: {  	p2 =	seq.s32 s10, $0x1;
	s10 =	sld [smem:$0x3FB9]  }
0x3d: {  	_ =	shalt  }
0x3e: {  	_ =	shalt  }
0x3f: {  	_ =	shalt  }
0x40: {  	_ =	shalt  }
0x41: {  	_ =	shalt  }
0x42: {  	_ =	shalt  }
0x43: {  	_ =	shalt  }
0x44: {  	_ =	shalt  }
0x45: {  	_ =	shalt  }
0x46: {  	_ =	shalt  }
0x47: {  	_ =	shalt  }
0x48: {  	_ =	shalt  }
0x49: {  	_ =	shalt  }
0x4a: {  	_ =	shalt  }
0x4b: {  	_ =	shalt  }
0x4c: {  	_ =	shalt  }
0x4d: {  	_ =	shalt  }
0x4e: {  	_ =	shalt  }
0x4f: {  	_ =	shalt  }
0x50: {  	_ =	shalt  }
0x51: {  	_ =	shalt  }
0x52: {  	_ =	shalt  }
0x53: {  	_ =	shalt  }
0x54: {  	_ =	shalt  }
0x55: {  	_ =	shalt  }
0x56: {  	_ =	shalt  }
0x57: {  	_ =	shalt  }
0x58: {  	_ =	shalt  }
0x59: {  	_ =	shalt  }
0x5a: {  	_ =	shalt  }
0x5b: {  	_ =	shalt  }
0x5c: {  	_ =	shalt  }
0x5d: {  	_ =	shalt  }
0x5e: {  	_ =	shalt  }
0x5f: {  	_ =	shalt  }
0x60: {  	_ =	shalt  }
0x61: {  	_ =	shalt  }
0x62: {  	_ =	shalt  }
0x63: {  	_ =	shalt  }
0x64: {  	_ =	shalt  }
0x65: {  	_ =	shalt  }
0x66: {  	_ =	shalt  }
0x67: {  	_ =	shalt  }
0x68: {  	_ =	shalt  }
0x69: {  	_ =	shalt  }
0x6a: {  	_ =	shalt  }
0x6b: {  	_ =	shalt  }
0x6c: {  	_ =	shalt  }
0x6d: {  	_ =	shalt  }
0x6e: {  	_ =	shalt  }
0x6f: {  	_ =	shalt  }
0x70: {  	_ =	shalt  }
0x71: {  	_ =	shalt  }
0x72: {  	_ =	shalt  }
0x73: {  	_ =	shalt  }
0x74: {  	_ =	shalt  }
0x75: {  	_ =	shalt  }
0x76: {  	_ =	shalt  }
0x77: {  	_ =	shalt  }
0x78: {  	_ =	shalt  }
0x79: {  	_ =	shalt  }
0x7a: {  	_ =	shalt  }
0x7b: {  	_ =	shalt  }
0x7c: {  	_ =	shalt  }
0x7d: {  	_ =	shalt  }
0x7e: {  	_ =	shalt  }
0x7f: {  	_ =	shalt  }
0x80: {  	_ =	shalt  }
0x81: {  	_ =	shalt  }
0x82: {  	_ =	shalt  }
0x83: {  	_ =	shalt  }
0x84: {  	_ =	shalt  }
0x85: {  	_ =	shalt  }
0x86: {  	_ =	shalt  }
0x87: {  	_ =	shalt  }
.Lfunc_end0:
.L_simem_size_0:
called_computation_lowered:
.L_overlay_start_0:
0x88: {  	s2 =	sld [smem:$0x3FD9]  }
0x89: {  	s3 =	sld [smem:$0x3FFE];
	_ =	sdelay $0x1  }
0x8a: {  	s1 =	srdreg.scid  }
0x8b: {  	s0 =	sand.u32 $0x1, s1  }
0x8c: {  	s17 =	sshll.u32 s0, $0xA;
	s2 =	sadd.s32 s3, s2  }
0x8d: {  	s2 =	sadd.s32 s2, s17  }
0x8e: {  	[smem:$0x3FC5] =	sst s2  }
0x8f: {  	_ = 	snop  }
0x90: {  	s2 =	sld [smem:$0x3FC8]  }
0x91: {  	s18 =	sld [smem:$0x3FC7]  }
0x92: {  	s4 =	sld [smem:$0x3FD0];
	(tm) =	ssettm $0x1  }
0x93: {  	s5 =	sld [smem:$0x3FFB];
	_ =	sdelay $0x3  }
0x94: {  	_ =	strace s5  }
0x95: {  	s5 =	sld [smem:$0x3FFC];
	_ =	sdelay $0x3  }
0x96: {  	_ =	strace s5  }
0x97: {  	s5 =	sld [smem:$0x3FFD];
	_ =	sdelay $0x3  }
0x98: {  	_ =	strace s5  }
0x99: {  	_ =	strace $0x8FFFFFFF  }
0x9a: {  	s19 =	sld [smem:$0x3FDB];
	_ =	sdelay $0x1  }
0x9b: {  	s6 =	simm.s32 $_scs_section_size  }
0x9c: {  	s7 =	simm.s32 $_size__tile_overlayer_lowered;
	s8 =	simm.s32 $_tile_overlayer_lowered  }
0x9d: {  	s22 =	simm.s32 $0x1BFF;
	s21 =	sshll.u32 s8, $0x1;
	s5 =	sadd.s32 s6, s19  }
0x9e: {  	s9 =	simm.s32 $0x0;
	s20 =	sshll.u32 s7, $0x1;
	s7 =	sadd.s32 s21, s5  }
0x9f: {  	[timem:s9], [sflag:s22] =	dma.local [hbm:s7], s20  }
0xa0: {  	_ =	swait.ge [sflag:s22], s20  }
0xa1: {  	s6 =	ssub.s32 $0x0, s20;
	[sflag:s22] =	ssyncset.done $0x0  }
0xa2: {  	[sflag:s22] =	ssyncadd.s32 s6;
	_ =	sdelay $0x1  }
0xa3: {  	s23 =	simm.s32 $0x1B8B  }
0xa4: {  	_ =	swait.ge [sflag:s23], $0x1  }
0xa5: {  	[sflag:s23] =	ssyncset.done $0x0  }
0xa6: {  	s25 =	simm.s32 $0x1B8E;
	s24 =	sld [smem:$0x3FFE];
	[sflag:s23] =	ssyncadd.s32 $0xFFFFFFFF  }
0xa7: {  	s26 =	simm.s32 $execute0_lowered;
	[smem:$0x3FD2] =	sst s25  }
0xa8: {  	s7 =	sshll.u32 s26, $0x1;
	_ =	strace $0x80000046;
	[dreg:$0x1] =	wrdreg $0xFFFFFFFF  }
0xa9: {  	s28 =	simm.s32 $_size_execute0_lowered;
	s5 =	sadd.s32 s5, s7;
	[dreg:$0x0] =	wrdreg $0x0  }
0xaa: {  	s7 =	sshll.u32 s28, $0x1;
	[dreg:$0x2] =	wrdreg s5  }
0xab: {  	[dreg:$0x3] =	wrdreg s7  }
0xac: {  	[dreg:$0x4] =	wrdreg $0xC0  }
0xad: {  	_ =	task [dreg:s9], $0x5FFFF  }
0xae: {  	[dreg:$0x1] =	wrdreg $0xFFFFFFFF  }
0xaf: {  	[dreg:$0x0] =	wrdreg $0x60  }
0xb0: {  	[dreg:$0x2] =	wrdreg s24  }
0xb1: {  	[dreg:$0x3] =	wrdreg s2  }
0xb2: {  	[dreg:$0x4] =	wrdreg s18  }
0xb3: {  	[dreg:$0x5] =	wrdreg s4  }
0xb4: {  	[dreg:$0x6] =	wrdreg $0x9  }
0xb5: {  	_ =	task.clear_ibuf [dreg:s9], $0x7FFFF;
	_ =	strace $0x90000046  }
0xb6: {  	s29 =	simm.s32 $0x9;
	_ =	strace $0x80000048  }
0xb7: {  	_ =	swait.ge [sflag:s29], $0x1  }
0xb8: {  	[sflag:s29] =	ssyncadd.s32 $0xFFFFFFFF  }
0xb9: {  	_ =	strace $0x90000048  }
0xba: {  	_ =	sfence  }
0xbb: {  	s30 =	sld [smem:$0x0];
	_ =	sdelay $0x2  }
0xbc: {  	s31 =	sshll.u32 s1, $0xD;
	s1 =	sshrl.u32 s1, $0x2  }
0xbd: {  	s3 =	sand.u32 $0x4000, s31;
	s1 =	sadd.s32 s1, s30  }
0xbe: {  	s0 =	sor.u32 s3, s0;
	s1 =	sshll.u32 s1, $0x11  }
0xbf: {  	s0 =	sor.u32 s1, s0  }
0xc0: {  	s0 =	sadd.s32 $0x8F2B, s0  }
0xc1: {  	[sflag:s0] =	ssyncadd.remote.s32 $0x1  }
0xc2: {  	_ =	sfence.sel $0xFFFF  }
0xc3: {  	[dreg:$0x0] =	wrdreg $0xFFFFFFFF;
	(pc) =	sbr.abs _section_cstart, $3  }
0xc4: {  	[dreg:$0x1] =	wrdreg $0xFFFFFFFF  }
0xc5: {  	_ =	task.clear_ibuf [dreg:s9], $0x2FFFF;
	_ =	strace $0x9FFFFFFF  }
0xc6: {  	(tm) =	ssettm $0x7FFFFFFF  }
0xc7: {  	_ =	shalt  }
tec
execute0_lowered:
.L_overlay_start_1:
0x0: {  	(tag) =	ssettag $0x1  }
0x1: {  	s0 =	rddreg [dreg:$0x0]  }
0x2: {  	s1 =	rddreg [dreg:$0x1];
	s2 =	srdreg.scid  }
0x3: {  	s3 =	stileid.u32;
	s4 =	rddreg [dreg:$0x3]  }
0x4: {  	s17 =	simm.s32 $0x0;
	s28 =	simm.s32 $0xB400;
	s30 =	simm.s32 $0xDC00  }
0x5: {  	s31 =	simm.s32 $0x1;
	s29 =	simm.s32 $0x3;
	s9 =	simm.s32 $0x5  }
0x6: {  	s10 =	simm.s32 $0x8;
	s2 =	sand.u32 $0x1, s2;
	s3 =	sshll.u32 s3, $0x1  }
0x7: {  	s11 =	simm.s32 $0x9;
	s12 =	simm.s32 $0xA;
	s3 =	sor.u32 s2, s3  }
0x8: {  	[smem:$0x7FF] =	sst s17;
	s2 =	ssub.s32 $0x2, s2;
	s7 =	smul.u32 $0x19000, s3  }
0x9: {  	_ =	strace $0x80000047;
	s5 =	smul.u32 $0x500, s3;
	s6 =	sshrl.u32 s2, $0x1  }
0xa: {  	s8 =	smul.u32 $0xC8000, s3;
	s2 =	ssub.s32 s2, s6;
	s16 =	sadd.s32 s4, s7  }
0xb: {  	s0 =	sadd.s32 s5, s0;
	s26 =	smax.u32 s2, $0x1;
	[dreg:$0x6] =	wrdreg s16  }
0xc: {  	s6 =	smul.u32 $0x1900, s3;
	s0 =	sadd.s32 $0x400, s0;
	[dreg:$0x10] =	wrdreg s26  }
0xd: {  	s18 =	sshrl.u32 s8, $0x3;
	s19 =	sadd.s32 $0x500, s16;
	[dreg:$0x5] =	wrdreg s0  }
0xe: {  	s2 =	simm.s32 $0x6;
	s20 =	sadd.s32 $0xA00, s16;
	[dreg:$0x7] =	wrdreg s19  }
0xf: {  	s3 =	sadd.s32 $0xF00, s16;
	[dreg:$0x8] =	wrdreg s20;
	s0 =	sadd.s32 s4, s18  }
0x10: {  	s7 =	simm.s32 $0x7;
	[dreg:$0x9] =	wrdreg s3;
	s21 =	sadd.s32 $0x1400, s0  }
0x11: {  	s13 =	sadd.s32 $0x190, s6;
	s22 =	sadd.s32 $0x17700, s0;
	[dreg:$0xa] =	wrdreg s21  }
0x12: {  	s14 =	sadd.s32 $0x1E0, s6;
	s23 =	sadd.s32 $0x17C00, s0;
	[dreg:$0xb] =	wrdreg s22  }
0x13: {  	s15 =	sadd.s32 $0x230, s6;
	s24 =	sadd.s32 $0x18100, s0;
	[dreg:$0xc] =	wrdreg s23  }
0x14: {  	s26 =	simm.s32 $0x12C00;
	s25 =	sadd.s32 $0x18600, s0;
	[dreg:$0xd] =	wrdreg s24  }
0x15: {  	s16 =	simm.s32 $0x0;
	s0 =	sadd.s32 $0x18B00, s0;
	[dreg:$0xe] =	wrdreg s25  }
0x16: {  	s3 =	simm.s32 $0x2;
	[dreg:$0xf] =	wrdreg s0;
	s24 =	simm.s32 $0x50  }
0x17: {  	s25 =	simm.s32 $0x8C00;
	s0 =	simm.s32 $0x10400;
	s23 =	simm.s32 $0x4  }
.LBB2_1:
0x18: {  	s5 =	rddreg [dreg:$0x5];
	s8 =	simm.s32 $0xB  }
0x19: {  	[tilespmem:s17], [sflag:$0xB] =	stream.linear.gather [hbm4b:s5+s17], $0x2800, $0x38;
	[tilespmem:$0x15400] =	vst v63  }
0x1a: {  	_ =	swait.ge [sflag:s8], $0x2800  }
0x1b: {  	[sflag:s8] =	ssyncset.done $0x0  }
0x1c: {  	[sflag:s8] =	ssyncadd.s32 $0xFFFFD800  }
0x1d: {  	s18 =	simm.s32 $0x2800;
	s22 =	rddreg [dreg:$0x2]  }
0x1e: {  	[tilespmem:s18], [sflag:$0xB] =	stream.linear.gather [hbm4b:s22+s17], $0x6400, $0x38;
	[tilespmem:$0x15400] =	vst v63  }
0x1f: {  	_ =	swait.ge [sflag:s8], $0x6400  }
0x20: {  	[sflag:s8] =	ssyncset.done $0x0  }
0x21: {  	s17 =	simm.s32 $0x0;
	[sflag:s8] =	ssyncadd.s32 $0xFFFF9C00  }
0x22: {  	v3 =	vld [tilespmem:s17+$0x2870]  }
0x23: {  	v4 =	vld [tilespmem:s17+$0x2800]  }
0x24: {  	v5 =	vld [tilespmem:s17+$0x2810]  }
0x25: {  	v2 =	vld [tilespmem:s17+$0x2820]  }
0x26: {  	v0 =	vld [tilespmem:s17+$0x2830]  }
0x27: {  	v1 =	vld [tilespmem:s17+$0x2840];
	[tilespmem:s17+$0x8C70] =	vst v3  }
0x28: {  	[tilespmem:s17+$0x8C00] =	vst v4;
	v3 =	vld [tilespmem:s17+$0x2850]  }
0x29: {  	s5 =	simm.s32 $0x80;
	s8 =	simm.s32 $0x400;
	[tilespmem:s17+$0x8C10] =	vst v5;
	v4 =	vld [tilespmem:s17+$0x2860]  }
.LBB2_2:
0x2a: {  	p0 =	sne.s32 s8, $0x9E00;
	v5 =	vld [tilespmem:s5+$0x2870];
	[tilespmem:s17+$0x8C20] =	vst v2  }
0x2b: {  	v6 =	vld [tilespmem:s5+$0x2800];
	[tilespmem:s17+$0x8C30] =	vst v0  }
0x2c: {  	v7 =	vld [tilespmem:s5+$0x2810];
	[tilespmem:s17+$0x8C40] =	vst v1  }
.Ltmp0:
0x2d: {  	v2 =	vld [tilespmem:s5+$0x2820];
	[tilespmem:s17+$0x8C50] =	vst v3;
	(pc) =	sbr.rel @p0 .LBB2_2-.Ltmp0, $4  }
0x2e: {  	v0 =	vld [tilespmem:s5+$0x2830];
	[tilespmem:s17+$0x8C60] =	vst v4;
	s17 =	smov.u32 s5  }
0x2f: {  	v1 =	vld [tilespmem:s17+$0x2840];
	[tilespmem:s17+$0x8C70] =	vst v5  }
0x30: {  	[tilespmem:s17+$0x8C00] =	vst v6;
	v3 =	vld [tilespmem:s17+$0x2850]  }
0x31: {  	s5 =	sshra.s32 s8, $0x2;
	s8 =	sadd.s32 $0x200, s8;
	[tilespmem:s17+$0x8C10] =	vst v7;
	v4 =	vld [tilespmem:s17+$0x2860]  }
0x32: {  	v5 =	vld [tilespmem:s5+$0x2870];
	[tilespmem:s17+$0x8C20] =	vst v2  }
0x33: {  	v2 =	vld [tilespmem:s5+$0x2800];
	[tilespmem:s17+$0x8C30] =	vst v0  }
0x34: {  	v0 =	vld [tilespmem:s5+$0x2810];
	[tilespmem:s17+$0x8C40] =	vst v1  }
0x35: {  	v1 =	vld [tilespmem:s5+$0x2820];
	[tilespmem:s17+$0x8C50] =	vst v3  }
0x36: {  	v3 =	vld [tilespmem:s5+$0x2830];
	[tilespmem:s17+$0x8C60] =	vst v4  }
0x37: {  	v4 =	vld [tilespmem:s5+$0x2840];
	[tilespmem:s5+$0x8C70] =	vst v5  }
0x38: {  	[tilespmem:s5+$0x8C00] =	vst v2;
	v2 =	vld [tilespmem:s5+$0x2850]  }
0x39: {  	[tilespmem:s5+$0x8C10] =	vst v0;
	v0 =	vld [tilespmem:s5+$0x2860]  }
0x3a: {  	[tilespmem:s5+$0x8C20] =	vst v1  }
0x3b: {  	[tilespmem:s5+$0x8C30] =	vst v3  }
0x3c: {  	[tilespmem:s5+$0x8C40] =	vst v4  }
0x3d: {  	[tilespmem:s5+$0x8C50] =	vst v2  }
0x3e: {  	s22 =	simm.s32 $0x0;
	s17 =	simm.s32 $0x0;
	[tilespmem:s5+$0x8C60] =	vst v0  }
0x3f: {  	[tilespmem:s25], [sflag:$0x1] =	stream.indirect.gather.add.f32 [hbm:s1], $0x80, s22, s24, $0xb8;
	[tilespmem:$0x15400] =	vst v63  }
0x40: {  	v3 =	vld [tilespmem:s17+$0x5070]  }
0x41: {  	v4 =	vld [tilespmem:s17+$0x5000]  }
0x42: {  	v5 =	vld [tilespmem:s17+$0x5010]  }
0x43: {  	v2 =	vld [tilespmem:s17+$0x5020]  }
0x44: {  	v0 =	vld [tilespmem:s17+$0x5030]  }
0x45: {  	v1 =	vld [tilespmem:s17+$0x5040];
	[tilespmem:s17+$0xB470] =	vst v3  }
0x46: {  	[tilespmem:s17+$0xB400] =	vst v4;
	v3 =	vld [tilespmem:s17+$0x5050]  }
0x47: {  	s8 =	simm.s32 $0x400;
	s5 =	simm.s32 $0x80;
	[tilespmem:s17+$0xB410] =	vst v5;
	v4 =	vld [tilespmem:s17+$0x5060]  }
.LBB2_4:
0x48: {  	p0 =	sne.s32 s8, $0x9E00;
	v5 =	vld [tilespmem:s5+$0x5070];
	[tilespmem:s17+$0xB420] =	vst v2  }
0x49: {  	v6 =	vld [tilespmem:s5+$0x5000];
	[tilespmem:s17+$0xB430] =	vst v0  }
0x4a: {  	v7 =	vld [tilespmem:s5+$0x5010];
	[tilespmem:s17+$0xB440] =	vst v1  }
.Ltmp1:
0x4b: {  	v2 =	vld [tilespmem:s5+$0x5020];
	[tilespmem:s17+$0xB450] =	vst v3;
	(pc) =	sbr.rel @p0 .LBB2_4-.Ltmp1, $4  }
0x4c: {  	v0 =	vld [tilespmem:s5+$0x5030];
	[tilespmem:s17+$0xB460] =	vst v4;
	s17 =	smov.u32 s5  }
0x4d: {  	v1 =	vld [tilespmem:s17+$0x5040];
	[tilespmem:s17+$0xB470] =	vst v5  }
0x4e: {  	[tilespmem:s17+$0xB400] =	vst v6;
	v3 =	vld [tilespmem:s17+$0x5050]  }
0x4f: {  	s5 =	sshra.s32 s8, $0x2;
	s8 =	sadd.s32 $0x200, s8;
	[tilespmem:s17+$0xB410] =	vst v7;
	v4 =	vld [tilespmem:s17+$0x5060]  }
0x50: {  	v5 =	vld [tilespmem:s5+$0x5070];
	[tilespmem:s17+$0xB420] =	vst v2  }
0x51: {  	v2 =	vld [tilespmem:s5+$0x5000];
	[tilespmem:s17+$0xB430] =	vst v0  }
0x52: {  	v0 =	vld [tilespmem:s5+$0x5010];
	[tilespmem:s17+$0xB440] =	vst v1  }
0x53: {  	v1 =	vld [tilespmem:s5+$0x5020];
	[tilespmem:s17+$0xB450] =	vst v3  }
0x54: {  	v3 =	vld [tilespmem:s5+$0x5030];
	[tilespmem:s17+$0xB460] =	vst v4  }
0x55: {  	v4 =	vld [tilespmem:s5+$0x5040];
	[tilespmem:s5+$0xB470] =	vst v5  }
0x56: {  	[tilespmem:s5+$0xB400] =	vst v2;
	v2 =	vld [tilespmem:s5+$0x5050]  }
0x57: {  	[tilespmem:s5+$0xB410] =	vst v0;
	v0 =	vld [tilespmem:s5+$0x5060]  }
0x58: {  	[tilespmem:s5+$0xB420] =	vst v1  }
0x59: {  	[tilespmem:s5+$0xB430] =	vst v3  }
0x5a: {  	[tilespmem:s5+$0xB440] =	vst v4  }
0x5b: {  	[tilespmem:s5+$0xB450] =	vst v2  }
0x5c: {  	s22 =	simm.s32 $0x80;
	s17 =	simm.s32 $0x0;
	[tilespmem:s5+$0xB460] =	vst v0  }
0x5d: {  	[tilespmem:s28], [sflag:$0x2] =	stream.indirect.gather.add.f32 [hbm:s1], $0x80, s22, s24, $0xb8;
	[tilespmem:$0x15400] =	vst v63  }
0x5e: {  	v3 =	vld [tilespmem:s17+$0x7870]  }
0x5f: {  	v4 =	vld [tilespmem:s17+$0x7800]  }
0x60: {  	v5 =	vld [tilespmem:s17+$0x7810]  }
0x61: {  	v2 =	vld [tilespmem:s17+$0x7820]  }
0x62: {  	v0 =	vld [tilespmem:s17+$0x7830]  }
0x63: {  	v1 =	vld [tilespmem:s17+$0x7840];
	[tilespmem:s17+$0xDC70] =	vst v3  }
0x64: {  	[tilespmem:s17+$0xDC00] =	vst v4;
	v3 =	vld [tilespmem:s17+$0x7850]  }
0x65: {  	s18 =	simm.s32 $0x400;
	s8 =	simm.s32 $0x0;
	s5 =	simm.s32 $0x80;
	[tilespmem:s17+$0xDC10] =	vst v5;
	v4 =	vld [tilespmem:s17+$0x7860]  }
.LBB2_6:
0x66: {  	p0 =	sne.s32 s18, $0x4E00;
	v5 =	vld [tilespmem:s5+$0x7870];
	[tilespmem:s8+$0xDC20] =	vst v2  }
0x67: {  	v6 =	vld [tilespmem:s5+$0x7800];
	[tilespmem:s8+$0xDC30] =	vst v0  }
0x68: {  	v7 =	vld [tilespmem:s5+$0x7810];
	[tilespmem:s8+$0xDC40] =	vst v1  }
.Ltmp2:
0x69: {  	v2 =	vld [tilespmem:s5+$0x7820];
	[tilespmem:s8+$0xDC50] =	vst v3;
	(pc) =	sbr.rel @p0 .LBB2_6-.Ltmp2, $4  }
0x6a: {  	v0 =	vld [tilespmem:s5+$0x7830];
	[tilespmem:s8+$0xDC60] =	vst v4;
	s8 =	smov.u32 s5  }
0x6b: {  	v1 =	vld [tilespmem:s8+$0x7840];
	[tilespmem:s8+$0xDC70] =	vst v5  }
0x6c: {  	[tilespmem:s8+$0xDC00] =	vst v6;
	v3 =	vld [tilespmem:s8+$0x7850]  }
0x6d: {  	s5 =	sshra.s32 s18, $0x2;
	s18 =	sadd.s32 $0x200, s18;
	[tilespmem:s8+$0xDC10] =	vst v7;
	v4 =	vld [tilespmem:s8+$0x7860]  }
0x6e: {  	v5 =	vld [tilespmem:s5+$0x7870];
	[tilespmem:s8+$0xDC20] =	vst v2  }
0x6f: {  	v2 =	vld [tilespmem:s5+$0x7800];
	[tilespmem:s8+$0xDC30] =	vst v0  }
0x70: {  	v0 =	vld [tilespmem:s5+$0x7810];
	[tilespmem:s8+$0xDC40] =	vst v1  }
0x71: {  	v1 =	vld [tilespmem:s5+$0x7820];
	[tilespmem:s8+$0xDC50] =	vst v3  }
0x72: {  	v3 =	vld [tilespmem:s5+$0x7830];
	[tilespmem:s8+$0xDC60] =	vst v4  }
0x73: {  	v4 =	vld [tilespmem:s5+$0x7840];
	[tilespmem:s5+$0xDC70] =	vst v5  }
0x74: {  	[tilespmem:s5+$0xDC00] =	vst v2;
	v2 =	vld [tilespmem:s5+$0x7850]  }
0x75: {  	[tilespmem:s5+$0xDC10] =	vst v0;
	v0 =	vld [tilespmem:s5+$0x7860]  }
0x76: {  	[tilespmem:s5+$0xDC20] =	vst v1  }
0x77: {  	[tilespmem:s5+$0xDC30] =	vst v3  }
0x78: {  	[tilespmem:s5+$0xDC40] =	vst v4  }
0x79: {  	[tilespmem:s5+$0xDC50] =	vst v2  }
0x7a: {  	[tilespmem:s5+$0xDC60] =	vst v0  }
0x7b: {  	v3 =	vld [tilespmem:s17+$0x2870]  }
0x7c: {  	v4 =	vld [tilespmem:s17+$0x2800]  }
0x7d: {  	v5 =	vld [tilespmem:s17+$0x2810]  }
0x7e: {  	v2 =	vld [tilespmem:s17+$0x2820]  }
0x7f: {  	v0 =	vld [tilespmem:s17+$0x2830]  }
0x80: {  	v1 =	vld [tilespmem:s17+$0x2840];
	[tilespmem:s17+$0xF070] =	vst v3  }
0x81: {  	[tilespmem:s17+$0xF000] =	vst v4;
	v3 =	vld [tilespmem:s17+$0x2850]  }
0x82: {  	s8 =	simm.s32 $0x400;
	s5 =	simm.s32 $0x80;
	[tilespmem:s17+$0xF010] =	vst v5;
	v4 =	vld [tilespmem:s17+$0x2860]  }
.LBB2_8:
0x83: {  	p0 =	sne.s32 s8, $0x4E00;
	v5 =	vld [tilespmem:s5+$0x2870];
	[tilespmem:s17+$0xF020] =	vst v2  }
0x84: {  	v6 =	vld [tilespmem:s5+$0x2800];
	[tilespmem:s17+$0xF030] =	vst v0  }
0x85: {  	v7 =	vld [tilespmem:s5+$0x2810];
	[tilespmem:s17+$0xF040] =	vst v1  }
.Ltmp3:
0x86: {  	v2 =	vld [tilespmem:s5+$0x2820];
	[tilespmem:s17+$0xF050] =	vst v3;
	(pc) =	sbr.rel @p0 .LBB2_8-.Ltmp3, $4  }
0x87: {  	v0 =	vld [tilespmem:s5+$0x2830];
	[tilespmem:s17+$0xF060] =	vst v4;
	s17 =	smov.u32 s5  }
0x88: {  	v1 =	vld [tilespmem:s17+$0x2840];
	[tilespmem:s17+$0xF070] =	vst v5  }
0x89: {  	[tilespmem:s17+$0xF000] =	vst v6;
	v3 =	vld [tilespmem:s17+$0x2850]  }
0x8a: {  	s5 =	sshra.s32 s8, $0x2;
	s8 =	sadd.s32 $0x200, s8;
	[tilespmem:s17+$0xF010] =	vst v7;
	v4 =	vld [tilespmem:s17+$0x2860]  }
0x8b: {  	v5 =	vld [tilespmem:s5+$0x2870];
	[tilespmem:s17+$0xF020] =	vst v2  }
0x8c: {  	v2 =	vld [tilespmem:s5+$0x2800];
	[tilespmem:s17+$0xF030] =	vst v0  }
0x8d: {  	v0 =	vld [tilespmem:s5+$0x2810];
	[tilespmem:s17+$0xF040] =	vst v1  }
0x8e: {  	v1 =	vld [tilespmem:s5+$0x2820];
	[tilespmem:s17+$0xF050] =	vst v3  }
0x8f: {  	v3 =	vld [tilespmem:s5+$0x2830];
	[tilespmem:s17+$0xF060] =	vst v4  }
0x90: {  	v4 =	vld [tilespmem:s5+$0x2840];
	[tilespmem:s5+$0xF070] =	vst v5  }
0x91: {  	[tilespmem:s5+$0xF000] =	vst v2;
	v2 =	vld [tilespmem:s5+$0x2850]  }
0x92: {  	[tilespmem:s5+$0xF010] =	vst v0;
	v0 =	vld [tilespmem:s5+$0x2860]  }
0x93: {  	[tilespmem:s5+$0xF020] =	vst v1  }
0x94: {  	[tilespmem:s5+$0xF030] =	vst v3  }
0x95: {  	[tilespmem:s5+$0xF040] =	vst v4  }
0x96: {  	[tilespmem:s5+$0xF050] =	vst v2  }
0x97: {  	s21 =	simm.s32 $0x100;
	[tilespmem:s5+$0xF060] =	vst v0  }
0x98: {  	[tilespmem:s30], [sflag:$0x3] =	stream.indirect.gather.add.f32 [hbm:s1], $0x80, s21, s24, $0xb8;
	[tilespmem:$0x15400] =	vst v63  }
0x99: {  	_ =	swait.ge [sflag:s31], $0x2800  }
0x9a: {  	s22 =	simm.s32 $0x0;
	[sflag:s31] =	ssyncset.done $0x0  }
0x9b: {  	s17 =	simm.s32 $0x0;
	s8 =	rddreg [dreg:$0x6];
	[sflag:s31] =	ssyncadd.s32 $0xFFFFD800  }
0x9c: {  	[hbm4b:s8+s22] =	stream.linear.scatter [tilespmem:s25], [sflag:$0x6], $0x2800, $0x38;
	[tilespmem:$0x15400] =	vst v63  }
0x9d: {  	v3 =	vld [tilespmem:s17+$0x3C70]  }
0x9e: {  	v4 =	vld [tilespmem:s17+$0x3C00]  }
0x9f: {  	v5 =	vld [tilespmem:s17+$0x3C10]  }
0xa0: {  	v2 =	vld [tilespmem:s17+$0x3C20]  }
0xa1: {  	v0 =	vld [tilespmem:s17+$0x3C30]  }
0xa2: {  	v1 =	vld [tilespmem:s17+$0x3C40];
	[tilespmem:s17+$0x10470] =	vst v3  }
0xa3: {  	[tilespmem:s17+$0x10400] =	vst v4;
	v3 =	vld [tilespmem:s17+$0x3C50]  }
0xa4: {  	s5 =	simm.s32 $0x80;
	s8 =	simm.s32 $0x400;
	[tilespmem:s17+$0x10410] =	vst v5;
	v4 =	vld [tilespmem:s17+$0x3C60]  }
.LBB2_10:
0xa5: {  	p0 =	sne.s32 s8, $0x9E00;
	v5 =	vld [tilespmem:s5+$0x3C70];
	[tilespmem:s17+$0x10420] =	vst v2  }
0xa6: {  	v6 =	vld [tilespmem:s5+$0x3C00];
	[tilespmem:s17+$0x10430] =	vst v0  }
0xa7: {  	v7 =	vld [tilespmem:s5+$0x3C10];
	[tilespmem:s17+$0x10440] =	vst v1  }
.Ltmp4:
0xa8: {  	v2 =	vld [tilespmem:s5+$0x3C20];
	[tilespmem:s17+$0x10450] =	vst v3;
	(pc) =	sbr.rel @p0 .LBB2_10-.Ltmp4, $4  }
0xa9: {  	v0 =	vld [tilespmem:s5+$0x3C30];
	[tilespmem:s17+$0x10460] =	vst v4;
	s17 =	smov.u32 s5  }
0xaa: {  	v1 =	vld [tilespmem:s17+$0x3C40];
	[tilespmem:s17+$0x10470] =	vst v5  }
0xab: {  	[tilespmem:s17+$0x10400] =	vst v6;
	v3 =	vld [tilespmem:s17+$0x3C50]  }
0xac: {  	s5 =	sshra.s32 s8, $0x2;
	s8 =	sadd.s32 $0x200, s8;
	[tilespmem:s17+$0x10410] =	vst v7;
	v4 =	vld [tilespmem:s17+$0x3C60]  }
0xad: {  	v5 =	vld [tilespmem:s5+$0x3C70];
	[tilespmem:s17+$0x10420] =	vst v2  }
0xae: {  	v2 =	vld [tilespmem:s5+$0x3C00];
	[tilespmem:s17+$0x10430] =	vst v0  }
0xaf: {  	v0 =	vld [tilespmem:s5+$0x3C10];
	[tilespmem:s17+$0x10440] =	vst v1  }
0xb0: {  	v1 =	vld [tilespmem:s5+$0x3C20];
	[tilespmem:s17+$0x10450] =	vst v3  }
0xb1: {  	v3 =	vld [tilespmem:s5+$0x3C30];
	[tilespmem:s17+$0x10460] =	vst v4  }
0xb2: {  	v4 =	vld [tilespmem:s5+$0x3C40];
	[tilespmem:s5+$0x10470] =	vst v5  }
0xb3: {  	[tilespmem:s5+$0x10400] =	vst v2;
	v2 =	vld [tilespmem:s5+$0x3C50]  }
0xb4: {  	[tilespmem:s5+$0x10410] =	vst v0;
	v0 =	vld [tilespmem:s5+$0x3C60]  }
0xb5: {  	[tilespmem:s5+$0x10420] =	vst v1  }
0xb6: {  	[tilespmem:s5+$0x10430] =	vst v3  }
0xb7: {  	[tilespmem:s5+$0x10440] =	vst v4  }
0xb8: {  	[tilespmem:s5+$0x10450] =	vst v2  }
0xb9: {  	s21 =	simm.s32 $0x180;
	[tilespmem:s5+$0x10460] =	vst v0  }
0xba: {  	[tilespmem:s0], [sflag:$0x4] =	stream.indirect.gather.add.f32 [hbm:s1], $0x80, s21, s24, $0xb8;
	[tilespmem:$0x15400] =	vst v63  }
0xbb: {  	_ =	swait.ge [sflag:s3], $0x2800  }
0xbc: {  	s22 =	simm.s32 $0x0;
	[sflag:s3] =	ssyncset.done $0x0  }
0xbd: {  	s17 =	simm.s32 $0x0;
	s8 =	rddreg [dreg:$0x7];
	[sflag:s3] =	ssyncadd.s32 $0xFFFFD800  }
0xbe: {  	[hbm4b:s8+s22] =	stream.linear.scatter [tilespmem:s28], [sflag:$0x7], $0x2800, $0x38;
	[tilespmem:$0x15400] =	vst v63  }
0xbf: {  	v3 =	vld [tilespmem:s17+$0x6470]  }
0xc0: {  	v4 =	vld [tilespmem:s17+$0x6400]  }
0xc1: {  	v5 =	vld [tilespmem:s17+$0x6410]  }
0xc2: {  	v2 =	vld [tilespmem:s17+$0x6420]  }
0xc3: {  	v0 =	vld [tilespmem:s17+$0x6430]  }
0xc4: {  	v1 =	vld [tilespmem:s17+$0x6440];
	[tilespmem:s17+$0x12C70] =	vst v3  }
0xc5: {  	[tilespmem:s17+$0x12C00] =	vst v4;
	v3 =	vld [tilespmem:s17+$0x6450]  }
0xc6: {  	s5 =	simm.s32 $0x80;
	s8 =	simm.s32 $0x400;
	[tilespmem:s17+$0x12C10] =	vst v5;
	v4 =	vld [tilespmem:s17+$0x6460]  }
.LBB2_12:
0xc7: {  	p0 =	sne.s32 s8, $0x9E00;
	v5 =	vld [tilespmem:s5+$0x6470];
	[tilespmem:s17+$0x12C20] =	vst v2  }
0xc8: {  	v6 =	vld [tilespmem:s5+$0x6400];
	[tilespmem:s17+$0x12C30] =	vst v0  }
0xc9: {  	v7 =	vld [tilespmem:s5+$0x6410];
	[tilespmem:s17+$0x12C40] =	vst v1  }
.Ltmp5:
0xca: {  	v2 =	vld [tilespmem:s5+$0x6420];
	[tilespmem:s17+$0x12C50] =	vst v3;
	(pc) =	sbr.rel @p0 .LBB2_12-.Ltmp5, $4  }
0xcb: {  	v0 =	vld [tilespmem:s5+$0x6430];
	[tilespmem:s17+$0x12C60] =	vst v4;
	s17 =	smov.u32 s5  }
0xcc: {  	v1 =	vld [tilespmem:s17+$0x6440];
	[tilespmem:s17+$0x12C70] =	vst v5  }
0xcd: {  	[tilespmem:s17+$0x12C00] =	vst v6;
	v3 =	vld [tilespmem:s17+$0x6450]  }
0xce: {  	s5 =	sshra.s32 s8, $0x2;
	s8 =	sadd.s32 $0x200, s8;
	[tilespmem:s17+$0x12C10] =	vst v7;
	v4 =	vld [tilespmem:s17+$0x6460]  }
0xcf: {  	v5 =	vld [tilespmem:s5+$0x6470];
	[tilespmem:s17+$0x12C20] =	vst v2  }
0xd0: {  	v2 =	vld [tilespmem:s5+$0x6400];
	[tilespmem:s17+$0x12C30] =	vst v0  }
0xd1: {  	v0 =	vld [tilespmem:s5+$0x6410];
	[tilespmem:s17+$0x12C40] =	vst v1  }
0xd2: {  	v1 =	vld [tilespmem:s5+$0x6420];
	[tilespmem:s17+$0x12C50] =	vst v3  }
0xd3: {  	v3 =	vld [tilespmem:s5+$0x6430];
	[tilespmem:s17+$0x12C60] =	vst v4  }
0xd4: {  	v4 =	vld [tilespmem:s5+$0x6440];
	[tilespmem:s5+$0x12C70] =	vst v5  }
0xd5: {  	[tilespmem:s5+$0x12C00] =	vst v2;
	v2 =	vld [tilespmem:s5+$0x6450]  }
0xd6: {  	[tilespmem:s5+$0x12C10] =	vst v0;
	v0 =	vld [tilespmem:s5+$0x6460]  }
0xd7: {  	[tilespmem:s5+$0x12C20] =	vst v1  }
0xd8: {  	[tilespmem:s5+$0x12C30] =	vst v3  }
0xd9: {  	[tilespmem:s5+$0x12C40] =	vst v4  }
0xda: {  	[tilespmem:s5+$0x12C50] =	vst v2  }
0xdb: {  	s21 =	simm.s32 $0x200;
	[tilespmem:s5+$0x12C60] =	vst v0  }
0xdc: {  	[tilespmem:s26], [sflag:$0x5] =	stream.indirect.gather.add.f32 [hbm:s1], $0x80, s21, s24, $0xb8;
	[tilespmem:$0x15400] =	vst v63  }
0xdd: {  	_ =	swait.ge [sflag:s29], $0x2800  }
0xde: {  	[sflag:s29] =	ssyncset.done $0x0  }
0xdf: {  	s22 =	simm.s32 $0x0;
	s8 =	rddreg [dreg:$0x8];
	[sflag:s29] =	ssyncadd.s32 $0xFFFFD800  }
0xe0: {  	[hbm4b:s8+s22] =	stream.linear.scatter [tilespmem:s30], [sflag:$0x8], $0x2800, $0x38;
	[tilespmem:$0x15400] =	vst v63  }
0xe1: {  	_ =	swait.ge [sflag:s2], $0x2800  }
0xe2: {  	[sflag:s2] =	ssyncset.done $0x0  }
0xe3: {  	s17 =	simm.s32 $0x0;
	[sflag:s2] =	ssyncadd.s32 $0xFFFFD800  }
0xe4: {  	v3 =	vld [tilespmem:s17+$0x2870]  }
0xe5: {  	v4 =	vld [tilespmem:s17+$0x2800]  }
0xe6: {  	v5 =	vld [tilespmem:s17+$0x2810]  }
0xe7: {  	v2 =	vld [tilespmem:s17+$0x2820]  }
0xe8: {  	v0 =	vld [tilespmem:s17+$0x2830]  }
0xe9: {  	v1 =	vld [tilespmem:s17+$0x2840];
	[tilespmem:s17+$0x8C70] =	vst v3  }
0xea: {  	[tilespmem:s17+$0x8C00] =	vst v4;
	v3 =	vld [tilespmem:s17+$0x2850]  }
0xeb: {  	s5 =	simm.s32 $0x80;
	s8 =	simm.s32 $0x400;
	[tilespmem:s17+$0x8C10] =	vst v5;
	v4 =	vld [tilespmem:s17+$0x2860]  }
.LBB2_14:
0xec: {  	p0 =	sne.s32 s8, $0x9E00;
	v5 =	vld [tilespmem:s5+$0x2870];
	[tilespmem:s17+$0x8C20] =	vst v2  }
0xed: {  	v6 =	vld [tilespmem:s5+$0x2800];
	[tilespmem:s17+$0x8C30] =	vst v0  }
0xee: {  	v7 =	vld [tilespmem:s5+$0x2810];
	[tilespmem:s17+$0x8C40] =	vst v1  }
.Ltmp6:
0xef: {  	v2 =	vld [tilespmem:s5+$0x2820];
	[tilespmem:s17+$0x8C50] =	vst v3;
	(pc) =	sbr.rel @p0 .LBB2_14-.Ltmp6, $4  }
0xf0: {  	v0 =	vld [tilespmem:s5+$0x2830];
	[tilespmem:s17+$0x8C60] =	vst v4;
	s17 =	smov.u32 s5  }
0xf1: {  	v1 =	vld [tilespmem:s17+$0x2840];
	[tilespmem:s17+$0x8C70] =	vst v5  }
0xf2: {  	[tilespmem:s17+$0x8C00] =	vst v6;
	v3 =	vld [tilespmem:s17+$0x2850]  }
0xf3: {  	s5 =	sshra.s32 s8, $0x2;
	s8 =	sadd.s32 $0x200, s8;
	[tilespmem:s17+$0x8C10] =	vst v7;
	v4 =	vld [tilespmem:s17+$0x2860]  }
0xf4: {  	v5 =	vld [tilespmem:s5+$0x2870];
	[tilespmem:s17+$0x8C20] =	vst v2  }
0xf5: {  	v2 =	vld [tilespmem:s5+$0x2800];
	[tilespmem:s17+$0x8C30] =	vst v0  }
0xf6: {  	v0 =	vld [tilespmem:s5+$0x2810];
	[tilespmem:s17+$0x8C40] =	vst v1  }
0xf7: {  	v1 =	vld [tilespmem:s5+$0x2820];
	[tilespmem:s17+$0x8C50] =	vst v3  }
0xf8: {  	v3 =	vld [tilespmem:s5+$0x2830];
	[tilespmem:s17+$0x8C60] =	vst v4  }
0xf9: {  	v4 =	vld [tilespmem:s5+$0x2840];
	[tilespmem:s5+$0x8C70] =	vst v5  }
0xfa: {  	[tilespmem:s5+$0x8C00] =	vst v2;
	v2 =	vld [tilespmem:s5+$0x2850]  }
0xfb: {  	[tilespmem:s5+$0x8C10] =	vst v0;
	v0 =	vld [tilespmem:s5+$0x2860]  }
0xfc: {  	[tilespmem:s5+$0x8C20] =	vst v1  }
0xfd: {  	[tilespmem:s5+$0x8C30] =	vst v3  }
0xfe: {  	[tilespmem:s5+$0x8C40] =	vst v4  }
0xff: {  	[tilespmem:s5+$0x8C50] =	vst v2  }
0x100: {  	s21 =	simm.s32 $0x280;
	[tilespmem:s5+$0x8C60] =	vst v0  }
0x101: {  	[tilespmem:s25], [sflag:$0x1] =	stream.indirect.gather.add.f32 [hbm:s1], $0x80, s21, s24, $0xb8;
	[tilespmem:$0x15400] =	vst v63  }
0x102: {  	_ =	swait.ge [sflag:s23], $0x2800  }
0x103: {  	[sflag:s23] =	ssyncset.done $0x0  }
0x104: {  	s22 =	simm.s32 $0x0;
	s8 =	rddreg [dreg:$0x9];
	[sflag:s23] =	ssyncadd.s32 $0xFFFFD800  }
0x105: {  	[hbm4b:s8+s22] =	stream.linear.scatter [tilespmem:s0], [sflag:$0x9], $0x2800, $0x38;
	[tilespmem:$0x15400] =	vst v63  }
0x106: {  	_ =	swait.ge [sflag:s7], $0x2800  }
0x107: {  	[sflag:s7] =	ssyncset.done $0x0  }
0x108: {  	s17 =	simm.s32 $0x0;
	[sflag:s7] =	ssyncadd.s32 $0xFFFFD800  }
0x109: {  	v3 =	vld [tilespmem:s17+$0x5070]  }
0x10a: {  	v4 =	vld [tilespmem:s17+$0x5000]  }
0x10b: {  	v5 =	vld [tilespmem:s17+$0x5010]  }
0x10c: {  	v2 =	vld [tilespmem:s17+$0x5020]  }
0x10d: {  	v0 =	vld [tilespmem:s17+$0x5030]  }
0x10e: {  	v1 =	vld [tilespmem:s17+$0x5040];
	[tilespmem:s17+$0xB470] =	vst v3  }
0x10f: {  	[tilespmem:s17+$0xB400] =	vst v4;
	v3 =	vld [tilespmem:s17+$0x5050]  }
0x110: {  	s5 =	simm.s32 $0x80;
	s8 =	simm.s32 $0x400;
	[tilespmem:s17+$0xB410] =	vst v5;
	v4 =	vld [tilespmem:s17+$0x5060]  }
.LBB2_16:
0x111: {  	p0 =	sne.s32 s8, $0x9E00;
	v5 =	vld [tilespmem:s5+$0x5070];
	[tilespmem:s17+$0xB420] =	vst v2  }
0x112: {  	v6 =	vld [tilespmem:s5+$0x5000];
	[tilespmem:s17+$0xB430] =	vst v0  }
0x113: {  	v7 =	vld [tilespmem:s5+$0x5010];
	[tilespmem:s17+$0xB440] =	vst v1  }
.Ltmp7:
0x114: {  	v2 =	vld [tilespmem:s5+$0x5020];
	[tilespmem:s17+$0xB450] =	vst v3;
	(pc) =	sbr.rel @p0 .LBB2_16-.Ltmp7, $4  }
0x115: {  	v0 =	vld [tilespmem:s5+$0x5030];
	[tilespmem:s17+$0xB460] =	vst v4;
	s17 =	smov.u32 s5  }
0x116: {  	v1 =	vld [tilespmem:s17+$0x5040];
	[tilespmem:s17+$0xB470] =	vst v5  }
0x117: {  	[tilespmem:s17+$0xB400] =	vst v6;
	v3 =	vld [tilespmem:s17+$0x5050]  }
0x118: {  	s5 =	sshra.s32 s8, $0x2;
	s8 =	sadd.s32 $0x200, s8;
	[tilespmem:s17+$0xB410] =	vst v7;
	v4 =	vld [tilespmem:s17+$0x5060]  }
0x119: {  	v5 =	vld [tilespmem:s5+$0x5070];
	[tilespmem:s17+$0xB420] =	vst v2  }
0x11a: {  	v2 =	vld [tilespmem:s5+$0x5000];
	[tilespmem:s17+$0xB430] =	vst v0  }
0x11b: {  	v0 =	vld [tilespmem:s5+$0x5010];
	[tilespmem:s17+$0xB440] =	vst v1  }
0x11c: {  	v1 =	vld [tilespmem:s5+$0x5020];
	[tilespmem:s17+$0xB450] =	vst v3  }
0x11d: {  	v3 =	vld [tilespmem:s5+$0x5030];
	[tilespmem:s17+$0xB460] =	vst v4  }
0x11e: {  	v4 =	vld [tilespmem:s5+$0x5040];
	[tilespmem:s5+$0xB470] =	vst v5  }
0x11f: {  	[tilespmem:s5+$0xB400] =	vst v2;
	v2 =	vld [tilespmem:s5+$0x5050]  }
0x120: {  	[tilespmem:s5+$0xB410] =	vst v0;
	v0 =	vld [tilespmem:s5+$0x5060]  }
0x121: {  	[tilespmem:s5+$0xB420] =	vst v1  }
0x122: {  	[tilespmem:s5+$0xB430] =	vst v3  }
0x123: {  	[tilespmem:s5+$0xB440] =	vst v4  }
0x124: {  	[tilespmem:s5+$0xB450] =	vst v2  }
0x125: {  	s21 =	simm.s32 $0x300;
	[tilespmem:s5+$0xB460] =	vst v0  }
0x126: {  	[tilespmem:s28], [sflag:$0x2] =	stream.indirect.gather.add.f32 [hbm:s1], $0x80, s21, s24, $0xb8;
	[tilespmem:$0x15400] =	vst v63  }
0x127: {  	_ =	swait.ge [sflag:s9], $0x2800  }
0x128: {  	[sflag:s9] =	ssyncset.done $0x0  }
0x129: {  	s22 =	simm.s32 $0x0;
	s8 =	rddreg [dreg:$0xa];
	[sflag:s9] =	ssyncadd.s32 $0xFFFFD800  }
0x12a: {  	[hbm4b:s8+s22] =	stream.linear.scatter [tilespmem:s26], [sflag:$0xA], $0x2800, $0x38;
	[tilespmem:$0x15400] =	vst v63  }
0x12b: {  	_ =	swait.ge [sflag:s10], $0x2800  }
0x12c: {  	[sflag:s10] =	ssyncset.done $0x0  }
0x12d: {  	s17 =	simm.s32 $0x0;
	[sflag:s10] =	ssyncadd.s32 $0xFFFFD800  }
0x12e: {  	v3 =	vld [tilespmem:s17+$0x7870]  }
0x12f: {  	v4 =	vld [tilespmem:s17+$0x7800]  }
0x130: {  	v5 =	vld [tilespmem:s17+$0x7810]  }
0x131: {  	v2 =	vld [tilespmem:s17+$0x7820]  }
0x132: {  	v0 =	vld [tilespmem:s17+$0x7830]  }
0x133: {  	v1 =	vld [tilespmem:s17+$0x7840];
	[tilespmem:s17+$0xDC70] =	vst v3  }
0x134: {  	[tilespmem:s17+$0xDC00] =	vst v4;
	v3 =	vld [tilespmem:s17+$0x7850]  }
0x135: {  	s18 =	simm.s32 $0x400;
	s5 =	simm.s32 $0x80;
	s8 =	simm.s32 $0x0;
	[tilespmem:s17+$0xDC10] =	vst v5;
	v4 =	vld [tilespmem:s17+$0x7860]  }
.LBB2_18:
0x136: {  	p0 =	sne.s32 s18, $0x4E00;
	v5 =	vld [tilespmem:s5+$0x7870];
	[tilespmem:s8+$0xDC20] =	vst v2  }
0x137: {  	v6 =	vld [tilespmem:s5+$0x7800];
	[tilespmem:s8+$0xDC30] =	vst v0  }
0x138: {  	v7 =	vld [tilespmem:s5+$0x7810];
	[tilespmem:s8+$0xDC40] =	vst v1  }
.Ltmp8:
0x139: {  	v2 =	vld [tilespmem:s5+$0x7820];
	[tilespmem:s8+$0xDC50] =	vst v3;
	(pc) =	sbr.rel @p0 .LBB2_18-.Ltmp8, $4  }
0x13a: {  	v0 =	vld [tilespmem:s5+$0x7830];
	[tilespmem:s8+$0xDC60] =	vst v4;
	s8 =	smov.u32 s5  }
0x13b: {  	v1 =	vld [tilespmem:s8+$0x7840];
	[tilespmem:s8+$0xDC70] =	vst v5  }
0x13c: {  	[tilespmem:s8+$0xDC00] =	vst v6;
	v3 =	vld [tilespmem:s8+$0x7850]  }
0x13d: {  	s5 =	sshra.s32 s18, $0x2;
	s18 =	sadd.s32 $0x200, s18;
	[tilespmem:s8+$0xDC10] =	vst v7;
	v4 =	vld [tilespmem:s8+$0x7860]  }
0x13e: {  	v5 =	vld [tilespmem:s5+$0x7870];
	[tilespmem:s8+$0xDC20] =	vst v2  }
0x13f: {  	v2 =	vld [tilespmem:s5+$0x7800];
	[tilespmem:s8+$0xDC30] =	vst v0  }
0x140: {  	v0 =	vld [tilespmem:s5+$0x7810];
	[tilespmem:s8+$0xDC40] =	vst v1  }
0x141: {  	v1 =	vld [tilespmem:s5+$0x7820];
	[tilespmem:s8+$0xDC50] =	vst v3  }
0x142: {  	v3 =	vld [tilespmem:s5+$0x7830];
	[tilespmem:s8+$0xDC60] =	vst v4  }
0x143: {  	v4 =	vld [tilespmem:s5+$0x7840];
	[tilespmem:s5+$0xDC70] =	vst v5  }
0x144: {  	[tilespmem:s5+$0xDC00] =	vst v2;
	v2 =	vld [tilespmem:s5+$0x7850]  }
0x145: {  	[tilespmem:s5+$0xDC10] =	vst v0;
	v0 =	vld [tilespmem:s5+$0x7860]  }
0x146: {  	[tilespmem:s5+$0xDC20] =	vst v1  }
0x147: {  	[tilespmem:s5+$0xDC30] =	vst v3  }
0x148: {  	[tilespmem:s5+$0xDC40] =	vst v4  }
0x149: {  	[tilespmem:s5+$0xDC50] =	vst v2  }
0x14a: {  	[tilespmem:s5+$0xDC60] =	vst v0  }
0x14b: {  	v3 =	vld [tilespmem:s17+$0x2870]  }
0x14c: {  	v4 =	vld [tilespmem:s17+$0x2800]  }
0x14d: {  	v5 =	vld [tilespmem:s17+$0x2810]  }
0x14e: {  	v2 =	vld [tilespmem:s17+$0x2820]  }
0x14f: {  	v0 =	vld [tilespmem:s17+$0x2830]  }
0x150: {  	v1 =	vld [tilespmem:s17+$0x2840];
	[tilespmem:s17+$0xF070] =	vst v3  }
0x151: {  	[tilespmem:s17+$0xF000] =	vst v4;
	v3 =	vld [tilespmem:s17+$0x2850]  }
0x152: {  	s8 =	simm.s32 $0x400;
	s5 =	simm.s32 $0x80;
	[tilespmem:s17+$0xF010] =	vst v5;
	v4 =	vld [tilespmem:s17+$0x2860]  }
.LBB2_20:
0x153: {  	p0 =	sne.s32 s8, $0x4E00;
	v5 =	vld [tilespmem:s5+$0x2870];
	[tilespmem:s17+$0xF020] =	vst v2  }
0x154: {  	v6 =	vld [tilespmem:s5+$0x2800];
	[tilespmem:s17+$0xF030] =	vst v0  }
0x155: {  	v7 =	vld [tilespmem:s5+$0x2810];
	[tilespmem:s17+$0xF040] =	vst v1  }
.Ltmp9:
0x156: {  	v2 =	vld [tilespmem:s5+$0x2820];
	[tilespmem:s17+$0xF050] =	vst v3;
	(pc) =	sbr.rel @p0 .LBB2_20-.Ltmp9, $4  }
0x157: {  	v0 =	vld [tilespmem:s5+$0x2830];
	[tilespmem:s17+$0xF060] =	vst v4;
	s17 =	smov.u32 s5  }
0x158: {  	v1 =	vld [tilespmem:s17+$0x2840];
	[tilespmem:s17+$0xF070] =	vst v5  }
0x159: {  	[tilespmem:s17+$0xF000] =	vst v6;
	v3 =	vld [tilespmem:s17+$0x2850]  }
0x15a: {  	s5 =	sshra.s32 s8, $0x2;
	s8 =	sadd.s32 $0x200, s8;
	[tilespmem:s17+$0xF010] =	vst v7;
	v4 =	vld [tilespmem:s17+$0x2860]  }
0x15b: {  	v5 =	vld [tilespmem:s5+$0x2870];
	[tilespmem:s17+$0xF020] =	vst v2  }
0x15c: {  	v2 =	vld [tilespmem:s5+$0x2800];
	[tilespmem:s17+$0xF030] =	vst v0  }
0x15d: {  	v0 =	vld [tilespmem:s5+$0x2810];
	[tilespmem:s17+$0xF040] =	vst v1  }
0x15e: {  	v1 =	vld [tilespmem:s5+$0x2820];
	[tilespmem:s17+$0xF050] =	vst v3  }
0x15f: {  	v3 =	vld [tilespmem:s5+$0x2830];
	[tilespmem:s17+$0xF060] =	vst v4  }
0x160: {  	v4 =	vld [tilespmem:s5+$0x2840];
	[tilespmem:s5+$0xF070] =	vst v5  }
0x161: {  	v62 =	vld [tilespmem:s5+$0x2850];
	[tilespmem:s5+$0xF000] =	vst v2  }
0x162: {  	v63 =	vld [tilespmem:s5+$0x2860];
	[tilespmem:s5+$0xF010] =	vst v0  }
0x163: {  	[tilespmem:s5+$0xF020] =	vst v1  }
0x164: {  	[tilespmem:s5+$0xF030] =	vst v3  }
0x165: {  	[tilespmem:s5+$0xF040] =	vst v4  }
0x166: {  	[tilespmem:s5+$0xF050] =	vst v62  }
0x167: {  	s22 =	simm.s32 $0x380;
	s18 =	simm.s32 $0x0;
	s17 =	simm.s32 $0x0;
	[tilespmem:s5+$0xF060] =	vst v63  }
0x168: {  	[tilespmem:s30], [sflag:$0x3] =	stream.indirect.gather.add.f32 [hbm:s1], $0x80, s22, s24, $0xb8;
	[tilespmem:$0x15400] =	vst v63  }
.LBB2_22:
0x169: {  	s19 =	smul.u32 $0x190, s18;
	_ =	sdelay $0x1  }
0x16a: {  	_ =	swait.ge [sflag:s31], $0x2800;
	s5 =	sadd.s32 s19, s13  }
0x16b: {  	[sflag:s31] =	ssyncset.done $0x0;
	s5 =	sshll.u32 s5, $0x4  }
0x16c: {  	[sflag:s31] =	ssyncadd.s32 $0xFFFFD800;
	s5 =	sadd.s32 s4, s5  }
0x16d: {  	[hbm4b:s5+s17] =	stream.linear.scatter [tilespmem:s25], [sflag:$0x6], $0x2800, $0x38;
	[tilespmem:$0x15400] =	vst v63  }
0x16e: {  	_ =	swait.ge [sflag:s11], $0x2800  }
0x16f: {  	[sflag:s11] =	ssyncset.done $0x0  }
0x170: {  	s20 =	simm.s32 $0x0;
	[sflag:s11] =	ssyncadd.s32 $0xFFFFD800  }
0x171: {  	v3 =	vld [tilespmem:s20+$0x3C70]  }
0x172: {  	v4 =	vld [tilespmem:s20+$0x3C00]  }
0x173: {  	v5 =	vld [tilespmem:s20+$0x3C10]  }
0x174: {  	v2 =	vld [tilespmem:s20+$0x3C20]  }
0x175: {  	v0 =	vld [tilespmem:s20+$0x3C30]  }
0x176: {  	v1 =	vld [tilespmem:s20+$0x3C40];
	[tilespmem:s20+$0x10470] =	vst v3  }
0x177: {  	[tilespmem:s20+$0x10400] =	vst v4;
	v3 =	vld [tilespmem:s20+$0x3C50]  }
0x178: {  	s8 =	simm.s32 $0x80;
	s5 =	simm.s32 $0x400;
	[tilespmem:s20+$0x10410] =	vst v5;
	v4 =	vld [tilespmem:s20+$0x3C60]  }
.LBB2_23:
0x179: {  	p0 =	sne.s32 s5, $0x9E00;
	v5 =	vld [tilespmem:s8+$0x3C70];
	[tilespmem:s20+$0x10420] =	vst v2  }
0x17a: {  	v6 =	vld [tilespmem:s8+$0x3C00];
	[tilespmem:s20+$0x10430] =	vst v0  }
0x17b: {  	v7 =	vld [tilespmem:s8+$0x3C10];
	[tilespmem:s20+$0x10440] =	vst v1  }
.Ltmp10:
0x17c: {  	v2 =	vld [tilespmem:s8+$0x3C20];
	[tilespmem:s20+$0x10450] =	vst v3;
	(pc) =	sbr.rel @p0 .LBB2_23-.Ltmp10, $4  }
0x17d: {  	v0 =	vld [tilespmem:s8+$0x3C30];
	[tilespmem:s20+$0x10460] =	vst v4;
	s20 =	smov.u32 s8  }
0x17e: {  	v1 =	vld [tilespmem:s20+$0x3C40];
	[tilespmem:s20+$0x10470] =	vst v5  }
0x17f: {  	[tilespmem:s20+$0x10400] =	vst v6;
	v3 =	vld [tilespmem:s20+$0x3C50]  }
0x180: {  	s8 =	sshra.s32 s5, $0x2;
	s5 =	sadd.s32 $0x200, s5;
	[tilespmem:s20+$0x10410] =	vst v7;
	v4 =	vld [tilespmem:s20+$0x3C60]  }
0x181: {  	v5 =	vld [tilespmem:s8+$0x3C70];
	[tilespmem:s20+$0x10420] =	vst v2  }
0x182: {  	v2 =	vld [tilespmem:s8+$0x3C00];
	[tilespmem:s20+$0x10430] =	vst v0  }
0x183: {  	v0 =	vld [tilespmem:s8+$0x3C10];
	[tilespmem:s20+$0x10440] =	vst v1  }
0x184: {  	v1 =	vld [tilespmem:s8+$0x3C20];
	[tilespmem:s20+$0x10450] =	vst v3  }
0x185: {  	v3 =	vld [tilespmem:s8+$0x3C30];
	[tilespmem:s20+$0x10460] =	vst v4  }
0x186: {  	v4 =	vld [tilespmem:s8+$0x3C40];
	[tilespmem:s8+$0x10470] =	vst v5  }
0x187: {  	[tilespmem:s8+$0x10400] =	vst v2;
	v2 =	vld [tilespmem:s8+$0x3C50]  }
0x188: {  	[tilespmem:s8+$0x10410] =	vst v0;
	v0 =	vld [tilespmem:s8+$0x3C60]  }
0x189: {  	s21 =	smul.u32 $0x5, s18;
	[tilespmem:s8+$0x10420] =	vst v1  }
0x18a: {  	[tilespmem:s8+$0x10430] =	vst v3  }
0x18b: {  	s20 =	sadd.s32 $0x8, s21;
	[tilespmem:s8+$0x10440] =	vst v4  }
0x18c: {  	s5 =	sshll.u32 s20, $0x7;
	[tilespmem:s8+$0x10450] =	vst v2  }
0x18d: {  	s5 =	sand.u32 $0x3FFFFF80, s5;
	[tilespmem:s8+$0x10460] =	vst v0  }
0x18e: {  	[tilespmem:s0], [sflag:$0x4] =	stream.indirect.gather.add.f32 [hbm:s1], $0x80, s5, s24, $0xb8;
	[tilespmem:$0x15400] =	vst v63  }
0x18f: {  	s8 =	sadd.s32 s19, s14;
	_ =	swait.ge [sflag:s3], $0x2800  }
0x190: {  	s5 =	sshll.u32 s8, $0x4;
	[sflag:s3] =	ssyncset.done $0x0  }
0x191: {  	s22 =	simm.s32 $0x0;
	s5 =	sadd.s32 s4, s5;
	[sflag:s3] =	ssyncadd.s32 $0xFFFFD800  }
0x192: {  	[hbm4b:s5+s22] =	stream.linear.scatter [tilespmem:s28], [sflag:$0x7], $0x2800, $0x38;
	[tilespmem:$0x15400] =	vst v63  }
0x193: {  	_ =	swait.ge [sflag:s12], $0x2800  }
0x194: {  	[sflag:s12] =	ssyncset.done $0x0  }
0x195: {  	s8 =	simm.s32 $0x0;
	[sflag:s12] =	ssyncadd.s32 $0xFFFFD800  }
0x196: {  	v3 =	vld [tilespmem:s8+$0x6470]  }
0x197: {  	v4 =	vld [tilespmem:s8+$0x6400]  }
0x198: {  	v5 =	vld [tilespmem:s8+$0x6410]  }
0x199: {  	v2 =	vld [tilespmem:s8+$0x6420]  }
0x19a: {  	v0 =	vld [tilespmem:s8+$0x6430]  }
0x19b: {  	v1 =	vld [tilespmem:s8+$0x6440];
	[tilespmem:s8+$0x12C70] =	vst v3  }
0x19c: {  	[tilespmem:s8+$0x12C00] =	vst v4;
	v3 =	vld [tilespmem:s8+$0x6450]  }
0x19d: {  	s5 =	simm.s32 $0x80;
	s22 =	simm.s32 $0x400;
	[tilespmem:s8+$0x12C10] =	vst v5;
	v4 =	vld [tilespmem:s8+$0x6460]  }
.LBB2_25:
0x19e: {  	p0 =	sne.s32 s22, $0x9E00;
	v5 =	vld [tilespmem:s5+$0x6470];
	[tilespmem:s8+$0x12C20] =	vst v2  }
0x19f: {  	v6 =	vld [tilespmem:s5+$0x6400];
	[tilespmem:s8+$0x12C30] =	vst v0  }
0x1a0: {  	v7 =	vld [tilespmem:s5+$0x6410];
	[tilespmem:s8+$0x12C40] =	vst v1  }
.Ltmp11:
0x1a1: {  	v2 =	vld [tilespmem:s5+$0x6420];
	[tilespmem:s8+$0x12C50] =	vst v3;
	(pc) =	sbr.rel @p0 .LBB2_25-.Ltmp11, $4  }
0x1a2: {  	v0 =	vld [tilespmem:s5+$0x6430];
	[tilespmem:s8+$0x12C60] =	vst v4;
	s8 =	smov.u32 s5  }
0x1a3: {  	v1 =	vld [tilespmem:s8+$0x6440];
	[tilespmem:s8+$0x12C70] =	vst v5  }
0x1a4: {  	[tilespmem:s8+$0x12C00] =	vst v6;
	v3 =	vld [tilespmem:s8+$0x6450]  }
0x1a5: {  	s5 =	sshra.s32 s22, $0x2;
	s22 =	sadd.s32 $0x200, s22;
	[tilespmem:s8+$0x12C10] =	vst v7;
	v4 =	vld [tilespmem:s8+$0x6460]  }
0x1a6: {  	v5 =	vld [tilespmem:s5+$0x6470];
	[tilespmem:s8+$0x12C20] =	vst v2  }
0x1a7: {  	v2 =	vld [tilespmem:s5+$0x6400];
	[tilespmem:s8+$0x12C30] =	vst v0  }
0x1a8: {  	v0 =	vld [tilespmem:s5+$0x6410];
	[tilespmem:s8+$0x12C40] =	vst v1  }
0x1a9: {  	v1 =	vld [tilespmem:s5+$0x6420];
	[tilespmem:s8+$0x12C50] =	vst v3  }
0x1aa: {  	v3 =	vld [tilespmem:s5+$0x6430];
	[tilespmem:s8+$0x12C60] =	vst v4  }
0x1ab: {  	v4 =	vld [tilespmem:s5+$0x6440];
	[tilespmem:s5+$0x12C70] =	vst v5  }
0x1ac: {  	[tilespmem:s5+$0x12C00] =	vst v2;
	v2 =	vld [tilespmem:s5+$0x6450]  }
0x1ad: {  	[tilespmem:s5+$0x12C10] =	vst v0;
	v0 =	vld [tilespmem:s5+$0x6460]  }
0x1ae: {  	[tilespmem:s5+$0x12C20] =	vst v1  }
0x1af: {  	[tilespmem:s5+$0x12C30] =	vst v3  }
0x1b0: {  	s21 =	sadd.s32 $0x9, s21;
	[tilespmem:s5+$0x12C40] =	vst v4  }
0x1b1: {  	s22 =	sshll.u32 s21, $0x7;
	[tilespmem:s5+$0x12C50] =	vst v2  }
0x1b2: {  	s8 =	sand.u32 $0x3FFFFF80, s22;
	[tilespmem:s5+$0x12C60] =	vst v0  }
0x1b3: {  	[tilespmem:s26], [sflag:$0x5] =	stream.indirect.gather.add.f32 [hbm:s1], $0x80, s8, s24, $0xb8;
	[tilespmem:$0x15400] =	vst v63  }
0x1b4: {  	s19 =	sadd.s32 s19, s15;
	_ =	swait.ge [sflag:s29], $0x2800  }
0x1b5: {  	s5 =	sshll.u32 s19, $0x4;
	[sflag:s29] =	ssyncset.done $0x0  }
0x1b6: {  	s22 =	simm.s32 $0x0;
	s5 =	sadd.s32 s4, s5;
	[sflag:s29] =	ssyncadd.s32 $0xFFFFD800  }
0x1b7: {  	[hbm4b:s5+s22] =	stream.linear.scatter [tilespmem:s30], [sflag:$0x8], $0x2800, $0x38;
	[tilespmem:$0x15400] =	vst v63  }
0x1b8: {  	_ =	swait.ge [sflag:s2], $0x2800  }
0x1b9: {  	[sflag:s2] =	ssyncset.done $0x0  }
0x1ba: {  	s8 =	simm.s32 $0x0;
	[sflag:s2] =	ssyncadd.s32 $0xFFFFD800  }
0x1bb: {  	v3 =	vld [tilespmem:s8+$0x2870]  }
0x1bc: {  	v4 =	vld [tilespmem:s8+$0x2800]  }
0x1bd: {  	v5 =	vld [tilespmem:s8+$0x2810]  }
0x1be: {  	v2 =	vld [tilespmem:s8+$0x2820]  }
0x1bf: {  	v0 =	vld [tilespmem:s8+$0x2830]  }
0x1c0: {  	v1 =	vld [tilespmem:s8+$0x2840];
	[tilespmem:s8+$0x8C70] =	vst v3  }
0x1c1: {  	[tilespmem:s8+$0x8C00] =	vst v4;
	v3 =	vld [tilespmem:s8+$0x2850]  }
0x1c2: {  	s19 =	simm.s32 $0x400;
	s5 =	simm.s32 $0x80;
	[tilespmem:s8+$0x8C10] =	vst v5;
	v4 =	vld [tilespmem:s8+$0x2860]  }
.LBB2_27:
0x1c3: {  	p0 =	sne.s32 s19, $0x9E00;
	v5 =	vld [tilespmem:s5+$0x2870];
	[tilespmem:s8+$0x8C20] =	vst v2  }
0x1c4: {  	v6 =	vld [tilespmem:s5+$0x2800];
	[tilespmem:s8+$0x8C30] =	vst v0  }
0x1c5: {  	v7 =	vld [tilespmem:s5+$0x2810];
	[tilespmem:s8+$0x8C40] =	vst v1  }
.Ltmp12:
0x1c6: {  	v2 =	vld [tilespmem:s5+$0x2820];
	[tilespmem:s8+$0x8C50] =	vst v3;
	(pc) =	sbr.rel @p0 .LBB2_27-.Ltmp12, $4  }
0x1c7: {  	v0 =	vld [tilespmem:s5+$0x2830];
	[tilespmem:s8+$0x8C60] =	vst v4;
	s8 =	smov.u32 s5  }
0x1c8: {  	v1 =	vld [tilespmem:s8+$0x2840];
	[tilespmem:s8+$0x8C70] =	vst v5  }
0x1c9: {  	[tilespmem:s8+$0x8C00] =	vst v6;
	v3 =	vld [tilespmem:s8+$0x2850]  }
0x1ca: {  	s5 =	sshra.s32 s19, $0x2;
	s19 =	sadd.s32 $0x200, s19;
	[tilespmem:s8+$0x8C10] =	vst v7;
	v4 =	vld [tilespmem:s8+$0x2860]  }
0x1cb: {  	v5 =	vld [tilespmem:s5+$0x2870];
	[tilespmem:s8+$0x8C20] =	vst v2  }
0x1cc: {  	v2 =	vld [tilespmem:s5+$0x2800];
	[tilespmem:s8+$0x8C30] =	vst v0  }
0x1cd: {  	v0 =	vld [tilespmem:s5+$0x2810];
	[tilespmem:s8+$0x8C40] =	vst v1  }
0x1ce: {  	v1 =	vld [tilespmem:s5+$0x2820];
	[tilespmem:s8+$0x8C50] =	vst v3  }
0x1cf: {  	v3 =	vld [tilespmem:s5+$0x2830];
	[tilespmem:s8+$0x8C60] =	vst v4  }
0x1d0: {  	v4 =	vld [tilespmem:s5+$0x2840];
	[tilespmem:s5+$0x8C70] =	vst v5  }
0x1d1: {  	[tilespmem:s5+$0x8C00] =	vst v2;
	v2 =	vld [tilespmem:s5+$0x2850]  }
0x1d2: {  	[tilespmem:s5+$0x8C10] =	vst v0;
	v0 =	vld [tilespmem:s5+$0x2860]  }
0x1d3: {  	[tilespmem:s5+$0x8C20] =	vst v1  }
0x1d4: {  	s22 =	smul.u32 $0xA00, s18;
	[tilespmem:s5+$0x8C30] =	vst v3  }
0x1d5: {  	[tilespmem:s5+$0x8C40] =	vst v4  }
0x1d6: {  	s19 =	sshra.s32 s22, $0x2;
	[tilespmem:s5+$0x8C50] =	vst v2  }
0x1d7: {  	s22 =	smul.u32 $0x50, s20;
	s8 =	sadd.s32 $0x500, s19;
	[tilespmem:s5+$0x8C60] =	vst v0  }
0x1d8: {  	[tilespmem:s25], [sflag:$0x1] =	stream.indirect.gather.add.f32 [hbm:s1], $0x80, s8, s24, $0xb8;
	[tilespmem:$0x15400] =	vst v63  }
0x1d9: {  	s20 =	sadd.s32 s6, s22;
	_ =	swait.ge [sflag:s23], $0x2800  }
0x1da: {  	s5 =	sshll.u32 s20, $0x4;
	[sflag:s23] =	ssyncset.done $0x0  }
0x1db: {  	s22 =	simm.s32 $0x0;
	s5 =	sadd.s32 s4, s5;
	[sflag:s23] =	ssyncadd.s32 $0xFFFFD800  }
0x1dc: {  	[hbm4b:s5+s22] =	stream.linear.scatter [tilespmem:s0], [sflag:$0x9], $0x2800, $0x38;
	[tilespmem:$0x15400] =	vst v63  }
0x1dd: {  	_ =	swait.ge [sflag:s7], $0x2800  }
0x1de: {  	[sflag:s7] =	ssyncset.done $0x0  }
0x1df: {  	s8 =	simm.s32 $0x0;
	[sflag:s7] =	ssyncadd.s32 $0xFFFFD800  }
0x1e0: {  	v3 =	vld [tilespmem:s8+$0x5070]  }
0x1e1: {  	v4 =	vld [tilespmem:s8+$0x5000]  }
0x1e2: {  	v5 =	vld [tilespmem:s8+$0x5010]  }
0x1e3: {  	v2 =	vld [tilespmem:s8+$0x5020]  }
0x1e4: {  	v0 =	vld [tilespmem:s8+$0x5030]  }
0x1e5: {  	v1 =	vld [tilespmem:s8+$0x5040];
	[tilespmem:s8+$0xB470] =	vst v3  }
0x1e6: {  	[tilespmem:s8+$0xB400] =	vst v4;
	v3 =	vld [tilespmem:s8+$0x5050]  }
0x1e7: {  	s20 =	simm.s32 $0x400;
	s5 =	simm.s32 $0x80;
	[tilespmem:s8+$0xB410] =	vst v5;
	v4 =	vld [tilespmem:s8+$0x5060]  }
.LBB2_29:
0x1e8: {  	p0 =	sne.s32 s20, $0x9E00;
	v5 =	vld [tilespmem:s5+$0x5070];
	[tilespmem:s8+$0xB420] =	vst v2  }
0x1e9: {  	v6 =	vld [tilespmem:s5+$0x5000];
	[tilespmem:s8+$0xB430] =	vst v0  }
0x1ea: {  	v7 =	vld [tilespmem:s5+$0x5010];
	[tilespmem:s8+$0xB440] =	vst v1  }
.Ltmp13:
0x1eb: {  	v2 =	vld [tilespmem:s5+$0x5020];
	[tilespmem:s8+$0xB450] =	vst v3;
	(pc) =	sbr.rel @p0 .LBB2_29-.Ltmp13, $4  }
0x1ec: {  	v0 =	vld [tilespmem:s5+$0x5030];
	[tilespmem:s8+$0xB460] =	vst v4;
	s8 =	smov.u32 s5  }
0x1ed: {  	v1 =	vld [tilespmem:s8+$0x5040];
	[tilespmem:s8+$0xB470] =	vst v5  }
0x1ee: {  	[tilespmem:s8+$0xB400] =	vst v6;
	v3 =	vld [tilespmem:s8+$0x5050]  }
0x1ef: {  	s5 =	sshra.s32 s20, $0x2;
	s20 =	sadd.s32 $0x200, s20;
	[tilespmem:s8+$0xB410] =	vst v7;
	v4 =	vld [tilespmem:s8+$0x5060]  }
0x1f0: {  	v5 =	vld [tilespmem:s5+$0x5070];
	[tilespmem:s8+$0xB420] =	vst v2  }
0x1f1: {  	v2 =	vld [tilespmem:s5+$0x5000];
	[tilespmem:s8+$0xB430] =	vst v0  }
0x1f2: {  	v0 =	vld [tilespmem:s5+$0x5010];
	[tilespmem:s8+$0xB440] =	vst v1  }
0x1f3: {  	v1 =	vld [tilespmem:s5+$0x5020];
	[tilespmem:s8+$0xB450] =	vst v3  }
0x1f4: {  	v3 =	vld [tilespmem:s5+$0x5030];
	[tilespmem:s8+$0xB460] =	vst v4  }
0x1f5: {  	v4 =	vld [tilespmem:s5+$0x5040];
	[tilespmem:s5+$0xB470] =	vst v5  }
0x1f6: {  	[tilespmem:s5+$0xB400] =	vst v2;
	v2 =	vld [tilespmem:s5+$0x5050]  }
0x1f7: {  	[tilespmem:s5+$0xB410] =	vst v0;
	v0 =	vld [tilespmem:s5+$0x5060]  }
0x1f8: {  	[tilespmem:s5+$0xB420] =	vst v1  }
0x1f9: {  	[tilespmem:s5+$0xB430] =	vst v3  }
0x1fa: {  	[tilespmem:s5+$0xB440] =	vst v4  }
0x1fb: {  	[tilespmem:s5+$0xB450] =	vst v2  }
0x1fc: {  	s20 =	smul.u32 $0x50, s21;
	s8 =	sadd.s32 $0x580, s19;
	[tilespmem:s5+$0xB460] =	vst v0  }
0x1fd: {  	[tilespmem:s28], [sflag:$0x2] =	stream.indirect.gather.add.f32 [hbm:s1], $0x80, s8, s24, $0xb8;
	[tilespmem:$0x15400] =	vst v63  }
0x1fe: {  	s21 =	sadd.s32 s6, s20;
	_ =	swait.ge [sflag:s9], $0x2800  }
0x1ff: {  	s5 =	sshll.u32 s21, $0x4;
	[sflag:s9] =	ssyncset.done $0x0  }
0x200: {  	s22 =	simm.s32 $0x0;
	s5 =	sadd.s32 s4, s5;
	[sflag:s9] =	ssyncadd.s32 $0xFFFFD800  }
0x201: {  	[hbm4b:s5+s22] =	stream.linear.scatter [tilespmem:s26], [sflag:$0xA], $0x2800, $0x38;
	[tilespmem:$0x15400] =	vst v63  }
0x202: {  	_ =	swait.ge [sflag:s10], $0x2800  }
0x203: {  	[sflag:s10] =	ssyncset.done $0x0  }
0x204: {  	s20 =	simm.s32 $0x0;
	[sflag:s10] =	ssyncadd.s32 $0xFFFFD800  }
0x205: {  	v3 =	vld [tilespmem:s20+$0x7870]  }
0x206: {  	v4 =	vld [tilespmem:s20+$0x7800]  }
0x207: {  	v5 =	vld [tilespmem:s20+$0x7810]  }
0x208: {  	v2 =	vld [tilespmem:s20+$0x7820]  }
0x209: {  	v0 =	vld [tilespmem:s20+$0x7830]  }
0x20a: {  	v1 =	vld [tilespmem:s20+$0x7840];
	[tilespmem:s20+$0xDC70] =	vst v3  }
0x20b: {  	[tilespmem:s20+$0xDC00] =	vst v4;
	v3 =	vld [tilespmem:s20+$0x7850]  }
0x20c: {  	s21 =	simm.s32 $0x400;
	s8 =	simm.s32 $0x0;
	s5 =	simm.s32 $0x80;
	[tilespmem:s20+$0xDC10] =	vst v5;
	v4 =	vld [tilespmem:s20+$0x7860]  }
.LBB2_31:
0x20d: {  	p0 =	sne.s32 s21, $0x4E00;
	v5 =	vld [tilespmem:s5+$0x7870];
	[tilespmem:s8+$0xDC20] =	vst v2  }
0x20e: {  	v6 =	vld [tilespmem:s5+$0x7800];
	[tilespmem:s8+$0xDC30] =	vst v0  }
0x20f: {  	v7 =	vld [tilespmem:s5+$0x7810];
	[tilespmem:s8+$0xDC40] =	vst v1  }
.Ltmp14:
0x210: {  	v2 =	vld [tilespmem:s5+$0x7820];
	[tilespmem:s8+$0xDC50] =	vst v3;
	(pc) =	sbr.rel @p0 .LBB2_31-.Ltmp14, $4  }
0x211: {  	v0 =	vld [tilespmem:s5+$0x7830];
	[tilespmem:s8+$0xDC60] =	vst v4;
	s8 =	smov.u32 s5  }
0x212: {  	v1 =	vld [tilespmem:s8+$0x7840];
	[tilespmem:s8+$0xDC70] =	vst v5  }
0x213: {  	[tilespmem:s8+$0xDC00] =	vst v6;
	v3 =	vld [tilespmem:s8+$0x7850]  }
0x214: {  	s5 =	sshra.s32 s21, $0x2;
	s21 =	sadd.s32 $0x200, s21;
	[tilespmem:s8+$0xDC10] =	vst v7;
	v4 =	vld [tilespmem:s8+$0x7860]  }
0x215: {  	v5 =	vld [tilespmem:s5+$0x7870];
	[tilespmem:s8+$0xDC20] =	vst v2  }
0x216: {  	v2 =	vld [tilespmem:s5+$0x7800];
	[tilespmem:s8+$0xDC30] =	vst v0  }
0x217: {  	v0 =	vld [tilespmem:s5+$0x7810];
	[tilespmem:s8+$0xDC40] =	vst v1  }
0x218: {  	v1 =	vld [tilespmem:s5+$0x7820];
	[tilespmem:s8+$0xDC50] =	vst v3  }
0x219: {  	v3 =	vld [tilespmem:s5+$0x7830];
	[tilespmem:s8+$0xDC60] =	vst v4  }
0x21a: {  	v4 =	vld [tilespmem:s5+$0x7840];
	[tilespmem:s5+$0xDC70] =	vst v5  }
0x21b: {  	[tilespmem:s5+$0xDC00] =	vst v2;
	v2 =	vld [tilespmem:s5+$0x7850]  }
0x21c: {  	[tilespmem:s5+$0xDC10] =	vst v0;
	v0 =	vld [tilespmem:s5+$0x7860]  }
0x21d: {  	[tilespmem:s5+$0xDC20] =	vst v1  }
0x21e: {  	[tilespmem:s5+$0xDC30] =	vst v3  }
0x21f: {  	[tilespmem:s5+$0xDC40] =	vst v4  }
0x220: {  	[tilespmem:s5+$0xDC50] =	vst v2  }
0x221: {  	[tilespmem:s5+$0xDC60] =	vst v0  }
0x222: {  	v3 =	vld [tilespmem:s20+$0x2870]  }
0x223: {  	v4 =	vld [tilespmem:s20+$0x2800]  }
0x224: {  	v5 =	vld [tilespmem:s20+$0x2810]  }
0x225: {  	v2 =	vld [tilespmem:s20+$0x2820]  }
0x226: {  	v0 =	vld [tilespmem:s20+$0x2830]  }
0x227: {  	v1 =	vld [tilespmem:s20+$0x2840];
	[tilespmem:s20+$0xF070] =	vst v3  }
0x228: {  	[tilespmem:s20+$0xF000] =	vst v4;
	v3 =	vld [tilespmem:s20+$0x2850]  }
0x229: {  	s8 =	simm.s32 $0x400;
	s5 =	simm.s32 $0x80;
	[tilespmem:s20+$0xF010] =	vst v5;
	v4 =	vld [tilespmem:s20+$0x2860]  }
.LBB2_33:
0x22a: {  	p0 =	sne.s32 s8, $0x4E00;
	v5 =	vld [tilespmem:s5+$0x2870];
	[tilespmem:s20+$0xF020] =	vst v2  }
0x22b: {  	v6 =	vld [tilespmem:s5+$0x2800];
	[tilespmem:s20+$0xF030] =	vst v0  }
0x22c: {  	v7 =	vld [tilespmem:s5+$0x2810];
	[tilespmem:s20+$0xF040] =	vst v1  }
.Ltmp15:
0x22d: {  	v2 =	vld [tilespmem:s5+$0x2820];
	[tilespmem:s20+$0xF050] =	vst v3;
	(pc) =	sbr.rel @p0 .LBB2_33-.Ltmp15, $4  }
0x22e: {  	v0 =	vld [tilespmem:s5+$0x2830];
	[tilespmem:s20+$0xF060] =	vst v4;
	s20 =	smov.u32 s5  }
0x22f: {  	v1 =	vld [tilespmem:s20+$0x2840];
	[tilespmem:s20+$0xF070] =	vst v5  }
0x230: {  	[tilespmem:s20+$0xF000] =	vst v6;
	v3 =	vld [tilespmem:s20+$0x2850]  }
0x231: {  	s5 =	sshra.s32 s8, $0x2;
	s8 =	sadd.s32 $0x200, s8;
	[tilespmem:s20+$0xF010] =	vst v7;
	v4 =	vld [tilespmem:s20+$0x2860]  }
0x232: {  	v5 =	vld [tilespmem:s5+$0x2870];
	[tilespmem:s20+$0xF020] =	vst v2  }
0x233: {  	v2 =	vld [tilespmem:s5+$0x2800];
	[tilespmem:s20+$0xF030] =	vst v0  }
0x234: {  	v0 =	vld [tilespmem:s5+$0x2810];
	[tilespmem:s20+$0xF040] =	vst v1  }
0x235: {  	v1 =	vld [tilespmem:s5+$0x2820];
	[tilespmem:s20+$0xF050] =	vst v3  }
0x236: {  	v3 =	vld [tilespmem:s5+$0x2830];
	[tilespmem:s20+$0xF060] =	vst v4  }
0x237: {  	v4 =	vld [tilespmem:s5+$0x2840];
	[tilespmem:s5+$0xF070] =	vst v5  }
0x238: {  	v62 =	vld [tilespmem:s5+$0x2850];
	[tilespmem:s5+$0xF000] =	vst v2  }
0x239: {  	s18 =	sadd.s32 $0x1, s18;
	v63 =	vld [tilespmem:s5+$0x2860];
	[tilespmem:s5+$0xF010] =	vst v0  }
0x23a: {  	p0 =	sne.s32 s18, $0xE;
	[tilespmem:s5+$0xF020] =	vst v1  }
.Ltmp16:
0x23b: {  	[tilespmem:s5+$0xF030] =	vst v3;
	(pc) =	sbr.rel @p0 .LBB2_22-.Ltmp16, $4  }
0x23c: {  	[tilespmem:s5+$0xF040] =	vst v4  }
0x23d: {  	[tilespmem:s5+$0xF050] =	vst v62  }
0x23e: {  	s22 =	sadd.s32 $0x600, s19;
	[tilespmem:s5+$0xF060] =	vst v63  }
0x23f: {  	[tilespmem:s30], [sflag:$0x3] =	stream.indirect.gather.add.f32 [hbm:s1], $0x80, s22, s24, $0xb8;
	[tilespmem:$0x15400] =	vst v63  }
0x240: {  	_ =	swait.ge [sflag:s31], $0x2800  }
0x241: {  	[sflag:s31] =	ssyncset.done $0x0  }
0x242: {  	s5 =	simm.s32 $0x0;
	s8 =	rddreg [dreg:$0xb];
	[sflag:s31] =	ssyncadd.s32 $0xFFFFD800  }
0x243: {  	[hbm4b:s8+s5] =	stream.linear.scatter [tilespmem:s25], [sflag:$0x6], $0x2800, $0x38;
	[tilespmem:$0x15400] =	vst v63  }
0x244: {  	_ =	swait.ge [sflag:s11], $0x2800  }
0x245: {  	[sflag:s11] =	ssyncset.done $0x0  }
0x246: {  	s8 =	simm.s32 $0x0;
	[sflag:s11] =	ssyncadd.s32 $0xFFFFD800  }
0x247: {  	v3 =	vld [tilespmem:s8+$0x3C70]  }
0x248: {  	v4 =	vld [tilespmem:s8+$0x3C00]  }
0x249: {  	v5 =	vld [tilespmem:s8+$0x3C10]  }
0x24a: {  	v2 =	vld [tilespmem:s8+$0x3C20]  }
0x24b: {  	v0 =	vld [tilespmem:s8+$0x3C30]  }
0x24c: {  	v1 =	vld [tilespmem:s8+$0x3C40];
	[tilespmem:s8+$0x10470] =	vst v3  }
0x24d: {  	[tilespmem:s8+$0x10400] =	vst v4;
	v3 =	vld [tilespmem:s8+$0x3C50]  }
0x24e: {  	s17 =	simm.s32 $0x400;
	s5 =	simm.s32 $0x80;
	[tilespmem:s8+$0x10410] =	vst v5;
	v4 =	vld [tilespmem:s8+$0x3C60]  }
.LBB2_36:
0x24f: {  	p0 =	sne.s32 s17, $0x9E00;
	v5 =	vld [tilespmem:s5+$0x3C70];
	[tilespmem:s8+$0x10420] =	vst v2  }
0x250: {  	v6 =	vld [tilespmem:s5+$0x3C00];
	[tilespmem:s8+$0x10430] =	vst v0  }
0x251: {  	v7 =	vld [tilespmem:s5+$0x3C10];
	[tilespmem:s8+$0x10440] =	vst v1  }
.Ltmp17:
0x252: {  	v2 =	vld [tilespmem:s5+$0x3C20];
	[tilespmem:s8+$0x10450] =	vst v3;
	(pc) =	sbr.rel @p0 .LBB2_36-.Ltmp17, $4  }
0x253: {  	v0 =	vld [tilespmem:s5+$0x3C30];
	[tilespmem:s8+$0x10460] =	vst v4;
	s8 =	smov.u32 s5  }
0x254: {  	v1 =	vld [tilespmem:s8+$0x3C40];
	[tilespmem:s8+$0x10470] =	vst v5  }
0x255: {  	[tilespmem:s8+$0x10400] =	vst v6;
	v3 =	vld [tilespmem:s8+$0x3C50]  }
0x256: {  	s5 =	sshra.s32 s17, $0x2;
	s17 =	sadd.s32 $0x200, s17;
	[tilespmem:s8+$0x10410] =	vst v7;
	v4 =	vld [tilespmem:s8+$0x3C60]  }
0x257: {  	v5 =	vld [tilespmem:s5+$0x3C70];
	[tilespmem:s8+$0x10420] =	vst v2  }
0x258: {  	v2 =	vld [tilespmem:s5+$0x3C00];
	[tilespmem:s8+$0x10430] =	vst v0  }
0x259: {  	v0 =	vld [tilespmem:s5+$0x3C10];
	[tilespmem:s8+$0x10440] =	vst v1  }
0x25a: {  	v1 =	vld [tilespmem:s5+$0x3C20];
	[tilespmem:s8+$0x10450] =	vst v3  }
0x25b: {  	v3 =	vld [tilespmem:s5+$0x3C30];
	[tilespmem:s8+$0x10460] =	vst v4  }
0x25c: {  	v4 =	vld [tilespmem:s5+$0x3C40];
	[tilespmem:s5+$0x10470] =	vst v5  }
0x25d: {  	[tilespmem:s5+$0x10400] =	vst v2;
	v2 =	vld [tilespmem:s5+$0x3C50]  }
0x25e: {  	[tilespmem:s5+$0x10410] =	vst v0;
	v0 =	vld [tilespmem:s5+$0x3C60]  }
0x25f: {  	[tilespmem:s5+$0x10420] =	vst v1  }
0x260: {  	[tilespmem:s5+$0x10430] =	vst v3  }
0x261: {  	[tilespmem:s5+$0x10440] =	vst v4  }
0x262: {  	[tilespmem:s5+$0x10450] =	vst v2  }
0x263: {  	s20 =	simm.s32 $0x2700;
	[tilespmem:s5+$0x10460] =	vst v0  }
0x264: {  	[tilespmem:s0], [sflag:$0x4] =	stream.indirect.gather.add.f32 [hbm:s1], $0x80, s20, s24, $0xb8;
	[tilespmem:$0x15400] =	vst v63  }
0x265: {  	_ =	swait.ge [sflag:s3], $0x2800  }
0x266: {  	[sflag:s3] =	ssyncset.done $0x0  }
0x267: {  	s21 =	simm.s32 $0x0;
	s22 =	rddreg [dreg:$0xc];
	[sflag:s3] =	ssyncadd.s32 $0xFFFFD800  }
0x268: {  	[hbm4b:s22+s21] =	stream.linear.scatter [tilespmem:s28], [sflag:$0x7], $0x2800, $0x38;
	[tilespmem:$0x15400] =	vst v63  }
0x269: {  	_ =	swait.ge [sflag:s12], $0x2800  }
0x26a: {  	[sflag:s12] =	ssyncset.done $0x0  }
0x26b: {  	s8 =	simm.s32 $0x0;
	[sflag:s12] =	ssyncadd.s32 $0xFFFFD800  }
0x26c: {  	v3 =	vld [tilespmem:s8+$0x6470]  }
0x26d: {  	v4 =	vld [tilespmem:s8+$0x6400]  }
0x26e: {  	v5 =	vld [tilespmem:s8+$0x6410]  }
0x26f: {  	v2 =	vld [tilespmem:s8+$0x6420]  }
0x270: {  	v0 =	vld [tilespmem:s8+$0x6430]  }
0x271: {  	v1 =	vld [tilespmem:s8+$0x6440];
	[tilespmem:s8+$0x12C70] =	vst v3  }
0x272: {  	[tilespmem:s8+$0x12C00] =	vst v4;
	v3 =	vld [tilespmem:s8+$0x6450]  }
0x273: {  	s17 =	simm.s32 $0x400;
	s5 =	simm.s32 $0x80;
	[tilespmem:s8+$0x12C10] =	vst v5;
	v4 =	vld [tilespmem:s8+$0x6460]  }
.LBB2_38:
0x274: {  	p0 =	sne.s32 s17, $0x9E00;
	v5 =	vld [tilespmem:s5+$0x6470];
	[tilespmem:s8+$0x12C20] =	vst v2  }
0x275: {  	v6 =	vld [tilespmem:s5+$0x6400];
	[tilespmem:s8+$0x12C30] =	vst v0  }
0x276: {  	v7 =	vld [tilespmem:s5+$0x6410];
	[tilespmem:s8+$0x12C40] =	vst v1  }
.Ltmp18:
0x277: {  	v2 =	vld [tilespmem:s5+$0x6420];
	[tilespmem:s8+$0x12C50] =	vst v3;
	(pc) =	sbr.rel @p0 .LBB2_38-.Ltmp18, $4  }
0x278: {  	v0 =	vld [tilespmem:s5+$0x6430];
	[tilespmem:s8+$0x12C60] =	vst v4;
	s8 =	smov.u32 s5  }
0x279: {  	v1 =	vld [tilespmem:s8+$0x6440];
	[tilespmem:s8+$0x12C70] =	vst v5  }
0x27a: {  	[tilespmem:s8+$0x12C00] =	vst v6;
	v3 =	vld [tilespmem:s8+$0x6450]  }
0x27b: {  	s5 =	sshra.s32 s17, $0x2;
	s17 =	sadd.s32 $0x200, s17;
	[tilespmem:s8+$0x12C10] =	vst v7;
	v4 =	vld [tilespmem:s8+$0x6460]  }
0x27c: {  	v5 =	vld [tilespmem:s5+$0x6470];
	[tilespmem:s8+$0x12C20] =	vst v2  }
0x27d: {  	v2 =	vld [tilespmem:s5+$0x6400];
	[tilespmem:s8+$0x12C30] =	vst v0  }
0x27e: {  	v0 =	vld [tilespmem:s5+$0x6410];
	[tilespmem:s8+$0x12C40] =	vst v1  }
0x27f: {  	v1 =	vld [tilespmem:s5+$0x6420];
	[tilespmem:s8+$0x12C50] =	vst v3  }
0x280: {  	v3 =	vld [tilespmem:s5+$0x6430];
	[tilespmem:s8+$0x12C60] =	vst v4  }
0x281: {  	v4 =	vld [tilespmem:s5+$0x6440];
	[tilespmem:s5+$0x12C70] =	vst v5  }
0x282: {  	v62 =	vld [tilespmem:s5+$0x6450];
	[tilespmem:s5+$0x12C00] =	vst v2  }
0x283: {  	v63 =	vld [tilespmem:s5+$0x6460];
	[tilespmem:s5+$0x12C10] =	vst v0  }
0x284: {  	[tilespmem:s5+$0x12C20] =	vst v1  }
0x285: {  	[tilespmem:s5+$0x12C30] =	vst v3  }
0x286: {  	[tilespmem:s5+$0x12C40] =	vst v4  }
0x287: {  	[tilespmem:s5+$0x12C50] =	vst v62  }
0x288: {  	s18 =	simm.s32 $0x2780;
	[tilespmem:s5+$0x12C60] =	vst v63  }
0x289: {  	[tilespmem:s26], [sflag:$0x5] =	stream.indirect.gather.add.f32 [hbm:s1], $0x80, s18, s24, $0xb8;
	[tilespmem:$0x15400] =	vst v63  }
0x28a: {  	_ =	swait.ge [sflag:s29], $0x2800  }
0x28b: {  	[sflag:s29] =	ssyncset.done $0x0  }
0x28c: {  	s17 =	simm.s32 $0x0;
	s19 =	rddreg [dreg:$0xd];
	[sflag:s29] =	ssyncadd.s32 $0xFFFFD800  }
0x28d: {  	[hbm4b:s19+s17] =	stream.linear.scatter [tilespmem:s30], [sflag:$0x8], $0x2800, $0x38;
	[tilespmem:$0x15400] =	vst v63  }
0x28e: {  	_ =	swait.ge [sflag:s23], $0x2800  }
0x28f: {  	[sflag:s23] =	ssyncset.done $0x0  }
0x290: {  	s20 =	rddreg [dreg:$0xe];
	[sflag:s23] =	ssyncadd.s32 $0xFFFFD800  }
0x291: {  	[hbm4b:s20+s17] =	stream.linear.scatter [tilespmem:s0], [sflag:$0x9], $0x2800, $0x38;
	[tilespmem:$0x15400] =	vst v63  }
0x292: {  	_ =	swait.ge [sflag:s9], $0x2800  }
0x293: {  	[sflag:s9] =	ssyncset.done $0x0  }
0x294: {  	s21 =	rddreg [dreg:$0xf];
	[sflag:s9] =	ssyncadd.s32 $0xFFFFD800  }
0x295: {  	[hbm4b:s21+s17] =	stream.linear.scatter [tilespmem:s26], [sflag:$0xA], $0x2800, $0x38;
	[tilespmem:$0x15400] =	vst v63  }
0x296: {  	_ =	swait.ge [sflag:s2], $0x2800  }
0x297: {  	[sflag:s2] =	ssyncset.done $0x0  }
0x298: {  	[sflag:s2] =	ssyncadd.s32 $0xFFFFD800  }
0x299: {  	_ =	swait.ge [sflag:s7], $0x2800  }
0x29a: {  	[sflag:s7] =	ssyncset.done $0x0  }
0x29b: {  	[sflag:s7] =	ssyncadd.s32 $0xFFFFD800  }
0x29c: {  	_ =	swait.ge [sflag:s10], $0x2800  }
0x29d: {  	[sflag:s10] =	ssyncset.done $0x0  }
0x29e: {  	[sflag:s10] =	ssyncadd.s32 $0xFFFFD800  }
0x29f: {  	_ =	swait.ge [sflag:s11], $0x2800  }
0x2a0: {  	[sflag:s11] =	ssyncset.done $0x0  }
0x2a1: {  	[sflag:s11] =	ssyncadd.s32 $0xFFFFD800  }
0x2a2: {  	_ =	swait.ge [sflag:s12], $0x2800  }
0x2a3: {  	s16 =	sadd.s32 $0x1, s16;
	s22 =	rddreg [dreg:$0x10]  }
0x2a4: {  	p0 =	sne.s32 s16, s22  }
.Ltmp19:
0x2a5: {  	_ = 	snop;
	(pc) =	sbr.rel @p0 .LBB2_1-.Ltmp19, $3  }
0x2a6: {  	_ =	sdelay $0x1  }
0x2a7: {  	[sflag:s12] =	ssyncset.done $0x0  }
0x2a8: {  	[sflag:s12] =	ssyncadd.s32 $0xFFFFD800  }
0x2a9: {  	_ =	sfence.sel $0x180000  }
0x2aa: {  	[bflag:$0x0] =	sbarrier.arrive $0xFFFF  }
0x2ab: {  	_ =	strace $0x90000047  }
0x2ac: {  	s0 =	stileid.u32;
	[bflag:$0x2] =	sbarrier.arrive $0xFFFF  }
0x2ad: {  	p0 =	sne.s32 s0, $0x0;
	s0 =	rddreg [dreg:$0x4]  }
0x2ae: {  	s0 =	sadd.s32 @!p0 $0x100000, s0  }
0x2af: {  	[sflag:s0] =	ssyncadd.tile.s32 @!p0 $0x1;
	_ =	shalt  }
.Lfunc_end2:
_tile_overlayer_lowered:
.L_overlay_start_2:
0x2b0: {  	(tag) =	ssettag $0x2  }
0x2b1: {  	s0 =	rddreg [dreg:$0x0];
	s2 =	stileid.u32  }
0x2b2: {  	s1 =	rddreg [dreg:$0x1];
	p0 =	sne.s32 s2, $0x0  }
0x2b3: {  	s3 =	rddreg [dreg:$0x2];
	[bflag:$0x3] =	sbarrier.arrive $0xFFFF;
	s2 =	simm.s32 @!p0 $0x1C0B  }
0x2b4: {  	[timem:s3], [sflag:s2] =	dma.local @!p0 [hbm:s0], s1  }
0x2b5: {  	s0 =	simm.s32 @!p0 $0xB  }
0x2b6: {  	_ =	swait.ge @!p0 [sflag:s0], s1  }
0x2b7: {  	s1 =	ssub.s32 @!p0 $0x0, s1;
	[sflag:s0] =	ssyncset.done @!p0 $0x0  }
0x2b8: {  	[sflag:s0] =	ssyncadd.s32 @!p0 s1  }
0x2b9: {  	[bflag:$0x3] =	sbarrier.arrive $0xFFFF  }
0x2ba: {  	_ =	shalt  }

</sc_bundles>
